<compile_context>
chip_gen: v7x
topology: tpu7x:2x2x1
jax: 0.10.2.dev20260603
libtpu: 0.0.44.dev20260713+nightly
codegen_flags: <defaults>
</compile_context>

<pallas_src>
import functools

import jax
import jax.numpy as jnp
from jax import lax
from jax.experimental import pallas as pl
from jax.experimental.pallas import tpu as pltpu
from jax.experimental.pallas import tpu_sc as plsc

N_NODES = 10000
N_PAD = 10112
IN_CH = 768
OUT_CH = 64
N_EDGES = 160000
K = 128
NC = 2
NS = 16
NW = NC * NS
E_PAD = 163840
BPW = E_PAD // (K * NW)
RPT = N_PAD // NS
NBUF = 10
GRPS = BPW // NBUF

def _zero_rows(zeros_hbm, table_sh, base):
    nfull, rem = divmod(RPT, K)
    for t in range(nfull):
        pltpu.sync_copy(zeros_hbm, table_sh.at[pl.ds(base + t * K, K)])
    if rem:
        pltpu.sync_copy(zeros_hbm.at[pl.ds(0, rem)],
                        table_sh.at[pl.ds(base + nfull * K, rem)])


_mesh = plsc.VectorSubcoreMesh(core_axis_name="c", subcore_axis_name="s")
_sc_params = pltpu.CompilerParams(use_tc_tiling_on_sc=False)


@functools.partial(
    pl.kernel,
    out_type=jax.ShapeDtypeStruct((NC, N_PAD, 16), jnp.float32),
    mesh=_mesh,
    compiler_params=_sc_params,
    scratch_types=[
        pltpu.VMEM((BPW, K), jnp.int32),
        pltpu.VMEM((K, 16), jnp.float32),
        pltpu.VMEM_SHARED((N_PAD, 16), jnp.float32),
        pltpu.SemaphoreType.DMA,
    ],
)
def _sc_degree(dst_hbm, ones_hbm, zeros_hbm, out_hbm, dst_v, ones_v, deg_sh, sem):
    cid = lax.axis_index("c")
    sid = lax.axis_index("s")
    wid = sid * NC + cid
    _zero_rows(zeros_hbm, deg_sh, sid * RPT)
    pltpu.sync_copy(ones_hbm, ones_v)
    pltpu.sync_copy(dst_hbm.at[wid], dst_v)
    plsc.subcore_barrier()
    for j in range(BPW):
        pltpu.async_copy(ones_v, deg_sh.at[dst_v.at[j]], sem, add=True)
    for j in range(BPW):
        pltpu.make_async_copy(ones_v, deg_sh.at[pl.ds(0, K)], sem).wait()
    plsc.subcore_barrier()
    pltpu.sync_copy(
        deg_sh.at[pl.ds(sid * RPT, RPT)],
        out_hbm.at[cid, pl.ds(sid * RPT, RPT)],
    )


HCH = OUT_CH // 2


@functools.partial(
    pl.kernel,
    out_type=jax.ShapeDtypeStruct((2, NC, N_PAD, HCH), jnp.float32),
    mesh=_mesh,
    compiler_params=_sc_params,
    scratch_types=[
        pltpu.VMEM((BPW, K), jnp.int32),
        pltpu.VMEM((BPW, K), jnp.int32),
        pltpu.VMEM((NBUF, K, HCH), jnp.float32),
        pltpu.VMEM_SHARED((N_PAD, HCH), jnp.float32),
        pltpu.VMEM_SHARED((N_PAD, HCH), jnp.float32),
    ] + [pltpu.SemaphoreType.DMA] * (2 * NBUF),
)
def _sc_aggregate(src_hbm, dst_hbm, hs0_hbm, hs1_hbm, zeros_hbm, out_hbm,
                  src_v, dst_v, rows_v, agg_sh, hs_sh, *sems):
    gsems = sems[:NBUF]
    ssems = sems[NBUF:]
    cid = lax.axis_index("c")
    sid = lax.axis_index("s")
    wid = sid * NC + cid
    pltpu.sync_copy(src_hbm.at[wid], src_v)
    pltpu.sync_copy(dst_hbm.at[wid], dst_v)

    nfull = N_NODES // RPT
    tail = N_NODES - nfull * RPT
    for phase, hs_hbm in enumerate((hs0_hbm, hs1_hbm)):
        _zero_rows(zeros_hbm, agg_sh, sid * RPT)

        @pl.when(sid < nfull)
        def _():
            pltpu.sync_copy(hs_hbm.at[pl.ds(sid * RPT, RPT)],
                            hs_sh.at[pl.ds(sid * RPT, RPT)])

        @pl.when(sid == nfull)
        def _():
            pltpu.sync_copy(hs_hbm.at[pl.ds(nfull * RPT, tail)],
                            hs_sh.at[pl.ds(nfull * RPT, tail)])

        plsc.subcore_barrier()

        def gather(j, b):
            pltpu.async_copy(hs_sh.at[src_v.at[j]], rows_v.at[b], gsems[b])

        for b in range(NBUF):
            gather(b, b)

        def grp(g, carry):
            for b in range(NBUF):
                j = g * NBUF + b
                pltpu.make_async_copy(hs0_hbm.at[pl.ds(0, K)], rows_v.at[b],
                                      gsems[b]).wait()
                pltpu.async_copy(rows_v.at[b], agg_sh.at[dst_v.at[j]],
                                 ssems[b], add=True)
            for b in range(NBUF):
                pltpu.make_async_copy(rows_v.at[b], agg_sh.at[pl.ds(0, K)],
                                      ssems[b]).wait()

                @pl.when(g + 1 < GRPS)
                def _():
                    gather((g + 1) * NBUF + b, b)

            return carry

        lax.fori_loop(0, GRPS, grp, 0)
        plsc.subcore_barrier()
        pltpu.sync_copy(
            agg_sh.at[pl.ds(sid * RPT, RPT)],
            out_hbm.at[phase, cid, pl.ds(sid * RPT, RPT)],
        )


_RB = 1000


def _deg_block(deg_ref):
    return deg_ref[0, :, 0:1] + deg_ref[1, :, 0:1] + 1.0


def _mm_body(x_ref, w_ref, h_ref):
    h_ref[...] = jnp.dot(x_ref[...], w_ref[...],
                         preferred_element_type=jnp.float32)


def _tc_matmul(x, w):
    grid = (N_NODES // _RB,)
    return pl.pallas_call(
        _mm_body,
        grid=grid,
        in_specs=[
            pl.BlockSpec((_RB, IN_CH), lambda i: (i, 0)),
            pl.BlockSpec((IN_CH, OUT_CH), lambda i: (0, 0)),
        ],
        out_specs=pl.BlockSpec((_RB, OUT_CH), lambda i: (i, 0)),
        out_shape=jax.ShapeDtypeStruct((N_NODES, OUT_CH), jnp.float32),
    )(x, w)


def _hs_body(h_ref, deg_ref, hs0_ref, hs1_ref):
    dis = lax.rsqrt(_deg_block(deg_ref))
    hs = h_ref[...] * dis
    hs0_ref[...] = hs[:, :HCH]
    hs1_ref[...] = hs[:, HCH:]


def _tc_hs(h, deg_parts):
    grid = (N_NODES // _RB,)
    half = jax.ShapeDtypeStruct((N_NODES, HCH), jnp.float32)
    return pl.pallas_call(
        _hs_body,
        grid=grid,
        in_specs=[
            pl.BlockSpec((_RB, OUT_CH), lambda i: (i, 0)),
            pl.BlockSpec((2, _RB, 16), lambda i: (0, i, 0)),
        ],
        out_specs=[
            pl.BlockSpec((_RB, HCH), lambda i: (i, 0)),
            pl.BlockSpec((_RB, HCH), lambda i: (i, 0)),
        ],
        out_shape=[half, half],
    )(h, deg_parts)


def _epi_body(agg_ref, hs0_ref, hs1_ref, deg_ref, b_ref, out_ref):
    dis = lax.rsqrt(_deg_block(deg_ref))
    agg = jnp.concatenate(
        [agg_ref[0, 0] + agg_ref[0, 1], agg_ref[1, 0] + agg_ref[1, 1]], axis=-1)
    hs = jnp.concatenate([hs0_ref[...], hs1_ref[...]], axis=-1)
    s = (agg + hs) * dis + b_ref[...]
    s = jnp.maximum(s, 0.0)
    m = jnp.max(s, axis=-1, keepdims=True)
    lse = jnp.log(jnp.sum(jnp.exp(s - m), axis=-1, keepdims=True)) + m
    out_ref[...] = s - lse


def _tc_epilogue(agg_parts, hs0, hs1, deg_parts, b):
    grid = (N_NODES // _RB,)
    return pl.pallas_call(
        _epi_body,
        grid=grid,
        in_specs=[
            pl.BlockSpec((2, 2, _RB, HCH), lambda i: (0, 0, i, 0)),
            pl.BlockSpec((_RB, HCH), lambda i: (i, 0)),
            pl.BlockSpec((_RB, HCH), lambda i: (i, 0)),
            pl.BlockSpec((2, _RB, 16), lambda i: (0, i, 0)),
            pl.BlockSpec((1, OUT_CH), lambda i: (0, 0)),
        ],
        out_specs=pl.BlockSpec((_RB, OUT_CH), lambda i: (i, 0)),
        out_shape=jax.ShapeDtypeStruct((N_NODES, OUT_CH), jnp.float32),
    )(agg_parts, hs0, hs1, deg_parts, b)


def kernel(x, edge_index, W, b):
    ei = edge_index.astype(jnp.int32)
    pad = E_PAD - N_EDGES
    src = jnp.concatenate([ei[0], jnp.zeros((pad,), jnp.int32)])
    dst = jnp.concatenate([ei[1], jnp.full((pad,), N_NODES, jnp.int32)])
    src = src.reshape(NW, BPW, K)
    dst = dst.reshape(NW, BPW, K)

    ones_rows = jnp.ones((K, 16), jnp.float32)
    zeros16 = jnp.zeros((K, 16), jnp.float32)
    zerosh = jnp.zeros((K, HCH), jnp.float32)

    h = _tc_matmul(x, W)
    deg_parts = _sc_degree(dst, ones_rows, zeros16)
    hs0, hs1 = _tc_hs(h, deg_parts)
    agg_parts = _sc_aggregate(src, dst, hs0, hs1, zerosh)
    return _tc_epilogue(agg_parts, hs0, hs1, deg_parts, b.reshape(1, OUT_CH))

# --- scband reference (transcript-rebuilt; emitter-appended) ---
"""Pipeline reference for scband-dumbest-gnn-44813688766468 (READ-ONLY COPY).

The authoritative reference and input builder live on the scoring server;
editing this copy changes nothing except your own understanding.
"""

import jax, jax.numpy as jnp
import numpy as np

N_NODES = 10000
N_EDGES = 160000
IN_CH = 768
OUT_CH = 64

def setup_inputs(seed: int = 0) -> dict:
    key = jax.random.key(seed)
    k1, k2, k3, k4 = jax.random.split(key, 4)
    x = jax.random.normal(k1, (N_NODES, IN_CH), dtype=jnp.float32)
    edge_index = jax.random.randint(k2, (2, N_EDGES), 0, N_NODES, dtype=jnp.int64)
    W = jax.random.normal(k3, (IN_CH, OUT_CH), dtype=jnp.float32) * (1.0 / np.sqrt(IN_CH))
    b = jnp.zeros((OUT_CH,), dtype=jnp.float32)
    return {"x": x, "edge_index": edge_index, "W": W, "b": b}

def reference(x, edge_index, W, b):
    N = x.shape[0]
    loop = jnp.arange(N, dtype=edge_index.dtype)
    src = jnp.concatenate([edge_index[0], loop])
    dst = jnp.concatenate([edge_index[1], loop])
    # gcn_norm: symmetric normalization with self-loops, degree computed at dst
    ew = jnp.ones(src.shape[0], dtype=x.dtype)
    deg = jnp.zeros((N,), dtype=x.dtype).at[dst].add(ew)
    deg_inv_sqrt = jnp.where(deg > 0, 1.0 / jnp.sqrt(deg), 0.0)
    norm = deg_inv_sqrt[src] * deg_inv_sqrt[dst]
    # linear transform then message passing (scatter-add at dst)
    h = x @ W
    msg = h[src] * norm[:, None]
    out = jnp.zeros((N, h.shape[1]), dtype=x.dtype).at[dst].add(msg)
    out = out + b
    out = jax.nn.relu(out)
    return jax.nn.log_softmax(out, axis=-1)

if __name__ == "__main__":
    import jax
    _d = setup_inputs()
    print(jax.jit(kernel)(*tuple(_d.values())))

</pallas_src>

<mosaic_0001>
#map = affine_map<(d0, d1) -> (0, 0, 0)>
#map1 = affine_map<(d0, d1) -> (0, 0)>
module attributes {stable_mosaic.version = 14 : i64} {
  func.func @_sc_degree(%arg0: i32, %arg1: i32, %arg2: memref<32x40x128xi32, #tpu.memory_space<hbm>>, %arg3: memref<128x16xf32, #tpu.memory_space<hbm>>, %arg4: memref<128x16xf32, #tpu.memory_space<hbm>>, %arg5: memref<2x10112x16xf32, #tpu.memory_space<hbm>>, %arg6: memref<40x128xi32, #tpu.memory_space<vmem>>, %arg7: memref<128x16xf32, #tpu.memory_space<vmem>>, %arg8: memref<10112x16xf32, #tpu.memory_space<vmem_shared>>, %arg9: memref<!tpu.dma_semaphore, #tpu.memory_space<semaphore_mem>>) attributes {dimension_semantics = [#tpu.dimension_semantics<core_parallel>, #tpu.dimension_semantics<subcore_parallel>], iteration_bounds = array<i64: 2, 16>, scalar_prefetch = 0 : i64, scratch_operands = 4 : i64, tpu.core_type = #tpu.core_type<sc_vector_subcore>, window_params = [{transform_indices = #map}, {transform_indices = #map1}, {transform_indices = #map1}, {transform_indices = #map}]} {
    %mul3A = arith.constant 2 : i32
    %mul3A_0 = arith.muli %arg1, %mul3A : i32
    %add3A = arith.addi %mul3A_0, %arg0 : i32
    %mul3A_1 = arith.constant 632 : i32
    %mul3A_2 = arith.muli %arg1, %mul3A_1 : i32
    %add3A_3 = arith.constant 0 : i32
    %add3A_4 = arith.addi %mul3A_2, %add3A_3 : i32
    "tpu.region"() ({
      %run_scoped3A = tpu.sem_alloc : memref<!tpu.dma_semaphore, #tpu.memory_space<semaphore_mem>>
      %dma_start3A_536 = arith.constant 0 : i32
      %dma_start3A_537 = tpu.memref_slice %arg8[%add3A_4, %dma_start3A_536] : memref<10112x16xf32, #tpu.memory_space<vmem_shared>> -> memref<128x16xf32, #tpu.memory_space<vmem_shared>>
      tpu.enqueue_dma source(%arg4 : memref<128x16xf32, #tpu.memory_space<hbm>>) target(%dma_start3A_537 : memref<128x16xf32, #tpu.memory_space<vmem_shared>>) target_semaphore(%run_scoped3A : memref<!tpu.dma_semaphore, #tpu.memory_space<semaphore_mem>>)
      %dma_wait3A_538 = arith.constant 0 : i32
      %dma_wait3A_539 = tpu.memref_slice %arg8[%add3A_4, %dma_wait3A_538] : memref<10112x16xf32, #tpu.memory_space<vmem_shared>> -> memref<128x16xf32, #tpu.memory_space<vmem_shared>>
      tpu.wait_dma2 semaphore(%run_scoped3A : memref<!tpu.dma_semaphore, #tpu.memory_space<semaphore_mem>>) src(%arg4 : memref<128x16xf32, #tpu.memory_space<hbm>>) dst(%dma_wait3A_539 : memref<128x16xf32, #tpu.memory_space<vmem_shared>>)
      tpu.yield
    }) : () -> ()
    %add3A_5 = arith.constant 128 : i32
    %add3A_6 = arith.addi %mul3A_2, %add3A_5 : i32
    "tpu.region"() ({
      %run_scoped3A = tpu.sem_alloc : memref<!tpu.dma_semaphore, #tpu.memory_space<semaphore_mem>>
      %dma_start3A_536 = arith.constant 0 : i32
      %dma_start3A_537 = tpu.memref_slice %arg8[%add3A_6, %dma_start3A_536] : memref<10112x16xf32, #tpu.memory_space<vmem_shared>> -> memref<128x16xf32, #tpu.memory_space<vmem_shared>>
      tpu.enqueue_dma source(%arg4 : memref<128x16xf32, #tpu.memory_space<hbm>>) target(%dma_start3A_537 : memref<128x16xf32, #tpu.memory_space<vmem_shared>>) target_semaphore(%run_scoped3A : memref<!tpu.dma_semaphore, #tpu.memory_space<semaphore_mem>>)
      %dma_wait3A_538 = arith.constant 0 : i32
      %dma_wait3A_539 = tpu.memref_slice %arg8[%add3A_6, %dma_wait3A_538] : memref<10112x16xf32, #tpu.memory_space<vmem_shared>> -> memref<128x16xf32, #tpu.memory_space<vmem_shared>>
      tpu.wait_dma2 semaphore(%run_scoped3A : memref<!tpu.dma_semaphore, #tpu.memory_space<semaphore_mem>>) src(%arg4 : memref<128x16xf32, #tpu.memory_space<hbm>>) dst(%dma_wait3A_539 : memref<128x16xf32, #tpu.memory_space<vmem_shared>>)
      tpu.yield
    }) : () -> ()
    %add3A_7 = arith.constant 256 : i32
    %add3A_8 = arith.addi %mul3A_2, %add3A_7 : i32
    "tpu.region"() ({
      %run_scoped3A = tpu.sem_alloc : memref<!tpu.dma_semaphore, #tpu.memory_space<semaphore_mem>>
      %dma_start3A_536 = arith.constant 0 : i32
      %dma_start3A_537 = tpu.memref_slice %arg8[%add3A_8, %dma_start3A_536] : memref<10112x16xf32, #tpu.memory_space<vmem_shared>> -> memref<128x16xf32, #tpu.memory_space<vmem_shared>>
      tpu.enqueue_dma source(%arg4 : memref<128x16xf32, #tpu.memory_space<hbm>>) target(%dma_start3A_537 : memref<128x16xf32, #tpu.memory_space<vmem_shared>>) target_semaphore(%run_scoped3A : memref<!tpu.dma_semaphore, #tpu.memory_space<semaphore_mem>>)
      %dma_wait3A_538 = arith.constant 0 : i32
      %dma_wait3A_539 = tpu.memref_slice %arg8[%add3A_8, %dma_wait3A_538] : memref<10112x16xf32, #tpu.memory_space<vmem_shared>> -> memref<128x16xf32, #tpu.memory_space<vmem_shared>>
      tpu.wait_dma2 semaphore(%run_scoped3A : memref<!tpu.dma_semaphore, #tpu.memory_space<semaphore_mem>>) src(%arg4 : memref<128x16xf32, #tpu.memory_space<hbm>>) dst(%dma_wait3A_539 : memref<128x16xf32, #tpu.memory_space<vmem_shared>>)
      tpu.yield
    }) : () -> ()
    %add3A_9 = arith.constant 384 : i32
    %add3A_10 = arith.addi %mul3A_2, %add3A_9 : i32
    "tpu.region"() ({
      %run_scoped3A = tpu.sem_alloc : memref<!tpu.dma_semaphore, #tpu.memory_space<semaphore_mem>>
      %dma_start3A_536 = arith.constant 0 : i32
      %dma_start3A_537 = tpu.memref_slice %arg8[%add3A_10, %dma_start3A_536] : memref<10112x16xf32, #tpu.memory_space<vmem_shared>> -> memref<128x16xf32, #tpu.memory_space<vmem_shared>>
      tpu.enqueue_dma source(%arg4 : memref<128x16xf32, #tpu.memory_space<hbm>>) target(%dma_start3A_537 : memref<128x16xf32, #tpu.memory_space<vmem_shared>>) target_semaphore(%run_scoped3A : memref<!tpu.dma_semaphore, #tpu.memory_space<semaphore_mem>>)
      %dma_wait3A_538 = arith.constant 0 : i32
      %dma_wait3A_539 = tpu.memref_slice %arg8[%add3A_10, %dma_wait3A_538] : memref<10112x16xf32, #tpu.memory_space<vmem_shared>> -> memref<128x16xf32, #tpu.memory_space<vmem_shared>>
      tpu.wait_dma2 semaphore(%run_scoped3A : memref<!tpu.dma_semaphore, #tpu.memory_space<semaphore_mem>>) src(%arg4 : memref<128x16xf32, #tpu.memory_space<hbm>>) dst(%dma_wait3A_539 : memref<128x16xf32, #tpu.memory_space<vmem_shared>>)
      tpu.yield
    }) : () -> ()
    %add3A_11 = arith.constant 512 : i32
    %add3A_12 = arith.addi %mul3A_2, %add3A_11 : i32
    "tpu.region"() ({
      %run_scoped3A = tpu.sem_alloc : memref<!tpu.dma_semaphore, #tpu.memory_space<semaphore_mem>>
      %dma_start3A_536 = arith.constant 0 : i32
      %dma_start3A_537 = tpu.memref_slice %arg8[%add3A_12, %dma_start3A_536] : memref<10112x16xf32, #tpu.memory_space<vmem_shared>> -> memref<120x16xf32, #tpu.memory_space<vmem_shared>>
      %dma_start3A_538 = arith.constant 0 : i32
      %dma_start3A_539 = arith.constant 0 : i32
      %dma_start3A_540 = tpu.memref_slice %arg4[%dma_start3A_538, %dma_start3A_539] : memref<128x16xf32, #tpu.memory_space<hbm>> -> memref<120x16xf32, #tpu.memory_space<hbm>>
      tpu.enqueue_dma source(%dma_start3A_540 : memref<120x16xf32, #tpu.memory_space<hbm>>) target(%dma_start3A_537 : memref<120x16xf32, #tpu.memory_space<vmem_shared>>) target_semaphore(%run_scoped3A : memref<!tpu.dma_semaphore, #tpu.memory_space<semaphore_mem>>)
      %dma_wait3A_541 = arith.constant 0 : i32
      %dma_wait3A_542 = tpu.memref_slice %arg8[%add3A_12, %dma_wait3A_541] : memref<10112x16xf32, #tpu.memory_space<vmem_shared>> -> memref<120x16xf32, #tpu.memory_space<vmem_shared>>
      %dma_wait3A_543 = arith.constant 0 : i32
      %dma_wait3A_544 = arith.constant 0 : i32
      %dma_wait3A_545 = tpu.memref_slice %arg4[%dma_wait3A_543, %dma_wait3A_544] : memref<128x16xf32, #tpu.memory_space<hbm>> -> memref<120x16xf32, #tpu.memory_space<hbm>>
      tpu.wait_dma2 semaphore(%run_scoped3A : memref<!tpu.dma_semaphore, #tpu.memory_space<semaphore_mem>>) src(%dma_wait3A_545 : memref<120x16xf32, #tpu.memory_space<hbm>>) dst(%dma_wait3A_542 : memref<120x16xf32, #tpu.memory_space<vmem_shared>>)
      tpu.yield
    }) : () -> ()
    "tpu.region"() ({
      %run_scoped3A = tpu.sem_alloc : memref<!tpu.dma_semaphore, #tpu.memory_space<semaphore_mem>>
      tpu.enqueue_dma source(%arg3 : memref<128x16xf32, #tpu.memory_space<hbm>>) target(%arg7 : memref<128x16xf32, #tpu.memory_space<vmem>>) target_semaphore(%run_scoped3A : memref<!tpu.dma_semaphore, #tpu.memory_space<semaphore_mem>>)
      tpu.wait_dma2 semaphore(%run_scoped3A : memref<!tpu.dma_semaphore, #tpu.memory_space<semaphore_mem>>) src(%arg3 : memref<128x16xf32, #tpu.memory_space<hbm>>) dst(%arg7 : memref<128x16xf32, #tpu.memory_space<vmem>>)
      tpu.yield
    }) : () -> ()
    "tpu.region"() ({
      %run_scoped3A = tpu.sem_alloc : memref<!tpu.dma_semaphore, #tpu.memory_space<semaphore_mem>>
      %dma_start3A_536 = arith.constant 0 : i32
      %dma_start3A_537 = arith.constant 0 : i32
      %dma_start3A_538 = tpu.memref_slice %arg2[%add3A, %dma_start3A_536, %dma_start3A_537] : memref<32x40x128xi32, #tpu.memory_space<hbm>> -> memref<1x40x128xi32, #tpu.memory_space<hbm>>
      %dma_start3A_539 = tpu.memref_squeeze %dma_start3A_538 : memref<1x40x128xi32, #tpu.memory_space<hbm>> -> memref<40x128xi32, #tpu.memory_space<hbm>>
      %dma_start3A_540 = arith.constant 0 : i32
      %dma_start3A_541 = arith.constant 0 : i32
      %dma_start3A_542 = tpu.memref_slice %arg2[%add3A, %dma_start3A_540, %dma_start3A_541] : memref<32x40x128xi32, #tpu.memory_space<hbm>> -> memref<1x40x128xi32, #tpu.memory_space<hbm>>
      %dma_start3A_543 = tpu.memref_squeeze %dma_start3A_542 : memref<1x40x128xi32, #tpu.memory_space<hbm>> -> memref<40x128xi32, #tpu.memory_space<hbm>>
      tpu.enqueue_dma source(%dma_start3A_543 : memref<40x128xi32, #tpu.memory_space<hbm>>) target(%arg6 : memref<40x128xi32, #tpu.memory_space<vmem>>) target_semaphore(%run_scoped3A : memref<!tpu.dma_semaphore, #tpu.memory_space<semaphore_mem>>)
      %dma_wait3A_544 = arith.constant 0 : i32
      %dma_wait3A_545 = arith.constant 0 : i32
      %dma_wait3A_546 = tpu.memref_slice %arg2[%add3A, %dma_wait3A_544, %dma_wait3A_545] : memref<32x40x128xi32, #tpu.memory_space<hbm>> -> memref<1x40x128xi32, #tpu.memory_space<hbm>>
      %dma_wait3A_547 = tpu.memref_squeeze %dma_wait3A_546 : memref<1x40x128xi32, #tpu.memory_space<hbm>> -> memref<40x128xi32, #tpu.memory_space<hbm>>
      %dma_wait3A_548 = arith.constant 0 : i32
      %dma_wait3A_549 = arith.constant 0 : i32
      %dma_wait3A_550 = tpu.memref_slice %arg2[%add3A, %dma_wait3A_548, %dma_wait3A_549] : memref<32x40x128xi32, #tpu.memory_space<hbm>> -> memref<1x40x128xi32, #tpu.memory_space<hbm>>
      %dma_wait3A_551 = tpu.memref_squeeze %dma_wait3A_550 : memref<1x40x128xi32, #tpu.memory_space<hbm>> -> memref<40x128xi32, #tpu.memory_space<hbm>>
      tpu.wait_dma2 semaphore(%run_scoped3A : memref<!tpu.dma_semaphore, #tpu.memory_space<semaphore_mem>>) src(%dma_wait3A_551 : memref<40x128xi32, #tpu.memory_space<hbm>>) dst(%arg6 : memref<40x128xi32, #tpu.memory_space<vmem>>)
      tpu.yield
    }) : () -> ()
    %barrier3A = arith.constant 0 : index
    tpu.barrier barrier_id(%barrier3A)
    %dma_start3A = arith.constant 0 : i32
    %dma_start3A_13 = arith.constant 0 : i32
    %dma_start3A_14 = tpu.memref_slice %arg6[%dma_start3A, %dma_start3A_13] : memref<40x128xi32, #tpu.memory_space<vmem>> -> memref<1x128xi32, #tpu.memory_space<vmem>>
    %dma_start3A_15 = tpu.memref_squeeze %dma_start3A_14 : memref<1x128xi32, #tpu.memory_space<vmem>> -> memref<128xi32, #tpu.memory_space<vmem>>
    %dma_start3A_16 = arith.constant 0 : i32
    %dma_start3A_17 = arith.constant 0 : i32
    %dma_start3A_18 = tpu.memref_slice %arg8[%dma_start3A_16, %dma_start3A_17] : memref<10112x16xf32, #tpu.memory_space<vmem_shared>> -> memref<10112x16xf32, #tpu.memory_space<vmem_shared>>
    tpu.enqueue_indirect_dma source(%arg7 : memref<128x16xf32, #tpu.memory_space<vmem>>) target(%dma_start3A_18 : memref<10112x16xf32, #tpu.memory_space<vmem_shared>>) offsets(%dma_start3A_15 : memref<128xi32, #tpu.memory_space<vmem>>) semaphore(%arg9 : memref<!tpu.dma_semaphore, #tpu.memory_space<semaphore_mem>>) {add = true}
    %dma_start3A_19 = arith.constant 1 : i32
    %dma_start3A_20 = arith.constant 0 : i32
    %dma_start3A_21 = tpu.memref_slice %arg6[%dma_start3A_19, %dma_start3A_20] : memref<40x128xi32, #tpu.memory_space<vmem>> -> memref<1x128xi32, #tpu.memory_space<vmem>>
    %dma_start3A_22 = tpu.memref_squeeze %dma_start3A_21 : memref<1x128xi32, #tpu.memory_space<vmem>> -> memref<128xi32, #tpu.memory_space<vmem>>
    %dma_start3A_23 = arith.constant 0 : i32
    %dma_start3A_24 = arith.constant 0 : i32
    %dma_start3A_25 = tpu.memref_slice %arg8[%dma_start3A_23, %dma_start3A_24] : memref<10112x16xf32, #tpu.memory_space<vmem_shared>> -> memref<10112x16xf32, #tpu.memory_space<vmem_shared>>
    tpu.enqueue_indirect_dma source(%arg7 : memref<128x16xf32, #tpu.memory_space<vmem>>) target(%dma_start3A_25 : memref<10112x16xf32, #tpu.memory_space<vmem_shared>>) offsets(%dma_start3A_22 : memref<128xi32, #tpu.memory_space<vmem>>) semaphore(%arg9 : memref<!tpu.dma_semaphore, #tpu.memory_space<semaphore_mem>>) {add = true}
    %dma_start3A_26 = arith.constant 2 : i32
    %dma_start3A_27 = arith.constant 0 : i32
    %dma_start3A_28 = tpu.memref_slice %arg6[%dma_start3A_26, %dma_start3A_27] : memref<40x128xi32, #tpu.memory_space<vmem>> -> memref<1x128xi32, #tpu.memory_space<vmem>>
    %dma_start3A_29 = tpu.memref_squeeze %dma_start3A_28 : memref<1x128xi32, #tpu.memory_space<vmem>> -> memref<128xi32, #tpu.memory_space<vmem>>
    %dma_start3A_30 = arith.constant 0 : i32
    %dma_start3A_31 = arith.constant 0 : i32
    %dma_start3A_32 = tpu.memref_slice %arg8[%dma_start3A_30, %dma_start3A_31] : memref<10112x16xf32, #tpu.memory_space<vmem_shared>> -> memref<10112x16xf32, #tpu.memory_space<vmem_shared>>
    tpu.enqueue_indirect_dma source(%arg7 : memref<128x16xf32, #tpu.memory_space<vmem>>) target(%dma_start3A_32 : memref<10112x16xf32, #tpu.memory_space<vmem_shared>>) offsets(%dma_start3A_29 : memref<128xi32, #tpu.memory_space<vmem>>) semaphore(%arg9 : memref<!tpu.dma_semaphore, #tpu.memory_space<semaphore_mem>>) {add = true}
    %dma_start3A_33 = arith.constant 3 : i32
    %dma_start3A_34 = arith.constant 0 : i32
    %dma_start3A_35 = tpu.memref_slice %arg6[%dma_start3A_33, %dma_start3A_34] : memref<40x128xi32, #tpu.memory_space<vmem>> -> memref<1x128xi32, #tpu.memory_space<vmem>>
    %dma_start3A_36 = tpu.memref_squeeze %dma_start3A_35 : memref<1x128xi32, #tpu.memory_space<vmem>> -> memref<128xi32, #tpu.memory_space<vmem>>
    %dma_start3A_37 = arith.constant 0 : i32
    %dma_start3A_38 = arith.constant 0 : i32
    %dma_start3A_39 = tpu.memref_slice %arg8[%dma_start3A_37, %dma_start3A_38] : memref<10112x16xf32, #tpu.memory_space<vmem_shared>> -> memref<10112x16xf32, #tpu.memory_space<vmem_shared>>
    tpu.enqueue_indirect_dma source(%arg7 : memref<128x16xf32, #tpu.memory_space<vmem>>) target(%dma_start3A_39 : memref<10112x16xf32, #tpu.memory_space<vmem_shared>>) offsets(%dma_start3A_36 : memref<128xi32, #tpu.memory_space<vmem>>) semaphore(%arg9 : memref<!tpu.dma_semaphore, #tpu.memory_space<semaphore_mem>>) {add = true}
    %dma_start3A_40 = arith.constant 4 : i32
    %dma_start3A_41 = arith.constant 0 : i32
    %dma_start3A_42 = tpu.memref_slice %arg6[%dma_start3A_40, %dma_start3A_41] : memref<40x128xi32, #tpu.memory_space<vmem>> -> memref<1x128xi32, #tpu.memory_space<vmem>>
    %dma_start3A_43 = tpu.memref_squeeze %dma_start3A_42 : memref<1x128xi32, #tpu.memory_space<vmem>> -> memref<128xi32, #tpu.memory_space<vmem>>
    %dma_start3A_44 = arith.constant 0 : i32
    %dma_start3A_45 = arith.constant 0 : i32
    %dma_start3A_46 = tpu.memref_slice %arg8[%dma_start3A_44, %dma_start3A_45] : memref<10112x16xf32, #tpu.memory_space<vmem_shared>> -> memref<10112x16xf32, #tpu.memory_space<vmem_shared>>
    tpu.enqueue_indirect_dma source(%arg7 : memref<128x16xf32, #tpu.memory_space<vmem>>) target(%dma_start3A_46 : memref<10112x16xf32, #tpu.memory_space<vmem_shared>>) offsets(%dma_start3A_43 : memref<128xi32, #tpu.memory_space<vmem>>) semaphore(%arg9 : memref<!tpu.dma_semaphore, #tpu.memory_space<semaphore_mem>>) {add = true}
    %dma_start3A_47 = arith.constant 5 : i32
    %dma_start3A_48 = arith.constant 0 : i32
    %dma_start3A_49 = tpu.memref_slice %arg6[%dma_start3A_47, %dma_start3A_48] : memref<40x128xi32, #tpu.memory_space<vmem>> -> memref<1x128xi32, #tpu.memory_space<vmem>>
    %dma_start3A_50 = tpu.memref_squeeze %dma_start3A_49 : memref<1x128xi32, #tpu.memory_space<vmem>> -> memref<128xi32, #tpu.memory_space<vmem>>
    %dma_start3A_51 = arith.constant 0 : i32
    %dma_start3A_52 = arith.constant 0 : i32
    %dma_start3A_53 = tpu.memref_slice %arg8[%dma_start3A_51, %dma_start3A_52] : memref<10112x16xf32, #tpu.memory_space<vmem_shared>> -> memref<10112x16xf32, #tpu.memory_space<vmem_shared>>
    tpu.enqueue_indirect_dma source(%arg7 : memref<128x16xf32, #tpu.memory_space<vmem>>) target(%dma_start3A_53 : memref<10112x16xf32, #tpu.memory_space<vmem_shared>>) offsets(%dma_start3A_50 : memref<128xi32, #tpu.memory_space<vmem>>) semaphore(%arg9 : memref<!tpu.dma_semaphore, #tpu.memory_space<semaphore_mem>>) {add = true}
    %dma_start3A_54 = arith.constant 6 : i32
    %dma_start3A_55 = arith.constant 0 : i32
    %dma_start3A_56 = tpu.memref_slice %arg6[%dma_start3A_54, %dma_start3A_55] : memref<40x128xi32, #tpu.memory_space<vmem>> -> memref<1x128xi32, #tpu.memory_space<vmem>>
    %dma_start3A_57 = tpu.memref_squeeze %dma_start3A_56 : memref<1x128xi32, #tpu.memory_space<vmem>> -> memref<128xi32, #tpu.memory_space<vmem>>
    %dma_start3A_58 = arith.constant 0 : i32
    %dma_start3A_59 = arith.constant 0 : i32
    %dma_start3A_60 = tpu.memref_slice %arg8[%dma_start3A_58, %dma_start3A_59] : memref<10112x16xf32, #tpu.memory_space<vmem_shared>> -> memref<10112x16xf32, #tpu.memory_space<vmem_shared>>
    tpu.enqueue_indirect_dma source(%arg7 : memref<128x16xf32, #tpu.memory_space<vmem>>) target(%dma_start3A_60 : memref<10112x16xf32, #tpu.memory_space<vmem_shared>>) offsets(%dma_start3A_57 : memref<128xi32, #tpu.memory_space<vmem>>) semaphore(%arg9 : memref<!tpu.dma_semaphore, #tpu.memory_space<semaphore_mem>>) {add = true}
    %dma_start3A_61 = arith.constant 7 : i32
    %dma_start3A_62 = arith.constant 0 : i32
    %dma_start3A_63 = tpu.memref_slice %arg6[%dma_start3A_61, %dma_start3A_62] : memref<40x128xi32, #tpu.memory_space<vmem>> -> memref<1x128xi32, #tpu.memory_space<vmem>>
    %dma_start3A_64 = tpu.memref_squeeze %dma_start3A_63 : memref<1x128xi32, #tpu.memory_space<vmem>> -> memref<128xi32, #tpu.memory_space<vmem>>
    %dma_start3A_65 = arith.constant 0 : i32
    %dma_start3A_66 = arith.constant 0 : i32
    %dma_start3A_67 = tpu.memref_slice %arg8[%dma_start3A_65, %dma_start3A_66] : memref<10112x16xf32, #tpu.memory_space<vmem_shared>> -> memref<10112x16xf32, #tpu.memory_space<vmem_shared>>
    tpu.enqueue_indirect_dma source(%arg7 : memref<128x16xf32, #tpu.memory_space<vmem>>) target(%dma_start3A_67 : memref<10112x16xf32, #tpu.memory_space<vmem_shared>>) offsets(%dma_start3A_64 : memref<128xi32, #tpu.memory_space<vmem>>) semaphore(%arg9 : memref<!tpu.dma_semaphore, #tpu.memory_space<semaphore_mem>>) {add = true}
    %dma_start3A_68 = arith.constant 8 : i32
    %dma_start3A_69 = arith.constant 0 : i32
    %dma_start3A_70 = tpu.memref_slice %arg6[%dma_start3A_68, %dma_start3A_69] : memref<40x128xi32, #tpu.memory_space<vmem>> -> memref<1x128xi32, #tpu.memory_space<vmem>>
    %dma_start3A_71 = tpu.memref_squeeze %dma_start3A_70 : memref<1x128xi32, #tpu.memory_space<vmem>> -> memref<128xi32, #tpu.memory_space<vmem>>
    %dma_start3A_72 = arith.constant 0 : i32
    %dma_start3A_73 = arith.constant 0 : i32
    %dma_start3A_74 = tpu.memref_slice %arg8[%dma_start3A_72, %dma_start3A_73] : memref<10112x16xf32, #tpu.memory_space<vmem_shared>> -> memref<10112x16xf32, #tpu.memory_space<vmem_shared>>
    tpu.enqueue_indirect_dma source(%arg7 : memref<128x16xf32, #tpu.memory_space<vmem>>) target(%dma_start3A_74 : memref<10112x16xf32, #tpu.memory_space<vmem_shared>>) offsets(%dma_start3A_71 : memref<128xi32, #tpu.memory_space<vmem>>) semaphore(%arg9 : memref<!tpu.dma_semaphore, #tpu.memory_space<semaphore_mem>>) {add = true}
    %dma_start3A_75 = arith.constant 9 : i32
    %dma_start3A_76 = arith.constant 0 : i32
    %dma_start3A_77 = tpu.memref_slice %arg6[%dma_start3A_75, %dma_start3A_76] : memref<40x128xi32, #tpu.memory_space<vmem>> -> memref<1x128xi32, #tpu.memory_space<vmem>>
    %dma_start3A_78 = tpu.memref_squeeze %dma_start3A_77 : memref<1x128xi32, #tpu.memory_space<vmem>> -> memref<128xi32, #tpu.memory_space<vmem>>
    %dma_start3A_79 = arith.constant 0 : i32
    %dma_start3A_80 = arith.constant 0 : i32
    %dma_start3A_81 = tpu.memref_slice %arg8[%dma_start3A_79, %dma_start3A_80] : memref<10112x16xf32, #tpu.memory_space<vmem_shared>> -> memref<10112x16xf32, #tpu.memory_space<vmem_shared>>
    tpu.enqueue_indirect_dma source(%arg7 : memref<128x16xf32, #tpu.memory_space<vmem>>) target(%dma_start3A_81 : memref<10112x16xf32, #tpu.memory_space<vmem_shared>>) offsets(%dma_start3A_78 : memref<128xi32, #tpu.memory_space<vmem>>) semaphore(%arg9 : memref<!tpu.dma_semaphore, #tpu.memory_space<semaphore_mem>>) {add = true}
    %dma_start3A_82 = arith.constant 10 : i32
    %dma_start3A_83 = arith.constant 0 : i32
    %dma_start3A_84 = tpu.memref_slice %arg6[%dma_start3A_82, %dma_start3A_83] : memref<40x128xi32, #tpu.memory_space<vmem>> -> memref<1x128xi32, #tpu.memory_space<vmem>>
    %dma_start3A_85 = tpu.memref_squeeze %dma_start3A_84 : memref<1x128xi32, #tpu.memory_space<vmem>> -> memref<128xi32, #tpu.memory_space<vmem>>
    %dma_start3A_86 = arith.constant 0 : i32
    %dma_start3A_87 = arith.constant 0 : i32
    %dma_start3A_88 = tpu.memref_slice %arg8[%dma_start3A_86, %dma_start3A_87] : memref<10112x16xf32, #tpu.memory_space<vmem_shared>> -> memref<10112x16xf32, #tpu.memory_space<vmem_shared>>
    tpu.enqueue_indirect_dma source(%arg7 : memref<128x16xf32, #tpu.memory_space<vmem>>) target(%dma_start3A_88 : memref<10112x16xf32, #tpu.memory_space<vmem_shared>>) offsets(%dma_start3A_85 : memref<128xi32, #tpu.memory_space<vmem>>) semaphore(%arg9 : memref<!tpu.dma_semaphore, #tpu.memory_space<semaphore_mem>>) {add = true}
    %dma_start3A_89 = arith.constant 11 : i32
    %dma_start3A_90 = arith.constant 0 : i32
    %dma_start3A_91 = tpu.memref_slice %arg6[%dma_start3A_89, %dma_start3A_90] : memref<40x128xi32, #tpu.memory_space<vmem>> -> memref<1x128xi32, #tpu.memory_space<vmem>>
    %dma_start3A_92 = tpu.memref_squeeze %dma_start3A_91 : memref<1x128xi32, #tpu.memory_space<vmem>> -> memref<128xi32, #tpu.memory_space<vmem>>
    %dma_start3A_93 = arith.constant 0 : i32
    %dma_start3A_94 = arith.constant 0 : i32
    %dma_start3A_95 = tpu.memref_slice %arg8[%dma_start3A_93, %dma_start3A_94] : memref<10112x16xf32, #tpu.memory_space<vmem_shared>> -> memref<10112x16xf32, #tpu.memory_space<vmem_shared>>
    tpu.enqueue_indirect_dma source(%arg7 : memref<128x16xf32, #tpu.memory_space<vmem>>) target(%dma_start3A_95 : memref<10112x16xf32, #tpu.memory_space<vmem_shared>>) offsets(%dma_start3A_92 : memref<128xi32, #tpu.memory_space<vmem>>) semaphore(%arg9 : memref<!tpu.dma_semaphore, #tpu.memory_space<semaphore_mem>>) {add = true}
    %dma_start3A_96 = arith.constant 12 : i32
    %dma_start3A_97 = arith.constant 0 : i32
    %dma_start3A_98 = tpu.memref_slice %arg6[%dma_start3A_96, %dma_start3A_97] : memref<40x128xi32, #tpu.memory_space<vmem>> -> memref<1x128xi32, #tpu.memory_space<vmem>>
    %dma_start3A_99 = tpu.memref_squeeze %dma_start3A_98 : memref<1x128xi32, #tpu.memory_space<vmem>> -> memref<128xi32, #tpu.memory_space<vmem>>
    %dma_start3A_100 = arith.constant 0 : i32
    %dma_start3A_101 = arith.constant 0 : i32
    %dma_start3A_102 = tpu.memref_slice %arg8[%dma_start3A_100, %dma_start3A_101] : memref<10112x16xf32, #tpu.memory_space<vmem_shared>> -> memref<10112x16xf32, #tpu.memory_space<vmem_shared>>
    tpu.enqueue_indirect_dma source(%arg7 : memref<128x16xf32, #tpu.memory_space<vmem>>) target(%dma_start3A_102 : memref<10112x16xf32, #tpu.memory_space<vmem_shared>>) offsets(%dma_start3A_99 : memref<128xi32, #tpu.memory_space<vmem>>) semaphore(%arg9 : memref<!tpu.dma_semaphore, #tpu.memory_space<semaphore_mem>>) {add = true}
    %dma_start3A_103 = arith.constant 13 : i32
    %dma_start3A_104 = arith.constant 0 : i32
    %dma_start3A_105 = tpu.memref_slice %arg6[%dma_start3A_103, %dma_start3A_104] : memref<40x128xi32, #tpu.memory_space<vmem>> -> memref<1x128xi32, #tpu.memory_space<vmem>>
    %dma_start3A_106 = tpu.memref_squeeze %dma_start3A_105 : memref<1x128xi32, #tpu.memory_space<vmem>> -> memref<128xi32, #tpu.memory_space<vmem>>
    %dma_start3A_107 = arith.constant 0 : i32
    %dma_start3A_108 = arith.constant 0 : i32
    %dma_start3A_109 = tpu.memref_slice %arg8[%dma_start3A_107, %dma_start3A_108] : memref<10112x16xf32, #tpu.memory_space<vmem_shared>> -> memref<10112x16xf32, #tpu.memory_space<vmem_shared>>
    tpu.enqueue_indirect_dma source(%arg7 : memref<128x16xf32, #tpu.memory_space<vmem>>) target(%dma_start3A_109 : memref<10112x16xf32, #tpu.memory_space<vmem_shared>>) offsets(%dma_start3A_106 : memref<128xi32, #tpu.memory_space<vmem>>) semaphore(%arg9 : memref<!tpu.dma_semaphore, #tpu.memory_space<semaphore_mem>>) {add = true}
    %dma_start3A_110 = arith.constant 14 : i32
    %dma_start3A_111 = arith.constant 0 : i32
    %dma_start3A_112 = tpu.memref_slice %arg6[%dma_start3A_110, %dma_start3A_111] : memref<40x128xi32, #tpu.memory_space<vmem>> -> memref<1x128xi32, #tpu.memory_space<vmem>>
    %dma_start3A_113 = tpu.memref_squeeze %dma_start3A_112 : memref<1x128xi32, #tpu.memory_space<vmem>> -> memref<128xi32, #tpu.memory_space<vmem>>
    %dma_start3A_114 = arith.constant 0 : i32
    %dma_start3A_115 = arith.constant 0 : i32
    %dma_start3A_116 = tpu.memref_slice %arg8[%dma_start3A_114, %dma_start3A_115] : memref<10112x16xf32, #tpu.memory_space<vmem_shared>> -> memref<10112x16xf32, #tpu.memory_space<vmem_shared>>
    tpu.enqueue_indirect_dma source(%arg7 : memref<128x16xf32, #tpu.memory_space<vmem>>) target(%dma_start3A_116 : memref<10112x16xf32, #tpu.memory_space<vmem_shared>>) offsets(%dma_start3A_113 : memref<128xi32, #tpu.memory_space<vmem>>) semaphore(%arg9 : memref<!tpu.dma_semaphore, #tpu.memory_space<semaphore_mem>>) {add = true}
    %dma_start3A_117 = arith.constant 15 : i32
    %dma_start3A_118 = arith.constant 0 : i32
    %dma_start3A_119 = tpu.memref_slice %arg6[%dma_start3A_117, %dma_start3A_118] : memref<40x128xi32, #tpu.memory_space<vmem>> -> memref<1x128xi32, #tpu.memory_space<vmem>>
    %dma_start3A_120 = tpu.memref_squeeze %dma_start3A_119 : memref<1x128xi32, #tpu.memory_space<vmem>> -> memref<128xi32, #tpu.memory_space<vmem>>
    %dma_start3A_121 = arith.constant 0 : i32
    %dma_start3A_122 = arith.constant 0 : i32
    %dma_start3A_123 = tpu.memref_slice %arg8[%dma_start3A_121, %dma_start3A_122] : memref<10112x16xf32, #tpu.memory_space<vmem_shared>> -> memref<10112x16xf32, #tpu.memory_space<vmem_shared>>
    tpu.enqueue_indirect_dma source(%arg7 : memref<128x16xf32, #tpu.memory_space<vmem>>) target(%dma_start3A_123 : memref<10112x16xf32, #tpu.memory_space<vmem_shared>>) offsets(%dma_start3A_120 : memref<128xi32, #tpu.memory_space<vmem>>) semaphore(%arg9 : memref<!tpu.dma_semaphore, #tpu.memory_space<semaphore_mem>>) {add = true}
    %dma_start3A_124 = arith.constant 16 : i32
    %dma_start3A_125 = arith.constant 0 : i32
    %dma_start3A_126 = tpu.memref_slice %arg6[%dma_start3A_124, %dma_start3A_125] : memref<40x128xi32, #tpu.memory_space<vmem>> -> memref<1x128xi32, #tpu.memory_space<vmem>>
    %dma_start3A_127 = tpu.memref_squeeze %dma_start3A_126 : memref<1x128xi32, #tpu.memory_space<vmem>> -> memref<128xi32, #tpu.memory_space<vmem>>
    %dma_start3A_128 = arith.constant 0 : i32
    %dma_start3A_129 = arith.constant 0 : i32
    %dma_start3A_130 = tpu.memref_slice %arg8[%dma_start3A_128, %dma_start3A_129] : memref<10112x16xf32, #tpu.memory_space<vmem_shared>> -> memref<10112x16xf32, #tpu.memory_space<vmem_shared>>
    tpu.enqueue_indirect_dma source(%arg7 : memref<128x16xf32, #tpu.memory_space<vmem>>) target(%dma_start3A_130 : memref<10112x16xf32, #tpu.memory_space<vmem_shared>>) offsets(%dma_start3A_127 : memref<128xi32, #tpu.memory_space<vmem>>) semaphore(%arg9 : memref<!tpu.dma_semaphore, #tpu.memory_space<semaphore_mem>>) {add = true}
    %dma_start3A_131 = arith.constant 17 : i32
    %dma_start3A_132 = arith.constant 0 : i32
    %dma_start3A_133 = tpu.memref_slice %arg6[%dma_start3A_131, %dma_start3A_132] : memref<40x128xi32, #tpu.memory_space<vmem>> -> memref<1x128xi32, #tpu.memory_space<vmem>>
    %dma_start3A_134 = tpu.memref_squeeze %dma_start3A_133 : memref<1x128xi32, #tpu.memory_space<vmem>> -> memref<128xi32, #tpu.memory_space<vmem>>
    %dma_start3A_135 = arith.constant 0 : i32
    %dma_start3A_136 = arith.constant 0 : i32
    %dma_start3A_137 = tpu.memref_slice %arg8[%dma_start3A_135, %dma_start3A_136] : memref<10112x16xf32, #tpu.memory_space<vmem_shared>> -> memref<10112x16xf32, #tpu.memory_space<vmem_shared>>
    tpu.enqueue_indirect_dma source(%arg7 : memref<128x16xf32, #tpu.memory_space<vmem>>) target(%dma_start3A_137 : memref<10112x16xf32, #tpu.memory_space<vmem_shared>>) offsets(%dma_start3A_134 : memref<128xi32, #tpu.memory_space<vmem>>) semaphore(%arg9 : memref<!tpu.dma_semaphore, #tpu.memory_space<semaphore_mem>>) {add = true}
    %dma_start3A_138 = arith.constant 18 : i32
    %dma_start3A_139 = arith.constant 0 : i32
    %dma_start3A_140 = tpu.memref_slice %arg6[%dma_start3A_138, %dma_start3A_139] : memref<40x128xi32, #tpu.memory_space<vmem>> -> memref<1x128xi32, #tpu.memory_space<vmem>>
    %dma_start3A_141 = tpu.memref_squeeze %dma_start3A_140 : memref<1x128xi32, #tpu.memory_space<vmem>> -> memref<128xi32, #tpu.memory_space<vmem>>
    %dma_start3A_142 = arith.constant 0 : i32
    %dma_start3A_143 = arith.constant 0 : i32
    %dma_start3A_144 = tpu.memref_slice %arg8[%dma_start3A_142, %dma_start3A_143] : memref<10112x16xf32, #tpu.memory_space<vmem_shared>> -> memref<10112x16xf32, #tpu.memory_space<vmem_shared>>
    tpu.enqueue_indirect_dma source(%arg7 : memref<128x16xf32, #tpu.memory_space<vmem>>) target(%dma_start3A_144 : memref<10112x16xf32, #tpu.memory_space<vmem_shared>>) offsets(%dma_start3A_141 : memref<128xi32, #tpu.memory_space<vmem>>) semaphore(%arg9 : memref<!tpu.dma_semaphore, #tpu.memory_space<semaphore_mem>>) {add = true}
    %dma_start3A_145 = arith.constant 19 : i32
    %dma_start3A_146 = arith.constant 0 : i32
    %dma_start3A_147 = tpu.memref_slice %arg6[%dma_start3A_145, %dma_start3A_146] : memref<40x128xi32, #tpu.memory_space<vmem>> -> memref<1x128xi32, #tpu.memory_space<vmem>>
    %dma_start3A_148 = tpu.memref_squeeze %dma_start3A_147 : memref<1x128xi32, #tpu.memory_space<vmem>> -> memref<128xi32, #tpu.memory_space<vmem>>
    %dma_start3A_149 = arith.constant 0 : i32
    %dma_start3A_150 = arith.constant 0 : i32
    %dma_start3A_151 = tpu.memref_slice %arg8[%dma_start3A_149, %dma_start3A_150] : memref<10112x16xf32, #tpu.memory_space<vmem_shared>> -> memref<10112x16xf32, #tpu.memory_space<vmem_shared>>
    tpu.enqueue_indirect_dma source(%arg7 : memref<128x16xf32, #tpu.memory_space<vmem>>) target(%dma_start3A_151 : memref<10112x16xf32, #tpu.memory_space<vmem_shared>>) offsets(%dma_start3A_148 : memref<128xi32, #tpu.memory_space<vmem>>) semaphore(%arg9 : memref<!tpu.dma_semaphore, #tpu.memory_space<semaphore_mem>>) {add = true}
    %dma_start3A_152 = arith.constant 20 : i32
    %dma_start3A_153 = arith.constant 0 : i32
    %dma_start3A_154 = tpu.memref_slice %arg6[%dma_start3A_152, %dma_start3A_153] : memref<40x128xi32, #tpu.memory_space<vmem>> -> memref<1x128xi32, #tpu.memory_space<vmem>>
    %dma_start3A_155 = tpu.memref_squeeze %dma_start3A_154 : memref<1x128xi32, #tpu.memory_space<vmem>> -> memref<128xi32, #tpu.memory_space<vmem>>
    %dma_start3A_156 = arith.constant 0 : i32
    %dma_start3A_157 = arith.constant 0 : i32
    %dma_start3A_158 = tpu.memref_slice %arg8[%dma_start3A_156, %dma_start3A_157] : memref<10112x16xf32, #tpu.memory_space<vmem_shared>> -> memref<10112x16xf32, #tpu.memory_space<vmem_shared>>
    tpu.enqueue_indirect_dma source(%arg7 : memref<128x16xf32, #tpu.memory_space<vmem>>) target(%dma_start3A_158 : memref<10112x16xf32, #tpu.memory_space<vmem_shared>>) offsets(%dma_start3A_155 : memref<128xi32, #tpu.memory_space<vmem>>) semaphore(%arg9 : memref<!tpu.dma_semaphore, #tpu.memory_space<semaphore_mem>>) {add = true}
    %dma_start3A_159 = arith.constant 21 : i32
    %dma_start3A_160 = arith.constant 0 : i32
    %dma_start3A_161 = tpu.memref_slice %arg6[%dma_start3A_159, %dma_start3A_160] : memref<40x128xi32, #tpu.memory_space<vmem>> -> memref<1x128xi32, #tpu.memory_space<vmem>>
    %dma_start3A_162 = tpu.memref_squeeze %dma_start3A_161 : memref<1x128xi32, #tpu.memory_space<vmem>> -> memref<128xi32, #tpu.memory_space<vmem>>
    %dma_start3A_163 = arith.constant 0 : i32
    %dma_start3A_164 = arith.constant 0 : i32
    %dma_start3A_165 = tpu.memref_slice %arg8[%dma_start3A_163, %dma_start3A_164] : memref<10112x16xf32, #tpu.memory_space<vmem_shared>> -> memref<10112x16xf32, #tpu.memory_space<vmem_shared>>
    tpu.enqueue_indirect_dma source(%arg7 : memref<128x16xf32, #tpu.memory_space<vmem>>) target(%dma_start3A_165 : memref<10112x16xf32, #tpu.memory_space<vmem_shared>>) offsets(%dma_start3A_162 : memref<128xi32, #tpu.memory_space<vmem>>) semaphore(%arg9 : memref<!tpu.dma_semaphore, #tpu.memory_space<semaphore_mem>>) {add = true}
    %dma_start3A_166 = arith.constant 22 : i32
    %dma_start3A_167 = arith.constant 0 : i32
    %dma_start3A_168 = tpu.memref_slice %arg6[%dma_start3A_166, %dma_start3A_167] : memref<40x128xi32, #tpu.memory_space<vmem>> -> memref<1x128xi32, #tpu.memory_space<vmem>>
    %dma_start3A_169 = tpu.memref_squeeze %dma_start3A_168 : memref<1x128xi32, #tpu.memory_space<vmem>> -> memref<128xi32, #tpu.memory_space<vmem>>
    %dma_start3A_170 = arith.constant 0 : i32
    %dma_start3A_171 = arith.constant 0 : i32
    %dma_start3A_172 = tpu.memref_slice %arg8[%dma_start3A_170, %dma_start3A_171] : memref<10112x16xf32, #tpu.memory_space<vmem_shared>> -> memref<10112x16xf32, #tpu.memory_space<vmem_shared>>
    tpu.enqueue_indirect_dma source(%arg7 : memref<128x16xf32, #tpu.memory_space<vmem>>) target(%dma_start3A_172 : memref<10112x16xf32, #tpu.memory_space<vmem_shared>>) offsets(%dma_start3A_169 : memref<128xi32, #tpu.memory_space<vmem>>) semaphore(%arg9 : memref<!tpu.dma_semaphore, #tpu.memory_space<semaphore_mem>>) {add = true}
    %dma_start3A_173 = arith.constant 23 : i32
    %dma_start3A_174 = arith.constant 0 : i32
    %dma_start3A_175 = tpu.memref_slice %arg6[%dma_start3A_173, %dma_start3A_174] : memref<40x128xi32, #tpu.memory_space<vmem>> -> memref<1x128xi32, #tpu.memory_space<vmem>>
    %dma_start3A_176 = tpu.memref_squeeze %dma_start3A_175 : memref<1x128xi32, #tpu.memory_space<vmem>> -> memref<128xi32, #tpu.memory_space<vmem>>
    %dma_start3A_177 = arith.constant 0 : i32
    %dma_start3A_178 = arith.constant 0 : i32
    %dma_start3A_179 = tpu.memref_slice %arg8[%dma_start3A_177, %dma_start3A_178] : memref<10112x16xf32, #tpu.memory_space<vmem_shared>> -> memref<10112x16xf32, #tpu.memory_space<vmem_shared>>
    tpu.enqueue_indirect_dma source(%arg7 : memref<128x16xf32, #tpu.memory_space<vmem>>) target(%dma_start3A_179 : memref<10112x16xf32, #tpu.memory_space<vmem_shared>>) offsets(%dma_start3A_176 : memref<128xi32, #tpu.memory_space<vmem>>) semaphore(%arg9 : memref<!tpu.dma_semaphore, #tpu.memory_space<semaphore_mem>>) {add = true}
    %dma_start3A_180 = arith.constant 24 : i32
    %dma_start3A_181 = arith.constant 0 : i32
    %dma_start3A_182 = tpu.memref_slice %arg6[%dma_start3A_180, %dma_start3A_181] : memref<40x128xi32, #tpu.memory_space<vmem>> -> memref<1x128xi32, #tpu.memory_space<vmem>>
    %dma_start3A_183 = tpu.memref_squeeze %dma_start3A_182 : memref<1x128xi32, #tpu.memory_space<vmem>> -> memref<128xi32, #tpu.memory_space<vmem>>
    %dma_start3A_184 = arith.constant 0 : i32
    %dma_start3A_185 = arith.constant 0 : i32
    %dma_start3A_186 = tpu.memref_slice %arg8[%dma_start3A_184, %dma_start3A_185] : memref<10112x16xf32, #tpu.memory_space<vmem_shared>> -> memref<10112x16xf32, #tpu.memory_space<vmem_shared>>
    tpu.enqueue_indirect_dma source(%arg7 : memref<128x16xf32, #tpu.memory_space<vmem>>) target(%dma_start3A_186 : memref<10112x16xf32, #tpu.memory_space<vmem_shared>>) offsets(%dma_start3A_183 : memref<128xi32, #tpu.memory_space<vmem>>) semaphore(%arg9 : memref<!tpu.dma_semaphore, #tpu.memory_space<semaphore_mem>>) {add = true}
    %dma_start3A_187 = arith.constant 25 : i32
    %dma_start3A_188 = arith.constant 0 : i32
    %dma_start3A_189 = tpu.memref_slice %arg6[%dma_start3A_187, %dma_start3A_188] : memref<40x128xi32, #tpu.memory_space<vmem>> -> memref<1x128xi32, #tpu.memory_space<vmem>>
    %dma_start3A_190 = tpu.memref_squeeze %dma_start3A_189 : memref<1x128xi32, #tpu.memory_space<vmem>> -> memref<128xi32, #tpu.memory_space<vmem>>
    %dma_start3A_191 = arith.constant 0 : i32
    %dma_start3A_192 = arith.constant 0 : i32
    %dma_start3A_193 = tpu.memref_slice %arg8[%dma_start3A_191, %dma_start3A_192] : memref<10112x16xf32, #tpu.memory_space<vmem_shared>> -> memref<10112x16xf32, #tpu.memory_space<vmem_shared>>
    tpu.enqueue_indirect_dma source(%arg7 : memref<128x16xf32, #tpu.memory_space<vmem>>) target(%dma_start3A_193 : memref<10112x16xf32, #tpu.memory_space<vmem_shared>>) offsets(%dma_start3A_190 : memref<128xi32, #tpu.memory_space<vmem>>) semaphore(%arg9 : memref<!tpu.dma_semaphore, #tpu.memory_space<semaphore_mem>>) {add = true}
    %dma_start3A_194 = arith.constant 26 : i32
    %dma_start3A_195 = arith.constant 0 : i32
    %dma_start3A_196 = tpu.memref_slice %arg6[%dma_start3A_194, %dma_start3A_195] : memref<40x128xi32, #tpu.memory_space<vmem>> -> memref<1x128xi32, #tpu.memory_space<vmem>>
    %dma_start3A_197 = tpu.memref_squeeze %dma_start3A_196 : memref<1x128xi32, #tpu.memory_space<vmem>> -> memref<128xi32, #tpu.memory_space<vmem>>
    %dma_start3A_198 = arith.constant 0 : i32
    %dma_start3A_199 = arith.constant 0 : i32
    %dma_start3A_200 = tpu.memref_slice %arg8[%dma_start3A_198, %dma_start3A_199] : memref<10112x16xf32, #tpu.memory_space<vmem_shared>> -> memref<10112x16xf32, #tpu.memory_space<vmem_shared>>
    tpu.enqueue_indirect_dma source(%arg7 : memref<128x16xf32, #tpu.memory_space<vmem>>) target(%dma_start3A_200 : memref<10112x16xf32, #tpu.memory_space<vmem_shared>>) offsets(%dma_start3A_197 : memref<128xi32, #tpu.memory_space<vmem>>) semaphore(%arg9 : memref<!tpu.dma_semaphore, #tpu.memory_space<semaphore_mem>>) {add = true}
    %dma_start3A_201 = arith.constant 27 : i32
    %dma_start3A_202 = arith.constant 0 : i32
    %dma_start3A_203 = tpu.memref_slice %arg6[%dma_start3A_201, %dma_start3A_202] : memref<40x128xi32, #tpu.memory_space<vmem>> -> memref<1x128xi32, #tpu.memory_space<vmem>>
    %dma_start3A_204 = tpu.memref_squeeze %dma_start3A_203 : memref<1x128xi32, #tpu.memory_space<vmem>> -> memref<128xi32, #tpu.memory_space<vmem>>
    %dma_start3A_205 = arith.constant 0 : i32
    %dma_start3A_206 = arith.constant 0 : i32
    %dma_start3A_207 = tpu.memref_slice %arg8[%dma_start3A_205, %dma_start3A_206] : memref<10112x16xf32, #tpu.memory_space<vmem_shared>> -> memref<10112x16xf32, #tpu.memory_space<vmem_shared>>
    tpu.enqueue_indirect_dma source(%arg7 : memref<128x16xf32, #tpu.memory_space<vmem>>) target(%dma_start3A_207 : memref<10112x16xf32, #tpu.memory_space<vmem_shared>>) offsets(%dma_start3A_204 : memref<128xi32, #tpu.memory_space<vmem>>) semaphore(%arg9 : memref<!tpu.dma_semaphore, #tpu.memory_space<semaphore_mem>>) {add = true}
    %dma_start3A_208 = arith.constant 28 : i32
    %dma_start3A_209 = arith.constant 0 : i32
    %dma_start3A_210 = tpu.memref_slice %arg6[%dma_start3A_208, %dma_start3A_209] : memref<40x128xi32, #tpu.memory_space<vmem>> -> memref<1x128xi32, #tpu.memory_space<vmem>>
    %dma_start3A_211 = tpu.memref_squeeze %dma_start3A_210 : memref<1x128xi32, #tpu.memory_space<vmem>> -> memref<128xi32, #tpu.memory_space<vmem>>
    %dma_start3A_212 = arith.constant 0 : i32
    %dma_start3A_213 = arith.constant 0 : i32
    %dma_start3A_214 = tpu.memref_slice %arg8[%dma_start3A_212, %dma_start3A_213] : memref<10112x16xf32, #tpu.memory_space<vmem_shared>> -> memref<10112x16xf32, #tpu.memory_space<vmem_shared>>
    tpu.enqueue_indirect_dma source(%arg7 : memref<128x16xf32, #tpu.memory_space<vmem>>) target(%dma_start3A_214 : memref<10112x16xf32, #tpu.memory_space<vmem_shared>>) offsets(%dma_start3A_211 : memref<128xi32, #tpu.memory_space<vmem>>) semaphore(%arg9 : memref<!tpu.dma_semaphore, #tpu.memory_space<semaphore_mem>>) {add = true}
    %dma_start3A_215 = arith.constant 29 : i32
    %dma_start3A_216 = arith.constant 0 : i32
    %dma_start3A_217 = tpu.memref_slice %arg6[%dma_start3A_215, %dma_start3A_216] : memref<40x128xi32, #tpu.memory_space<vmem>> -> memref<1x128xi32, #tpu.memory_space<vmem>>
    %dma_start3A_218 = tpu.memref_squeeze %dma_start3A_217 : memref<1x128xi32, #tpu.memory_space<vmem>> -> memref<128xi32, #tpu.memory_space<vmem>>
    %dma_start3A_219 = arith.constant 0 : i32
    %dma_start3A_220 = arith.constant 0 : i32
    %dma_start3A_221 = tpu.memref_slice %arg8[%dma_start3A_219, %dma_start3A_220] : memref<10112x16xf32, #tpu.memory_space<vmem_shared>> -> memref<10112x16xf32, #tpu.memory_space<vmem_shared>>
    tpu.enqueue_indirect_dma source(%arg7 : memref<128x16xf32, #tpu.memory_space<vmem>>) target(%dma_start3A_221 : memref<10112x16xf32, #tpu.memory_space<vmem_shared>>) offsets(%dma_start3A_218 : memref<128xi32, #tpu.memory_space<vmem>>) semaphore(%arg9 : memref<!tpu.dma_semaphore, #tpu.memory_space<semaphore_mem>>) {add = true}
    %dma_start3A_222 = arith.constant 30 : i32
    %dma_start3A_223 = arith.constant 0 : i32
    %dma_start3A_224 = tpu.memref_slice %arg6[%dma_start3A_222, %dma_start3A_223] : memref<40x128xi32, #tpu.memory_space<vmem>> -> memref<1x128xi32, #tpu.memory_space<vmem>>
    %dma_start3A_225 = tpu.memref_squeeze %dma_start3A_224 : memref<1x128xi32, #tpu.memory_space<vmem>> -> memref<128xi32, #tpu.memory_space<vmem>>
    %dma_start3A_226 = arith.constant 0 : i32
    %dma_start3A_227 = arith.constant 0 : i32
    %dma_start3A_228 = tpu.memref_slice %arg8[%dma_start3A_226, %dma_start3A_227] : memref<10112x16xf32, #tpu.memory_space<vmem_shared>> -> memref<10112x16xf32, #tpu.memory_space<vmem_shared>>
    tpu.enqueue_indirect_dma source(%arg7 : memref<128x16xf32, #tpu.memory_space<vmem>>) target(%dma_start3A_228 : memref<10112x16xf32, #tpu.memory_space<vmem_shared>>) offsets(%dma_start3A_225 : memref<128xi32, #tpu.memory_space<vmem>>) semaphore(%arg9 : memref<!tpu.dma_semaphore, #tpu.memory_space<semaphore_mem>>) {add = true}
    %dma_start3A_229 = arith.constant 31 : i32
    %dma_start3A_230 = arith.constant 0 : i32
    %dma_start3A_231 = tpu.memref_slice %arg6[%dma_start3A_229, %dma_start3A_230] : memref<40x128xi32, #tpu.memory_space<vmem>> -> memref<1x128xi32, #tpu.memory_space<vmem>>
    %dma_start3A_232 = tpu.memref_squeeze %dma_start3A_231 : memref<1x128xi32, #tpu.memory_space<vmem>> -> memref<128xi32, #tpu.memory_space<vmem>>
    %dma_start3A_233 = arith.constant 0 : i32
    %dma_start3A_234 = arith.constant 0 : i32
    %dma_start3A_235 = tpu.memref_slice %arg8[%dma_start3A_233, %dma_start3A_234] : memref<10112x16xf32, #tpu.memory_space<vmem_shared>> -> memref<10112x16xf32, #tpu.memory_space<vmem_shared>>
    tpu.enqueue_indirect_dma source(%arg7 : memref<128x16xf32, #tpu.memory_space<vmem>>) target(%dma_start3A_235 : memref<10112x16xf32, #tpu.memory_space<vmem_shared>>) offsets(%dma_start3A_232 : memref<128xi32, #tpu.memory_space<vmem>>) semaphore(%arg9 : memref<!tpu.dma_semaphore, #tpu.memory_space<semaphore_mem>>) {add = true}
    %dma_start3A_236 = arith.constant 32 : i32
    %dma_start3A_237 = arith.constant 0 : i32
    %dma_start3A_238 = tpu.memref_slice %arg6[%dma_start3A_236, %dma_start3A_237] : memref<40x128xi32, #tpu.memory_space<vmem>> -> memref<1x128xi32, #tpu.memory_space<vmem>>
    %dma_start3A_239 = tpu.memref_squeeze %dma_start3A_238 : memref<1x128xi32, #tpu.memory_space<vmem>> -> memref<128xi32, #tpu.memory_space<vmem>>
    %dma_start3A_240 = arith.constant 0 : i32
    %dma_start3A_241 = arith.constant 0 : i32
    %dma_start3A_242 = tpu.memref_slice %arg8[%dma_start3A_240, %dma_start3A_241] : memref<10112x16xf32, #tpu.memory_space<vmem_shared>> -> memref<10112x16xf32, #tpu.memory_space<vmem_shared>>
    tpu.enqueue_indirect_dma source(%arg7 : memref<128x16xf32, #tpu.memory_space<vmem>>) target(%dma_start3A_242 : memref<10112x16xf32, #tpu.memory_space<vmem_shared>>) offsets(%dma_start3A_239 : memref<128xi32, #tpu.memory_space<vmem>>) semaphore(%arg9 : memref<!tpu.dma_semaphore, #tpu.memory_space<semaphore_mem>>) {add = true}
    %dma_start3A_243 = arith.constant 33 : i32
    %dma_start3A_244 = arith.constant 0 : i32
    %dma_start3A_245 = tpu.memref_slice %arg6[%dma_start3A_243, %dma_start3A_244] : memref<40x128xi32, #tpu.memory_space<vmem>> -> memref<1x128xi32, #tpu.memory_space<vmem>>
    %dma_start3A_246 = tpu.memref_squeeze %dma_start3A_245 : memref<1x128xi32, #tpu.memory_space<vmem>> -> memref<128xi32, #tpu.memory_space<vmem>>
    %dma_start3A_247 = arith.constant 0 : i32
    %dma_start3A_248 = arith.constant 0 : i32
    %dma_start3A_249 = tpu.memref_slice %arg8[%dma_start3A_247, %dma_start3A_248] : memref<10112x16xf32, #tpu.memory_space<vmem_shared>> -> memref<10112x16xf32, #tpu.memory_space<vmem_shared>>
    tpu.enqueue_indirect_dma source(%arg7 : memref<128x16xf32, #tpu.memory_space<vmem>>) target(%dma_start3A_249 : memref<10112x16xf32, #tpu.memory_space<vmem_shared>>) offsets(%dma_start3A_246 : memref<128xi32, #tpu.memory_space<vmem>>) semaphore(%arg9 : memref<!tpu.dma_semaphore, #tpu.memory_space<semaphore_mem>>) {add = true}
    %dma_start3A_250 = arith.constant 34 : i32
    %dma_start3A_251 = arith.constant 0 : i32
    %dma_start3A_252 = tpu.memref_slice %arg6[%dma_start3A_250, %dma_start3A_251] : memref<40x128xi32, #tpu.memory_space<vmem>> -> memref<1x128xi32, #tpu.memory_space<vmem>>
    %dma_start3A_253 = tpu.memref_squeeze %dma_start3A_252 : memref<1x128xi32, #tpu.memory_space<vmem>> -> memref<128xi32, #tpu.memory_space<vmem>>
    %dma_start3A_254 = arith.constant 0 : i32
    %dma_start3A_255 = arith.constant 0 : i32
    %dma_start3A_256 = tpu.memref_slice %arg8[%dma_start3A_254, %dma_start3A_255] : memref<10112x16xf32, #tpu.memory_space<vmem_shared>> -> memref<10112x16xf32, #tpu.memory_space<vmem_shared>>
    tpu.enqueue_indirect_dma source(%arg7 : memref<128x16xf32, #tpu.memory_space<vmem>>) target(%dma_start3A_256 : memref<10112x16xf32, #tpu.memory_space<vmem_shared>>) offsets(%dma_start3A_253 : memref<128xi32, #tpu.memory_space<vmem>>) semaphore(%arg9 : memref<!tpu.dma_semaphore, #tpu.memory_space<semaphore_mem>>) {add = true}
    %dma_start3A_257 = arith.constant 35 : i32
    %dma_start3A_258 = arith.constant 0 : i32
    %dma_start3A_259 = tpu.memref_slice %arg6[%dma_start3A_257, %dma_start3A_258] : memref<40x128xi32, #tpu.memory_space<vmem>> -> memref<1x128xi32, #tpu.memory_space<vmem>>
    %dma_start3A_260 = tpu.memref_squeeze %dma_start3A_259 : memref<1x128xi32, #tpu.memory_space<vmem>> -> memref<128xi32, #tpu.memory_space<vmem>>
    %dma_start3A_261 = arith.constant 0 : i32
    %dma_start3A_262 = arith.constant 0 : i32
    %dma_start3A_263 = tpu.memref_slice %arg8[%dma_start3A_261, %dma_start3A_262] : memref<10112x16xf32, #tpu.memory_space<vmem_shared>> -> memref<10112x16xf32, #tpu.memory_space<vmem_shared>>
    tpu.enqueue_indirect_dma source(%arg7 : memref<128x16xf32, #tpu.memory_space<vmem>>) target(%dma_start3A_263 : memref<10112x16xf32, #tpu.memory_space<vmem_shared>>) offsets(%dma_start3A_260 : memref<128xi32, #tpu.memory_space<vmem>>) semaphore(%arg9 : memref<!tpu.dma_semaphore, #tpu.memory_space<semaphore_mem>>) {add = true}
    %dma_start3A_264 = arith.constant 36 : i32
    %dma_start3A_265 = arith.constant 0 : i32
    %dma_start3A_266 = tpu.memref_slice %arg6[%dma_start3A_264, %dma_start3A_265] : memref<40x128xi32, #tpu.memory_space<vmem>> -> memref<1x128xi32, #tpu.memory_space<vmem>>
    %dma_start3A_267 = tpu.memref_squeeze %dma_start3A_266 : memref<1x128xi32, #tpu.memory_space<vmem>> -> memref<128xi32, #tpu.memory_space<vmem>>
    %dma_start3A_268 = arith.constant 0 : i32
    %dma_start3A_269 = arith.constant 0 : i32
    %dma_start3A_270 = tpu.memref_slice %arg8[%dma_start3A_268, %dma_start3A_269] : memref<10112x16xf32, #tpu.memory_space<vmem_shared>> -> memref<10112x16xf32, #tpu.memory_space<vmem_shared>>
    tpu.enqueue_indirect_dma source(%arg7 : memref<128x16xf32, #tpu.memory_space<vmem>>) target(%dma_start3A_270 : memref<10112x16xf32, #tpu.memory_space<vmem_shared>>) offsets(%dma_start3A_267 : memref<128xi32, #tpu.memory_space<vmem>>) semaphore(%arg9 : memref<!tpu.dma_semaphore, #tpu.memory_space<semaphore_mem>>) {add = true}
    %dma_start3A_271 = arith.constant 37 : i32
    %dma_start3A_272 = arith.constant 0 : i32
    %dma_start3A_273 = tpu.memref_slice %arg6[%dma_start3A_271, %dma_start3A_272] : memref<40x128xi32, #tpu.memory_space<vmem>> -> memref<1x128xi32, #tpu.memory_space<vmem>>
    %dma_start3A_274 = tpu.memref_squeeze %dma_start3A_273 : memref<1x128xi32, #tpu.memory_space<vmem>> -> memref<128xi32, #tpu.memory_space<vmem>>
    %dma_start3A_275 = arith.constant 0 : i32
    %dma_start3A_276 = arith.constant 0 : i32
    %dma_start3A_277 = tpu.memref_slice %arg8[%dma_start3A_275, %dma_start3A_276] : memref<10112x16xf32, #tpu.memory_space<vmem_shared>> -> memref<10112x16xf32, #tpu.memory_space<vmem_shared>>
    tpu.enqueue_indirect_dma source(%arg7 : memref<128x16xf32, #tpu.memory_space<vmem>>) target(%dma_start3A_277 : memref<10112x16xf32, #tpu.memory_space<vmem_shared>>) offsets(%dma_start3A_274 : memref<128xi32, #tpu.memory_space<vmem>>) semaphore(%arg9 : memref<!tpu.dma_semaphore, #tpu.memory_space<semaphore_mem>>) {add = true}
    %dma_start3A_278 = arith.constant 38 : i32
    %dma_start3A_279 = arith.constant 0 : i32
    %dma_start3A_280 = tpu.memref_slice %arg6[%dma_start3A_278, %dma_start3A_279] : memref<40x128xi32, #tpu.memory_space<vmem>> -> memref<1x128xi32, #tpu.memory_space<vmem>>
    %dma_start3A_281 = tpu.memref_squeeze %dma_start3A_280 : memref<1x128xi32, #tpu.memory_space<vmem>> -> memref<128xi32, #tpu.memory_space<vmem>>
    %dma_start3A_282 = arith.constant 0 : i32
    %dma_start3A_283 = arith.constant 0 : i32
    %dma_start3A_284 = tpu.memref_slice %arg8[%dma_start3A_282, %dma_start3A_283] : memref<10112x16xf32, #tpu.memory_space<vmem_shared>> -> memref<10112x16xf32, #tpu.memory_space<vmem_shared>>
    tpu.enqueue_indirect_dma source(%arg7 : memref<128x16xf32, #tpu.memory_space<vmem>>) target(%dma_start3A_284 : memref<10112x16xf32, #tpu.memory_space<vmem_shared>>) offsets(%dma_start3A_281 : memref<128xi32, #tpu.memory_space<vmem>>) semaphore(%arg9 : memref<!tpu.dma_semaphore, #tpu.memory_space<semaphore_mem>>) {add = true}
    %dma_start3A_285 = arith.constant 39 : i32
    %dma_start3A_286 = arith.constant 0 : i32
    %dma_start3A_287 = tpu.memref_slice %arg6[%dma_start3A_285, %dma_start3A_286] : memref<40x128xi32, #tpu.memory_space<vmem>> -> memref<1x128xi32, #tpu.memory_space<vmem>>
    %dma_start3A_288 = tpu.memref_squeeze %dma_start3A_287 : memref<1x128xi32, #tpu.memory_space<vmem>> -> memref<128xi32, #tpu.memory_space<vmem>>
    %dma_start3A_289 = arith.constant 0 : i32
    %dma_start3A_290 = arith.constant 0 : i32
    %dma_start3A_291 = tpu.memref_slice %arg8[%dma_start3A_289, %dma_start3A_290] : memref<10112x16xf32, #tpu.memory_space<vmem_shared>> -> memref<10112x16xf32, #tpu.memory_space<vmem_shared>>
    tpu.enqueue_indirect_dma source(%arg7 : memref<128x16xf32, #tpu.memory_space<vmem>>) target(%dma_start3A_291 : memref<10112x16xf32, #tpu.memory_space<vmem_shared>>) offsets(%dma_start3A_288 : memref<128xi32, #tpu.memory_space<vmem>>) semaphore(%arg9 : memref<!tpu.dma_semaphore, #tpu.memory_space<semaphore_mem>>) {add = true}
    %dma_wait3A = arith.constant 0 : i32
    %dma_wait3A_292 = arith.constant 0 : i32
    %dma_wait3A_293 = tpu.memref_slice %arg8[%dma_wait3A, %dma_wait3A_292] : memref<10112x16xf32, #tpu.memory_space<vmem_shared>> -> memref<128x16xf32, #tpu.memory_space<vmem_shared>>
    %dma_wait3A_294 = arith.constant 0 : i32
    %dma_wait3A_295 = arith.constant 0 : i32
    %dma_wait3A_296 = tpu.memref_slice %arg8[%dma_wait3A_294, %dma_wait3A_295] : memref<10112x16xf32, #tpu.memory_space<vmem_shared>> -> memref<128x16xf32, #tpu.memory_space<vmem_shared>>
    tpu.wait_dma2 semaphore(%arg9 : memref<!tpu.dma_semaphore, #tpu.memory_space<semaphore_mem>>) src(%arg7 : memref<128x16xf32, #tpu.memory_space<vmem>>) dst(%dma_wait3A_296 : memref<128x16xf32, #tpu.memory_space<vmem_shared>>)
    %dma_wait3A_297 = arith.constant 0 : i32
    %dma_wait3A_298 = arith.constant 0 : i32
    %dma_wait3A_299 = tpu.memref_slice %arg8[%dma_wait3A_297, %dma_wait3A_298] : memref<10112x16xf32, #tpu.memory_space<vmem_shared>> -> memref<128x16xf32, #tpu.memory_space<vmem_shared>>
    %dma_wait3A_300 = arith.constant 0 : i32
    %dma_wait3A_301 = arith.constant 0 : i32
    %dma_wait3A_302 = tpu.memref_slice %arg8[%dma_wait3A_300, %dma_wait3A_301] : memref<10112x16xf32, #tpu.memory_space<vmem_shared>> -> memref<128x16xf32, #tpu.memory_space<vmem_shared>>
    tpu.wait_dma2 semaphore(%arg9 : memref<!tpu.dma_semaphore, #tpu.memory_space<semaphore_mem>>) src(%arg7 : memref<128x16xf32, #tpu.memory_space<vmem>>) dst(%dma_wait3A_302 : memref<128x16xf32, #tpu.memory_space<vmem_shared>>)
    %dma_wait3A_303 = arith.constant 0 : i32
    %dma_wait3A_304 = arith.constant 0 : i32
    %dma_wait3A_305 = tpu.memref_slice %arg8[%dma_wait3A_303, %dma_wait3A_304] : memref<10112x16xf32, #tpu.memory_space<vmem_shared>> -> memref<128x16xf32, #tpu.memory_space<vmem_shared>>
    %dma_wait3A_306 = arith.constant 0 : i32
    %dma_wait3A_307 = arith.constant 0 : i32
    %dma_wait3A_308 = tpu.memref_slice %arg8[%dma_wait3A_306, %dma_wait3A_307] : memref<10112x16xf32, #tpu.memory_space<vmem_shared>> -> memref<128x16xf32, #tpu.memory_space<vmem_shared>>
    tpu.wait_dma2 semaphore(%arg9 : memref<!tpu.dma_semaphore, #tpu.memory_space<semaphore_mem>>) src(%arg7 : memref<128x16xf32, #tpu.memory_space<vmem>>) dst(%dma_wait3A_308 : memref<128x16xf32, #tpu.memory_space<vmem_shared>>)
    %dma_wait3A_309 = arith.constant 0 : i32
    %dma_wait3A_310 = arith.constant 0 : i32
    %dma_wait3A_311 = tpu.memref_slice %arg8[%dma_wait3A_309, %dma_wait3A_310] : memref<10112x16xf32, #tpu.memory_space<vmem_shared>> -> memref<128x16xf32, #tpu.memory_space<vmem_shared>>
    %dma_wait3A_312 = arith.constant 0 : i32
    %dma_wait3A_313 = arith.constant 0 : i32
    %dma_wait3A_314 = tpu.memref_slice %arg8[%dma_wait3A_312, %dma_wait3A_313] : memref<10112x16xf32, #tpu.memory_space<vmem_shared>> -> memref<128x16xf32, #tpu.memory_space<vmem_shared>>
    tpu.wait_dma2 semaphore(%arg9 : memref<!tpu.dma_semaphore, #tpu.memory_space<semaphore_mem>>) src(%arg7 : memref<128x16xf32, #tpu.memory_space<vmem>>) dst(%dma_wait3A_314 : memref<128x16xf32, #tpu.memory_space<vmem_shared>>)
    %dma_wait3A_315 = arith.constant 0 : i32
    %dma_wait3A_316 = arith.constant 0 : i32
    %dma_wait3A_317 = tpu.memref_slice %arg8[%dma_wait3A_315, %dma_wait3A_316] : memref<10112x16xf32, #tpu.memory_space<vmem_shared>> -> memref<128x16xf32, #tpu.memory_space<vmem_shared>>
    %dma_wait3A_318 = arith.constant 0 : i32
    %dma_wait3A_319 = arith.constant 0 : i32
    %dma_wait3A_320 = tpu.memref_slice %arg8[%dma_wait3A_318, %dma_wait3A_319] : memref<10112x16xf32, #tpu.memory_space<vmem_shared>> -> memref<128x16xf32, #tpu.memory_space<vmem_shared>>
    tpu.wait_dma2 semaphore(%arg9 : memref<!tpu.dma_semaphore, #tpu.memory_space<semaphore_mem>>) src(%arg7 : memref<128x16xf32, #tpu.memory_space<vmem>>) dst(%dma_wait3A_320 : memref<128x16xf32, #tpu.memory_space<vmem_shared>>)
    %dma_wait3A_321 = arith.constant 0 : i32
    %dma_wait3A_322 = arith.constant 0 : i32
    %dma_wait3A_323 = tpu.memref_slice %arg8[%dma_wait3A_321, %dma_wait3A_322] : memref<10112x16xf32, #tpu.memory_space<vmem_shared>> -> memref<128x16xf32, #tpu.memory_space<vmem_shared>>
    %dma_wait3A_324 = arith.constant 0 : i32
    %dma_wait3A_325 = arith.constant 0 : i32
    %dma_wait3A_326 = tpu.memref_slice %arg8[%dma_wait3A_324, %dma_wait3A_325] : memref<10112x16xf32, #tpu.memory_space<vmem_shared>> -> memref<128x16xf32, #tpu.memory_space<vmem_shared>>
    tpu.wait_dma2 semaphore(%arg9 : memref<!tpu.dma_semaphore, #tpu.memory_space<semaphore_mem>>) src(%arg7 : memref<128x16xf32, #tpu.memory_space<vmem>>) dst(%dma_wait3A_326 : memref<128x16xf32, #tpu.memory_space<vmem_shared>>)
    %dma_wait3A_327 = arith.constant 0 : i32
    %dma_wait3A_328 = arith.constant 0 : i32
    %dma_wait3A_329 = tpu.memref_slice %arg8[%dma_wait3A_327, %dma_wait3A_328] : memref<10112x16xf32, #tpu.memory_space<vmem_shared>> -> memref<128x16xf32, #tpu.memory_space<vmem_shared>>
    %dma_wait3A_330 = arith.constant 0 : i32
    %dma_wait3A_331 = arith.constant 0 : i32
    %dma_wait3A_332 = tpu.memref_slice %arg8[%dma_wait3A_330, %dma_wait3A_331] : memref<10112x16xf32, #tpu.memory_space<vmem_shared>> -> memref<128x16xf32, #tpu.memory_space<vmem_shared>>
    tpu.wait_dma2 semaphore(%arg9 : memref<!tpu.dma_semaphore, #tpu.memory_space<semaphore_mem>>) src(%arg7 : memref<128x16xf32, #tpu.memory_space<vmem>>) dst(%dma_wait3A_332 : memref<128x16xf32, #tpu.memory_space<vmem_shared>>)
    %dma_wait3A_333 = arith.constant 0 : i32
    %dma_wait3A_334 = arith.constant 0 : i32
    %dma_wait3A_335 = tpu.memref_slice %arg8[%dma_wait3A_333, %dma_wait3A_334] : memref<10112x16xf32, #tpu.memory_space<vmem_shared>> -> memref<128x16xf32, #tpu.memory_space<vmem_shared>>
    %dma_wait3A_336 = arith.constant 0 : i32
    %dma_wait3A_337 = arith.constant 0 : i32
    %dma_wait3A_338 = tpu.memref_slice %arg8[%dma_wait3A_336, %dma_wait3A_337] : memref<10112x16xf32, #tpu.memory_space<vmem_shared>> -> memref<128x16xf32, #tpu.memory_space<vmem_shared>>
    tpu.wait_dma2 semaphore(%arg9 : memref<!tpu.dma_semaphore, #tpu.memory_space<semaphore_mem>>) src(%arg7 : memref<128x16xf32, #tpu.memory_space<vmem>>) dst(%dma_wait3A_338 : memref<128x16xf32, #tpu.memory_space<vmem_shared>>)
    %dma_wait3A_339 = arith.constant 0 : i32
    %dma_wait3A_340 = arith.constant 0 : i32
    %dma_wait3A_341 = tpu.memref_slice %arg8[%dma_wait3A_339, %dma_wait3A_340] : memref<10112x16xf32, #tpu.memory_space<vmem_shared>> -> memref<128x16xf32, #tpu.memory_space<vmem_shared>>
    %dma_wait3A_342 = arith.constant 0 : i32
    %dma_wait3A_343 = arith.constant 0 : i32
    %dma_wait3A_344 = tpu.memref_slice %arg8[%dma_wait3A_342, %dma_wait3A_343] : memref<10112x16xf32, #tpu.memory_space<vmem_shared>> -> memref<128x16xf32, #tpu.memory_space<vmem_shared>>
    tpu.wait_dma2 semaphore(%arg9 : memref<!tpu.dma_semaphore, #tpu.memory_space<semaphore_mem>>) src(%arg7 : memref<128x16xf32, #tpu.memory_space<vmem>>) dst(%dma_wait3A_344 : memref<128x16xf32, #tpu.memory_space<vmem_shared>>)
    %dma_wait3A_345 = arith.constant 0 : i32
    %dma_wait3A_346 = arith.constant 0 : i32
    %dma_wait3A_347 = tpu.memref_slice %arg8[%dma_wait3A_345, %dma_wait3A_346] : memref<10112x16xf32, #tpu.memory_space<vmem_shared>> -> memref<128x16xf32, #tpu.memory_space<vmem_shared>>
    %dma_wait3A_348 = arith.constant 0 : i32
    %dma_wait3A_349 = arith.constant 0 : i32
    %dma_wait3A_350 = tpu.memref_slice %arg8[%dma_wait3A_348, %dma_wait3A_349] : memref<10112x16xf32, #tpu.memory_space<vmem_shared>> -> memref<128x16xf32, #tpu.memory_space<vmem_shared>>
    tpu.wait_dma2 semaphore(%arg9 : memref<!tpu.dma_semaphore, #tpu.memory_space<semaphore_mem>>) src(%arg7 : memref<128x16xf32, #tpu.memory_space<vmem>>) dst(%dma_wait3A_350 : memref<128x16xf32, #tpu.memory_space<vmem_shared>>)
    %dma_wait3A_351 = arith.constant 0 : i32
    %dma_wait3A_352 = arith.constant 0 : i32
    %dma_wait3A_353 = tpu.memref_slice %arg8[%dma_wait3A_351, %dma_wait3A_352] : memref<10112x16xf32, #tpu.memory_space<vmem_shared>> -> memref<128x16xf32, #tpu.memory_space<vmem_shared>>
    %dma_wait3A_354 = arith.constant 0 : i32
    %dma_wait3A_355 = arith.constant 0 : i32
    %dma_wait3A_356 = tpu.memref_slice %arg8[%dma_wait3A_354, %dma_wait3A_355] : memref<10112x16xf32, #tpu.memory_space<vmem_shared>> -> memref<128x16xf32, #tpu.memory_space<vmem_shared>>
    tpu.wait_dma2 semaphore(%arg9 : memref<!tpu.dma_semaphore, #tpu.memory_space<semaphore_mem>>) src(%arg7 : memref<128x16xf32, #tpu.memory_space<vmem>>) dst(%dma_wait3A_356 : memref<128x16xf32, #tpu.memory_space<vmem_shared>>)
    %dma_wait3A_357 = arith.constant 0 : i32
    %dma_wait3A_358 = arith.constant 0 : i32
    %dma_wait3A_359 = tpu.memref_slice %arg8[%dma_wait3A_357, %dma_wait3A_358] : memref<10112x16xf32, #tpu.memory_space<vmem_shared>> -> memref<128x16xf32, #tpu.memory_space<vmem_shared>>
    %dma_wait3A_360 = arith.constant 0 : i32
    %dma_wait3A_361 = arith.constant 0 : i32
    %dma_wait3A_362 = tpu.memref_slice %arg8[%dma_wait3A_360, %dma_wait3A_361] : memref<10112x16xf32, #tpu.memory_space<vmem_shared>> -> memref<128x16xf32, #tpu.memory_space<vmem_shared>>
    tpu.wait_dma2 semaphore(%arg9 : memref<!tpu.dma_semaphore, #tpu.memory_space<semaphore_mem>>) src(%arg7 : memref<128x16xf32, #tpu.memory_space<vmem>>) dst(%dma_wait3A_362 : memref<128x16xf32, #tpu.memory_space<vmem_shared>>)
    %dma_wait3A_363 = arith.constant 0 : i32
    %dma_wait3A_364 = arith.constant 0 : i32
    %dma_wait3A_365 = tpu.memref_slice %arg8[%dma_wait3A_363, %dma_wait3A_364] : memref<10112x16xf32, #tpu.memory_space<vmem_shared>> -> memref<128x16xf32, #tpu.memory_space<vmem_shared>>
    %dma_wait3A_366 = arith.constant 0 : i32
    %dma_wait3A_367 = arith.constant 0 : i32
    %dma_wait3A_368 = tpu.memref_slice %arg8[%dma_wait3A_366, %dma_wait3A_367] : memref<10112x16xf32, #tpu.memory_space<vmem_shared>> -> memref<128x16xf32, #tpu.memory_space<vmem_shared>>
    tpu.wait_dma2 semaphore(%arg9 : memref<!tpu.dma_semaphore, #tpu.memory_space<semaphore_mem>>) src(%arg7 : memref<128x16xf32, #tpu.memory_space<vmem>>) dst(%dma_wait3A_368 : memref<128x16xf32, #tpu.memory_space<vmem_shared>>)
    %dma_wait3A_369 = arith.constant 0 : i32
    %dma_wait3A_370 = arith.constant 0 : i32
    %dma_wait3A_371 = tpu.memref_slice %arg8[%dma_wait3A_369, %dma_wait3A_370] : memref<10112x16xf32, #tpu.memory_space<vmem_shared>> -> memref<128x16xf32, #tpu.memory_space<vmem_shared>>
    %dma_wait3A_372 = arith.constant 0 : i32
    %dma_wait3A_373 = arith.constant 0 : i32
    %dma_wait3A_374 = tpu.memref_slice %arg8[%dma_wait3A_372, %dma_wait3A_373] : memref<10112x16xf32, #tpu.memory_space<vmem_shared>> -> memref<128x16xf32, #tpu.memory_space<vmem_shared>>
    tpu.wait_dma2 semaphore(%arg9 : memref<!tpu.dma_semaphore, #tpu.memory_space<semaphore_mem>>) src(%arg7 : memref<128x16xf32, #tpu.memory_space<vmem>>) dst(%dma_wait3A_374 : memref<128x16xf32, #tpu.memory_space<vmem_shared>>)
    %dma_wait3A_375 = arith.constant 0 : i32
    %dma_wait3A_376 = arith.constant 0 : i32
    %dma_wait3A_377 = tpu.memref_slice %arg8[%dma_wait3A_375, %dma_wait3A_376] : memref<10112x16xf32, #tpu.memory_space<vmem_shared>> -> memref<128x16xf32, #tpu.memory_space<vmem_shared>>
    %dma_wait3A_378 = arith.constant 0 : i32
    %dma_wait3A_379 = arith.constant 0 : i32
    %dma_wait3A_380 = tpu.memref_slice %arg8[%dma_wait3A_378, %dma_wait3A_379] : memref<10112x16xf32, #tpu.memory_space<vmem_shared>> -> memref<128x16xf32, #tpu.memory_space<vmem_shared>>
    tpu.wait_dma2 semaphore(%arg9 : memref<!tpu.dma_semaphore, #tpu.memory_space<semaphore_mem>>) src(%arg7 : memref<128x16xf32, #tpu.memory_space<vmem>>) dst(%dma_wait3A_380 : memref<128x16xf32, #tpu.memory_space<vmem_shared>>)
    %dma_wait3A_381 = arith.constant 0 : i32
    %dma_wait3A_382 = arith.constant 0 : i32
    %dma_wait3A_383 = tpu.memref_slice %arg8[%dma_wait3A_381, %dma_wait3A_382] : memref<10112x16xf32, #tpu.memory_space<vmem_shared>> -> memref<128x16xf32, #tpu.memory_space<vmem_shared>>
    %dma_wait3A_384 = arith.constant 0 : i32
    %dma_wait3A_385 = arith.constant 0 : i32
    %dma_wait3A_386 = tpu.memref_slice %arg8[%dma_wait3A_384, %dma_wait3A_385] : memref<10112x16xf32, #tpu.memory_space<vmem_shared>> -> memref<128x16xf32, #tpu.memory_space<vmem_shared>>
    tpu.wait_dma2 semaphore(%arg9 : memref<!tpu.dma_semaphore, #tpu.memory_space<semaphore_mem>>) src(%arg7 : memref<128x16xf32, #tpu.memory_space<vmem>>) dst(%dma_wait3A_386 : memref<128x16xf32, #tpu.memory_space<vmem_shared>>)
    %dma_wait3A_387 = arith.constant 0 : i32
    %dma_wait3A_388 = arith.constant 0 : i32
    %dma_wait3A_389 = tpu.memref_slice %arg8[%dma_wait3A_387, %dma_wait3A_388] : memref<10112x16xf32, #tpu.memory_space<vmem_shared>> -> memref<128x16xf32, #tpu.memory_space<vmem_shared>>
    %dma_wait3A_390 = arith.constant 0 : i32
    %dma_wait3A_391 = arith.constant 0 : i32
    %dma_wait3A_392 = tpu.memref_slice %arg8[%dma_wait3A_390, %dma_wait3A_391] : memref<10112x16xf32, #tpu.memory_space<vmem_shared>> -> memref<128x16xf32, #tpu.memory_space<vmem_shared>>
    tpu.wait_dma2 semaphore(%arg9 : memref<!tpu.dma_semaphore, #tpu.memory_space<semaphore_mem>>) src(%arg7 : memref<128x16xf32, #tpu.memory_space<vmem>>) dst(%dma_wait3A_392 : memref<128x16xf32, #tpu.memory_space<vmem_shared>>)
    %dma_wait3A_393 = arith.constant 0 : i32
    %dma_wait3A_394 = arith.constant 0 : i32
    %dma_wait3A_395 = tpu.memref_slice %arg8[%dma_wait3A_393, %dma_wait3A_394] : memref<10112x16xf32, #tpu.memory_space<vmem_shared>> -> memref<128x16xf32, #tpu.memory_space<vmem_shared>>
    %dma_wait3A_396 = arith.constant 0 : i32
    %dma_wait3A_397 = arith.constant 0 : i32
    %dma_wait3A_398 = tpu.memref_slice %arg8[%dma_wait3A_396, %dma_wait3A_397] : memref<10112x16xf32, #tpu.memory_space<vmem_shared>> -> memref<128x16xf32, #tpu.memory_space<vmem_shared>>
    tpu.wait_dma2 semaphore(%arg9 : memref<!tpu.dma_semaphore, #tpu.memory_space<semaphore_mem>>) src(%arg7 : memref<128x16xf32, #tpu.memory_space<vmem>>) dst(%dma_wait3A_398 : memref<128x16xf32, #tpu.memory_space<vmem_shared>>)
    %dma_wait3A_399 = arith.constant 0 : i32
    %dma_wait3A_400 = arith.constant 0 : i32
    %dma_wait3A_401 = tpu.memref_slice %arg8[%dma_wait3A_399, %dma_wait3A_400] : memref<10112x16xf32, #tpu.memory_space<vmem_shared>> -> memref<128x16xf32, #tpu.memory_space<vmem_shared>>
    %dma_wait3A_402 = arith.constant 0 : i32
    %dma_wait3A_403 = arith.constant 0 : i32
    %dma_wait3A_404 = tpu.memref_slice %arg8[%dma_wait3A_402, %dma_wait3A_403] : memref<10112x16xf32, #tpu.memory_space<vmem_shared>> -> memref<128x16xf32, #tpu.memory_space<vmem_shared>>
    tpu.wait_dma2 semaphore(%arg9 : memref<!tpu.dma_semaphore, #tpu.memory_space<semaphore_mem>>) src(%arg7 : memref<128x16xf32, #tpu.memory_space<vmem>>) dst(%dma_wait3A_404 : memref<128x16xf32, #tpu.memory_space<vmem_shared>>)
    %dma_wait3A_405 = arith.constant 0 : i32
    %dma_wait3A_406 = arith.constant 0 : i32
    %dma_wait3A_407 = tpu.memref_slice %arg8[%dma_wait3A_405, %dma_wait3A_406] : memref<10112x16xf32, #tpu.memory_space<vmem_shared>> -> memref<128x16xf32, #tpu.memory_space<vmem_shared>>
    %dma_wait3A_408 = arith.constant 0 : i32
    %dma_wait3A_409 = arith.constant 0 : i32
    %dma_wait3A_410 = tpu.memref_slice %arg8[%dma_wait3A_408, %dma_wait3A_409] : memref<10112x16xf32, #tpu.memory_space<vmem_shared>> -> memref<128x16xf32, #tpu.memory_space<vmem_shared>>
    tpu.wait_dma2 semaphore(%arg9 : memref<!tpu.dma_semaphore, #tpu.memory_space<semaphore_mem>>) src(%arg7 : memref<128x16xf32, #tpu.memory_space<vmem>>) dst(%dma_wait3A_410 : memref<128x16xf32, #tpu.memory_space<vmem_shared>>)
    %dma_wait3A_411 = arith.constant 0 : i32
    %dma_wait3A_412 = arith.constant 0 : i32
    %dma_wait3A_413 = tpu.memref_slice %arg8[%dma_wait3A_411, %dma_wait3A_412] : memref<10112x16xf32, #tpu.memory_space<vmem_shared>> -> memref<128x16xf32, #tpu.memory_space<vmem_shared>>
    %dma_wait3A_414 = arith.constant 0 : i32
    %dma_wait3A_415 = arith.constant 0 : i32
    %dma_wait3A_416 = tpu.memref_slice %arg8[%dma_wait3A_414, %dma_wait3A_415] : memref<10112x16xf32, #tpu.memory_space<vmem_shared>> -> memref<128x16xf32, #tpu.memory_space<vmem_shared>>
    tpu.wait_dma2 semaphore(%arg9 : memref<!tpu.dma_semaphore, #tpu.memory_space<semaphore_mem>>) src(%arg7 : memref<128x16xf32, #tpu.memory_space<vmem>>) dst(%dma_wait3A_416 : memref<128x16xf32, #tpu.memory_space<vmem_shared>>)
    %dma_wait3A_417 = arith.constant 0 : i32
    %dma_wait3A_418 = arith.constant 0 : i32
    %dma_wait3A_419 = tpu.memref_slice %arg8[%dma_wait3A_417, %dma_wait3A_418] : memref<10112x16xf32, #tpu.memory_space<vmem_shared>> -> memref<128x16xf32, #tpu.memory_space<vmem_shared>>
    %dma_wait3A_420 = arith.constant 0 : i32
    %dma_wait3A_421 = arith.constant 0 : i32
    %dma_wait3A_422 = tpu.memref_slice %arg8[%dma_wait3A_420, %dma_wait3A_421] : memref<10112x16xf32, #tpu.memory_space<vmem_shared>> -> memref<128x16xf32, #tpu.memory_space<vmem_shared>>
    tpu.wait_dma2 semaphore(%arg9 : memref<!tpu.dma_semaphore, #tpu.memory_space<semaphore_mem>>) src(%arg7 : memref<128x16xf32, #tpu.memory_space<vmem>>) dst(%dma_wait3A_422 : memref<128x16xf32, #tpu.memory_space<vmem_shared>>)
    %dma_wait3A_423 = arith.constant 0 : i32
    %dma_wait3A_424 = arith.constant 0 : i32
    %dma_wait3A_425 = tpu.memref_slice %arg8[%dma_wait3A_423, %dma_wait3A_424] : memref<10112x16xf32, #tpu.memory_space<vmem_shared>> -> memref<128x16xf32, #tpu.memory_space<vmem_shared>>
    %dma_wait3A_426 = arith.constant 0 : i32
    %dma_wait3A_427 = arith.constant 0 : i32
    %dma_wait3A_428 = tpu.memref_slice %arg8[%dma_wait3A_426, %dma_wait3A_427] : memref<10112x16xf32, #tpu.memory_space<vmem_shared>> -> memref<128x16xf32, #tpu.memory_space<vmem_shared>>
    tpu.wait_dma2 semaphore(%arg9 : memref<!tpu.dma_semaphore, #tpu.memory_space<semaphore_mem>>) src(%arg7 : memref<128x16xf32, #tpu.memory_space<vmem>>) dst(%dma_wait3A_428 : memref<128x16xf32, #tpu.memory_space<vmem_shared>>)
    %dma_wait3A_429 = arith.constant 0 : i32
    %dma_wait3A_430 = arith.constant 0 : i32
    %dma_wait3A_431 = tpu.memref_slice %arg8[%dma_wait3A_429, %dma_wait3A_430] : memref<10112x16xf32, #tpu.memory_space<vmem_shared>> -> memref<128x16xf32, #tpu.memory_space<vmem_shared>>
    %dma_wait3A_432 = arith.constant 0 : i32
    %dma_wait3A_433 = arith.constant 0 : i32
    %dma_wait3A_434 = tpu.memref_slice %arg8[%dma_wait3A_432, %dma_wait3A_433] : memref<10112x16xf32, #tpu.memory_space<vmem_shared>> -> memref<128x16xf32, #tpu.memory_space<vmem_shared>>
    tpu.wait_dma2 semaphore(%arg9 : memref<!tpu.dma_semaphore, #tpu.memory_space<semaphore_mem>>) src(%arg7 : memref<128x16xf32, #tpu.memory_space<vmem>>) dst(%dma_wait3A_434 : memref<128x16xf32, #tpu.memory_space<vmem_shared>>)
    %dma_wait3A_435 = arith.constant 0 : i32
    %dma_wait3A_436 = arith.constant 0 : i32
    %dma_wait3A_437 = tpu.memref_slice %arg8[%dma_wait3A_435, %dma_wait3A_436] : memref<10112x16xf32, #tpu.memory_space<vmem_shared>> -> memref<128x16xf32, #tpu.memory_space<vmem_shared>>
    %dma_wait3A_438 = arith.constant 0 : i32
    %dma_wait3A_439 = arith.constant 0 : i32
    %dma_wait3A_440 = tpu.memref_slice %arg8[%dma_wait3A_438, %dma_wait3A_439] : memref<10112x16xf32, #tpu.memory_space<vmem_shared>> -> memref<128x16xf32, #tpu.memory_space<vmem_shared>>
    tpu.wait_dma2 semaphore(%arg9 : memref<!tpu.dma_semaphore, #tpu.memory_space<semaphore_mem>>) src(%arg7 : memref<128x16xf32, #tpu.memory_space<vmem>>) dst(%dma_wait3A_440 : memref<128x16xf32, #tpu.memory_space<vmem_shared>>)
    %dma_wait3A_441 = arith.constant 0 : i32
    %dma_wait3A_442 = arith.constant 0 : i32
    %dma_wait3A_443 = tpu.memref_slice %arg8[%dma_wait3A_441, %dma_wait3A_442] : memref<10112x16xf32, #tpu.memory_space<vmem_shared>> -> memref<128x16xf32, #tpu.memory_space<vmem_shared>>
    %dma_wait3A_444 = arith.constant 0 : i32
    %dma_wait3A_445 = arith.constant 0 : i32
    %dma_wait3A_446 = tpu.memref_slice %arg8[%dma_wait3A_444, %dma_wait3A_445] : memref<10112x16xf32, #tpu.memory_space<vmem_shared>> -> memref<128x16xf32, #tpu.memory_space<vmem_shared>>
    tpu.wait_dma2 semaphore(%arg9 : memref<!tpu.dma_semaphore, #tpu.memory_space<semaphore_mem>>) src(%arg7 : memref<128x16xf32, #tpu.memory_space<vmem>>) dst(%dma_wait3A_446 : memref<128x16xf32, #tpu.memory_space<vmem_shared>>)
    %dma_wait3A_447 = arith.constant 0 : i32
    %dma_wait3A_448 = arith.constant 0 : i32
    %dma_wait3A_449 = tpu.memref_slice %arg8[%dma_wait3A_447, %dma_wait3A_448] : memref<10112x16xf32, #tpu.memory_space<vmem_shared>> -> memref<128x16xf32, #tpu.memory_space<vmem_shared>>
    %dma_wait3A_450 = arith.constant 0 : i32
    %dma_wait3A_451 = arith.constant 0 : i32
    %dma_wait3A_452 = tpu.memref_slice %arg8[%dma_wait3A_450, %dma_wait3A_451] : memref<10112x16xf32, #tpu.memory_space<vmem_shared>> -> memref<128x16xf32, #tpu.memory_space<vmem_shared>>
    tpu.wait_dma2 semaphore(%arg9 : memref<!tpu.dma_semaphore, #tpu.memory_space<semaphore_mem>>) src(%arg7 : memref<128x16xf32, #tpu.memory_space<vmem>>) dst(%dma_wait3A_452 : memref<128x16xf32, #tpu.memory_space<vmem_shared>>)
    %dma_wait3A_453 = arith.constant 0 : i32
    %dma_wait3A_454 = arith.constant 0 : i32
    %dma_wait3A_455 = tpu.memref_slice %arg8[%dma_wait3A_453, %dma_wait3A_454] : memref<10112x16xf32, #tpu.memory_space<vmem_shared>> -> memref<128x16xf32, #tpu.memory_space<vmem_shared>>
    %dma_wait3A_456 = arith.constant 0 : i32
    %dma_wait3A_457 = arith.constant 0 : i32
    %dma_wait3A_458 = tpu.memref_slice %arg8[%dma_wait3A_456, %dma_wait3A_457] : memref<10112x16xf32, #tpu.memory_space<vmem_shared>> -> memref<128x16xf32, #tpu.memory_space<vmem_shared>>
    tpu.wait_dma2 semaphore(%arg9 : memref<!tpu.dma_semaphore, #tpu.memory_space<semaphore_mem>>) src(%arg7 : memref<128x16xf32, #tpu.memory_space<vmem>>) dst(%dma_wait3A_458 : memref<128x16xf32, #tpu.memory_space<vmem_shared>>)
    %dma_wait3A_459 = arith.constant 0 : i32
    %dma_wait3A_460 = arith.constant 0 : i32
    %dma_wait3A_461 = tpu.memref_slice %arg8[%dma_wait3A_459, %dma_wait3A_460] : memref<10112x16xf32, #tpu.memory_space<vmem_shared>> -> memref<128x16xf32, #tpu.memory_space<vmem_shared>>
    %dma_wait3A_462 = arith.constant 0 : i32
    %dma_wait3A_463 = arith.constant 0 : i32
    %dma_wait3A_464 = tpu.memref_slice %arg8[%dma_wait3A_462, %dma_wait3A_463] : memref<10112x16xf32, #tpu.memory_space<vmem_shared>> -> memref<128x16xf32, #tpu.memory_space<vmem_shared>>
    tpu.wait_dma2 semaphore(%arg9 : memref<!tpu.dma_semaphore, #tpu.memory_space<semaphore_mem>>) src(%arg7 : memref<128x16xf32, #tpu.memory_space<vmem>>) dst(%dma_wait3A_464 : memref<128x16xf32, #tpu.memory_space<vmem_shared>>)
    %dma_wait3A_465 = arith.constant 0 : i32
    %dma_wait3A_466 = arith.constant 0 : i32
    %dma_wait3A_467 = tpu.memref_slice %arg8[%dma_wait3A_465, %dma_wait3A_466] : memref<10112x16xf32, #tpu.memory_space<vmem_shared>> -> memref<128x16xf32, #tpu.memory_space<vmem_shared>>
    %dma_wait3A_468 = arith.constant 0 : i32
    %dma_wait3A_469 = arith.constant 0 : i32
    %dma_wait3A_470 = tpu.memref_slice %arg8[%dma_wait3A_468, %dma_wait3A_469] : memref<10112x16xf32, #tpu.memory_space<vmem_shared>> -> memref<128x16xf32, #tpu.memory_space<vmem_shared>>
    tpu.wait_dma2 semaphore(%arg9 : memref<!tpu.dma_semaphore, #tpu.memory_space<semaphore_mem>>) src(%arg7 : memref<128x16xf32, #tpu.memory_space<vmem>>) dst(%dma_wait3A_470 : memref<128x16xf32, #tpu.memory_space<vmem_shared>>)
    %dma_wait3A_471 = arith.constant 0 : i32
    %dma_wait3A_472 = arith.constant 0 : i32
    %dma_wait3A_473 = tpu.memref_slice %arg8[%dma_wait3A_471, %dma_wait3A_472] : memref<10112x16xf32, #tpu.memory_space<vmem_shared>> -> memref<128x16xf32, #tpu.memory_space<vmem_shared>>
    %dma_wait3A_474 = arith.constant 0 : i32
    %dma_wait3A_475 = arith.constant 0 : i32
    %dma_wait3A_476 = tpu.memref_slice %arg8[%dma_wait3A_474, %dma_wait3A_475] : memref<10112x16xf32, #tpu.memory_space<vmem_shared>> -> memref<128x16xf32, #tpu.memory_space<vmem_shared>>
    tpu.wait_dma2 semaphore(%arg9 : memref<!tpu.dma_semaphore, #tpu.memory_space<semaphore_mem>>) src(%arg7 : memref<128x16xf32, #tpu.memory_space<vmem>>) dst(%dma_wait3A_476 : memref<128x16xf32, #tpu.memory_space<vmem_shared>>)
    %dma_wait3A_477 = arith.constant 0 : i32
    %dma_wait3A_478 = arith.constant 0 : i32
    %dma_wait3A_479 = tpu.memref_slice %arg8[%dma_wait3A_477, %dma_wait3A_478] : memref<10112x16xf32, #tpu.memory_space<vmem_shared>> -> memref<128x16xf32, #tpu.memory_space<vmem_shared>>
    %dma_wait3A_480 = arith.constant 0 : i32
    %dma_wait3A_481 = arith.constant 0 : i32
    %dma_wait3A_482 = tpu.memref_slice %arg8[%dma_wait3A_480, %dma_wait3A_481] : memref<10112x16xf32, #tpu.memory_space<vmem_shared>> -> memref<128x16xf32, #tpu.memory_space<vmem_shared>>
    tpu.wait_dma2 semaphore(%arg9 : memref<!tpu.dma_semaphore, #tpu.memory_space<semaphore_mem>>) src(%arg7 : memref<128x16xf32, #tpu.memory_space<vmem>>) dst(%dma_wait3A_482 : memref<128x16xf32, #tpu.memory_space<vmem_shared>>)
    %dma_wait3A_483 = arith.constant 0 : i32
    %dma_wait3A_484 = arith.constant 0 : i32
    %dma_wait3A_485 = tpu.memref_slice %arg8[%dma_wait3A_483, %dma_wait3A_484] : memref<10112x16xf32, #tpu.memory_space<vmem_shared>> -> memref<128x16xf32, #tpu.memory_space<vmem_shared>>
    %dma_wait3A_486 = arith.constant 0 : i32
    %dma_wait3A_487 = arith.constant 0 : i32
    %dma_wait3A_488 = tpu.memref_slice %arg8[%dma_wait3A_486, %dma_wait3A_487] : memref<10112x16xf32, #tpu.memory_space<vmem_shared>> -> memref<128x16xf32, #tpu.memory_space<vmem_shared>>
    tpu.wait_dma2 semaphore(%arg9 : memref<!tpu.dma_semaphore, #tpu.memory_space<semaphore_mem>>) src(%arg7 : memref<128x16xf32, #tpu.memory_space<vmem>>) dst(%dma_wait3A_488 : memref<128x16xf32, #tpu.memory_space<vmem_shared>>)
    %dma_wait3A_489 = arith.constant 0 : i32
    %dma_wait3A_490 = arith.constant 0 : i32
    %dma_wait3A_491 = tpu.memref_slice %arg8[%dma_wait3A_489, %dma_wait3A_490] : memref<10112x16xf32, #tpu.memory_space<vmem_shared>> -> memref<128x16xf32, #tpu.memory_space<vmem_shared>>
    %dma_wait3A_492 = arith.constant 0 : i32
    %dma_wait3A_493 = arith.constant 0 : i32
    %dma_wait3A_494 = tpu.memref_slice %arg8[%dma_wait3A_492, %dma_wait3A_493] : memref<10112x16xf32, #tpu.memory_space<vmem_shared>> -> memref<128x16xf32, #tpu.memory_space<vmem_shared>>
    tpu.wait_dma2 semaphore(%arg9 : memref<!tpu.dma_semaphore, #tpu.memory_space<semaphore_mem>>) src(%arg7 : memref<128x16xf32, #tpu.memory_space<vmem>>) dst(%dma_wait3A_494 : memref<128x16xf32, #tpu.memory_space<vmem_shared>>)
    %dma_wait3A_495 = arith.constant 0 : i32
    %dma_wait3A_496 = arith.constant 0 : i32
    %dma_wait3A_497 = tpu.memref_slice %arg8[%dma_wait3A_495, %dma_wait3A_496] : memref<10112x16xf32, #tpu.memory_space<vmem_shared>> -> memref<128x16xf32, #tpu.memory_space<vmem_shared>>
    %dma_wait3A_498 = arith.constant 0 : i32
    %dma_wait3A_499 = arith.constant 0 : i32
    %dma_wait3A_500 = tpu.memref_slice %arg8[%dma_wait3A_498, %dma_wait3A_499] : memref<10112x16xf32, #tpu.memory_space<vmem_shared>> -> memref<128x16xf32, #tpu.memory_space<vmem_shared>>
    tpu.wait_dma2 semaphore(%arg9 : memref<!tpu.dma_semaphore, #tpu.memory_space<semaphore_mem>>) src(%arg7 : memref<128x16xf32, #tpu.memory_space<vmem>>) dst(%dma_wait3A_500 : memref<128x16xf32, #tpu.memory_space<vmem_shared>>)
    %dma_wait3A_501 = arith.constant 0 : i32
    %dma_wait3A_502 = arith.constant 0 : i32
    %dma_wait3A_503 = tpu.memref_slice %arg8[%dma_wait3A_501, %dma_wait3A_502] : memref<10112x16xf32, #tpu.memory_space<vmem_shared>> -> memref<128x16xf32, #tpu.memory_space<vmem_shared>>
    %dma_wait3A_504 = arith.constant 0 : i32
    %dma_wait3A_505 = arith.constant 0 : i32
    %dma_wait3A_506 = tpu.memref_slice %arg8[%dma_wait3A_504, %dma_wait3A_505] : memref<10112x16xf32, #tpu.memory_space<vmem_shared>> -> memref<128x16xf32, #tpu.memory_space<vmem_shared>>
    tpu.wait_dma2 semaphore(%arg9 : memref<!tpu.dma_semaphore, #tpu.memory_space<semaphore_mem>>) src(%arg7 : memref<128x16xf32, #tpu.memory_space<vmem>>) dst(%dma_wait3A_506 : memref<128x16xf32, #tpu.memory_space<vmem_shared>>)
    %dma_wait3A_507 = arith.constant 0 : i32
    %dma_wait3A_508 = arith.constant 0 : i32
    %dma_wait3A_509 = tpu.memref_slice %arg8[%dma_wait3A_507, %dma_wait3A_508] : memref<10112x16xf32, #tpu.memory_space<vmem_shared>> -> memref<128x16xf32, #tpu.memory_space<vmem_shared>>
    %dma_wait3A_510 = arith.constant 0 : i32
    %dma_wait3A_511 = arith.constant 0 : i32
    %dma_wait3A_512 = tpu.memref_slice %arg8[%dma_wait3A_510, %dma_wait3A_511] : memref<10112x16xf32, #tpu.memory_space<vmem_shared>> -> memref<128x16xf32, #tpu.memory_space<vmem_shared>>
    tpu.wait_dma2 semaphore(%arg9 : memref<!tpu.dma_semaphore, #tpu.memory_space<semaphore_mem>>) src(%arg7 : memref<128x16xf32, #tpu.memory_space<vmem>>) dst(%dma_wait3A_512 : memref<128x16xf32, #tpu.memory_space<vmem_shared>>)
    %dma_wait3A_513 = arith.constant 0 : i32
    %dma_wait3A_514 = arith.constant 0 : i32
    %dma_wait3A_515 = tpu.memref_slice %arg8[%dma_wait3A_513, %dma_wait3A_514] : memref<10112x16xf32, #tpu.memory_space<vmem_shared>> -> memref<128x16xf32, #tpu.memory_space<vmem_shared>>
    %dma_wait3A_516 = arith.constant 0 : i32
    %dma_wait3A_517 = arith.constant 0 : i32
    %dma_wait3A_518 = tpu.memref_slice %arg8[%dma_wait3A_516, %dma_wait3A_517] : memref<10112x16xf32, #tpu.memory_space<vmem_shared>> -> memref<128x16xf32, #tpu.memory_space<vmem_shared>>
    tpu.wait_dma2 semaphore(%arg9 : memref<!tpu.dma_semaphore, #tpu.memory_space<semaphore_mem>>) src(%arg7 : memref<128x16xf32, #tpu.memory_space<vmem>>) dst(%dma_wait3A_518 : memref<128x16xf32, #tpu.memory_space<vmem_shared>>)
    %dma_wait3A_519 = arith.constant 0 : i32
    %dma_wait3A_520 = arith.constant 0 : i32
    %dma_wait3A_521 = tpu.memref_slice %arg8[%dma_wait3A_519, %dma_wait3A_520] : memref<10112x16xf32, #tpu.memory_space<vmem_shared>> -> memref<128x16xf32, #tpu.memory_space<vmem_shared>>
    %dma_wait3A_522 = arith.constant 0 : i32
    %dma_wait3A_523 = arith.constant 0 : i32
    %dma_wait3A_524 = tpu.memref_slice %arg8[%dma_wait3A_522, %dma_wait3A_523] : memref<10112x16xf32, #tpu.memory_space<vmem_shared>> -> memref<128x16xf32, #tpu.memory_space<vmem_shared>>
    tpu.wait_dma2 semaphore(%arg9 : memref<!tpu.dma_semaphore, #tpu.memory_space<semaphore_mem>>) src(%arg7 : memref<128x16xf32, #tpu.memory_space<vmem>>) dst(%dma_wait3A_524 : memref<128x16xf32, #tpu.memory_space<vmem_shared>>)
    %dma_wait3A_525 = arith.constant 0 : i32
    %dma_wait3A_526 = arith.constant 0 : i32
    %dma_wait3A_527 = tpu.memref_slice %arg8[%dma_wait3A_525, %dma_wait3A_526] : memref<10112x16xf32, #tpu.memory_space<vmem_shared>> -> memref<128x16xf32, #tpu.memory_space<vmem_shared>>
    %dma_wait3A_528 = arith.constant 0 : i32
    %dma_wait3A_529 = arith.constant 0 : i32
    %dma_wait3A_530 = tpu.memref_slice %arg8[%dma_wait3A_528, %dma_wait3A_529] : memref<10112x16xf32, #tpu.memory_space<vmem_shared>> -> memref<128x16xf32, #tpu.memory_space<vmem_shared>>
    tpu.wait_dma2 semaphore(%arg9 : memref<!tpu.dma_semaphore, #tpu.memory_space<semaphore_mem>>) src(%arg7 : memref<128x16xf32, #tpu.memory_space<vmem>>) dst(%dma_wait3A_530 : memref<128x16xf32, #tpu.memory_space<vmem_shared>>)
    %barrier3A_531 = arith.constant 0 : index
    tpu.barrier barrier_id(%barrier3A_531)
    %mul3A_532 = arith.constant 632 : i32
    %mul3A_533 = arith.muli %arg1, %mul3A_532 : i32
    %mul3A_534 = arith.constant 632 : i32
    %mul3A_535 = arith.muli %arg1, %mul3A_534 : i32
    "tpu.region"() ({
      %run_scoped3A = tpu.sem_alloc : memref<!tpu.dma_semaphore, #tpu.memory_space<semaphore_mem>>
      %dma_start3A_536 = arith.constant 0 : i32
      %dma_start3A_537 = tpu.memref_slice %arg5[%arg0, %mul3A_535, %dma_start3A_536] : memref<2x10112x16xf32, #tpu.memory_space<hbm>> -> memref<1x632x16xf32, #tpu.memory_space<hbm>>
      %dma_start3A_538 = tpu.memref_squeeze %dma_start3A_537 : memref<1x632x16xf32, #tpu.memory_space<hbm>> -> memref<632x16xf32, #tpu.memory_space<hbm>>
      %dma_start3A_539 = arith.constant 0 : i32
      %dma_start3A_540 = tpu.memref_slice %arg8[%mul3A_533, %dma_start3A_539] : memref<10112x16xf32, #tpu.memory_space<vmem_shared>> -> memref<632x16xf32, #tpu.memory_space<vmem_shared>>
      tpu.enqueue_dma source(%dma_start3A_540 : memref<632x16xf32, #tpu.memory_space<vmem_shared>>) target(%dma_start3A_538 : memref<632x16xf32, #tpu.memory_space<hbm>>) target_semaphore(%run_scoped3A : memref<!tpu.dma_semaphore, #tpu.memory_space<semaphore_mem>>)
      %dma_wait3A_541 = arith.constant 0 : i32
      %dma_wait3A_542 = tpu.memref_slice %arg5[%arg0, %mul3A_535, %dma_wait3A_541] : memref<2x10112x16xf32, #tpu.memory_space<hbm>> -> memref<1x632x16xf32, #tpu.memory_space<hbm>>
      %dma_wait3A_543 = tpu.memref_squeeze %dma_wait3A_542 : memref<1x632x16xf32, #tpu.memory_space<hbm>> -> memref<632x16xf32, #tpu.memory_space<hbm>>
      %dma_wait3A_544 = arith.constant 0 : i32
      %dma_wait3A_545 = tpu.memref_slice %arg8[%mul3A_533, %dma_wait3A_544] : memref<10112x16xf32, #tpu.memory_space<vmem_shared>> -> memref<632x16xf32, #tpu.memory_space<vmem_shared>>
      tpu.wait_dma2 semaphore(%run_scoped3A : memref<!tpu.dma_semaphore, #tpu.memory_space<semaphore_mem>>) src(%dma_wait3A_545 : memref<632x16xf32, #tpu.memory_space<vmem_shared>>) dst(%dma_wait3A_543 : memref<632x16xf32, #tpu.memory_space<hbm>>)
      tpu.yield
    }) : () -> ()
    return
  }
}

#map = affine_map<(d0, d1) -> (0, 0, 0)>
#map1 = affine_map<(d0, d1) -> (0, 0)>
#map2 = affine_map<(d0, d1) -> (0, 0, 0, 0)>
module attributes {stable_mosaic.version = 14 : i64} {
  func.func @_sc_aggregate(%arg0: i32, %arg1: i32, %arg2: memref<32x40x128xi32, #tpu.memory_space<hbm>>, %arg3: memref<32x40x128xi32, #tpu.memory_space<hbm>>, %arg4: memref<10000x32xf32, #tpu.memory_space<hbm>>, %arg5: memref<10000x32xf32, #tpu.memory_space<hbm>>, %arg6: memref<128x32xf32, #tpu.memory_space<hbm>>, %arg7: memref<2x2x10112x32xf32, #tpu.memory_space<hbm>>, %arg8: memref<40x128xi32, #tpu.memory_space<vmem>>, %arg9: memref<40x128xi32, #tpu.memory_space<vmem>>, %arg10: memref<10x128x32xf32, #tpu.memory_space<vmem>>, %arg11: memref<10112x32xf32, #tpu.memory_space<vmem_shared>>, %arg12: memref<10112x32xf32, #tpu.memory_space<vmem_shared>>, %arg13: memref<!tpu.dma_semaphore, #tpu.memory_space<semaphore_mem>>, %arg14: memref<!tpu.dma_semaphore, #tpu.memory_space<semaphore_mem>>, %arg15: memref<!tpu.dma_semaphore, #tpu.memory_space<semaphore_mem>>, %arg16: memref<!tpu.dma_semaphore, #tpu.memory_space<semaphore_mem>>, %arg17: memref<!tpu.dma_semaphore, #tpu.memory_space<semaphore_mem>>, %arg18: memref<!tpu.dma_semaphore, #tpu.memory_space<semaphore_mem>>, %arg19: memref<!tpu.dma_semaphore, #tpu.memory_space<semaphore_mem>>, %arg20: memref<!tpu.dma_semaphore, #tpu.memory_space<semaphore_mem>>, %arg21: memref<!tpu.dma_semaphore, #tpu.memory_space<semaphore_mem>>, %arg22: memref<!tpu.dma_semaphore, #tpu.memory_space<semaphore_mem>>, %arg23: memref<!tpu.dma_semaphore, #tpu.memory_space<semaphore_mem>>, %arg24: memref<!tpu.dma_semaphore, #tpu.memory_space<semaphore_mem>>, %arg25: memref<!tpu.dma_semaphore, #tpu.memory_space<semaphore_mem>>, %arg26: memref<!tpu.dma_semaphore, #tpu.memory_space<semaphore_mem>>, %arg27: memref<!tpu.dma_semaphore, #tpu.memory_space<semaphore_mem>>, %arg28: memref<!tpu.dma_semaphore, #tpu.memory_space<semaphore_mem>>, %arg29: memref<!tpu.dma_semaphore, #tpu.memory_space<semaphore_mem>>, %arg30: memref<!tpu.dma_semaphore, #tpu.memory_space<semaphore_mem>>, %arg31: memref<!tpu.dma_semaphore, #tpu.memory_space<semaphore_mem>>, %arg32: memref<!tpu.dma_semaphore, #tpu.memory_space<semaphore_mem>>) attributes {dimension_semantics = [#tpu.dimension_semantics<core_parallel>, #tpu.dimension_semantics<subcore_parallel>], iteration_bounds = array<i64: 2, 16>, scalar_prefetch = 0 : i64, scratch_operands = 25 : i64, tpu.core_type = #tpu.core_type<sc_vector_subcore>, window_params = [{transform_indices = #map}, {transform_indices = #map}, {transform_indices = #map1}, {transform_indices = #map1}, {transform_indices = #map1}, {transform_indices = #map2}]} {
    %mul3A = arith.constant 2 : i32
    %mul3A_0 = arith.muli %arg1, %mul3A : i32
    %add3A = arith.addi %mul3A_0, %arg0 : i32
    "tpu.region"() ({
      %run_scoped3A_303 = tpu.sem_alloc : memref<!tpu.dma_semaphore, #tpu.memory_space<semaphore_mem>>
      %dma_start3A_304 = arith.constant 0 : i32
      %dma_start3A_305 = arith.constant 0 : i32
      %dma_start3A_306 = tpu.memref_slice %arg2[%add3A, %dma_start3A_304, %dma_start3A_305] : memref<32x40x128xi32, #tpu.memory_space<hbm>> -> memref<1x40x128xi32, #tpu.memory_space<hbm>>
      %dma_start3A_307 = tpu.memref_squeeze %dma_start3A_306 : memref<1x40x128xi32, #tpu.memory_space<hbm>> -> memref<40x128xi32, #tpu.memory_space<hbm>>
      %dma_start3A_308 = arith.constant 0 : i32
      %dma_start3A_309 = arith.constant 0 : i32
      %dma_start3A_310 = tpu.memref_slice %arg2[%add3A, %dma_start3A_308, %dma_start3A_309] : memref<32x40x128xi32, #tpu.memory_space<hbm>> -> memref<1x40x128xi32, #tpu.memory_space<hbm>>
      %dma_start3A_311 = tpu.memref_squeeze %dma_start3A_310 : memref<1x40x128xi32, #tpu.memory_space<hbm>> -> memref<40x128xi32, #tpu.memory_space<hbm>>
      tpu.enqueue_dma source(%dma_start3A_311 : memref<40x128xi32, #tpu.memory_space<hbm>>) target(%arg8 : memref<40x128xi32, #tpu.memory_space<vmem>>) target_semaphore(%run_scoped3A_303 : memref<!tpu.dma_semaphore, #tpu.memory_space<semaphore_mem>>)
      %dma_wait3A = arith.constant 0 : i32
      %dma_wait3A_312 = arith.constant 0 : i32
      %dma_wait3A_313 = tpu.memref_slice %arg2[%add3A, %dma_wait3A, %dma_wait3A_312] : memref<32x40x128xi32, #tpu.memory_space<hbm>> -> memref<1x40x128xi32, #tpu.memory_space<hbm>>
      %dma_wait3A_314 = tpu.memref_squeeze %dma_wait3A_313 : memref<1x40x128xi32, #tpu.memory_space<hbm>> -> memref<40x128xi32, #tpu.memory_space<hbm>>
      %dma_wait3A_315 = arith.constant 0 : i32
      %dma_wait3A_316 = arith.constant 0 : i32
      %dma_wait3A_317 = tpu.memref_slice %arg2[%add3A, %dma_wait3A_315, %dma_wait3A_316] : memref<32x40x128xi32, #tpu.memory_space<hbm>> -> memref<1x40x128xi32, #tpu.memory_space<hbm>>
      %dma_wait3A_318 = tpu.memref_squeeze %dma_wait3A_317 : memref<1x40x128xi32, #tpu.memory_space<hbm>> -> memref<40x128xi32, #tpu.memory_space<hbm>>
      tpu.wait_dma2 semaphore(%run_scoped3A_303 : memref<!tpu.dma_semaphore, #tpu.memory_space<semaphore_mem>>) src(%dma_wait3A_318 : memref<40x128xi32, #tpu.memory_space<hbm>>) dst(%arg8 : memref<40x128xi32, #tpu.memory_space<vmem>>)
      tpu.yield
    }) : () -> ()
    "tpu.region"() ({
      %run_scoped3A_303 = tpu.sem_alloc : memref<!tpu.dma_semaphore, #tpu.memory_space<semaphore_mem>>
      %dma_start3A_304 = arith.constant 0 : i32
      %dma_start3A_305 = arith.constant 0 : i32
      %dma_start3A_306 = tpu.memref_slice %arg3[%add3A, %dma_start3A_304, %dma_start3A_305] : memref<32x40x128xi32, #tpu.memory_space<hbm>> -> memref<1x40x128xi32, #tpu.memory_space<hbm>>
      %dma_start3A_307 = tpu.memref_squeeze %dma_start3A_306 : memref<1x40x128xi32, #tpu.memory_space<hbm>> -> memref<40x128xi32, #tpu.memory_space<hbm>>
      %dma_start3A_308 = arith.constant 0 : i32
      %dma_start3A_309 = arith.constant 0 : i32
      %dma_start3A_310 = tpu.memref_slice %arg3[%add3A, %dma_start3A_308, %dma_start3A_309] : memref<32x40x128xi32, #tpu.memory_space<hbm>> -> memref<1x40x128xi32, #tpu.memory_space<hbm>>
      %dma_start3A_311 = tpu.memref_squeeze %dma_start3A_310 : memref<1x40x128xi32, #tpu.memory_space<hbm>> -> memref<40x128xi32, #tpu.memory_space<hbm>>
      tpu.enqueue_dma source(%dma_start3A_311 : memref<40x128xi32, #tpu.memory_space<hbm>>) target(%arg9 : memref<40x128xi32, #tpu.memory_space<vmem>>) target_semaphore(%run_scoped3A_303 : memref<!tpu.dma_semaphore, #tpu.memory_space<semaphore_mem>>)
      %dma_wait3A = arith.constant 0 : i32
      %dma_wait3A_312 = arith.constant 0 : i32
      %dma_wait3A_313 = tpu.memref_slice %arg3[%add3A, %dma_wait3A, %dma_wait3A_312] : memref<32x40x128xi32, #tpu.memory_space<hbm>> -> memref<1x40x128xi32, #tpu.memory_space<hbm>>
      %dma_wait3A_314 = tpu.memref_squeeze %dma_wait3A_313 : memref<1x40x128xi32, #tpu.memory_space<hbm>> -> memref<40x128xi32, #tpu.memory_space<hbm>>
      %dma_wait3A_315 = arith.constant 0 : i32
      %dma_wait3A_316 = arith.constant 0 : i32
      %dma_wait3A_317 = tpu.memref_slice %arg3[%add3A, %dma_wait3A_315, %dma_wait3A_316] : memref<32x40x128xi32, #tpu.memory_space<hbm>> -> memref<1x40x128xi32, #tpu.memory_space<hbm>>
      %dma_wait3A_318 = tpu.memref_squeeze %dma_wait3A_317 : memref<1x40x128xi32, #tpu.memory_space<hbm>> -> memref<40x128xi32, #tpu.memory_space<hbm>>
      tpu.wait_dma2 semaphore(%run_scoped3A_303 : memref<!tpu.dma_semaphore, #tpu.memory_space<semaphore_mem>>) src(%dma_wait3A_318 : memref<40x128xi32, #tpu.memory_space<hbm>>) dst(%arg9 : memref<40x128xi32, #tpu.memory_space<vmem>>)
      tpu.yield
    }) : () -> ()
    %mul3A_1 = arith.constant 632 : i32
    %mul3A_2 = arith.muli %arg1, %mul3A_1 : i32
    %add3A_3 = arith.constant 0 : i32
    %add3A_4 = arith.addi %mul3A_2, %add3A_3 : i32
    "tpu.region"() ({
      %run_scoped3A_303 = tpu.sem_alloc : memref<!tpu.dma_semaphore, #tpu.memory_space<semaphore_mem>>
      %dma_start3A_304 = arith.constant 0 : i32
      %dma_start3A_305 = tpu.memref_slice %arg11[%add3A_4, %dma_start3A_304] : memref<10112x32xf32, #tpu.memory_space<vmem_shared>> -> memref<128x32xf32, #tpu.memory_space<vmem_shared>>
      tpu.enqueue_dma source(%arg6 : memref<128x32xf32, #tpu.memory_space<hbm>>) target(%dma_start3A_305 : memref<128x32xf32, #tpu.memory_space<vmem_shared>>) target_semaphore(%run_scoped3A_303 : memref<!tpu.dma_semaphore, #tpu.memory_space<semaphore_mem>>)
      %dma_wait3A = arith.constant 0 : i32
      %dma_wait3A_306 = tpu.memref_slice %arg11[%add3A_4, %dma_wait3A] : memref<10112x32xf32, #tpu.memory_space<vmem_shared>> -> memref<128x32xf32, #tpu.memory_space<vmem_shared>>
      tpu.wait_dma2 semaphore(%run_scoped3A_303 : memref<!tpu.dma_semaphore, #tpu.memory_space<semaphore_mem>>) src(%arg6 : memref<128x32xf32, #tpu.memory_space<hbm>>) dst(%dma_wait3A_306 : memref<128x32xf32, #tpu.memory_space<vmem_shared>>)
      tpu.yield
    }) : () -> ()
    %add3A_5 = arith.constant 128 : i32
    %add3A_6 = arith.addi %mul3A_2, %add3A_5 : i32
    "tpu.region"() ({
      %run_scoped3A_303 = tpu.sem_alloc : memref<!tpu.dma_semaphore, #tpu.memory_space<semaphore_mem>>
      %dma_start3A_304 = arith.constant 0 : i32
      %dma_start3A_305 = tpu.memref_slice %arg11[%add3A_6, %dma_start3A_304] : memref<10112x32xf32, #tpu.memory_space<vmem_shared>> -> memref<128x32xf32, #tpu.memory_space<vmem_shared>>
      tpu.enqueue_dma source(%arg6 : memref<128x32xf32, #tpu.memory_space<hbm>>) target(%dma_start3A_305 : memref<128x32xf32, #tpu.memory_space<vmem_shared>>) target_semaphore(%run_scoped3A_303 : memref<!tpu.dma_semaphore, #tpu.memory_space<semaphore_mem>>)
      %dma_wait3A = arith.constant 0 : i32
      %dma_wait3A_306 = tpu.memref_slice %arg11[%add3A_6, %dma_wait3A] : memref<10112x32xf32, #tpu.memory_space<vmem_shared>> -> memref<128x32xf32, #tpu.memory_space<vmem_shared>>
      tpu.wait_dma2 semaphore(%run_scoped3A_303 : memref<!tpu.dma_semaphore, #tpu.memory_space<semaphore_mem>>) src(%arg6 : memref<128x32xf32, #tpu.memory_space<hbm>>) dst(%dma_wait3A_306 : memref<128x32xf32, #tpu.memory_space<vmem_shared>>)
      tpu.yield
    }) : () -> ()
    %add3A_7 = arith.constant 256 : i32
    %add3A_8 = arith.addi %mul3A_2, %add3A_7 : i32
    "tpu.region"() ({
      %run_scoped3A_303 = tpu.sem_alloc : memref<!tpu.dma_semaphore, #tpu.memory_space<semaphore_mem>>
      %dma_start3A_304 = arith.constant 0 : i32
      %dma_start3A_305 = tpu.memref_slice %arg11[%add3A_8, %dma_start3A_304] : memref<10112x32xf32, #tpu.memory_space<vmem_shared>> -> memref<128x32xf32, #tpu.memory_space<vmem_shared>>
      tpu.enqueue_dma source(%arg6 : memref<128x32xf32, #tpu.memory_space<hbm>>) target(%dma_start3A_305 : memref<128x32xf32, #tpu.memory_space<vmem_shared>>) target_semaphore(%run_scoped3A_303 : memref<!tpu.dma_semaphore, #tpu.memory_space<semaphore_mem>>)
      %dma_wait3A = arith.constant 0 : i32
      %dma_wait3A_306 = tpu.memref_slice %arg11[%add3A_8, %dma_wait3A] : memref<10112x32xf32, #tpu.memory_space<vmem_shared>> -> memref<128x32xf32, #tpu.memory_space<vmem_shared>>
      tpu.wait_dma2 semaphore(%run_scoped3A_303 : memref<!tpu.dma_semaphore, #tpu.memory_space<semaphore_mem>>) src(%arg6 : memref<128x32xf32, #tpu.memory_space<hbm>>) dst(%dma_wait3A_306 : memref<128x32xf32, #tpu.memory_space<vmem_shared>>)
      tpu.yield
    }) : () -> ()
    %add3A_9 = arith.constant 384 : i32
    %add3A_10 = arith.addi %mul3A_2, %add3A_9 : i32
    "tpu.region"() ({
      %run_scoped3A_303 = tpu.sem_alloc : memref<!tpu.dma_semaphore, #tpu.memory_space<semaphore_mem>>
      %dma_start3A_304 = arith.constant 0 : i32
      %dma_start3A_305 = tpu.memref_slice %arg11[%add3A_10, %dma_start3A_304] : memref<10112x32xf32, #tpu.memory_space<vmem_shared>> -> memref<128x32xf32, #tpu.memory_space<vmem_shared>>
      tpu.enqueue_dma source(%arg6 : memref<128x32xf32, #tpu.memory_space<hbm>>) target(%dma_start3A_305 : memref<128x32xf32, #tpu.memory_space<vmem_shared>>) target_semaphore(%run_scoped3A_303 : memref<!tpu.dma_semaphore, #tpu.memory_space<semaphore_mem>>)
      %dma_wait3A = arith.constant 0 : i32
      %dma_wait3A_306 = tpu.memref_slice %arg11[%add3A_10, %dma_wait3A] : memref<10112x32xf32, #tpu.memory_space<vmem_shared>> -> memref<128x32xf32, #tpu.memory_space<vmem_shared>>
      tpu.wait_dma2 semaphore(%run_scoped3A_303 : memref<!tpu.dma_semaphore, #tpu.memory_space<semaphore_mem>>) src(%arg6 : memref<128x32xf32, #tpu.memory_space<hbm>>) dst(%dma_wait3A_306 : memref<128x32xf32, #tpu.memory_space<vmem_shared>>)
      tpu.yield
    }) : () -> ()
    %add3A_11 = arith.constant 512 : i32
    %add3A_12 = arith.addi %mul3A_2, %add3A_11 : i32
    "tpu.region"() ({
      %run_scoped3A_303 = tpu.sem_alloc : memref<!tpu.dma_semaphore, #tpu.memory_space<semaphore_mem>>
      %dma_start3A_304 = arith.constant 0 : i32
      %dma_start3A_305 = tpu.memref_slice %arg11[%add3A_12, %dma_start3A_304] : memref<10112x32xf32, #tpu.memory_space<vmem_shared>> -> memref<120x32xf32, #tpu.memory_space<vmem_shared>>
      %dma_start3A_306 = arith.constant 0 : i32
      %dma_start3A_307 = arith.constant 0 : i32
      %dma_start3A_308 = tpu.memref_slice %arg6[%dma_start3A_306, %dma_start3A_307] : memref<128x32xf32, #tpu.memory_space<hbm>> -> memref<120x32xf32, #tpu.memory_space<hbm>>
      tpu.enqueue_dma source(%dma_start3A_308 : memref<120x32xf32, #tpu.memory_space<hbm>>) target(%dma_start3A_305 : memref<120x32xf32, #tpu.memory_space<vmem_shared>>) target_semaphore(%run_scoped3A_303 : memref<!tpu.dma_semaphore, #tpu.memory_space<semaphore_mem>>)
      %dma_wait3A = arith.constant 0 : i32
      %dma_wait3A_309 = tpu.memref_slice %arg11[%add3A_12, %dma_wait3A] : memref<10112x32xf32, #tpu.memory_space<vmem_shared>> -> memref<120x32xf32, #tpu.memory_space<vmem_shared>>
      %dma_wait3A_310 = arith.constant 0 : i32
      %dma_wait3A_311 = arith.constant 0 : i32
      %dma_wait3A_312 = tpu.memref_slice %arg6[%dma_wait3A_310, %dma_wait3A_311] : memref<128x32xf32, #tpu.memory_space<hbm>> -> memref<120x32xf32, #tpu.memory_space<hbm>>
      tpu.wait_dma2 semaphore(%run_scoped3A_303 : memref<!tpu.dma_semaphore, #tpu.memory_space<semaphore_mem>>) src(%dma_wait3A_312 : memref<120x32xf32, #tpu.memory_space<hbm>>) dst(%dma_wait3A_309 : memref<120x32xf32, #tpu.memory_space<vmem_shared>>)
      tpu.yield
    }) : () -> ()
    %lt3A = arith.constant 15 : i32
    %lt3A_13 = arith.cmpi slt, %arg1, %lt3A : i32
    %convert_element_type3A = arith.extui %lt3A_13 : i1 to i32
    %cond3A = arith.constant 0 : i32
    %cond3A_14 = arith.cmpi ne, %convert_element_type3A, %cond3A : i32
    scf.if %cond3A_14 {
      %mul3A_303 = arith.constant 632 : i32
      %mul3A_304 = arith.muli %arg1, %mul3A_303 : i32
      %mul3A_305 = arith.constant 632 : i32
      %mul3A_306 = arith.muli %arg1, %mul3A_305 : i32
      "tpu.region"() ({
        %run_scoped3A_307 = tpu.sem_alloc : memref<!tpu.dma_semaphore, #tpu.memory_space<semaphore_mem>>
        %dma_start3A_308 = arith.constant 0 : i32
        %dma_start3A_309 = tpu.memref_slice %arg12[%mul3A_306, %dma_start3A_308] : memref<10112x32xf32, #tpu.memory_space<vmem_shared>> -> memref<632x32xf32, #tpu.memory_space<vmem_shared>>
        %dma_start3A_310 = arith.constant 0 : i32
        %dma_start3A_311 = tpu.memref_slice %arg4[%mul3A_304, %dma_start3A_310] : memref<10000x32xf32, #tpu.memory_space<hbm>> -> memref<632x32xf32, #tpu.memory_space<hbm>>
        tpu.enqueue_dma source(%dma_start3A_311 : memref<632x32xf32, #tpu.memory_space<hbm>>) target(%dma_start3A_309 : memref<632x32xf32, #tpu.memory_space<vmem_shared>>) target_semaphore(%run_scoped3A_307 : memref<!tpu.dma_semaphore, #tpu.memory_space<semaphore_mem>>)
        %dma_wait3A = arith.constant 0 : i32
        %dma_wait3A_312 = tpu.memref_slice %arg12[%mul3A_306, %dma_wait3A] : memref<10112x32xf32, #tpu.memory_space<vmem_shared>> -> memref<632x32xf32, #tpu.memory_space<vmem_shared>>
        %dma_wait3A_313 = arith.constant 0 : i32
        %dma_wait3A_314 = tpu.memref_slice %arg4[%mul3A_304, %dma_wait3A_313] : memref<10000x32xf32, #tpu.memory_space<hbm>> -> memref<632x32xf32, #tpu.memory_space<hbm>>
        tpu.wait_dma2 semaphore(%run_scoped3A_307 : memref<!tpu.dma_semaphore, #tpu.memory_space<semaphore_mem>>) src(%dma_wait3A_314 : memref<632x32xf32, #tpu.memory_space<hbm>>) dst(%dma_wait3A_312 : memref<632x32xf32, #tpu.memory_space<vmem_shared>>)
        tpu.yield
      }) : () -> ()
    } else {
    }
    %eq3A = arith.constant 15 : i32
    %eq3A_15 = arith.cmpi eq, %arg1, %eq3A : i32
    %convert_element_type3A_16 = arith.extui %eq3A_15 : i1 to i32
    %cond3A_17 = arith.constant 0 : i32
    %cond3A_18 = arith.cmpi ne, %convert_element_type3A_16, %cond3A_17 : i32
    scf.if %cond3A_18 {
      "tpu.region"() ({
        %run_scoped3A_303 = tpu.sem_alloc : memref<!tpu.dma_semaphore, #tpu.memory_space<semaphore_mem>>
        %dma_start3A_304 = arith.constant 9480 : i32
        %dma_start3A_305 = arith.constant 0 : i32
        %dma_start3A_306 = tpu.memref_slice %arg12[%dma_start3A_304, %dma_start3A_305] : memref<10112x32xf32, #tpu.memory_space<vmem_shared>> -> memref<520x32xf32, #tpu.memory_space<vmem_shared>>
        %dma_start3A_307 = arith.constant 9480 : i32
        %dma_start3A_308 = arith.constant 0 : i32
        %dma_start3A_309 = tpu.memref_slice %arg4[%dma_start3A_307, %dma_start3A_308] : memref<10000x32xf32, #tpu.memory_space<hbm>> -> memref<520x32xf32, #tpu.memory_space<hbm>>
        tpu.enqueue_dma source(%dma_start3A_309 : memref<520x32xf32, #tpu.memory_space<hbm>>) target(%dma_start3A_306 : memref<520x32xf32, #tpu.memory_space<vmem_shared>>) target_semaphore(%run_scoped3A_303 : memref<!tpu.dma_semaphore, #tpu.memory_space<semaphore_mem>>)
        %dma_wait3A = arith.constant 9480 : i32
        %dma_wait3A_310 = arith.constant 0 : i32
        %dma_wait3A_311 = tpu.memref_slice %arg12[%dma_wait3A, %dma_wait3A_310] : memref<10112x32xf32, #tpu.memory_space<vmem_shared>> -> memref<520x32xf32, #tpu.memory_space<vmem_shared>>
        %dma_wait3A_312 = arith.constant 9480 : i32
        %dma_wait3A_313 = arith.constant 0 : i32
        %dma_wait3A_314 = tpu.memref_slice %arg4[%dma_wait3A_312, %dma_wait3A_313] : memref<10000x32xf32, #tpu.memory_space<hbm>> -> memref<520x32xf32, #tpu.memory_space<hbm>>
        tpu.wait_dma2 semaphore(%run_scoped3A_303 : memref<!tpu.dma_semaphore, #tpu.memory_space<semaphore_mem>>) src(%dma_wait3A_314 : memref<520x32xf32, #tpu.memory_space<hbm>>) dst(%dma_wait3A_311 : memref<520x32xf32, #tpu.memory_space<vmem_shared>>)
        tpu.yield
      }) : () -> ()
    } else {
    }
    %barrier3A = arith.constant 0 : index
    tpu.barrier barrier_id(%barrier3A)
    %dma_start3A = arith.constant 0 : i32
    %dma_start3A_19 = arith.constant 0 : i32
    %dma_start3A_20 = arith.constant 0 : i32
    %dma_start3A_21 = arith.constant 0 : i32
    %dma_start3A_22 = tpu.memref_slice %arg10[%dma_start3A_19, %dma_start3A_20, %dma_start3A_21] : memref<10x128x32xf32, #tpu.memory_space<vmem>> -> memref<1x128x32xf32, #tpu.memory_space<vmem>>
    %dma_start3A_23 = tpu.memref_squeeze %dma_start3A_22 : memref<1x128x32xf32, #tpu.memory_space<vmem>> -> memref<128x32xf32, #tpu.memory_space<vmem>>
    %dma_start3A_24 = arith.constant 0 : i32
    %dma_start3A_25 = tpu.memref_slice %arg8[%dma_start3A, %dma_start3A_24] : memref<40x128xi32, #tpu.memory_space<vmem>> -> memref<1x128xi32, #tpu.memory_space<vmem>>
    %dma_start3A_26 = tpu.memref_squeeze %dma_start3A_25 : memref<1x128xi32, #tpu.memory_space<vmem>> -> memref<128xi32, #tpu.memory_space<vmem>>
    %dma_start3A_27 = arith.constant 0 : i32
    %dma_start3A_28 = arith.constant 0 : i32
    %dma_start3A_29 = tpu.memref_slice %arg12[%dma_start3A_27, %dma_start3A_28] : memref<10112x32xf32, #tpu.memory_space<vmem_shared>> -> memref<10112x32xf32, #tpu.memory_space<vmem_shared>>
    tpu.enqueue_indirect_dma source(%dma_start3A_29 : memref<10112x32xf32, #tpu.memory_space<vmem_shared>>) target(%dma_start3A_23 : memref<128x32xf32, #tpu.memory_space<vmem>>) offsets(%dma_start3A_26 : memref<128xi32, #tpu.memory_space<vmem>>) semaphore(%arg13 : memref<!tpu.dma_semaphore, #tpu.memory_space<semaphore_mem>>)
    %dma_start3A_30 = arith.constant 1 : i32
    %dma_start3A_31 = arith.constant 1 : i32
    %dma_start3A_32 = arith.constant 0 : i32
    %dma_start3A_33 = arith.constant 0 : i32
    %dma_start3A_34 = tpu.memref_slice %arg10[%dma_start3A_31, %dma_start3A_32, %dma_start3A_33] : memref<10x128x32xf32, #tpu.memory_space<vmem>> -> memref<1x128x32xf32, #tpu.memory_space<vmem>>
    %dma_start3A_35 = tpu.memref_squeeze %dma_start3A_34 : memref<1x128x32xf32, #tpu.memory_space<vmem>> -> memref<128x32xf32, #tpu.memory_space<vmem>>
    %dma_start3A_36 = arith.constant 0 : i32
    %dma_start3A_37 = tpu.memref_slice %arg8[%dma_start3A_30, %dma_start3A_36] : memref<40x128xi32, #tpu.memory_space<vmem>> -> memref<1x128xi32, #tpu.memory_space<vmem>>
    %dma_start3A_38 = tpu.memref_squeeze %dma_start3A_37 : memref<1x128xi32, #tpu.memory_space<vmem>> -> memref<128xi32, #tpu.memory_space<vmem>>
    %dma_start3A_39 = arith.constant 0 : i32
    %dma_start3A_40 = arith.constant 0 : i32
    %dma_start3A_41 = tpu.memref_slice %arg12[%dma_start3A_39, %dma_start3A_40] : memref<10112x32xf32, #tpu.memory_space<vmem_shared>> -> memref<10112x32xf32, #tpu.memory_space<vmem_shared>>
    tpu.enqueue_indirect_dma source(%dma_start3A_41 : memref<10112x32xf32, #tpu.memory_space<vmem_shared>>) target(%dma_start3A_35 : memref<128x32xf32, #tpu.memory_space<vmem>>) offsets(%dma_start3A_38 : memref<128xi32, #tpu.memory_space<vmem>>) semaphore(%arg14 : memref<!tpu.dma_semaphore, #tpu.memory_space<semaphore_mem>>)
    %dma_start3A_42 = arith.constant 2 : i32
    %dma_start3A_43 = arith.constant 2 : i32
    %dma_start3A_44 = arith.constant 0 : i32
    %dma_start3A_45 = arith.constant 0 : i32
    %dma_start3A_46 = tpu.memref_slice %arg10[%dma_start3A_43, %dma_start3A_44, %dma_start3A_45] : memref<10x128x32xf32, #tpu.memory_space<vmem>> -> memref<1x128x32xf32, #tpu.memory_space<vmem>>
    %dma_start3A_47 = tpu.memref_squeeze %dma_start3A_46 : memref<1x128x32xf32, #tpu.memory_space<vmem>> -> memref<128x32xf32, #tpu.memory_space<vmem>>
    %dma_start3A_48 = arith.constant 0 : i32
    %dma_start3A_49 = tpu.memref_slice %arg8[%dma_start3A_42, %dma_start3A_48] : memref<40x128xi32, #tpu.memory_space<vmem>> -> memref<1x128xi32, #tpu.memory_space<vmem>>
    %dma_start3A_50 = tpu.memref_squeeze %dma_start3A_49 : memref<1x128xi32, #tpu.memory_space<vmem>> -> memref<128xi32, #tpu.memory_space<vmem>>
    %dma_start3A_51 = arith.constant 0 : i32
    %dma_start3A_52 = arith.constant 0 : i32
    %dma_start3A_53 = tpu.memref_slice %arg12[%dma_start3A_51, %dma_start3A_52] : memref<10112x32xf32, #tpu.memory_space<vmem_shared>> -> memref<10112x32xf32, #tpu.memory_space<vmem_shared>>
    tpu.enqueue_indirect_dma source(%dma_start3A_53 : memref<10112x32xf32, #tpu.memory_space<vmem_shared>>) target(%dma_start3A_47 : memref<128x32xf32, #tpu.memory_space<vmem>>) offsets(%dma_start3A_50 : memref<128xi32, #tpu.memory_space<vmem>>) semaphore(%arg15 : memref<!tpu.dma_semaphore, #tpu.memory_space<semaphore_mem>>)
    %dma_start3A_54 = arith.constant 3 : i32
    %dma_start3A_55 = arith.constant 3 : i32
    %dma_start3A_56 = arith.constant 0 : i32
    %dma_start3A_57 = arith.constant 0 : i32
    %dma_start3A_58 = tpu.memref_slice %arg10[%dma_start3A_55, %dma_start3A_56, %dma_start3A_57] : memref<10x128x32xf32, #tpu.memory_space<vmem>> -> memref<1x128x32xf32, #tpu.memory_space<vmem>>
    %dma_start3A_59 = tpu.memref_squeeze %dma_start3A_58 : memref<1x128x32xf32, #tpu.memory_space<vmem>> -> memref<128x32xf32, #tpu.memory_space<vmem>>
    %dma_start3A_60 = arith.constant 0 : i32
    %dma_start3A_61 = tpu.memref_slice %arg8[%dma_start3A_54, %dma_start3A_60] : memref<40x128xi32, #tpu.memory_space<vmem>> -> memref<1x128xi32, #tpu.memory_space<vmem>>
    %dma_start3A_62 = tpu.memref_squeeze %dma_start3A_61 : memref<1x128xi32, #tpu.memory_space<vmem>> -> memref<128xi32, #tpu.memory_space<vmem>>
    %dma_start3A_63 = arith.constant 0 : i32
    %dma_start3A_64 = arith.constant 0 : i32
    %dma_start3A_65 = tpu.memref_slice %arg12[%dma_start3A_63, %dma_start3A_64] : memref<10112x32xf32, #tpu.memory_space<vmem_shared>> -> memref<10112x32xf32, #tpu.memory_space<vmem_shared>>
    tpu.enqueue_indirect_dma source(%dma_start3A_65 : memref<10112x32xf32, #tpu.memory_space<vmem_shared>>) target(%dma_start3A_59 : memref<128x32xf32, #tpu.memory_space<vmem>>) offsets(%dma_start3A_62 : memref<128xi32, #tpu.memory_space<vmem>>) semaphore(%arg16 : memref<!tpu.dma_semaphore, #tpu.memory_space<semaphore_mem>>)
    %dma_start3A_66 = arith.constant 4 : i32
    %dma_start3A_67 = arith.constant 4 : i32
    %dma_start3A_68 = arith.constant 0 : i32
    %dma_start3A_69 = arith.constant 0 : i32
    %dma_start3A_70 = tpu.memref_slice %arg10[%dma_start3A_67, %dma_start3A_68, %dma_start3A_69] : memref<10x128x32xf32, #tpu.memory_space<vmem>> -> memref<1x128x32xf32, #tpu.memory_space<vmem>>
    %dma_start3A_71 = tpu.memref_squeeze %dma_start3A_70 : memref<1x128x32xf32, #tpu.memory_space<vmem>> -> memref<128x32xf32, #tpu.memory_space<vmem>>
    %dma_start3A_72 = arith.constant 0 : i32
    %dma_start3A_73 = tpu.memref_slice %arg8[%dma_start3A_66, %dma_start3A_72] : memref<40x128xi32, #tpu.memory_space<vmem>> -> memref<1x128xi32, #tpu.memory_space<vmem>>
    %dma_start3A_74 = tpu.memref_squeeze %dma_start3A_73 : memref<1x128xi32, #tpu.memory_space<vmem>> -> memref<128xi32, #tpu.memory_space<vmem>>
    %dma_start3A_75 = arith.constant 0 : i32
    %dma_start3A_76 = arith.constant 0 : i32
    %dma_start3A_77 = tpu.memref_slice %arg12[%dma_start3A_75, %dma_start3A_76] : memref<10112x32xf32, #tpu.memory_space<vmem_shared>> -> memref<10112x32xf32, #tpu.memory_space<vmem_shared>>
    tpu.enqueue_indirect_dma source(%dma_start3A_77 : memref<10112x32xf32, #tpu.memory_space<vmem_shared>>) target(%dma_start3A_71 : memref<128x32xf32, #tpu.memory_space<vmem>>) offsets(%dma_start3A_74 : memref<128xi32, #tpu.memory_space<vmem>>) semaphore(%arg17 : memref<!tpu.dma_semaphore, #tpu.memory_space<semaphore_mem>>)
    %dma_start3A_78 = arith.constant 5 : i32
    %dma_start3A_79 = arith.constant 5 : i32
    %dma_start3A_80 = arith.constant 0 : i32
    %dma_start3A_81 = arith.constant 0 : i32
    %dma_start3A_82 = tpu.memref_slice %arg10[%dma_start3A_79, %dma_start3A_80, %dma_start3A_81] : memref<10x128x32xf32, #tpu.memory_space<vmem>> -> memref<1x128x32xf32, #tpu.memory_space<vmem>>
    %dma_start3A_83 = tpu.memref_squeeze %dma_start3A_82 : memref<1x128x32xf32, #tpu.memory_space<vmem>> -> memref<128x32xf32, #tpu.memory_space<vmem>>
    %dma_start3A_84 = arith.constant 0 : i32
    %dma_start3A_85 = tpu.memref_slice %arg8[%dma_start3A_78, %dma_start3A_84] : memref<40x128xi32, #tpu.memory_space<vmem>> -> memref<1x128xi32, #tpu.memory_space<vmem>>
    %dma_start3A_86 = tpu.memref_squeeze %dma_start3A_85 : memref<1x128xi32, #tpu.memory_space<vmem>> -> memref<128xi32, #tpu.memory_space<vmem>>
    %dma_start3A_87 = arith.constant 0 : i32
    %dma_start3A_88 = arith.constant 0 : i32
    %dma_start3A_89 = tpu.memref_slice %arg12[%dma_start3A_87, %dma_start3A_88] : memref<10112x32xf32, #tpu.memory_space<vmem_shared>> -> memref<10112x32xf32, #tpu.memory_space<vmem_shared>>
    tpu.enqueue_indirect_dma source(%dma_start3A_89 : memref<10112x32xf32, #tpu.memory_space<vmem_shared>>) target(%dma_start3A_83 : memref<128x32xf32, #tpu.memory_space<vmem>>) offsets(%dma_start3A_86 : memref<128xi32, #tpu.memory_space<vmem>>) semaphore(%arg18 : memref<!tpu.dma_semaphore, #tpu.memory_space<semaphore_mem>>)
    %dma_start3A_90 = arith.constant 6 : i32
    %dma_start3A_91 = arith.constant 6 : i32
    %dma_start3A_92 = arith.constant 0 : i32
    %dma_start3A_93 = arith.constant 0 : i32
    %dma_start3A_94 = tpu.memref_slice %arg10[%dma_start3A_91, %dma_start3A_92, %dma_start3A_93] : memref<10x128x32xf32, #tpu.memory_space<vmem>> -> memref<1x128x32xf32, #tpu.memory_space<vmem>>
    %dma_start3A_95 = tpu.memref_squeeze %dma_start3A_94 : memref<1x128x32xf32, #tpu.memory_space<vmem>> -> memref<128x32xf32, #tpu.memory_space<vmem>>
    %dma_start3A_96 = arith.constant 0 : i32
    %dma_start3A_97 = tpu.memref_slice %arg8[%dma_start3A_90, %dma_start3A_96] : memref<40x128xi32, #tpu.memory_space<vmem>> -> memref<1x128xi32, #tpu.memory_space<vmem>>
    %dma_start3A_98 = tpu.memref_squeeze %dma_start3A_97 : memref<1x128xi32, #tpu.memory_space<vmem>> -> memref<128xi32, #tpu.memory_space<vmem>>
    %dma_start3A_99 = arith.constant 0 : i32
    %dma_start3A_100 = arith.constant 0 : i32
    %dma_start3A_101 = tpu.memref_slice %arg12[%dma_start3A_99, %dma_start3A_100] : memref<10112x32xf32, #tpu.memory_space<vmem_shared>> -> memref<10112x32xf32, #tpu.memory_space<vmem_shared>>
    tpu.enqueue_indirect_dma source(%dma_start3A_101 : memref<10112x32xf32, #tpu.memory_space<vmem_shared>>) target(%dma_start3A_95 : memref<128x32xf32, #tpu.memory_space<vmem>>) offsets(%dma_start3A_98 : memref<128xi32, #tpu.memory_space<vmem>>) semaphore(%arg19 : memref<!tpu.dma_semaphore, #tpu.memory_space<semaphore_mem>>)
    %dma_start3A_102 = arith.constant 7 : i32
    %dma_start3A_103 = arith.constant 7 : i32
    %dma_start3A_104 = arith.constant 0 : i32
    %dma_start3A_105 = arith.constant 0 : i32
    %dma_start3A_106 = tpu.memref_slice %arg10[%dma_start3A_103, %dma_start3A_104, %dma_start3A_105] : memref<10x128x32xf32, #tpu.memory_space<vmem>> -> memref<1x128x32xf32, #tpu.memory_space<vmem>>
    %dma_start3A_107 = tpu.memref_squeeze %dma_start3A_106 : memref<1x128x32xf32, #tpu.memory_space<vmem>> -> memref<128x32xf32, #tpu.memory_space<vmem>>
    %dma_start3A_108 = arith.constant 0 : i32
    %dma_start3A_109 = tpu.memref_slice %arg8[%dma_start3A_102, %dma_start3A_108] : memref<40x128xi32, #tpu.memory_space<vmem>> -> memref<1x128xi32, #tpu.memory_space<vmem>>
    %dma_start3A_110 = tpu.memref_squeeze %dma_start3A_109 : memref<1x128xi32, #tpu.memory_space<vmem>> -> memref<128xi32, #tpu.memory_space<vmem>>
    %dma_start3A_111 = arith.constant 0 : i32
    %dma_start3A_112 = arith.constant 0 : i32
    %dma_start3A_113 = tpu.memref_slice %arg12[%dma_start3A_111, %dma_start3A_112] : memref<10112x32xf32, #tpu.memory_space<vmem_shared>> -> memref<10112x32xf32, #tpu.memory_space<vmem_shared>>
    tpu.enqueue_indirect_dma source(%dma_start3A_113 : memref<10112x32xf32, #tpu.memory_space<vmem_shared>>) target(%dma_start3A_107 : memref<128x32xf32, #tpu.memory_space<vmem>>) offsets(%dma_start3A_110 : memref<128xi32, #tpu.memory_space<vmem>>) semaphore(%arg20 : memref<!tpu.dma_semaphore, #tpu.memory_space<semaphore_mem>>)
    %dma_start3A_114 = arith.constant 8 : i32
    %dma_start3A_115 = arith.constant 8 : i32
    %dma_start3A_116 = arith.constant 0 : i32
    %dma_start3A_117 = arith.constant 0 : i32
    %dma_start3A_118 = tpu.memref_slice %arg10[%dma_start3A_115, %dma_start3A_116, %dma_start3A_117] : memref<10x128x32xf32, #tpu.memory_space<vmem>> -> memref<1x128x32xf32, #tpu.memory_space<vmem>>
    %dma_start3A_119 = tpu.memref_squeeze %dma_start3A_118 : memref<1x128x32xf32, #tpu.memory_space<vmem>> -> memref<128x32xf32, #tpu.memory_space<vmem>>
    %dma_start3A_120 = arith.constant 0 : i32
    %dma_start3A_121 = tpu.memref_slice %arg8[%dma_start3A_114, %dma_start3A_120] : memref<40x128xi32, #tpu.memory_space<vmem>> -> memref<1x128xi32, #tpu.memory_space<vmem>>
    %dma_start3A_122 = tpu.memref_squeeze %dma_start3A_121 : memref<1x128xi32, #tpu.memory_space<vmem>> -> memref<128xi32, #tpu.memory_space<vmem>>
    %dma_start3A_123 = arith.constant 0 : i32
    %dma_start3A_124 = arith.constant 0 : i32
    %dma_start3A_125 = tpu.memref_slice %arg12[%dma_start3A_123, %dma_start3A_124] : memref<10112x32xf32, #tpu.memory_space<vmem_shared>> -> memref<10112x32xf32, #tpu.memory_space<vmem_shared>>
    tpu.enqueue_indirect_dma source(%dma_start3A_125 : memref<10112x32xf32, #tpu.memory_space<vmem_shared>>) target(%dma_start3A_119 : memref<128x32xf32, #tpu.memory_space<vmem>>) offsets(%dma_start3A_122 : memref<128xi32, #tpu.memory_space<vmem>>) semaphore(%arg21 : memref<!tpu.dma_semaphore, #tpu.memory_space<semaphore_mem>>)
    %dma_start3A_126 = arith.constant 9 : i32
    %dma_start3A_127 = arith.constant 9 : i32
    %dma_start3A_128 = arith.constant 0 : i32
    %dma_start3A_129 = arith.constant 0 : i32
    %dma_start3A_130 = tpu.memref_slice %arg10[%dma_start3A_127, %dma_start3A_128, %dma_start3A_129] : memref<10x128x32xf32, #tpu.memory_space<vmem>> -> memref<1x128x32xf32, #tpu.memory_space<vmem>>
    %dma_start3A_131 = tpu.memref_squeeze %dma_start3A_130 : memref<1x128x32xf32, #tpu.memory_space<vmem>> -> memref<128x32xf32, #tpu.memory_space<vmem>>
    %dma_start3A_132 = arith.constant 0 : i32
    %dma_start3A_133 = tpu.memref_slice %arg8[%dma_start3A_126, %dma_start3A_132] : memref<40x128xi32, #tpu.memory_space<vmem>> -> memref<1x128xi32, #tpu.memory_space<vmem>>
    %dma_start3A_134 = tpu.memref_squeeze %dma_start3A_133 : memref<1x128xi32, #tpu.memory_space<vmem>> -> memref<128xi32, #tpu.memory_space<vmem>>
    %dma_start3A_135 = arith.constant 0 : i32
    %dma_start3A_136 = arith.constant 0 : i32
    %dma_start3A_137 = tpu.memref_slice %arg12[%dma_start3A_135, %dma_start3A_136] : memref<10112x32xf32, #tpu.memory_space<vmem_shared>> -> memref<10112x32xf32, #tpu.memory_space<vmem_shared>>
    tpu.enqueue_indirect_dma source(%dma_start3A_137 : memref<10112x32xf32, #tpu.memory_space<vmem_shared>>) target(%dma_start3A_131 : memref<128x32xf32, #tpu.memory_space<vmem>>) offsets(%dma_start3A_134 : memref<128xi32, #tpu.memory_space<vmem>>) semaphore(%arg22 : memref<!tpu.dma_semaphore, #tpu.memory_space<semaphore_mem>>)
    %scan3A = arith.constant 0 : i32
    %scan3A_138 = arith.constant 0 : i32
    %scan3A_139 = arith.constant 4 : i32
    %scan3A_140 = arith.addi %scan3A_138, %scan3A_139 : i32
    %scan3A_141 = arith.constant 1 : i32
    scf.for %scan3A_303 = %scan3A_138 to %scan3A_140 step %scan3A_141  : i32 {
      %mul3A_304 = arith.constant 10 : i32
      %mul3A_305 = arith.muli %scan3A_303, %mul3A_304 : i32
      %add3A_306 = arith.constant 0 : i32
      %add3A_307 = arith.addi %mul3A_305, %add3A_306 : i32
      %dma_wait3A = arith.constant 0 : i32
      %dma_wait3A_308 = arith.constant 0 : i32
      %dma_wait3A_309 = arith.constant 0 : i32
      %dma_wait3A_310 = tpu.memref_slice %arg10[%dma_wait3A, %dma_wait3A_308, %dma_wait3A_309] : memref<10x128x32xf32, #tpu.memory_space<vmem>> -> memref<1x128x32xf32, #tpu.memory_space<vmem>>
      %dma_wait3A_311 = tpu.memref_squeeze %dma_wait3A_310 : memref<1x128x32xf32, #tpu.memory_space<vmem>> -> memref<128x32xf32, #tpu.memory_space<vmem>>
      %dma_wait3A_312 = arith.constant 0 : i32
      %dma_wait3A_313 = arith.constant 0 : i32
      %dma_wait3A_314 = tpu.memref_slice %arg4[%dma_wait3A_312, %dma_wait3A_313] : memref<10000x32xf32, #tpu.memory_space<hbm>> -> memref<128x32xf32, #tpu.memory_space<hbm>>
      %dma_wait3A_315 = arith.constant 0 : i32
      %dma_wait3A_316 = arith.constant 0 : i32
      %dma_wait3A_317 = tpu.memref_slice %arg10[%dma_wait3A, %dma_wait3A_315, %dma_wait3A_316] : memref<10x128x32xf32, #tpu.memory_space<vmem>> -> memref<1x128x32xf32, #tpu.memory_space<vmem>>
      %dma_wait3A_318 = tpu.memref_squeeze %dma_wait3A_317 : memref<1x128x32xf32, #tpu.memory_space<vmem>> -> memref<128x32xf32, #tpu.memory_space<vmem>>
      %dma_wait3A_319 = arith.constant 0 : i32
      %dma_wait3A_320 = arith.constant 0 : i32
      %dma_wait3A_321 = tpu.memref_slice %arg4[%dma_wait3A_319, %dma_wait3A_320] : memref<10000x32xf32, #tpu.memory_space<hbm>> -> memref<128x32xf32, #tpu.memory_space<hbm>>
      tpu.wait_dma2 semaphore(%arg13 : memref<!tpu.dma_semaphore, #tpu.memory_space<semaphore_mem>>) src(%dma_wait3A_321 : memref<128x32xf32, #tpu.memory_space<hbm>>) dst(%dma_wait3A_318 : memref<128x32xf32, #tpu.memory_space<vmem>>)
      %dma_start3A_322 = arith.constant 0 : i32
      %dma_start3A_323 = arith.constant 0 : i32
      %dma_start3A_324 = arith.constant 0 : i32
      %dma_start3A_325 = tpu.memref_slice %arg10[%dma_start3A_322, %dma_start3A_323, %dma_start3A_324] : memref<10x128x32xf32, #tpu.memory_space<vmem>> -> memref<1x128x32xf32, #tpu.memory_space<vmem>>
      %dma_start3A_326 = tpu.memref_squeeze %dma_start3A_325 : memref<1x128x32xf32, #tpu.memory_space<vmem>> -> memref<128x32xf32, #tpu.memory_space<vmem>>
      %dma_start3A_327 = arith.constant 0 : i32
      %dma_start3A_328 = tpu.memref_slice %arg9[%add3A_307, %dma_start3A_327] : memref<40x128xi32, #tpu.memory_space<vmem>> -> memref<1x128xi32, #tpu.memory_space<vmem>>
      %dma_start3A_329 = tpu.memref_squeeze %dma_start3A_328 : memref<1x128xi32, #tpu.memory_space<vmem>> -> memref<128xi32, #tpu.memory_space<vmem>>
      %dma_start3A_330 = arith.constant 0 : i32
      %dma_start3A_331 = arith.constant 0 : i32
      %dma_start3A_332 = tpu.memref_slice %arg11[%dma_start3A_330, %dma_start3A_331] : memref<10112x32xf32, #tpu.memory_space<vmem_shared>> -> memref<10112x32xf32, #tpu.memory_space<vmem_shared>>
      tpu.enqueue_indirect_dma source(%dma_start3A_326 : memref<128x32xf32, #tpu.memory_space<vmem>>) target(%dma_start3A_332 : memref<10112x32xf32, #tpu.memory_space<vmem_shared>>) offsets(%dma_start3A_329 : memref<128xi32, #tpu.memory_space<vmem>>) semaphore(%arg23 : memref<!tpu.dma_semaphore, #tpu.memory_space<semaphore_mem>>) {add = true}
      %mul3A_333 = arith.constant 10 : i32
      %mul3A_334 = arith.muli %scan3A_303, %mul3A_333 : i32
      %add3A_335 = arith.constant 1 : i32
      %add3A_336 = arith.addi %mul3A_334, %add3A_335 : i32
      %dma_wait3A_337 = arith.constant 1 : i32
      %dma_wait3A_338 = arith.constant 0 : i32
      %dma_wait3A_339 = arith.constant 0 : i32
      %dma_wait3A_340 = tpu.memref_slice %arg10[%dma_wait3A_337, %dma_wait3A_338, %dma_wait3A_339] : memref<10x128x32xf32, #tpu.memory_space<vmem>> -> memref<1x128x32xf32, #tpu.memory_space<vmem>>
      %dma_wait3A_341 = tpu.memref_squeeze %dma_wait3A_340 : memref<1x128x32xf32, #tpu.memory_space<vmem>> -> memref<128x32xf32, #tpu.memory_space<vmem>>
      %dma_wait3A_342 = arith.constant 0 : i32
      %dma_wait3A_343 = arith.constant 0 : i32
      %dma_wait3A_344 = tpu.memref_slice %arg4[%dma_wait3A_342, %dma_wait3A_343] : memref<10000x32xf32, #tpu.memory_space<hbm>> -> memref<128x32xf32, #tpu.memory_space<hbm>>
      %dma_wait3A_345 = arith.constant 0 : i32
      %dma_wait3A_346 = arith.constant 0 : i32
      %dma_wait3A_347 = tpu.memref_slice %arg10[%dma_wait3A_337, %dma_wait3A_345, %dma_wait3A_346] : memref<10x128x32xf32, #tpu.memory_space<vmem>> -> memref<1x128x32xf32, #tpu.memory_space<vmem>>
      %dma_wait3A_348 = tpu.memref_squeeze %dma_wait3A_347 : memref<1x128x32xf32, #tpu.memory_space<vmem>> -> memref<128x32xf32, #tpu.memory_space<vmem>>
      %dma_wait3A_349 = arith.constant 0 : i32
      %dma_wait3A_350 = arith.constant 0 : i32
      %dma_wait3A_351 = tpu.memref_slice %arg4[%dma_wait3A_349, %dma_wait3A_350] : memref<10000x32xf32, #tpu.memory_space<hbm>> -> memref<128x32xf32, #tpu.memory_space<hbm>>
      tpu.wait_dma2 semaphore(%arg14 : memref<!tpu.dma_semaphore, #tpu.memory_space<semaphore_mem>>) src(%dma_wait3A_351 : memref<128x32xf32, #tpu.memory_space<hbm>>) dst(%dma_wait3A_348 : memref<128x32xf32, #tpu.memory_space<vmem>>)
      %dma_start3A_352 = arith.constant 1 : i32
      %dma_start3A_353 = arith.constant 0 : i32
      %dma_start3A_354 = arith.constant 0 : i32
      %dma_start3A_355 = tpu.memref_slice %arg10[%dma_start3A_352, %dma_start3A_353, %dma_start3A_354] : memref<10x128x32xf32, #tpu.memory_space<vmem>> -> memref<1x128x32xf32, #tpu.memory_space<vmem>>
      %dma_start3A_356 = tpu.memref_squeeze %dma_start3A_355 : memref<1x128x32xf32, #tpu.memory_space<vmem>> -> memref<128x32xf32, #tpu.memory_space<vmem>>
      %dma_start3A_357 = arith.constant 0 : i32
      %dma_start3A_358 = tpu.memref_slice %arg9[%add3A_336, %dma_start3A_357] : memref<40x128xi32, #tpu.memory_space<vmem>> -> memref<1x128xi32, #tpu.memory_space<vmem>>
      %dma_start3A_359 = tpu.memref_squeeze %dma_start3A_358 : memref<1x128xi32, #tpu.memory_space<vmem>> -> memref<128xi32, #tpu.memory_space<vmem>>
      %dma_start3A_360 = arith.constant 0 : i32
      %dma_start3A_361 = arith.constant 0 : i32
      %dma_start3A_362 = tpu.memref_slice %arg11[%dma_start3A_360, %dma_start3A_361] : memref<10112x32xf32, #tpu.memory_space<vmem_shared>> -> memref<10112x32xf32, #tpu.memory_space<vmem_shared>>
      tpu.enqueue_indirect_dma source(%dma_start3A_356 : memref<128x32xf32, #tpu.memory_space<vmem>>) target(%dma_start3A_362 : memref<10112x32xf32, #tpu.memory_space<vmem_shared>>) offsets(%dma_start3A_359 : memref<128xi32, #tpu.memory_space<vmem>>) semaphore(%arg24 : memref<!tpu.dma_semaphore, #tpu.memory_space<semaphore_mem>>) {add = true}
      %mul3A_363 = arith.constant 10 : i32
      %mul3A_364 = arith.muli %scan3A_303, %mul3A_363 : i32
      %add3A_365 = arith.constant 2 : i32
      %add3A_366 = arith.addi %mul3A_364, %add3A_365 : i32
      %dma_wait3A_367 = arith.constant 2 : i32
      %dma_wait3A_368 = arith.constant 0 : i32
      %dma_wait3A_369 = arith.constant 0 : i32
      %dma_wait3A_370 = tpu.memref_slice %arg10[%dma_wait3A_367, %dma_wait3A_368, %dma_wait3A_369] : memref<10x128x32xf32, #tpu.memory_space<vmem>> -> memref<1x128x32xf32, #tpu.memory_space<vmem>>
      %dma_wait3A_371 = tpu.memref_squeeze %dma_wait3A_370 : memref<1x128x32xf32, #tpu.memory_space<vmem>> -> memref<128x32xf32, #tpu.memory_space<vmem>>
      %dma_wait3A_372 = arith.constant 0 : i32
      %dma_wait3A_373 = arith.constant 0 : i32
      %dma_wait3A_374 = tpu.memref_slice %arg4[%dma_wait3A_372, %dma_wait3A_373] : memref<10000x32xf32, #tpu.memory_space<hbm>> -> memref<128x32xf32, #tpu.memory_space<hbm>>
      %dma_wait3A_375 = arith.constant 0 : i32
      %dma_wait3A_376 = arith.constant 0 : i32
      %dma_wait3A_377 = tpu.memref_slice %arg10[%dma_wait3A_367, %dma_wait3A_375, %dma_wait3A_376] : memref<10x128x32xf32, #tpu.memory_space<vmem>> -> memref<1x128x32xf32, #tpu.memory_space<vmem>>
      %dma_wait3A_378 = tpu.memref_squeeze %dma_wait3A_377 : memref<1x128x32xf32, #tpu.memory_space<vmem>> -> memref<128x32xf32, #tpu.memory_space<vmem>>
      %dma_wait3A_379 = arith.constant 0 : i32
      %dma_wait3A_380 = arith.constant 0 : i32
      %dma_wait3A_381 = tpu.memref_slice %arg4[%dma_wait3A_379, %dma_wait3A_380] : memref<10000x32xf32, #tpu.memory_space<hbm>> -> memref<128x32xf32, #tpu.memory_space<hbm>>
      tpu.wait_dma2 semaphore(%arg15 : memref<!tpu.dma_semaphore, #tpu.memory_space<semaphore_mem>>) src(%dma_wait3A_381 : memref<128x32xf32, #tpu.memory_space<hbm>>) dst(%dma_wait3A_378 : memref<128x32xf32, #tpu.memory_space<vmem>>)
      %dma_start3A_382 = arith.constant 2 : i32
      %dma_start3A_383 = arith.constant 0 : i32
      %dma_start3A_384 = arith.constant 0 : i32
      %dma_start3A_385 = tpu.memref_slice %arg10[%dma_start3A_382, %dma_start3A_383, %dma_start3A_384] : memref<10x128x32xf32, #tpu.memory_space<vmem>> -> memref<1x128x32xf32, #tpu.memory_space<vmem>>
      %dma_start3A_386 = tpu.memref_squeeze %dma_start3A_385 : memref<1x128x32xf32, #tpu.memory_space<vmem>> -> memref<128x32xf32, #tpu.memory_space<vmem>>
      %dma_start3A_387 = arith.constant 0 : i32
      %dma_start3A_388 = tpu.memref_slice %arg9[%add3A_366, %dma_start3A_387] : memref<40x128xi32, #tpu.memory_space<vmem>> -> memref<1x128xi32, #tpu.memory_space<vmem>>
      %dma_start3A_389 = tpu.memref_squeeze %dma_start3A_388 : memref<1x128xi32, #tpu.memory_space<vmem>> -> memref<128xi32, #tpu.memory_space<vmem>>
      %dma_start3A_390 = arith.constant 0 : i32
      %dma_start3A_391 = arith.constant 0 : i32
      %dma_start3A_392 = tpu.memref_slice %arg11[%dma_start3A_390, %dma_start3A_391] : memref<10112x32xf32, #tpu.memory_space<vmem_shared>> -> memref<10112x32xf32, #tpu.memory_space<vmem_shared>>
      tpu.enqueue_indirect_dma source(%dma_start3A_386 : memref<128x32xf32, #tpu.memory_space<vmem>>) target(%dma_start3A_392 : memref<10112x32xf32, #tpu.memory_space<vmem_shared>>) offsets(%dma_start3A_389 : memref<128xi32, #tpu.memory_space<vmem>>) semaphore(%arg25 : memref<!tpu.dma_semaphore, #tpu.memory_space<semaphore_mem>>) {add = true}
      %mul3A_393 = arith.constant 10 : i32
      %mul3A_394 = arith.muli %scan3A_303, %mul3A_393 : i32
      %add3A_395 = arith.constant 3 : i32
      %add3A_396 = arith.addi %mul3A_394, %add3A_395 : i32
      %dma_wait3A_397 = arith.constant 3 : i32
      %dma_wait3A_398 = arith.constant 0 : i32
      %dma_wait3A_399 = arith.constant 0 : i32
      %dma_wait3A_400 = tpu.memref_slice %arg10[%dma_wait3A_397, %dma_wait3A_398, %dma_wait3A_399] : memref<10x128x32xf32, #tpu.memory_space<vmem>> -> memref<1x128x32xf32, #tpu.memory_space<vmem>>
      %dma_wait3A_401 = tpu.memref_squeeze %dma_wait3A_400 : memref<1x128x32xf32, #tpu.memory_space<vmem>> -> memref<128x32xf32, #tpu.memory_space<vmem>>
      %dma_wait3A_402 = arith.constant 0 : i32
      %dma_wait3A_403 = arith.constant 0 : i32
      %dma_wait3A_404 = tpu.memref_slice %arg4[%dma_wait3A_402, %dma_wait3A_403] : memref<10000x32xf32, #tpu.memory_space<hbm>> -> memref<128x32xf32, #tpu.memory_space<hbm>>
      %dma_wait3A_405 = arith.constant 0 : i32
      %dma_wait3A_406 = arith.constant 0 : i32
      %dma_wait3A_407 = tpu.memref_slice %arg10[%dma_wait3A_397, %dma_wait3A_405, %dma_wait3A_406] : memref<10x128x32xf32, #tpu.memory_space<vmem>> -> memref<1x128x32xf32, #tpu.memory_space<vmem>>
      %dma_wait3A_408 = tpu.memref_squeeze %dma_wait3A_407 : memref<1x128x32xf32, #tpu.memory_space<vmem>> -> memref<128x32xf32, #tpu.memory_space<vmem>>
      %dma_wait3A_409 = arith.constant 0 : i32
      %dma_wait3A_410 = arith.constant 0 : i32
      %dma_wait3A_411 = tpu.memref_slice %arg4[%dma_wait3A_409, %dma_wait3A_410] : memref<10000x32xf32, #tpu.memory_space<hbm>> -> memref<128x32xf32, #tpu.memory_space<hbm>>
      tpu.wait_dma2 semaphore(%arg16 : memref<!tpu.dma_semaphore, #tpu.memory_space<semaphore_mem>>) src(%dma_wait3A_411 : memref<128x32xf32, #tpu.memory_space<hbm>>) dst(%dma_wait3A_408 : memref<128x32xf32, #tpu.memory_space<vmem>>)
      %dma_start3A_412 = arith.constant 3 : i32
      %dma_start3A_413 = arith.constant 0 : i32
      %dma_start3A_414 = arith.constant 0 : i32
      %dma_start3A_415 = tpu.memref_slice %arg10[%dma_start3A_412, %dma_start3A_413, %dma_start3A_414] : memref<10x128x32xf32, #tpu.memory_space<vmem>> -> memref<1x128x32xf32, #tpu.memory_space<vmem>>
      %dma_start3A_416 = tpu.memref_squeeze %dma_start3A_415 : memref<1x128x32xf32, #tpu.memory_space<vmem>> -> memref<128x32xf32, #tpu.memory_space<vmem>>
      %dma_start3A_417 = arith.constant 0 : i32
      %dma_start3A_418 = tpu.memref_slice %arg9[%add3A_396, %dma_start3A_417] : memref<40x128xi32, #tpu.memory_space<vmem>> -> memref<1x128xi32, #tpu.memory_space<vmem>>
      %dma_start3A_419 = tpu.memref_squeeze %dma_start3A_418 : memref<1x128xi32, #tpu.memory_space<vmem>> -> memref<128xi32, #tpu.memory_space<vmem>>
      %dma_start3A_420 = arith.constant 0 : i32
      %dma_start3A_421 = arith.constant 0 : i32
      %dma_start3A_422 = tpu.memref_slice %arg11[%dma_start3A_420, %dma_start3A_421] : memref<10112x32xf32, #tpu.memory_space<vmem_shared>> -> memref<10112x32xf32, #tpu.memory_space<vmem_shared>>
      tpu.enqueue_indirect_dma source(%dma_start3A_416 : memref<128x32xf32, #tpu.memory_space<vmem>>) target(%dma_start3A_422 : memref<10112x32xf32, #tpu.memory_space<vmem_shared>>) offsets(%dma_start3A_419 : memref<128xi32, #tpu.memory_space<vmem>>) semaphore(%arg26 : memref<!tpu.dma_semaphore, #tpu.memory_space<semaphore_mem>>) {add = true}
      %mul3A_423 = arith.constant 10 : i32
      %mul3A_424 = arith.muli %scan3A_303, %mul3A_423 : i32
      %add3A_425 = arith.constant 4 : i32
      %add3A_426 = arith.addi %mul3A_424, %add3A_425 : i32
      %dma_wait3A_427 = arith.constant 4 : i32
      %dma_wait3A_428 = arith.constant 0 : i32
      %dma_wait3A_429 = arith.constant 0 : i32
      %dma_wait3A_430 = tpu.memref_slice %arg10[%dma_wait3A_427, %dma_wait3A_428, %dma_wait3A_429] : memref<10x128x32xf32, #tpu.memory_space<vmem>> -> memref<1x128x32xf32, #tpu.memory_space<vmem>>
      %dma_wait3A_431 = tpu.memref_squeeze %dma_wait3A_430 : memref<1x128x32xf32, #tpu.memory_space<vmem>> -> memref<128x32xf32, #tpu.memory_space<vmem>>
      %dma_wait3A_432 = arith.constant 0 : i32
      %dma_wait3A_433 = arith.constant 0 : i32
      %dma_wait3A_434 = tpu.memref_slice %arg4[%dma_wait3A_432, %dma_wait3A_433] : memref<10000x32xf32, #tpu.memory_space<hbm>> -> memref<128x32xf32, #tpu.memory_space<hbm>>
      %dma_wait3A_435 = arith.constant 0 : i32
      %dma_wait3A_436 = arith.constant 0 : i32
      %dma_wait3A_437 = tpu.memref_slice %arg10[%dma_wait3A_427, %dma_wait3A_435, %dma_wait3A_436] : memref<10x128x32xf32, #tpu.memory_space<vmem>> -> memref<1x128x32xf32, #tpu.memory_space<vmem>>
      %dma_wait3A_438 = tpu.memref_squeeze %dma_wait3A_437 : memref<1x128x32xf32, #tpu.memory_space<vmem>> -> memref<128x32xf32, #tpu.memory_space<vmem>>
      %dma_wait3A_439 = arith.constant 0 : i32
      %dma_wait3A_440 = arith.constant 0 : i32
      %dma_wait3A_441 = tpu.memref_slice %arg4[%dma_wait3A_439, %dma_wait3A_440] : memref<10000x32xf32, #tpu.memory_space<hbm>> -> memref<128x32xf32, #tpu.memory_space<hbm>>
      tpu.wait_dma2 semaphore(%arg17 : memref<!tpu.dma_semaphore, #tpu.memory_space<semaphore_mem>>) src(%dma_wait3A_441 : memref<128x32xf32, #tpu.memory_space<hbm>>) dst(%dma_wait3A_438 : memref<128x32xf32, #tpu.memory_space<vmem>>)
      %dma_start3A_442 = arith.constant 4 : i32
      %dma_start3A_443 = arith.constant 0 : i32
      %dma_start3A_444 = arith.constant 0 : i32
      %dma_start3A_445 = tpu.memref_slice %arg10[%dma_start3A_442, %dma_start3A_443, %dma_start3A_444] : memref<10x128x32xf32, #tpu.memory_space<vmem>> -> memref<1x128x32xf32, #tpu.memory_space<vmem>>
      %dma_start3A_446 = tpu.memref_squeeze %dma_start3A_445 : memref<1x128x32xf32, #tpu.memory_space<vmem>> -> memref<128x32xf32, #tpu.memory_space<vmem>>
      %dma_start3A_447 = arith.constant 0 : i32
      %dma_start3A_448 = tpu.memref_slice %arg9[%add3A_426, %dma_start3A_447] : memref<40x128xi32, #tpu.memory_space<vmem>> -> memref<1x128xi32, #tpu.memory_space<vmem>>
      %dma_start3A_449 = tpu.memref_squeeze %dma_start3A_448 : memref<1x128xi32, #tpu.memory_space<vmem>> -> memref<128xi32, #tpu.memory_space<vmem>>
      %dma_start3A_450 = arith.constant 0 : i32
      %dma_start3A_451 = arith.constant 0 : i32
      %dma_start3A_452 = tpu.memref_slice %arg11[%dma_start3A_450, %dma_start3A_451] : memref<10112x32xf32, #tpu.memory_space<vmem_shared>> -> memref<10112x32xf32, #tpu.memory_space<vmem_shared>>
      tpu.enqueue_indirect_dma source(%dma_start3A_446 : memref<128x32xf32, #tpu.memory_space<vmem>>) target(%dma_start3A_452 : memref<10112x32xf32, #tpu.memory_space<vmem_shared>>) offsets(%dma_start3A_449 : memref<128xi32, #tpu.memory_space<vmem>>) semaphore(%arg27 : memref<!tpu.dma_semaphore, #tpu.memory_space<semaphore_mem>>) {add = true}
      %mul3A_453 = arith.constant 10 : i32
      %mul3A_454 = arith.muli %scan3A_303, %mul3A_453 : i32
      %add3A_455 = arith.constant 5 : i32
      %add3A_456 = arith.addi %mul3A_454, %add3A_455 : i32
      %dma_wait3A_457 = arith.constant 5 : i32
      %dma_wait3A_458 = arith.constant 0 : i32
      %dma_wait3A_459 = arith.constant 0 : i32
      %dma_wait3A_460 = tpu.memref_slice %arg10[%dma_wait3A_457, %dma_wait3A_458, %dma_wait3A_459] : memref<10x128x32xf32, #tpu.memory_space<vmem>> -> memref<1x128x32xf32, #tpu.memory_space<vmem>>
      %dma_wait3A_461 = tpu.memref_squeeze %dma_wait3A_460 : memref<1x128x32xf32, #tpu.memory_space<vmem>> -> memref<128x32xf32, #tpu.memory_space<vmem>>
      %dma_wait3A_462 = arith.constant 0 : i32
      %dma_wait3A_463 = arith.constant 0 : i32
      %dma_wait3A_464 = tpu.memref_slice %arg4[%dma_wait3A_462, %dma_wait3A_463] : memref<10000x32xf32, #tpu.memory_space<hbm>> -> memref<128x32xf32, #tpu.memory_space<hbm>>
      %dma_wait3A_465 = arith.constant 0 : i32
      %dma_wait3A_466 = arith.constant 0 : i32
      %dma_wait3A_467 = tpu.memref_slice %arg10[%dma_wait3A_457, %dma_wait3A_465, %dma_wait3A_466] : memref<10x128x32xf32, #tpu.memory_space<vmem>> -> memref<1x128x32xf32, #tpu.memory_space<vmem>>
      %dma_wait3A_468 = tpu.memref_squeeze %dma_wait3A_467 : memref<1x128x32xf32, #tpu.memory_space<vmem>> -> memref<128x32xf32, #tpu.memory_space<vmem>>
      %dma_wait3A_469 = arith.constant 0 : i32
      %dma_wait3A_470 = arith.constant 0 : i32
      %dma_wait3A_471 = tpu.memref_slice %arg4[%dma_wait3A_469, %dma_wait3A_470] : memref<10000x32xf32, #tpu.memory_space<hbm>> -> memref<128x32xf32, #tpu.memory_space<hbm>>
      tpu.wait_dma2 semaphore(%arg18 : memref<!tpu.dma_semaphore, #tpu.memory_space<semaphore_mem>>) src(%dma_wait3A_471 : memref<128x32xf32, #tpu.memory_space<hbm>>) dst(%dma_wait3A_468 : memref<128x32xf32, #tpu.memory_space<vmem>>)
      %dma_start3A_472 = arith.constant 5 : i32
      %dma_start3A_473 = arith.constant 0 : i32
      %dma_start3A_474 = arith.constant 0 : i32
      %dma_start3A_475 = tpu.memref_slice %arg10[%dma_start3A_472, %dma_start3A_473, %dma_start3A_474] : memref<10x128x32xf32, #tpu.memory_space<vmem>> -> memref<1x128x32xf32, #tpu.memory_space<vmem>>
      %dma_start3A_476 = tpu.memref_squeeze %dma_start3A_475 : memref<1x128x32xf32, #tpu.memory_space<vmem>> -> memref<128x32xf32, #tpu.memory_space<vmem>>
      %dma_start3A_477 = arith.constant 0 : i32
      %dma_start3A_478 = tpu.memref_slice %arg9[%add3A_456, %dma_start3A_477] : memref<40x128xi32, #tpu.memory_space<vmem>> -> memref<1x128xi32, #tpu.memory_space<vmem>>
      %dma_start3A_479 = tpu.memref_squeeze %dma_start3A_478 : memref<1x128xi32, #tpu.memory_space<vmem>> -> memref<128xi32, #tpu.memory_space<vmem>>
      %dma_start3A_480 = arith.constant 0 : i32
      %dma_start3A_481 = arith.constant 0 : i32
      %dma_start3A_482 = tpu.memref_slice %arg11[%dma_start3A_480, %dma_start3A_481] : memref<10112x32xf32, #tpu.memory_space<vmem_shared>> -> memref<10112x32xf32, #tpu.memory_space<vmem_shared>>
      tpu.enqueue_indirect_dma source(%dma_start3A_476 : memref<128x32xf32, #tpu.memory_space<vmem>>) target(%dma_start3A_482 : memref<10112x32xf32, #tpu.memory_space<vmem_shared>>) offsets(%dma_start3A_479 : memref<128xi32, #tpu.memory_space<vmem>>) semaphore(%arg28 : memref<!tpu.dma_semaphore, #tpu.memory_space<semaphore_mem>>) {add = true}
      %mul3A_483 = arith.constant 10 : i32
      %mul3A_484 = arith.muli %scan3A_303, %mul3A_483 : i32
      %add3A_485 = arith.constant 6 : i32
      %add3A_486 = arith.addi %mul3A_484, %add3A_485 : i32
      %dma_wait3A_487 = arith.constant 6 : i32
      %dma_wait3A_488 = arith.constant 0 : i32
      %dma_wait3A_489 = arith.constant 0 : i32
      %dma_wait3A_490 = tpu.memref_slice %arg10[%dma_wait3A_487, %dma_wait3A_488, %dma_wait3A_489] : memref<10x128x32xf32, #tpu.memory_space<vmem>> -> memref<1x128x32xf32, #tpu.memory_space<vmem>>
      %dma_wait3A_491 = tpu.memref_squeeze %dma_wait3A_490 : memref<1x128x32xf32, #tpu.memory_space<vmem>> -> memref<128x32xf32, #tpu.memory_space<vmem>>
      %dma_wait3A_492 = arith.constant 0 : i32
      %dma_wait3A_493 = arith.constant 0 : i32
      %dma_wait3A_494 = tpu.memref_slice %arg4[%dma_wait3A_492, %dma_wait3A_493] : memref<10000x32xf32, #tpu.memory_space<hbm>> -> memref<128x32xf32, #tpu.memory_space<hbm>>
      %dma_wait3A_495 = arith.constant 0 : i32
      %dma_wait3A_496 = arith.constant 0 : i32
      %dma_wait3A_497 = tpu.memref_slice %arg10[%dma_wait3A_487, %dma_wait3A_495, %dma_wait3A_496] : memref<10x128x32xf32, #tpu.memory_space<vmem>> -> memref<1x128x32xf32, #tpu.memory_space<vmem>>
      %dma_wait3A_498 = tpu.memref_squeeze %dma_wait3A_497 : memref<1x128x32xf32, #tpu.memory_space<vmem>> -> memref<128x32xf32, #tpu.memory_space<vmem>>
      %dma_wait3A_499 = arith.constant 0 : i32
      %dma_wait3A_500 = arith.constant 0 : i32
      %dma_wait3A_501 = tpu.memref_slice %arg4[%dma_wait3A_499, %dma_wait3A_500] : memref<10000x32xf32, #tpu.memory_space<hbm>> -> memref<128x32xf32, #tpu.memory_space<hbm>>
      tpu.wait_dma2 semaphore(%arg19 : memref<!tpu.dma_semaphore, #tpu.memory_space<semaphore_mem>>) src(%dma_wait3A_501 : memref<128x32xf32, #tpu.memory_space<hbm>>) dst(%dma_wait3A_498 : memref<128x32xf32, #tpu.memory_space<vmem>>)
      %dma_start3A_502 = arith.constant 6 : i32
      %dma_start3A_503 = arith.constant 0 : i32
      %dma_start3A_504 = arith.constant 0 : i32
      %dma_start3A_505 = tpu.memref_slice %arg10[%dma_start3A_502, %dma_start3A_503, %dma_start3A_504] : memref<10x128x32xf32, #tpu.memory_space<vmem>> -> memref<1x128x32xf32, #tpu.memory_space<vmem>>
      %dma_start3A_506 = tpu.memref_squeeze %dma_start3A_505 : memref<1x128x32xf32, #tpu.memory_space<vmem>> -> memref<128x32xf32, #tpu.memory_space<vmem>>
      %dma_start3A_507 = arith.constant 0 : i32
      %dma_start3A_508 = tpu.memref_slice %arg9[%add3A_486, %dma_start3A_507] : memref<40x128xi32, #tpu.memory_space<vmem>> -> memref<1x128xi32, #tpu.memory_space<vmem>>
      %dma_start3A_509 = tpu.memref_squeeze %dma_start3A_508 : memref<1x128xi32, #tpu.memory_space<vmem>> -> memref<128xi32, #tpu.memory_space<vmem>>
      %dma_start3A_510 = arith.constant 0 : i32
      %dma_start3A_511 = arith.constant 0 : i32
      %dma_start3A_512 = tpu.memref_slice %arg11[%dma_start3A_510, %dma_start3A_511] : memref<10112x32xf32, #tpu.memory_space<vmem_shared>> -> memref<10112x32xf32, #tpu.memory_space<vmem_shared>>
      tpu.enqueue_indirect_dma source(%dma_start3A_506 : memref<128x32xf32, #tpu.memory_space<vmem>>) target(%dma_start3A_512 : memref<10112x32xf32, #tpu.memory_space<vmem_shared>>) offsets(%dma_start3A_509 : memref<128xi32, #tpu.memory_space<vmem>>) semaphore(%arg29 : memref<!tpu.dma_semaphore, #tpu.memory_space<semaphore_mem>>) {add = true}
      %mul3A_513 = arith.constant 10 : i32
      %mul3A_514 = arith.muli %scan3A_303, %mul3A_513 : i32
      %add3A_515 = arith.constant 7 : i32
      %add3A_516 = arith.addi %mul3A_514, %add3A_515 : i32
      %dma_wait3A_517 = arith.constant 7 : i32
      %dma_wait3A_518 = arith.constant 0 : i32
      %dma_wait3A_519 = arith.constant 0 : i32
      %dma_wait3A_520 = tpu.memref_slice %arg10[%dma_wait3A_517, %dma_wait3A_518, %dma_wait3A_519] : memref<10x128x32xf32, #tpu.memory_space<vmem>> -> memref<1x128x32xf32, #tpu.memory_space<vmem>>
      %dma_wait3A_521 = tpu.memref_squeeze %dma_wait3A_520 : memref<1x128x32xf32, #tpu.memory_space<vmem>> -> memref<128x32xf32, #tpu.memory_space<vmem>>
      %dma_wait3A_522 = arith.constant 0 : i32
      %dma_wait3A_523 = arith.constant 0 : i32
      %dma_wait3A_524 = tpu.memref_slice %arg4[%dma_wait3A_522, %dma_wait3A_523] : memref<10000x32xf32, #tpu.memory_space<hbm>> -> memref<128x32xf32, #tpu.memory_space<hbm>>
      %dma_wait3A_525 = arith.constant 0 : i32
      %dma_wait3A_526 = arith.constant 0 : i32
      %dma_wait3A_527 = tpu.memref_slice %arg10[%dma_wait3A_517, %dma_wait3A_525, %dma_wait3A_526] : memref<10x128x32xf32, #tpu.memory_space<vmem>> -> memref<1x128x32xf32, #tpu.memory_space<vmem>>
      %dma_wait3A_528 = tpu.memref_squeeze %dma_wait3A_527 : memref<1x128x32xf32, #tpu.memory_space<vmem>> -> memref<128x32xf32, #tpu.memory_space<vmem>>
      %dma_wait3A_529 = arith.constant 0 : i32
      %dma_wait3A_530 = arith.constant 0 : i32
      %dma_wait3A_531 = tpu.memref_slice %arg4[%dma_wait3A_529, %dma_wait3A_530] : memref<10000x32xf32, #tpu.memory_space<hbm>> -> memref<128x32xf32, #tpu.memory_space<hbm>>
      tpu.wait_dma2 semaphore(%arg20 : memref<!tpu.dma_semaphore, #tpu.memory_space<semaphore_mem>>) src(%dma_wait3A_531 : memref<128x32xf32, #tpu.memory_space<hbm>>) dst(%dma_wait3A_528 : memref<128x32xf32, #tpu.memory_space<vmem>>)
      %dma_start3A_532 = arith.constant 7 : i32
      %dma_start3A_533 = arith.constant 0 : i32
      %dma_start3A_534 = arith.constant 0 : i32
      %dma_start3A_535 = tpu.memref_slice %arg10[%dma_start3A_532, %dma_start3A_533, %dma_start3A_534] : memref<10x128x32xf32, #tpu.memory_space<vmem>> -> memref<1x128x32xf32, #tpu.memory_space<vmem>>
      %dma_start3A_536 = tpu.memref_squeeze %dma_start3A_535 : memref<1x128x32xf32, #tpu.memory_space<vmem>> -> memref<128x32xf32, #tpu.memory_space<vmem>>
      %dma_start3A_537 = arith.constant 0 : i32
      %dma_start3A_538 = tpu.memref_slice %arg9[%add3A_516, %dma_start3A_537] : memref<40x128xi32, #tpu.memory_space<vmem>> -> memref<1x128xi32, #tpu.memory_space<vmem>>
      %dma_start3A_539 = tpu.memref_squeeze %dma_start3A_538 : memref<1x128xi32, #tpu.memory_space<vmem>> -> memref<128xi32, #tpu.memory_space<vmem>>
      %dma_start3A_540 = arith.constant 0 : i32
      %dma_start3A_541 = arith.constant 0 : i32
      %dma_start3A_542 = tpu.memref_slice %arg11[%dma_start3A_540, %dma_start3A_541] : memref<10112x32xf32, #tpu.memory_space<vmem_shared>> -> memref<10112x32xf32, #tpu.memory_space<vmem_shared>>
      tpu.enqueue_indirect_dma source(%dma_start3A_536 : memref<128x32xf32, #tpu.memory_space<vmem>>) target(%dma_start3A_542 : memref<10112x32xf32, #tpu.memory_space<vmem_shared>>) offsets(%dma_start3A_539 : memref<128xi32, #tpu.memory_space<vmem>>) semaphore(%arg30 : memref<!tpu.dma_semaphore, #tpu.memory_space<semaphore_mem>>) {add = true}
      %mul3A_543 = arith.constant 10 : i32
      %mul3A_544 = arith.muli %scan3A_303, %mul3A_543 : i32
      %add3A_545 = arith.constant 8 : i32
      %add3A_546 = arith.addi %mul3A_544, %add3A_545 : i32
      %dma_wait3A_547 = arith.constant 8 : i32
      %dma_wait3A_548 = arith.constant 0 : i32
      %dma_wait3A_549 = arith.constant 0 : i32
      %dma_wait3A_550 = tpu.memref_slice %arg10[%dma_wait3A_547, %dma_wait3A_548, %dma_wait3A_549] : memref<10x128x32xf32, #tpu.memory_space<vmem>> -> memref<1x128x32xf32, #tpu.memory_space<vmem>>
      %dma_wait3A_551 = tpu.memref_squeeze %dma_wait3A_550 : memref<1x128x32xf32, #tpu.memory_space<vmem>> -> memref<128x32xf32, #tpu.memory_space<vmem>>
      %dma_wait3A_552 = arith.constant 0 : i32
      %dma_wait3A_553 = arith.constant 0 : i32
      %dma_wait3A_554 = tpu.memref_slice %arg4[%dma_wait3A_552, %dma_wait3A_553] : memref<10000x32xf32, #tpu.memory_space<hbm>> -> memref<128x32xf32, #tpu.memory_space<hbm>>
      %dma_wait3A_555 = arith.constant 0 : i32
      %dma_wait3A_556 = arith.constant 0 : i32
      %dma_wait3A_557 = tpu.memref_slice %arg10[%dma_wait3A_547, %dma_wait3A_555, %dma_wait3A_556] : memref<10x128x32xf32, #tpu.memory_space<vmem>> -> memref<1x128x32xf32, #tpu.memory_space<vmem>>
      %dma_wait3A_558 = tpu.memref_squeeze %dma_wait3A_557 : memref<1x128x32xf32, #tpu.memory_space<vmem>> -> memref<128x32xf32, #tpu.memory_space<vmem>>
      %dma_wait3A_559 = arith.constant 0 : i32
      %dma_wait3A_560 = arith.constant 0 : i32
      %dma_wait3A_561 = tpu.memref_slice %arg4[%dma_wait3A_559, %dma_wait3A_560] : memref<10000x32xf32, #tpu.memory_space<hbm>> -> memref<128x32xf32, #tpu.memory_space<hbm>>
      tpu.wait_dma2 semaphore(%arg21 : memref<!tpu.dma_semaphore, #tpu.memory_space<semaphore_mem>>) src(%dma_wait3A_561 : memref<128x32xf32, #tpu.memory_space<hbm>>) dst(%dma_wait3A_558 : memref<128x32xf32, #tpu.memory_space<vmem>>)
      %dma_start3A_562 = arith.constant 8 : i32
      %dma_start3A_563 = arith.constant 0 : i32
      %dma_start3A_564 = arith.constant 0 : i32
      %dma_start3A_565 = tpu.memref_slice %arg10[%dma_start3A_562, %dma_start3A_563, %dma_start3A_564] : memref<10x128x32xf32, #tpu.memory_space<vmem>> -> memref<1x128x32xf32, #tpu.memory_space<vmem>>
      %dma_start3A_566 = tpu.memref_squeeze %dma_start3A_565 : memref<1x128x32xf32, #tpu.memory_space<vmem>> -> memref<128x32xf32, #tpu.memory_space<vmem>>
      %dma_start3A_567 = arith.constant 0 : i32
      %dma_start3A_568 = tpu.memref_slice %arg9[%add3A_546, %dma_start3A_567] : memref<40x128xi32, #tpu.memory_space<vmem>> -> memref<1x128xi32, #tpu.memory_space<vmem>>
      %dma_start3A_569 = tpu.memref_squeeze %dma_start3A_568 : memref<1x128xi32, #tpu.memory_space<vmem>> -> memref<128xi32, #tpu.memory_space<vmem>>
      %dma_start3A_570 = arith.constant 0 : i32
      %dma_start3A_571 = arith.constant 0 : i32
      %dma_start3A_572 = tpu.memref_slice %arg11[%dma_start3A_570, %dma_start3A_571] : memref<10112x32xf32, #tpu.memory_space<vmem_shared>> -> memref<10112x32xf32, #tpu.memory_space<vmem_shared>>
      tpu.enqueue_indirect_dma source(%dma_start3A_566 : memref<128x32xf32, #tpu.memory_space<vmem>>) target(%dma_start3A_572 : memref<10112x32xf32, #tpu.memory_space<vmem_shared>>) offsets(%dma_start3A_569 : memref<128xi32, #tpu.memory_space<vmem>>) semaphore(%arg31 : memref<!tpu.dma_semaphore, #tpu.memory_space<semaphore_mem>>) {add = true}
      %mul3A_573 = arith.constant 10 : i32
      %mul3A_574 = arith.muli %scan3A_303, %mul3A_573 : i32
      %add3A_575 = arith.constant 9 : i32
      %add3A_576 = arith.addi %mul3A_574, %add3A_575 : i32
      %dma_wait3A_577 = arith.constant 9 : i32
      %dma_wait3A_578 = arith.constant 0 : i32
      %dma_wait3A_579 = arith.constant 0 : i32
      %dma_wait3A_580 = tpu.memref_slice %arg10[%dma_wait3A_577, %dma_wait3A_578, %dma_wait3A_579] : memref<10x128x32xf32, #tpu.memory_space<vmem>> -> memref<1x128x32xf32, #tpu.memory_space<vmem>>
      %dma_wait3A_581 = tpu.memref_squeeze %dma_wait3A_580 : memref<1x128x32xf32, #tpu.memory_space<vmem>> -> memref<128x32xf32, #tpu.memory_space<vmem>>
      %dma_wait3A_582 = arith.constant 0 : i32
      %dma_wait3A_583 = arith.constant 0 : i32
      %dma_wait3A_584 = tpu.memref_slice %arg4[%dma_wait3A_582, %dma_wait3A_583] : memref<10000x32xf32, #tpu.memory_space<hbm>> -> memref<128x32xf32, #tpu.memory_space<hbm>>
      %dma_wait3A_585 = arith.constant 0 : i32
      %dma_wait3A_586 = arith.constant 0 : i32
      %dma_wait3A_587 = tpu.memref_slice %arg10[%dma_wait3A_577, %dma_wait3A_585, %dma_wait3A_586] : memref<10x128x32xf32, #tpu.memory_space<vmem>> -> memref<1x128x32xf32, #tpu.memory_space<vmem>>
      %dma_wait3A_588 = tpu.memref_squeeze %dma_wait3A_587 : memref<1x128x32xf32, #tpu.memory_space<vmem>> -> memref<128x32xf32, #tpu.memory_space<vmem>>
      %dma_wait3A_589 = arith.constant 0 : i32
      %dma_wait3A_590 = arith.constant 0 : i32
      %dma_wait3A_591 = tpu.memref_slice %arg4[%dma_wait3A_589, %dma_wait3A_590] : memref<10000x32xf32, #tpu.memory_space<hbm>> -> memref<128x32xf32, #tpu.memory_space<hbm>>
      tpu.wait_dma2 semaphore(%arg22 : memref<!tpu.dma_semaphore, #tpu.memory_space<semaphore_mem>>) src(%dma_wait3A_591 : memref<128x32xf32, #tpu.memory_space<hbm>>) dst(%dma_wait3A_588 : memref<128x32xf32, #tpu.memory_space<vmem>>)
      %dma_start3A_592 = arith.constant 9 : i32
      %dma_start3A_593 = arith.constant 0 : i32
      %dma_start3A_594 = arith.constant 0 : i32
      %dma_start3A_595 = tpu.memref_slice %arg10[%dma_start3A_592, %dma_start3A_593, %dma_start3A_594] : memref<10x128x32xf32, #tpu.memory_space<vmem>> -> memref<1x128x32xf32, #tpu.memory_space<vmem>>
      %dma_start3A_596 = tpu.memref_squeeze %dma_start3A_595 : memref<1x128x32xf32, #tpu.memory_space<vmem>> -> memref<128x32xf32, #tpu.memory_space<vmem>>
      %dma_start3A_597 = arith.constant 0 : i32
      %dma_start3A_598 = tpu.memref_slice %arg9[%add3A_576, %dma_start3A_597] : memref<40x128xi32, #tpu.memory_space<vmem>> -> memref<1x128xi32, #tpu.memory_space<vmem>>
      %dma_start3A_599 = tpu.memref_squeeze %dma_start3A_598 : memref<1x128xi32, #tpu.memory_space<vmem>> -> memref<128xi32, #tpu.memory_space<vmem>>
      %dma_start3A_600 = arith.constant 0 : i32
      %dma_start3A_601 = arith.constant 0 : i32
      %dma_start3A_602 = tpu.memref_slice %arg11[%dma_start3A_600, %dma_start3A_601] : memref<10112x32xf32, #tpu.memory_space<vmem_shared>> -> memref<10112x32xf32, #tpu.memory_space<vmem_shared>>
      tpu.enqueue_indirect_dma source(%dma_start3A_596 : memref<128x32xf32, #tpu.memory_space<vmem>>) target(%dma_start3A_602 : memref<10112x32xf32, #tpu.memory_space<vmem_shared>>) offsets(%dma_start3A_599 : memref<128xi32, #tpu.memory_space<vmem>>) semaphore(%arg32 : memref<!tpu.dma_semaphore, #tpu.memory_space<semaphore_mem>>) {add = true}
      %dma_wait3A_603 = arith.constant 0 : i32
      %dma_wait3A_604 = arith.constant 0 : i32
      %dma_wait3A_605 = arith.constant 0 : i32
      %dma_wait3A_606 = tpu.memref_slice %arg10[%dma_wait3A_603, %dma_wait3A_604, %dma_wait3A_605] : memref<10x128x32xf32, #tpu.memory_space<vmem>> -> memref<1x128x32xf32, #tpu.memory_space<vmem>>
      %dma_wait3A_607 = tpu.memref_squeeze %dma_wait3A_606 : memref<1x128x32xf32, #tpu.memory_space<vmem>> -> memref<128x32xf32, #tpu.memory_space<vmem>>
      %dma_wait3A_608 = arith.constant 0 : i32
      %dma_wait3A_609 = arith.constant 0 : i32
      %dma_wait3A_610 = tpu.memref_slice %arg11[%dma_wait3A_608, %dma_wait3A_609] : memref<10112x32xf32, #tpu.memory_space<vmem_shared>> -> memref<128x32xf32, #tpu.memory_space<vmem_shared>>
      %dma_wait3A_611 = arith.constant 0 : i32
      %dma_wait3A_612 = arith.constant 0 : i32
      %dma_wait3A_613 = tpu.memref_slice %arg11[%dma_wait3A_611, %dma_wait3A_612] : memref<10112x32xf32, #tpu.memory_space<vmem_shared>> -> memref<128x32xf32, #tpu.memory_space<vmem_shared>>
      %dma_wait3A_614 = arith.constant 0 : i32
      %dma_wait3A_615 = arith.constant 0 : i32
      %dma_wait3A_616 = tpu.memref_slice %arg10[%dma_wait3A_603, %dma_wait3A_614, %dma_wait3A_615] : memref<10x128x32xf32, #tpu.memory_space<vmem>> -> memref<1x128x32xf32, #tpu.memory_space<vmem>>
      %dma_wait3A_617 = tpu.memref_squeeze %dma_wait3A_616 : memref<1x128x32xf32, #tpu.memory_space<vmem>> -> memref<128x32xf32, #tpu.memory_space<vmem>>
      tpu.wait_dma2 semaphore(%arg23 : memref<!tpu.dma_semaphore, #tpu.memory_space<semaphore_mem>>) src(%dma_wait3A_617 : memref<128x32xf32, #tpu.memory_space<vmem>>) dst(%dma_wait3A_613 : memref<128x32xf32, #tpu.memory_space<vmem_shared>>)
      %add3A_618 = arith.constant 1 : i32
      %add3A_619 = arith.addi %scan3A_303, %add3A_618 : i32
      %lt3A_620 = arith.constant 4 : i32
      %lt3A_621 = arith.cmpi slt, %add3A_619, %lt3A_620 : i32
      %convert_element_type3A_622 = arith.extui %lt3A_621 : i1 to i32
      %cond3A_623 = arith.constant 0 : i32
      %cond3A_624 = arith.cmpi ne, %convert_element_type3A_622, %cond3A_623 : i32
      scf.if %cond3A_624 {
        %add3A_823 = arith.constant 1 : i32
        %add3A_824 = arith.addi %scan3A_303, %add3A_823 : i32
        %mul3A_825 = arith.constant 10 : i32
        %mul3A_826 = arith.muli %add3A_824, %mul3A_825 : i32
        %add3A_827 = arith.constant 0 : i32
        %add3A_828 = arith.addi %mul3A_826, %add3A_827 : i32
        %dma_start3A_829 = arith.constant 0 : i32
        %dma_start3A_830 = arith.constant 0 : i32
        %dma_start3A_831 = arith.constant 0 : i32
        %dma_start3A_832 = tpu.memref_slice %arg10[%dma_start3A_829, %dma_start3A_830, %dma_start3A_831] : memref<10x128x32xf32, #tpu.memory_space<vmem>> -> memref<1x128x32xf32, #tpu.memory_space<vmem>>
        %dma_start3A_833 = tpu.memref_squeeze %dma_start3A_832 : memref<1x128x32xf32, #tpu.memory_space<vmem>> -> memref<128x32xf32, #tpu.memory_space<vmem>>
        %dma_start3A_834 = arith.constant 0 : i32
        %dma_start3A_835 = tpu.memref_slice %arg8[%add3A_828, %dma_start3A_834] : memref<40x128xi32, #tpu.memory_space<vmem>> -> memref<1x128xi32, #tpu.memory_space<vmem>>
        %dma_start3A_836 = tpu.memref_squeeze %dma_start3A_835 : memref<1x128xi32, #tpu.memory_space<vmem>> -> memref<128xi32, #tpu.memory_space<vmem>>
        %dma_start3A_837 = arith.constant 0 : i32
        %dma_start3A_838 = arith.constant 0 : i32
        %dma_start3A_839 = tpu.memref_slice %arg12[%dma_start3A_837, %dma_start3A_838] : memref<10112x32xf32, #tpu.memory_space<vmem_shared>> -> memref<10112x32xf32, #tpu.memory_space<vmem_shared>>
        tpu.enqueue_indirect_dma source(%dma_start3A_839 : memref<10112x32xf32, #tpu.memory_space<vmem_shared>>) target(%dma_start3A_833 : memref<128x32xf32, #tpu.memory_space<vmem>>) offsets(%dma_start3A_836 : memref<128xi32, #tpu.memory_space<vmem>>) semaphore(%arg13 : memref<!tpu.dma_semaphore, #tpu.memory_space<semaphore_mem>>)
      } else {
      }
      %dma_wait3A_625 = arith.constant 1 : i32
      %dma_wait3A_626 = arith.constant 0 : i32
      %dma_wait3A_627 = arith.constant 0 : i32
      %dma_wait3A_628 = tpu.memref_slice %arg10[%dma_wait3A_625, %dma_wait3A_626, %dma_wait3A_627] : memref<10x128x32xf32, #tpu.memory_space<vmem>> -> memref<1x128x32xf32, #tpu.memory_space<vmem>>
      %dma_wait3A_629 = tpu.memref_squeeze %dma_wait3A_628 : memref<1x128x32xf32, #tpu.memory_space<vmem>> -> memref<128x32xf32, #tpu.memory_space<vmem>>
      %dma_wait3A_630 = arith.constant 0 : i32
      %dma_wait3A_631 = arith.constant 0 : i32
      %dma_wait3A_632 = tpu.memref_slice %arg11[%dma_wait3A_630, %dma_wait3A_631] : memref<10112x32xf32, #tpu.memory_space<vmem_shared>> -> memref<128x32xf32, #tpu.memory_space<vmem_shared>>
      %dma_wait3A_633 = arith.constant 0 : i32
      %dma_wait3A_634 = arith.constant 0 : i32
      %dma_wait3A_635 = tpu.memref_slice %arg11[%dma_wait3A_633, %dma_wait3A_634] : memref<10112x32xf32, #tpu.memory_space<vmem_shared>> -> memref<128x32xf32, #tpu.memory_space<vmem_shared>>
      %dma_wait3A_636 = arith.constant 0 : i32
      %dma_wait3A_637 = arith.constant 0 : i32
      %dma_wait3A_638 = tpu.memref_slice %arg10[%dma_wait3A_625, %dma_wait3A_636, %dma_wait3A_637] : memref<10x128x32xf32, #tpu.memory_space<vmem>> -> memref<1x128x32xf32, #tpu.memory_space<vmem>>
      %dma_wait3A_639 = tpu.memref_squeeze %dma_wait3A_638 : memref<1x128x32xf32, #tpu.memory_space<vmem>> -> memref<128x32xf32, #tpu.memory_space<vmem>>
      tpu.wait_dma2 semaphore(%arg24 : memref<!tpu.dma_semaphore, #tpu.memory_space<semaphore_mem>>) src(%dma_wait3A_639 : memref<128x32xf32, #tpu.memory_space<vmem>>) dst(%dma_wait3A_635 : memref<128x32xf32, #tpu.memory_space<vmem_shared>>)
      %add3A_640 = arith.constant 1 : i32
      %add3A_641 = arith.addi %scan3A_303, %add3A_640 : i32
      %lt3A_642 = arith.constant 4 : i32
      %lt3A_643 = arith.cmpi slt, %add3A_641, %lt3A_642 : i32
      %convert_element_type3A_644 = arith.extui %lt3A_643 : i1 to i32
      %cond3A_645 = arith.constant 0 : i32
      %cond3A_646 = arith.cmpi ne, %convert_element_type3A_644, %cond3A_645 : i32
      scf.if %cond3A_646 {
        %add3A_823 = arith.constant 1 : i32
        %add3A_824 = arith.addi %scan3A_303, %add3A_823 : i32
        %mul3A_825 = arith.constant 10 : i32
        %mul3A_826 = arith.muli %add3A_824, %mul3A_825 : i32
        %add3A_827 = arith.constant 1 : i32
        %add3A_828 = arith.addi %mul3A_826, %add3A_827 : i32
        %dma_start3A_829 = arith.constant 1 : i32
        %dma_start3A_830 = arith.constant 0 : i32
        %dma_start3A_831 = arith.constant 0 : i32
        %dma_start3A_832 = tpu.memref_slice %arg10[%dma_start3A_829, %dma_start3A_830, %dma_start3A_831] : memref<10x128x32xf32, #tpu.memory_space<vmem>> -> memref<1x128x32xf32, #tpu.memory_space<vmem>>
        %dma_start3A_833 = tpu.memref_squeeze %dma_start3A_832 : memref<1x128x32xf32, #tpu.memory_space<vmem>> -> memref<128x32xf32, #tpu.memory_space<vmem>>
        %dma_start3A_834 = arith.constant 0 : i32
        %dma_start3A_835 = tpu.memref_slice %arg8[%add3A_828, %dma_start3A_834] : memref<40x128xi32, #tpu.memory_space<vmem>> -> memref<1x128xi32, #tpu.memory_space<vmem>>
        %dma_start3A_836 = tpu.memref_squeeze %dma_start3A_835 : memref<1x128xi32, #tpu.memory_space<vmem>> -> memref<128xi32, #tpu.memory_space<vmem>>
        %dma_start3A_837 = arith.constant 0 : i32
        %dma_start3A_838 = arith.constant 0 : i32
        %dma_start3A_839 = tpu.memref_slice %arg12[%dma_start3A_837, %dma_start3A_838] : memref<10112x32xf32, #tpu.memory_space<vmem_shared>> -> memref<10112x32xf32, #tpu.memory_space<vmem_shared>>
        tpu.enqueue_indirect_dma source(%dma_start3A_839 : memref<10112x32xf32, #tpu.memory_space<vmem_shared>>) target(%dma_start3A_833 : memref<128x32xf32, #tpu.memory_space<vmem>>) offsets(%dma_start3A_836 : memref<128xi32, #tpu.memory_space<vmem>>) semaphore(%arg14 : memref<!tpu.dma_semaphore, #tpu.memory_space<semaphore_mem>>)
      } else {
      }
      %dma_wait3A_647 = arith.constant 2 : i32
      %dma_wait3A_648 = arith.constant 0 : i32
      %dma_wait3A_649 = arith.constant 0 : i32
      %dma_wait3A_650 = tpu.memref_slice %arg10[%dma_wait3A_647, %dma_wait3A_648, %dma_wait3A_649] : memref<10x128x32xf32, #tpu.memory_space<vmem>> -> memref<1x128x32xf32, #tpu.memory_space<vmem>>
      %dma_wait3A_651 = tpu.memref_squeeze %dma_wait3A_650 : memref<1x128x32xf32, #tpu.memory_space<vmem>> -> memref<128x32xf32, #tpu.memory_space<vmem>>
      %dma_wait3A_652 = arith.constant 0 : i32
      %dma_wait3A_653 = arith.constant 0 : i32
      %dma_wait3A_654 = tpu.memref_slice %arg11[%dma_wait3A_652, %dma_wait3A_653] : memref<10112x32xf32, #tpu.memory_space<vmem_shared>> -> memref<128x32xf32, #tpu.memory_space<vmem_shared>>
      %dma_wait3A_655 = arith.constant 0 : i32
      %dma_wait3A_656 = arith.constant 0 : i32
      %dma_wait3A_657 = tpu.memref_slice %arg11[%dma_wait3A_655, %dma_wait3A_656] : memref<10112x32xf32, #tpu.memory_space<vmem_shared>> -> memref<128x32xf32, #tpu.memory_space<vmem_shared>>
      %dma_wait3A_658 = arith.constant 0 : i32
      %dma_wait3A_659 = arith.constant 0 : i32
      %dma_wait3A_660 = tpu.memref_slice %arg10[%dma_wait3A_647, %dma_wait3A_658, %dma_wait3A_659] : memref<10x128x32xf32, #tpu.memory_space<vmem>> -> memref<1x128x32xf32, #tpu.memory_space<vmem>>
      %dma_wait3A_661 = tpu.memref_squeeze %dma_wait3A_660 : memref<1x128x32xf32, #tpu.memory_space<vmem>> -> memref<128x32xf32, #tpu.memory_space<vmem>>
      tpu.wait_dma2 semaphore(%arg25 : memref<!tpu.dma_semaphore, #tpu.memory_space<semaphore_mem>>) src(%dma_wait3A_661 : memref<128x32xf32, #tpu.memory_space<vmem>>) dst(%dma_wait3A_657 : memref<128x32xf32, #tpu.memory_space<vmem_shared>>)
      %add3A_662 = arith.constant 1 : i32
      %add3A_663 = arith.addi %scan3A_303, %add3A_662 : i32
      %lt3A_664 = arith.constant 4 : i32
      %lt3A_665 = arith.cmpi slt, %add3A_663, %lt3A_664 : i32
      %convert_element_type3A_666 = arith.extui %lt3A_665 : i1 to i32
      %cond3A_667 = arith.constant 0 : i32
      %cond3A_668 = arith.cmpi ne, %convert_element_type3A_666, %cond3A_667 : i32
      scf.if %cond3A_668 {
        %add3A_823 = arith.constant 1 : i32
        %add3A_824 = arith.addi %scan3A_303, %add3A_823 : i32
        %mul3A_825 = arith.constant 10 : i32
        %mul3A_826 = arith.muli %add3A_824, %mul3A_825 : i32
        %add3A_827 = arith.constant 2 : i32
        %add3A_828 = arith.addi %mul3A_826, %add3A_827 : i32
        %dma_start3A_829 = arith.constant 2 : i32
        %dma_start3A_830 = arith.constant 0 : i32
        %dma_start3A_831 = arith.constant 0 : i32
        %dma_start3A_832 = tpu.memref_slice %arg10[%dma_start3A_829, %dma_start3A_830, %dma_start3A_831] : memref<10x128x32xf32, #tpu.memory_space<vmem>> -> memref<1x128x32xf32, #tpu.memory_space<vmem>>
        %dma_start3A_833 = tpu.memref_squeeze %dma_start3A_832 : memref<1x128x32xf32, #tpu.memory_space<vmem>> -> memref<128x32xf32, #tpu.memory_space<vmem>>
        %dma_start3A_834 = arith.constant 0 : i32
        %dma_start3A_835 = tpu.memref_slice %arg8[%add3A_828, %dma_start3A_834] : memref<40x128xi32, #tpu.memory_space<vmem>> -> memref<1x128xi32, #tpu.memory_space<vmem>>
        %dma_start3A_836 = tpu.memref_squeeze %dma_start3A_835 : memref<1x128xi32, #tpu.memory_space<vmem>> -> memref<128xi32, #tpu.memory_space<vmem>>
        %dma_start3A_837 = arith.constant 0 : i32
        %dma_start3A_838 = arith.constant 0 : i32
        %dma_start3A_839 = tpu.memref_slice %arg12[%dma_start3A_837, %dma_start3A_838] : memref<10112x32xf32, #tpu.memory_space<vmem_shared>> -> memref<10112x32xf32, #tpu.memory_space<vmem_shared>>
        tpu.enqueue_indirect_dma source(%dma_start3A_839 : memref<10112x32xf32, #tpu.memory_space<vmem_shared>>) target(%dma_start3A_833 : memref<128x32xf32, #tpu.memory_space<vmem>>) offsets(%dma_start3A_836 : memref<128xi32, #tpu.memory_space<vmem>>) semaphore(%arg15 : memref<!tpu.dma_semaphore, #tpu.memory_space<semaphore_mem>>)
      } else {
      }
      %dma_wait3A_669 = arith.constant 3 : i32
      %dma_wait3A_670 = arith.constant 0 : i32
      %dma_wait3A_671 = arith.constant 0 : i32
      %dma_wait3A_672 = tpu.memref_slice %arg10[%dma_wait3A_669, %dma_wait3A_670, %dma_wait3A_671] : memref<10x128x32xf32, #tpu.memory_space<vmem>> -> memref<1x128x32xf32, #tpu.memory_space<vmem>>
      %dma_wait3A_673 = tpu.memref_squeeze %dma_wait3A_672 : memref<1x128x32xf32, #tpu.memory_space<vmem>> -> memref<128x32xf32, #tpu.memory_space<vmem>>
      %dma_wait3A_674 = arith.constant 0 : i32
      %dma_wait3A_675 = arith.constant 0 : i32
      %dma_wait3A_676 = tpu.memref_slice %arg11[%dma_wait3A_674, %dma_wait3A_675] : memref<10112x32xf32, #tpu.memory_space<vmem_shared>> -> memref<128x32xf32, #tpu.memory_space<vmem_shared>>
      %dma_wait3A_677 = arith.constant 0 : i32
      %dma_wait3A_678 = arith.constant 0 : i32
      %dma_wait3A_679 = tpu.memref_slice %arg11[%dma_wait3A_677, %dma_wait3A_678] : memref<10112x32xf32, #tpu.memory_space<vmem_shared>> -> memref<128x32xf32, #tpu.memory_space<vmem_shared>>
      %dma_wait3A_680 = arith.constant 0 : i32
      %dma_wait3A_681 = arith.constant 0 : i32
      %dma_wait3A_682 = tpu.memref_slice %arg10[%dma_wait3A_669, %dma_wait3A_680, %dma_wait3A_681] : memref<10x128x32xf32, #tpu.memory_space<vmem>> -> memref<1x128x32xf32, #tpu.memory_space<vmem>>
      %dma_wait3A_683 = tpu.memref_squeeze %dma_wait3A_682 : memref<1x128x32xf32, #tpu.memory_space<vmem>> -> memref<128x32xf32, #tpu.memory_space<vmem>>
      tpu.wait_dma2 semaphore(%arg26 : memref<!tpu.dma_semaphore, #tpu.memory_space<semaphore_mem>>) src(%dma_wait3A_683 : memref<128x32xf32, #tpu.memory_space<vmem>>) dst(%dma_wait3A_679 : memref<128x32xf32, #tpu.memory_space<vmem_shared>>)
      %add3A_684 = arith.constant 1 : i32
      %add3A_685 = arith.addi %scan3A_303, %add3A_684 : i32
      %lt3A_686 = arith.constant 4 : i32
      %lt3A_687 = arith.cmpi slt, %add3A_685, %lt3A_686 : i32
      %convert_element_type3A_688 = arith.extui %lt3A_687 : i1 to i32
      %cond3A_689 = arith.constant 0 : i32
      %cond3A_690 = arith.cmpi ne, %convert_element_type3A_688, %cond3A_689 : i32
      scf.if %cond3A_690 {
        %add3A_823 = arith.constant 1 : i32
        %add3A_824 = arith.addi %scan3A_303, %add3A_823 : i32
        %mul3A_825 = arith.constant 10 : i32
        %mul3A_826 = arith.muli %add3A_824, %mul3A_825 : i32
        %add3A_827 = arith.constant 3 : i32
        %add3A_828 = arith.addi %mul3A_826, %add3A_827 : i32
        %dma_start3A_829 = arith.constant 3 : i32
        %dma_start3A_830 = arith.constant 0 : i32
        %dma_start3A_831 = arith.constant 0 : i32
        %dma_start3A_832 = tpu.memref_slice %arg10[%dma_start3A_829, %dma_start3A_830, %dma_start3A_831] : memref<10x128x32xf32, #tpu.memory_space<vmem>> -> memref<1x128x32xf32, #tpu.memory_space<vmem>>
        %dma_start3A_833 = tpu.memref_squeeze %dma_start3A_832 : memref<1x128x32xf32, #tpu.memory_space<vmem>> -> memref<128x32xf32, #tpu.memory_space<vmem>>
        %dma_start3A_834 = arith.constant 0 : i32
        %dma_start3A_835 = tpu.memref_slice %arg8[%add3A_828, %dma_start3A_834] : memref<40x128xi32, #tpu.memory_space<vmem>> -> memref<1x128xi32, #tpu.memory_space<vmem>>
        %dma_start3A_836 = tpu.memref_squeeze %dma_start3A_835 : memref<1x128xi32, #tpu.memory_space<vmem>> -> memref<128xi32, #tpu.memory_space<vmem>>
        %dma_start3A_837 = arith.constant 0 : i32
        %dma_start3A_838 = arith.constant 0 : i32
        %dma_start3A_839 = tpu.memref_slice %arg12[%dma_start3A_837, %dma_start3A_838] : memref<10112x32xf32, #tpu.memory_space<vmem_shared>> -> memref<10112x32xf32, #tpu.memory_space<vmem_shared>>
        tpu.enqueue_indirect_dma source(%dma_start3A_839 : memref<10112x32xf32, #tpu.memory_space<vmem_shared>>) target(%dma_start3A_833 : memref<128x32xf32, #tpu.memory_space<vmem>>) offsets(%dma_start3A_836 : memref<128xi32, #tpu.memory_space<vmem>>) semaphore(%arg16 : memref<!tpu.dma_semaphore, #tpu.memory_space<semaphore_mem>>)
      } else {
      }
      %dma_wait3A_691 = arith.constant 4 : i32
      %dma_wait3A_692 = arith.constant 0 : i32
      %dma_wait3A_693 = arith.constant 0 : i32
      %dma_wait3A_694 = tpu.memref_slice %arg10[%dma_wait3A_691, %dma_wait3A_692, %dma_wait3A_693] : memref<10x128x32xf32, #tpu.memory_space<vmem>> -> memref<1x128x32xf32, #tpu.memory_space<vmem>>
      %dma_wait3A_695 = tpu.memref_squeeze %dma_wait3A_694 : memref<1x128x32xf32, #tpu.memory_space<vmem>> -> memref<128x32xf32, #tpu.memory_space<vmem>>
      %dma_wait3A_696 = arith.constant 0 : i32
      %dma_wait3A_697 = arith.constant 0 : i32
      %dma_wait3A_698 = tpu.memref_slice %arg11[%dma_wait3A_696, %dma_wait3A_697] : memref<10112x32xf32, #tpu.memory_space<vmem_shared>> -> memref<128x32xf32, #tpu.memory_space<vmem_shared>>
      %dma_wait3A_699 = arith.constant 0 : i32
      %dma_wait3A_700 = arith.constant 0 : i32
      %dma_wait3A_701 = tpu.memref_slice %arg11[%dma_wait3A_699, %dma_wait3A_700] : memref<10112x32xf32, #tpu.memory_space<vmem_shared>> -> memref<128x32xf32, #tpu.memory_space<vmem_shared>>
      %dma_wait3A_702 = arith.constant 0 : i32
      %dma_wait3A_703 = arith.constant 0 : i32
      %dma_wait3A_704 = tpu.memref_slice %arg10[%dma_wait3A_691, %dma_wait3A_702, %dma_wait3A_703] : memref<10x128x32xf32, #tpu.memory_space<vmem>> -> memref<1x128x32xf32, #tpu.memory_space<vmem>>
      %dma_wait3A_705 = tpu.memref_squeeze %dma_wait3A_704 : memref<1x128x32xf32, #tpu.memory_space<vmem>> -> memref<128x32xf32, #tpu.memory_space<vmem>>
      tpu.wait_dma2 semaphore(%arg27 : memref<!tpu.dma_semaphore, #tpu.memory_space<semaphore_mem>>) src(%dma_wait3A_705 : memref<128x32xf32, #tpu.memory_space<vmem>>) dst(%dma_wait3A_701 : memref<128x32xf32, #tpu.memory_space<vmem_shared>>)
      %add3A_706 = arith.constant 1 : i32
      %add3A_707 = arith.addi %scan3A_303, %add3A_706 : i32
      %lt3A_708 = arith.constant 4 : i32
      %lt3A_709 = arith.cmpi slt, %add3A_707, %lt3A_708 : i32
      %convert_element_type3A_710 = arith.extui %lt3A_709 : i1 to i32
      %cond3A_711 = arith.constant 0 : i32
      %cond3A_712 = arith.cmpi ne, %convert_element_type3A_710, %cond3A_711 : i32
      scf.if %cond3A_712 {
        %add3A_823 = arith.constant 1 : i32
        %add3A_824 = arith.addi %scan3A_303, %add3A_823 : i32
        %mul3A_825 = arith.constant 10 : i32
        %mul3A_826 = arith.muli %add3A_824, %mul3A_825 : i32
        %add3A_827 = arith.constant 4 : i32
        %add3A_828 = arith.addi %mul3A_826, %add3A_827 : i32
        %dma_start3A_829 = arith.constant 4 : i32
        %dma_start3A_830 = arith.constant 0 : i32
        %dma_start3A_831 = arith.constant 0 : i32
        %dma_start3A_832 = tpu.memref_slice %arg10[%dma_start3A_829, %dma_start3A_830, %dma_start3A_831] : memref<10x128x32xf32, #tpu.memory_space<vmem>> -> memref<1x128x32xf32, #tpu.memory_space<vmem>>
        %dma_start3A_833 = tpu.memref_squeeze %dma_start3A_832 : memref<1x128x32xf32, #tpu.memory_space<vmem>> -> memref<128x32xf32, #tpu.memory_space<vmem>>
        %dma_start3A_834 = arith.constant 0 : i32
        %dma_start3A_835 = tpu.memref_slice %arg8[%add3A_828, %dma_start3A_834] : memref<40x128xi32, #tpu.memory_space<vmem>> -> memref<1x128xi32, #tpu.memory_space<vmem>>
        %dma_start3A_836 = tpu.memref_squeeze %dma_start3A_835 : memref<1x128xi32, #tpu.memory_space<vmem>> -> memref<128xi32, #tpu.memory_space<vmem>>
        %dma_start3A_837 = arith.constant 0 : i32
        %dma_start3A_838 = arith.constant 0 : i32
        %dma_start3A_839 = tpu.memref_slice %arg12[%dma_start3A_837, %dma_start3A_838] : memref<10112x32xf32, #tpu.memory_space<vmem_shared>> -> memref<10112x32xf32, #tpu.memory_space<vmem_shared>>
        tpu.enqueue_indirect_dma source(%dma_start3A_839 : memref<10112x32xf32, #tpu.memory_space<vmem_shared>>) target(%dma_start3A_833 : memref<128x32xf32, #tpu.memory_space<vmem>>) offsets(%dma_start3A_836 : memref<128xi32, #tpu.memory_space<vmem>>) semaphore(%arg17 : memref<!tpu.dma_semaphore, #tpu.memory_space<semaphore_mem>>)
      } else {
      }
      %dma_wait3A_713 = arith.constant 5 : i32
      %dma_wait3A_714 = arith.constant 0 : i32
      %dma_wait3A_715 = arith.constant 0 : i32
      %dma_wait3A_716 = tpu.memref_slice %arg10[%dma_wait3A_713, %dma_wait3A_714, %dma_wait3A_715] : memref<10x128x32xf32, #tpu.memory_space<vmem>> -> memref<1x128x32xf32, #tpu.memory_space<vmem>>
      %dma_wait3A_717 = tpu.memref_squeeze %dma_wait3A_716 : memref<1x128x32xf32, #tpu.memory_space<vmem>> -> memref<128x32xf32, #tpu.memory_space<vmem>>
      %dma_wait3A_718 = arith.constant 0 : i32
      %dma_wait3A_719 = arith.constant 0 : i32
      %dma_wait3A_720 = tpu.memref_slice %arg11[%dma_wait3A_718, %dma_wait3A_719] : memref<10112x32xf32, #tpu.memory_space<vmem_shared>> -> memref<128x32xf32, #tpu.memory_space<vmem_shared>>
      %dma_wait3A_721 = arith.constant 0 : i32
      %dma_wait3A_722 = arith.constant 0 : i32
      %dma_wait3A_723 = tpu.memref_slice %arg11[%dma_wait3A_721, %dma_wait3A_722] : memref<10112x32xf32, #tpu.memory_space<vmem_shared>> -> memref<128x32xf32, #tpu.memory_space<vmem_shared>>
      %dma_wait3A_724 = arith.constant 0 : i32
      %dma_wait3A_725 = arith.constant 0 : i32
      %dma_wait3A_726 = tpu.memref_slice %arg10[%dma_wait3A_713, %dma_wait3A_724, %dma_wait3A_725] : memref<10x128x32xf32, #tpu.memory_space<vmem>> -> memref<1x128x32xf32, #tpu.memory_space<vmem>>
      %dma_wait3A_727 = tpu.memref_squeeze %dma_wait3A_726 : memref<1x128x32xf32, #tpu.memory_space<vmem>> -> memref<128x32xf32, #tpu.memory_space<vmem>>
      tpu.wait_dma2 semaphore(%arg28 : memref<!tpu.dma_semaphore, #tpu.memory_space<semaphore_mem>>) src(%dma_wait3A_727 : memref<128x32xf32, #tpu.memory_space<vmem>>) dst(%dma_wait3A_723 : memref<128x32xf32, #tpu.memory_space<vmem_shared>>)
      %add3A_728 = arith.constant 1 : i32
      %add3A_729 = arith.addi %scan3A_303, %add3A_728 : i32
      %lt3A_730 = arith.constant 4 : i32
      %lt3A_731 = arith.cmpi slt, %add3A_729, %lt3A_730 : i32
      %convert_element_type3A_732 = arith.extui %lt3A_731 : i1 to i32
      %cond3A_733 = arith.constant 0 : i32
      %cond3A_734 = arith.cmpi ne, %convert_element_type3A_732, %cond3A_733 : i32
      scf.if %cond3A_734 {
        %add3A_823 = arith.constant 1 : i32
        %add3A_824 = arith.addi %scan3A_303, %add3A_823 : i32
        %mul3A_825 = arith.constant 10 : i32
        %mul3A_826 = arith.muli %add3A_824, %mul3A_825 : i32
        %add3A_827 = arith.constant 5 : i32
        %add3A_828 = arith.addi %mul3A_826, %add3A_827 : i32
        %dma_start3A_829 = arith.constant 5 : i32
        %dma_start3A_830 = arith.constant 0 : i32
        %dma_start3A_831 = arith.constant 0 : i32
        %dma_start3A_832 = tpu.memref_slice %arg10[%dma_start3A_829, %dma_start3A_830, %dma_start3A_831] : memref<10x128x32xf32, #tpu.memory_space<vmem>> -> memref<1x128x32xf32, #tpu.memory_space<vmem>>
        %dma_start3A_833 = tpu.memref_squeeze %dma_start3A_832 : memref<1x128x32xf32, #tpu.memory_space<vmem>> -> memref<128x32xf32, #tpu.memory_space<vmem>>
        %dma_start3A_834 = arith.constant 0 : i32
        %dma_start3A_835 = tpu.memref_slice %arg8[%add3A_828, %dma_start3A_834] : memref<40x128xi32, #tpu.memory_space<vmem>> -> memref<1x128xi32, #tpu.memory_space<vmem>>
        %dma_start3A_836 = tpu.memref_squeeze %dma_start3A_835 : memref<1x128xi32, #tpu.memory_space<vmem>> -> memref<128xi32, #tpu.memory_space<vmem>>
        %dma_start3A_837 = arith.constant 0 : i32
        %dma_start3A_838 = arith.constant 0 : i32
        %dma_start3A_839 = tpu.memref_slice %arg12[%dma_start3A_837, %dma_start3A_838] : memref<10112x32xf32, #tpu.memory_space<vmem_shared>> -> memref<10112x32xf32, #tpu.memory_space<vmem_shared>>
        tpu.enqueue_indirect_dma source(%dma_start3A_839 : memref<10112x32xf32, #tpu.memory_space<vmem_shared>>) target(%dma_start3A_833 : memref<128x32xf32, #tpu.memory_space<vmem>>) offsets(%dma_start3A_836 : memref<128xi32, #tpu.memory_space<vmem>>) semaphore(%arg18 : memref<!tpu.dma_semaphore, #tpu.memory_space<semaphore_mem>>)
      } else {
      }
      %dma_wait3A_735 = arith.constant 6 : i32
      %dma_wait3A_736 = arith.constant 0 : i32
      %dma_wait3A_737 = arith.constant 0 : i32
      %dma_wait3A_738 = tpu.memref_slice %arg10[%dma_wait3A_735, %dma_wait3A_736, %dma_wait3A_737] : memref<10x128x32xf32, #tpu.memory_space<vmem>> -> memref<1x128x32xf32, #tpu.memory_space<vmem>>
      %dma_wait3A_739 = tpu.memref_squeeze %dma_wait3A_738 : memref<1x128x32xf32, #tpu.memory_space<vmem>> -> memref<128x32xf32, #tpu.memory_space<vmem>>
      %dma_wait3A_740 = arith.constant 0 : i32
      %dma_wait3A_741 = arith.constant 0 : i32
      %dma_wait3A_742 = tpu.memref_slice %arg11[%dma_wait3A_740, %dma_wait3A_741] : memref<10112x32xf32, #tpu.memory_space<vmem_shared>> -> memref<128x32xf32, #tpu.memory_space<vmem_shared>>
      %dma_wait3A_743 = arith.constant 0 : i32
      %dma_wait3A_744 = arith.constant 0 : i32
      %dma_wait3A_745 = tpu.memref_slice %arg11[%dma_wait3A_743, %dma_wait3A_744] : memref<10112x32xf32, #tpu.memory_space<vmem_shared>> -> memref<128x32xf32, #tpu.memory_space<vmem_shared>>
      %dma_wait3A_746 = arith.constant 0 : i32
      %dma_wait3A_747 = arith.constant 0 : i32
      %dma_wait3A_748 = tpu.memref_slice %arg10[%dma_wait3A_735, %dma_wait3A_746, %dma_wait3A_747] : memref<10x128x32xf32, #tpu.memory_space<vmem>> -> memref<1x128x32xf32, #tpu.memory_space<vmem>>
      %dma_wait3A_749 = tpu.memref_squeeze %dma_wait3A_748 : memref<1x128x32xf32, #tpu.memory_space<vmem>> -> memref<128x32xf32, #tpu.memory_space<vmem>>
      tpu.wait_dma2 semaphore(%arg29 : memref<!tpu.dma_semaphore, #tpu.memory_space<semaphore_mem>>) src(%dma_wait3A_749 : memref<128x32xf32, #tpu.memory_space<vmem>>) dst(%dma_wait3A_745 : memref<128x32xf32, #tpu.memory_space<vmem_shared>>)
      %add3A_750 = arith.constant 1 : i32
      %add3A_751 = arith.addi %scan3A_303, %add3A_750 : i32
      %lt3A_752 = arith.constant 4 : i32
      %lt3A_753 = arith.cmpi slt, %add3A_751, %lt3A_752 : i32
      %convert_element_type3A_754 = arith.extui %lt3A_753 : i1 to i32
      %cond3A_755 = arith.constant 0 : i32
      %cond3A_756 = arith.cmpi ne, %convert_element_type3A_754, %cond3A_755 : i32
      scf.if %cond3A_756 {
        %add3A_823 = arith.constant 1 : i32
        %add3A_824 = arith.addi %scan3A_303, %add3A_823 : i32
        %mul3A_825 = arith.constant 10 : i32
        %mul3A_826 = arith.muli %add3A_824, %mul3A_825 : i32
        %add3A_827 = arith.constant 6 : i32
        %add3A_828 = arith.addi %mul3A_826, %add3A_827 : i32
        %dma_start3A_829 = arith.constant 6 : i32
        %dma_start3A_830 = arith.constant 0 : i32
        %dma_start3A_831 = arith.constant 0 : i32
        %dma_start3A_832 = tpu.memref_slice %arg10[%dma_start3A_829, %dma_start3A_830, %dma_start3A_831] : memref<10x128x32xf32, #tpu.memory_space<vmem>> -> memref<1x128x32xf32, #tpu.memory_space<vmem>>
        %dma_start3A_833 = tpu.memref_squeeze %dma_start3A_832 : memref<1x128x32xf32, #tpu.memory_space<vmem>> -> memref<128x32xf32, #tpu.memory_space<vmem>>
        %dma_start3A_834 = arith.constant 0 : i32
        %dma_start3A_835 = tpu.memref_slice %arg8[%add3A_828, %dma_start3A_834] : memref<40x128xi32, #tpu.memory_space<vmem>> -> memref<1x128xi32, #tpu.memory_space<vmem>>
        %dma_start3A_836 = tpu.memref_squeeze %dma_start3A_835 : memref<1x128xi32, #tpu.memory_space<vmem>> -> memref<128xi32, #tpu.memory_space<vmem>>
        %dma_start3A_837 = arith.constant 0 : i32
        %dma_start3A_838 = arith.constant 0 : i32
        %dma_start3A_839 = tpu.memref_slice %arg12[%dma_start3A_837, %dma_start3A_838] : memref<10112x32xf32, #tpu.memory_space<vmem_shared>> -> memref<10112x32xf32, #tpu.memory_space<vmem_shared>>
        tpu.enqueue_indirect_dma source(%dma_start3A_839 : memref<10112x32xf32, #tpu.memory_space<vmem_shared>>) target(%dma_start3A_833 : memref<128x32xf32, #tpu.memory_space<vmem>>) offsets(%dma_start3A_836 : memref<128xi32, #tpu.memory_space<vmem>>) semaphore(%arg19 : memref<!tpu.dma_semaphore, #tpu.memory_space<semaphore_mem>>)
      } else {
      }
      %dma_wait3A_757 = arith.constant 7 : i32
      %dma_wait3A_758 = arith.constant 0 : i32
      %dma_wait3A_759 = arith.constant 0 : i32
      %dma_wait3A_760 = tpu.memref_slice %arg10[%dma_wait3A_757, %dma_wait3A_758, %dma_wait3A_759] : memref<10x128x32xf32, #tpu.memory_space<vmem>> -> memref<1x128x32xf32, #tpu.memory_space<vmem>>
      %dma_wait3A_761 = tpu.memref_squeeze %dma_wait3A_760 : memref<1x128x32xf32, #tpu.memory_space<vmem>> -> memref<128x32xf32, #tpu.memory_space<vmem>>
      %dma_wait3A_762 = arith.constant 0 : i32
      %dma_wait3A_763 = arith.constant 0 : i32
      %dma_wait3A_764 = tpu.memref_slice %arg11[%dma_wait3A_762, %dma_wait3A_763] : memref<10112x32xf32, #tpu.memory_space<vmem_shared>> -> memref<128x32xf32, #tpu.memory_space<vmem_shared>>
      %dma_wait3A_765 = arith.constant 0 : i32
      %dma_wait3A_766 = arith.constant 0 : i32
      %dma_wait3A_767 = tpu.memref_slice %arg11[%dma_wait3A_765, %dma_wait3A_766] : memref<10112x32xf32, #tpu.memory_space<vmem_shared>> -> memref<128x32xf32, #tpu.memory_space<vmem_shared>>
      %dma_wait3A_768 = arith.constant 0 : i32
      %dma_wait3A_769 = arith.constant 0 : i32
      %dma_wait3A_770 = tpu.memref_slice %arg10[%dma_wait3A_757, %dma_wait3A_768, %dma_wait3A_769] : memref<10x128x32xf32, #tpu.memory_space<vmem>> -> memref<1x128x32xf32, #tpu.memory_space<vmem>>
      %dma_wait3A_771 = tpu.memref_squeeze %dma_wait3A_770 : memref<1x128x32xf32, #tpu.memory_space<vmem>> -> memref<128x32xf32, #tpu.memory_space<vmem>>
      tpu.wait_dma2 semaphore(%arg30 : memref<!tpu.dma_semaphore, #tpu.memory_space<semaphore_mem>>) src(%dma_wait3A_771 : memref<128x32xf32, #tpu.memory_space<vmem>>) dst(%dma_wait3A_767 : memref<128x32xf32, #tpu.memory_space<vmem_shared>>)
      %add3A_772 = arith.constant 1 : i32
      %add3A_773 = arith.addi %scan3A_303, %add3A_772 : i32
      %lt3A_774 = arith.constant 4 : i32
      %lt3A_775 = arith.cmpi slt, %add3A_773, %lt3A_774 : i32
      %convert_element_type3A_776 = arith.extui %lt3A_775 : i1 to i32
      %cond3A_777 = arith.constant 0 : i32
      %cond3A_778 = arith.cmpi ne, %convert_element_type3A_776, %cond3A_777 : i32
      scf.if %cond3A_778 {
        %add3A_823 = arith.constant 1 : i32
        %add3A_824 = arith.addi %scan3A_303, %add3A_823 : i32
        %mul3A_825 = arith.constant 10 : i32
        %mul3A_826 = arith.muli %add3A_824, %mul3A_825 : i32
        %add3A_827 = arith.constant 7 : i32
        %add3A_828 = arith.addi %mul3A_826, %add3A_827 : i32
        %dma_start3A_829 = arith.constant 7 : i32
        %dma_start3A_830 = arith.constant 0 : i32
        %dma_start3A_831 = arith.constant 0 : i32
        %dma_start3A_832 = tpu.memref_slice %arg10[%dma_start3A_829, %dma_start3A_830, %dma_start3A_831] : memref<10x128x32xf32, #tpu.memory_space<vmem>> -> memref<1x128x32xf32, #tpu.memory_space<vmem>>
        %dma_start3A_833 = tpu.memref_squeeze %dma_start3A_832 : memref<1x128x32xf32, #tpu.memory_space<vmem>> -> memref<128x32xf32, #tpu.memory_space<vmem>>
        %dma_start3A_834 = arith.constant 0 : i32
        %dma_start3A_835 = tpu.memref_slice %arg8[%add3A_828, %dma_start3A_834] : memref<40x128xi32, #tpu.memory_space<vmem>> -> memref<1x128xi32, #tpu.memory_space<vmem>>
        %dma_start3A_836 = tpu.memref_squeeze %dma_start3A_835 : memref<1x128xi32, #tpu.memory_space<vmem>> -> memref<128xi32, #tpu.memory_space<vmem>>
        %dma_start3A_837 = arith.constant 0 : i32
        %dma_start3A_838 = arith.constant 0 : i32
        %dma_start3A_839 = tpu.memref_slice %arg12[%dma_start3A_837, %dma_start3A_838] : memref<10112x32xf32, #tpu.memory_space<vmem_shared>> -> memref<10112x32xf32, #tpu.memory_space<vmem_shared>>
        tpu.enqueue_indirect_dma source(%dma_start3A_839 : memref<10112x32xf32, #tpu.memory_space<vmem_shared>>) target(%dma_start3A_833 : memref<128x32xf32, #tpu.memory_space<vmem>>) offsets(%dma_start3A_836 : memref<128xi32, #tpu.memory_space<vmem>>) semaphore(%arg20 : memref<!tpu.dma_semaphore, #tpu.memory_space<semaphore_mem>>)
      } else {
      }
      %dma_wait3A_779 = arith.constant 8 : i32
      %dma_wait3A_780 = arith.constant 0 : i32
      %dma_wait3A_781 = arith.constant 0 : i32
      %dma_wait3A_782 = tpu.memref_slice %arg10[%dma_wait3A_779, %dma_wait3A_780, %dma_wait3A_781] : memref<10x128x32xf32, #tpu.memory_space<vmem>> -> memref<1x128x32xf32, #tpu.memory_space<vmem>>
      %dma_wait3A_783 = tpu.memref_squeeze %dma_wait3A_782 : memref<1x128x32xf32, #tpu.memory_space<vmem>> -> memref<128x32xf32, #tpu.memory_space<vmem>>
      %dma_wait3A_784 = arith.constant 0 : i32
      %dma_wait3A_785 = arith.constant 0 : i32
      %dma_wait3A_786 = tpu.memref_slice %arg11[%dma_wait3A_784, %dma_wait3A_785] : memref<10112x32xf32, #tpu.memory_space<vmem_shared>> -> memref<128x32xf32, #tpu.memory_space<vmem_shared>>
      %dma_wait3A_787 = arith.constant 0 : i32
      %dma_wait3A_788 = arith.constant 0 : i32
      %dma_wait3A_789 = tpu.memref_slice %arg11[%dma_wait3A_787, %dma_wait3A_788] : memref<10112x32xf32, #tpu.memory_space<vmem_shared>> -> memref<128x32xf32, #tpu.memory_space<vmem_shared>>
      %dma_wait3A_790 = arith.constant 0 : i32
      %dma_wait3A_791 = arith.constant 0 : i32
      %dma_wait3A_792 = tpu.memref_slice %arg10[%dma_wait3A_779, %dma_wait3A_790, %dma_wait3A_791] : memref<10x128x32xf32, #tpu.memory_space<vmem>> -> memref<1x128x32xf32, #tpu.memory_space<vmem>>
      %dma_wait3A_793 = tpu.memref_squeeze %dma_wait3A_792 : memref<1x128x32xf32, #tpu.memory_space<vmem>> -> memref<128x32xf32, #tpu.memory_space<vmem>>
      tpu.wait_dma2 semaphore(%arg31 : memref<!tpu.dma_semaphore, #tpu.memory_space<semaphore_mem>>) src(%dma_wait3A_793 : memref<128x32xf32, #tpu.memory_space<vmem>>) dst(%dma_wait3A_789 : memref<128x32xf32, #tpu.memory_space<vmem_shared>>)
      %add3A_794 = arith.constant 1 : i32
      %add3A_795 = arith.addi %scan3A_303, %add3A_794 : i32
      %lt3A_796 = arith.constant 4 : i32
      %lt3A_797 = arith.cmpi slt, %add3A_795, %lt3A_796 : i32
      %convert_element_type3A_798 = arith.extui %lt3A_797 : i1 to i32
      %cond3A_799 = arith.constant 0 : i32
      %cond3A_800 = arith.cmpi ne, %convert_element_type3A_798, %cond3A_799 : i32
      scf.if %cond3A_800 {
        %add3A_823 = arith.constant 1 : i32
        %add3A_824 = arith.addi %scan3A_303, %add3A_823 : i32
        %mul3A_825 = arith.constant 10 : i32
        %mul3A_826 = arith.muli %add3A_824, %mul3A_825 : i32
        %add3A_827 = arith.constant 8 : i32
        %add3A_828 = arith.addi %mul3A_826, %add3A_827 : i32
        %dma_start3A_829 = arith.constant 8 : i32
        %dma_start3A_830 = arith.constant 0 : i32
        %dma_start3A_831 = arith.constant 0 : i32
        %dma_start3A_832 = tpu.memref_slice %arg10[%dma_start3A_829, %dma_start3A_830, %dma_start3A_831] : memref<10x128x32xf32, #tpu.memory_space<vmem>> -> memref<1x128x32xf32, #tpu.memory_space<vmem>>
        %dma_start3A_833 = tpu.memref_squeeze %dma_start3A_832 : memref<1x128x32xf32, #tpu.memory_space<vmem>> -> memref<128x32xf32, #tpu.memory_space<vmem>>
        %dma_start3A_834 = arith.constant 0 : i32
        %dma_start3A_835 = tpu.memref_slice %arg8[%add3A_828, %dma_start3A_834] : memref<40x128xi32, #tpu.memory_space<vmem>> -> memref<1x128xi32, #tpu.memory_space<vmem>>
        %dma_start3A_836 = tpu.memref_squeeze %dma_start3A_835 : memref<1x128xi32, #tpu.memory_space<vmem>> -> memref<128xi32, #tpu.memory_space<vmem>>
        %dma_start3A_837 = arith.constant 0 : i32
        %dma_start3A_838 = arith.constant 0 : i32
        %dma_start3A_839 = tpu.memref_slice %arg12[%dma_start3A_837, %dma_start3A_838] : memref<10112x32xf32, #tpu.memory_space<vmem_shared>> -> memref<10112x32xf32, #tpu.memory_space<vmem_shared>>
        tpu.enqueue_indirect_dma source(%dma_start3A_839 : memref<10112x32xf32, #tpu.memory_space<vmem_shared>>) target(%dma_start3A_833 : memref<128x32xf32, #tpu.memory_space<vmem>>) offsets(%dma_start3A_836 : memref<128xi32, #tpu.memory_space<vmem>>) semaphore(%arg21 : memref<!tpu.dma_semaphore, #tpu.memory_space<semaphore_mem>>)
      } else {
      }
      %dma_wait3A_801 = arith.constant 9 : i32
      %dma_wait3A_802 = arith.constant 0 : i32
      %dma_wait3A_803 = arith.constant 0 : i32
      %dma_wait3A_804 = tpu.memref_slice %arg10[%dma_wait3A_801, %dma_wait3A_802, %dma_wait3A_803] : memref<10x128x32xf32, #tpu.memory_space<vmem>> -> memref<1x128x32xf32, #tpu.memory_space<vmem>>
      %dma_wait3A_805 = tpu.memref_squeeze %dma_wait3A_804 : memref<1x128x32xf32, #tpu.memory_space<vmem>> -> memref<128x32xf32, #tpu.memory_space<vmem>>
      %dma_wait3A_806 = arith.constant 0 : i32
      %dma_wait3A_807 = arith.constant 0 : i32
      %dma_wait3A_808 = tpu.memref_slice %arg11[%dma_wait3A_806, %dma_wait3A_807] : memref<10112x32xf32, #tpu.memory_space<vmem_shared>> -> memref<128x32xf32, #tpu.memory_space<vmem_shared>>
      %dma_wait3A_809 = arith.constant 0 : i32
      %dma_wait3A_810 = arith.constant 0 : i32
      %dma_wait3A_811 = tpu.memref_slice %arg11[%dma_wait3A_809, %dma_wait3A_810] : memref<10112x32xf32, #tpu.memory_space<vmem_shared>> -> memref<128x32xf32, #tpu.memory_space<vmem_shared>>
      %dma_wait3A_812 = arith.constant 0 : i32
      %dma_wait3A_813 = arith.constant 0 : i32
      %dma_wait3A_814 = tpu.memref_slice %arg10[%dma_wait3A_801, %dma_wait3A_812, %dma_wait3A_813] : memref<10x128x32xf32, #tpu.memory_space<vmem>> -> memref<1x128x32xf32, #tpu.memory_space<vmem>>
      %dma_wait3A_815 = tpu.memref_squeeze %dma_wait3A_814 : memref<1x128x32xf32, #tpu.memory_space<vmem>> -> memref<128x32xf32, #tpu.memory_space<vmem>>
      tpu.wait_dma2 semaphore(%arg32 : memref<!tpu.dma_semaphore, #tpu.memory_space<semaphore_mem>>) src(%dma_wait3A_815 : memref<128x32xf32, #tpu.memory_space<vmem>>) dst(%dma_wait3A_811 : memref<128x32xf32, #tpu.memory_space<vmem_shared>>)
      %add3A_816 = arith.constant 1 : i32
      %add3A_817 = arith.addi %scan3A_303, %add3A_816 : i32
      %lt3A_818 = arith.constant 4 : i32
      %lt3A_819 = arith.cmpi slt, %add3A_817, %lt3A_818 : i32
      %convert_element_type3A_820 = arith.extui %lt3A_819 : i1 to i32
      %cond3A_821 = arith.constant 0 : i32
      %cond3A_822 = arith.cmpi ne, %convert_element_type3A_820, %cond3A_821 : i32
      scf.if %cond3A_822 {
        %add3A_823 = arith.constant 1 : i32
        %add3A_824 = arith.addi %scan3A_303, %add3A_823 : i32
        %mul3A_825 = arith.constant 10 : i32
        %mul3A_826 = arith.muli %add3A_824, %mul3A_825 : i32
        %add3A_827 = arith.constant 9 : i32
        %add3A_828 = arith.addi %mul3A_826, %add3A_827 : i32
        %dma_start3A_829 = arith.constant 9 : i32
        %dma_start3A_830 = arith.constant 0 : i32
        %dma_start3A_831 = arith.constant 0 : i32
        %dma_start3A_832 = tpu.memref_slice %arg10[%dma_start3A_829, %dma_start3A_830, %dma_start3A_831] : memref<10x128x32xf32, #tpu.memory_space<vmem>> -> memref<1x128x32xf32, #tpu.memory_space<vmem>>
        %dma_start3A_833 = tpu.memref_squeeze %dma_start3A_832 : memref<1x128x32xf32, #tpu.memory_space<vmem>> -> memref<128x32xf32, #tpu.memory_space<vmem>>
        %dma_start3A_834 = arith.constant 0 : i32
        %dma_start3A_835 = tpu.memref_slice %arg8[%add3A_828, %dma_start3A_834] : memref<40x128xi32, #tpu.memory_space<vmem>> -> memref<1x128xi32, #tpu.memory_space<vmem>>
        %dma_start3A_836 = tpu.memref_squeeze %dma_start3A_835 : memref<1x128xi32, #tpu.memory_space<vmem>> -> memref<128xi32, #tpu.memory_space<vmem>>
        %dma_start3A_837 = arith.constant 0 : i32
        %dma_start3A_838 = arith.constant 0 : i32
        %dma_start3A_839 = tpu.memref_slice %arg12[%dma_start3A_837, %dma_start3A_838] : memref<10112x32xf32, #tpu.memory_space<vmem_shared>> -> memref<10112x32xf32, #tpu.memory_space<vmem_shared>>
        tpu.enqueue_indirect_dma source(%dma_start3A_839 : memref<10112x32xf32, #tpu.memory_space<vmem_shared>>) target(%dma_start3A_833 : memref<128x32xf32, #tpu.memory_space<vmem>>) offsets(%dma_start3A_836 : memref<128xi32, #tpu.memory_space<vmem>>) semaphore(%arg22 : memref<!tpu.dma_semaphore, #tpu.memory_space<semaphore_mem>>)
      } else {
      }
    }
    %scan3A_142 = arith.constant 4 : i32
    %barrier3A_143 = arith.constant 0 : index
    tpu.barrier barrier_id(%barrier3A_143)
    %mul3A_144 = arith.constant 632 : i32
    %mul3A_145 = arith.muli %arg1, %mul3A_144 : i32
    %mul3A_146 = arith.constant 632 : i32
    %mul3A_147 = arith.muli %arg1, %mul3A_146 : i32
    %run_scoped3A = arith.constant 0 : i32
    "tpu.region"() ({
      %run_scoped3A_303 = tpu.sem_alloc : memref<!tpu.dma_semaphore, #tpu.memory_space<semaphore_mem>>
      %dma_start3A_304 = arith.constant 0 : i32
      %dma_start3A_305 = tpu.memref_slice %arg7[%run_scoped3A, %arg0, %mul3A_147, %dma_start3A_304] : memref<2x2x10112x32xf32, #tpu.memory_space<hbm>> -> memref<1x1x632x32xf32, #tpu.memory_space<hbm>>
      %dma_start3A_306 = tpu.memref_squeeze %dma_start3A_305 : memref<1x1x632x32xf32, #tpu.memory_space<hbm>> -> memref<632x32xf32, #tpu.memory_space<hbm>>
      %dma_start3A_307 = arith.constant 0 : i32
      %dma_start3A_308 = tpu.memref_slice %arg11[%mul3A_145, %dma_start3A_307] : memref<10112x32xf32, #tpu.memory_space<vmem_shared>> -> memref<632x32xf32, #tpu.memory_space<vmem_shared>>
      tpu.enqueue_dma source(%dma_start3A_308 : memref<632x32xf32, #tpu.memory_space<vmem_shared>>) target(%dma_start3A_306 : memref<632x32xf32, #tpu.memory_space<hbm>>) target_semaphore(%run_scoped3A_303 : memref<!tpu.dma_semaphore, #tpu.memory_space<semaphore_mem>>)
      %dma_wait3A = arith.constant 0 : i32
      %dma_wait3A_309 = tpu.memref_slice %arg7[%run_scoped3A, %arg0, %mul3A_147, %dma_wait3A] : memref<2x2x10112x32xf32, #tpu.memory_space<hbm>> -> memref<1x1x632x32xf32, #tpu.memory_space<hbm>>
      %dma_wait3A_310 = tpu.memref_squeeze %dma_wait3A_309 : memref<1x1x632x32xf32, #tpu.memory_space<hbm>> -> memref<632x32xf32, #tpu.memory_space<hbm>>
      %dma_wait3A_311 = arith.constant 0 : i32
      %dma_wait3A_312 = tpu.memref_slice %arg11[%mul3A_145, %dma_wait3A_311] : memref<10112x32xf32, #tpu.memory_space<vmem_shared>> -> memref<632x32xf32, #tpu.memory_space<vmem_shared>>
      tpu.wait_dma2 semaphore(%run_scoped3A_303 : memref<!tpu.dma_semaphore, #tpu.memory_space<semaphore_mem>>) src(%dma_wait3A_312 : memref<632x32xf32, #tpu.memory_space<vmem_shared>>) dst(%dma_wait3A_310 : memref<632x32xf32, #tpu.memory_space<hbm>>)
      tpu.yield
    }) : () -> ()
    %mul3A_148 = arith.constant 632 : i32
    %mul3A_149 = arith.muli %arg1, %mul3A_148 : i32
    %add3A_150 = arith.constant 0 : i32
    %add3A_151 = arith.addi %mul3A_149, %add3A_150 : i32
    "tpu.region"() ({
      %run_scoped3A_303 = tpu.sem_alloc : memref<!tpu.dma_semaphore, #tpu.memory_space<semaphore_mem>>
      %dma_start3A_304 = arith.constant 0 : i32
      %dma_start3A_305 = tpu.memref_slice %arg11[%add3A_151, %dma_start3A_304] : memref<10112x32xf32, #tpu.memory_space<vmem_shared>> -> memref<128x32xf32, #tpu.memory_space<vmem_shared>>
      tpu.enqueue_dma source(%arg6 : memref<128x32xf32, #tpu.memory_space<hbm>>) target(%dma_start3A_305 : memref<128x32xf32, #tpu.memory_space<vmem_shared>>) target_semaphore(%run_scoped3A_303 : memref<!tpu.dma_semaphore, #tpu.memory_space<semaphore_mem>>)
      %dma_wait3A = arith.constant 0 : i32
      %dma_wait3A_306 = tpu.memref_slice %arg11[%add3A_151, %dma_wait3A] : memref<10112x32xf32, #tpu.memory_space<vmem_shared>> -> memref<128x32xf32, #tpu.memory_space<vmem_shared>>
      tpu.wait_dma2 semaphore(%run_scoped3A_303 : memref<!tpu.dma_semaphore, #tpu.memory_space<semaphore_mem>>) src(%arg6 : memref<128x32xf32, #tpu.memory_space<hbm>>) dst(%dma_wait3A_306 : memref<128x32xf32, #tpu.memory_space<vmem_shared>>)
      tpu.yield
    }) : () -> ()
    %add3A_152 = arith.constant 128 : i32
    %add3A_153 = arith.addi %mul3A_149, %add3A_152 : i32
    "tpu.region"() ({
      %run_scoped3A_303 = tpu.sem_alloc : memref<!tpu.dma_semaphore, #tpu.memory_space<semaphore_mem>>
      %dma_start3A_304 = arith.constant 0 : i32
      %dma_start3A_305 = tpu.memref_slice %arg11[%add3A_153, %dma_start3A_304] : memref<10112x32xf32, #tpu.memory_space<vmem_shared>> -> memref<128x32xf32, #tpu.memory_space<vmem_shared>>
      tpu.enqueue_dma source(%arg6 : memref<128x32xf32, #tpu.memory_space<hbm>>) target(%dma_start3A_305 : memref<128x32xf32, #tpu.memory_space<vmem_shared>>) target_semaphore(%run_scoped3A_303 : memref<!tpu.dma_semaphore, #tpu.memory_space<semaphore_mem>>)
      %dma_wait3A = arith.constant 0 : i32
      %dma_wait3A_306 = tpu.memref_slice %arg11[%add3A_153, %dma_wait3A] : memref<10112x32xf32, #tpu.memory_space<vmem_shared>> -> memref<128x32xf32, #tpu.memory_space<vmem_shared>>
      tpu.wait_dma2 semaphore(%run_scoped3A_303 : memref<!tpu.dma_semaphore, #tpu.memory_space<semaphore_mem>>) src(%arg6 : memref<128x32xf32, #tpu.memory_space<hbm>>) dst(%dma_wait3A_306 : memref<128x32xf32, #tpu.memory_space<vmem_shared>>)
      tpu.yield
    }) : () -> ()
    %add3A_154 = arith.constant 256 : i32
    %add3A_155 = arith.addi %mul3A_149, %add3A_154 : i32
    "tpu.region"() ({
      %run_scoped3A_303 = tpu.sem_alloc : memref<!tpu.dma_semaphore, #tpu.memory_space<semaphore_mem>>
      %dma_start3A_304 = arith.constant 0 : i32
      %dma_start3A_305 = tpu.memref_slice %arg11[%add3A_155, %dma_start3A_304] : memref<10112x32xf32, #tpu.memory_space<vmem_shared>> -> memref<128x32xf32, #tpu.memory_space<vmem_shared>>
      tpu.enqueue_dma source(%arg6 : memref<128x32xf32, #tpu.memory_space<hbm>>) target(%dma_start3A_305 : memref<128x32xf32, #tpu.memory_space<vmem_shared>>) target_semaphore(%run_scoped3A_303 : memref<!tpu.dma_semaphore, #tpu.memory_space<semaphore_mem>>)
      %dma_wait3A = arith.constant 0 : i32
      %dma_wait3A_306 = tpu.memref_slice %arg11[%add3A_155, %dma_wait3A] : memref<10112x32xf32, #tpu.memory_space<vmem_shared>> -> memref<128x32xf32, #tpu.memory_space<vmem_shared>>
      tpu.wait_dma2 semaphore(%run_scoped3A_303 : memref<!tpu.dma_semaphore, #tpu.memory_space<semaphore_mem>>) src(%arg6 : memref<128x32xf32, #tpu.memory_space<hbm>>) dst(%dma_wait3A_306 : memref<128x32xf32, #tpu.memory_space<vmem_shared>>)
      tpu.yield
    }) : () -> ()
    %add3A_156 = arith.constant 384 : i32
    %add3A_157 = arith.addi %mul3A_149, %add3A_156 : i32
    "tpu.region"() ({
      %run_scoped3A_303 = tpu.sem_alloc : memref<!tpu.dma_semaphore, #tpu.memory_space<semaphore_mem>>
      %dma_start3A_304 = arith.constant 0 : i32
      %dma_start3A_305 = tpu.memref_slice %arg11[%add3A_157, %dma_start3A_304] : memref<10112x32xf32, #tpu.memory_space<vmem_shared>> -> memref<128x32xf32, #tpu.memory_space<vmem_shared>>
      tpu.enqueue_dma source(%arg6 : memref<128x32xf32, #tpu.memory_space<hbm>>) target(%dma_start3A_305 : memref<128x32xf32, #tpu.memory_space<vmem_shared>>) target_semaphore(%run_scoped3A_303 : memref<!tpu.dma_semaphore, #tpu.memory_space<semaphore_mem>>)
      %dma_wait3A = arith.constant 0 : i32
      %dma_wait3A_306 = tpu.memref_slice %arg11[%add3A_157, %dma_wait3A] : memref<10112x32xf32, #tpu.memory_space<vmem_shared>> -> memref<128x32xf32, #tpu.memory_space<vmem_shared>>
      tpu.wait_dma2 semaphore(%run_scoped3A_303 : memref<!tpu.dma_semaphore, #tpu.memory_space<semaphore_mem>>) src(%arg6 : memref<128x32xf32, #tpu.memory_space<hbm>>) dst(%dma_wait3A_306 : memref<128x32xf32, #tpu.memory_space<vmem_shared>>)
      tpu.yield
    }) : () -> ()
    %add3A_158 = arith.constant 512 : i32
    %add3A_159 = arith.addi %mul3A_149, %add3A_158 : i32
    "tpu.region"() ({
      %run_scoped3A_303 = tpu.sem_alloc : memref<!tpu.dma_semaphore, #tpu.memory_space<semaphore_mem>>
      %dma_start3A_304 = arith.constant 0 : i32
      %dma_start3A_305 = tpu.memref_slice %arg11[%add3A_159, %dma_start3A_304] : memref<10112x32xf32, #tpu.memory_space<vmem_shared>> -> memref<120x32xf32, #tpu.memory_space<vmem_shared>>
      %dma_start3A_306 = arith.constant 0 : i32
      %dma_start3A_307 = arith.constant 0 : i32
      %dma_start3A_308 = tpu.memref_slice %arg6[%dma_start3A_306, %dma_start3A_307] : memref<128x32xf32, #tpu.memory_space<hbm>> -> memref<120x32xf32, #tpu.memory_space<hbm>>
      tpu.enqueue_dma source(%dma_start3A_308 : memref<120x32xf32, #tpu.memory_space<hbm>>) target(%dma_start3A_305 : memref<120x32xf32, #tpu.memory_space<vmem_shared>>) target_semaphore(%run_scoped3A_303 : memref<!tpu.dma_semaphore, #tpu.memory_space<semaphore_mem>>)
      %dma_wait3A = arith.constant 0 : i32
      %dma_wait3A_309 = tpu.memref_slice %arg11[%add3A_159, %dma_wait3A] : memref<10112x32xf32, #tpu.memory_space<vmem_shared>> -> memref<120x32xf32, #tpu.memory_space<vmem_shared>>
      %dma_wait3A_310 = arith.constant 0 : i32
      %dma_wait3A_311 = arith.constant 0 : i32
      %dma_wait3A_312 = tpu.memref_slice %arg6[%dma_wait3A_310, %dma_wait3A_311] : memref<128x32xf32, #tpu.memory_space<hbm>> -> memref<120x32xf32, #tpu.memory_space<hbm>>
      tpu.wait_dma2 semaphore(%run_scoped3A_303 : memref<!tpu.dma_semaphore, #tpu.memory_space<semaphore_mem>>) src(%dma_wait3A_312 : memref<120x32xf32, #tpu.memory_space<hbm>>) dst(%dma_wait3A_309 : memref<120x32xf32, #tpu.memory_space<vmem_shared>>)
      tpu.yield
    }) : () -> ()
    %lt3A_160 = arith.constant 15 : i32
    %lt3A_161 = arith.cmpi slt, %arg1, %lt3A_160 : i32
    %convert_element_type3A_162 = arith.extui %lt3A_161 : i1 to i32
    %cond3A_163 = arith.constant 0 : i32
    %cond3A_164 = arith.cmpi ne, %convert_element_type3A_162, %cond3A_163 : i32
    scf.if %cond3A_164 {
      %mul3A_303 = arith.constant 632 : i32
      %mul3A_304 = arith.muli %arg1, %mul3A_303 : i32
      %mul3A_305 = arith.constant 632 : i32
      %mul3A_306 = arith.muli %arg1, %mul3A_305 : i32
      "tpu.region"() ({
        %run_scoped3A_307 = tpu.sem_alloc : memref<!tpu.dma_semaphore, #tpu.memory_space<semaphore_mem>>
        %dma_start3A_308 = arith.constant 0 : i32
        %dma_start3A_309 = tpu.memref_slice %arg12[%mul3A_306, %dma_start3A_308] : memref<10112x32xf32, #tpu.memory_space<vmem_shared>> -> memref<632x32xf32, #tpu.memory_space<vmem_shared>>
        %dma_start3A_310 = arith.constant 0 : i32
        %dma_start3A_311 = tpu.memref_slice %arg5[%mul3A_304, %dma_start3A_310] : memref<10000x32xf32, #tpu.memory_space<hbm>> -> memref<632x32xf32, #tpu.memory_space<hbm>>
        tpu.enqueue_dma source(%dma_start3A_311 : memref<632x32xf32, #tpu.memory_space<hbm>>) target(%dma_start3A_309 : memref<632x32xf32, #tpu.memory_space<vmem_shared>>) target_semaphore(%run_scoped3A_307 : memref<!tpu.dma_semaphore, #tpu.memory_space<semaphore_mem>>)
        %dma_wait3A = arith.constant 0 : i32
        %dma_wait3A_312 = tpu.memref_slice %arg12[%mul3A_306, %dma_wait3A] : memref<10112x32xf32, #tpu.memory_space<vmem_shared>> -> memref<632x32xf32, #tpu.memory_space<vmem_shared>>
        %dma_wait3A_313 = arith.constant 0 : i32
        %dma_wait3A_314 = tpu.memref_slice %arg5[%mul3A_304, %dma_wait3A_313] : memref<10000x32xf32, #tpu.memory_space<hbm>> -> memref<632x32xf32, #tpu.memory_space<hbm>>
        tpu.wait_dma2 semaphore(%run_scoped3A_307 : memref<!tpu.dma_semaphore, #tpu.memory_space<semaphore_mem>>) src(%dma_wait3A_314 : memref<632x32xf32, #tpu.memory_space<hbm>>) dst(%dma_wait3A_312 : memref<632x32xf32, #tpu.memory_space<vmem_shared>>)
        tpu.yield
      }) : () -> ()
    } else {
    }
    %eq3A_165 = arith.constant 15 : i32
    %eq3A_166 = arith.cmpi eq, %arg1, %eq3A_165 : i32
    %convert_element_type3A_167 = arith.extui %eq3A_166 : i1 to i32
    %cond3A_168 = arith.constant 0 : i32
    %cond3A_169 = arith.cmpi ne, %convert_element_type3A_167, %cond3A_168 : i32
    scf.if %cond3A_169 {
      "tpu.region"() ({
        %run_scoped3A_303 = tpu.sem_alloc : memref<!tpu.dma_semaphore, #tpu.memory_space<semaphore_mem>>
        %dma_start3A_304 = arith.constant 9480 : i32
        %dma_start3A_305 = arith.constant 0 : i32
        %dma_start3A_306 = tpu.memref_slice %arg12[%dma_start3A_304, %dma_start3A_305] : memref<10112x32xf32, #tpu.memory_space<vmem_shared>> -> memref<520x32xf32, #tpu.memory_space<vmem_shared>>
        %dma_start3A_307 = arith.constant 9480 : i32
        %dma_start3A_308 = arith.constant 0 : i32
        %dma_start3A_309 = tpu.memref_slice %arg5[%dma_start3A_307, %dma_start3A_308] : memref<10000x32xf32, #tpu.memory_space<hbm>> -> memref<520x32xf32, #tpu.memory_space<hbm>>
        tpu.enqueue_dma source(%dma_start3A_309 : memref<520x32xf32, #tpu.memory_space<hbm>>) target(%dma_start3A_306 : memref<520x32xf32, #tpu.memory_space<vmem_shared>>) target_semaphore(%run_scoped3A_303 : memref<!tpu.dma_semaphore, #tpu.memory_space<semaphore_mem>>)
        %dma_wait3A = arith.constant 9480 : i32
        %dma_wait3A_310 = arith.constant 0 : i32
        %dma_wait3A_311 = tpu.memref_slice %arg12[%dma_wait3A, %dma_wait3A_310] : memref<10112x32xf32, #tpu.memory_space<vmem_shared>> -> memref<520x32xf32, #tpu.memory_space<vmem_shared>>
        %dma_wait3A_312 = arith.constant 9480 : i32
        %dma_wait3A_313 = arith.constant 0 : i32
        %dma_wait3A_314 = tpu.memref_slice %arg5[%dma_wait3A_312, %dma_wait3A_313] : memref<10000x32xf32, #tpu.memory_space<hbm>> -> memref<520x32xf32, #tpu.memory_space<hbm>>
        tpu.wait_dma2 semaphore(%run_scoped3A_303 : memref<!tpu.dma_semaphore, #tpu.memory_space<semaphore_mem>>) src(%dma_wait3A_314 : memref<520x32xf32, #tpu.memory_space<hbm>>) dst(%dma_wait3A_311 : memref<520x32xf32, #tpu.memory_space<vmem_shared>>)
        tpu.yield
      }) : () -> ()
    } else {
    }
    %barrier3A_170 = arith.constant 0 : index
    tpu.barrier barrier_id(%barrier3A_170)
    %dma_start3A_171 = arith.constant 0 : i32
    %dma_start3A_172 = arith.constant 0 : i32
    %dma_start3A_173 = arith.constant 0 : i32
    %dma_start3A_174 = arith.constant 0 : i32
    %dma_start3A_175 = tpu.memref_slice %arg10[%dma_start3A_172, %dma_start3A_173, %dma_start3A_174] : memref<10x128x32xf32, #tpu.memory_space<vmem>> -> memref<1x128x32xf32, #tpu.memory_space<vmem>>
    %dma_start3A_176 = tpu.memref_squeeze %dma_start3A_175 : memref<1x128x32xf32, #tpu.memory_space<vmem>> -> memref<128x32xf32, #tpu.memory_space<vmem>>
    %dma_start3A_177 = arith.constant 0 : i32
    %dma_start3A_178 = tpu.memref_slice %arg8[%dma_start3A_171, %dma_start3A_177] : memref<40x128xi32, #tpu.memory_space<vmem>> -> memref<1x128xi32, #tpu.memory_space<vmem>>
    %dma_start3A_179 = tpu.memref_squeeze %dma_start3A_178 : memref<1x128xi32, #tpu.memory_space<vmem>> -> memref<128xi32, #tpu.memory_space<vmem>>
    %dma_start3A_180 = arith.constant 0 : i32
    %dma_start3A_181 = arith.constant 0 : i32
    %dma_start3A_182 = tpu.memref_slice %arg12[%dma_start3A_180, %dma_start3A_181] : memref<10112x32xf32, #tpu.memory_space<vmem_shared>> -> memref<10112x32xf32, #tpu.memory_space<vmem_shared>>
    tpu.enqueue_indirect_dma source(%dma_start3A_182 : memref<10112x32xf32, #tpu.memory_space<vmem_shared>>) target(%dma_start3A_176 : memref<128x32xf32, #tpu.memory_space<vmem>>) offsets(%dma_start3A_179 : memref<128xi32, #tpu.memory_space<vmem>>) semaphore(%arg13 : memref<!tpu.dma_semaphore, #tpu.memory_space<semaphore_mem>>)
    %dma_start3A_183 = arith.constant 1 : i32
    %dma_start3A_184 = arith.constant 1 : i32
    %dma_start3A_185 = arith.constant 0 : i32
    %dma_start3A_186 = arith.constant 0 : i32
    %dma_start3A_187 = tpu.memref_slice %arg10[%dma_start3A_184, %dma_start3A_185, %dma_start3A_186] : memref<10x128x32xf32, #tpu.memory_space<vmem>> -> memref<1x128x32xf32, #tpu.memory_space<vmem>>
    %dma_start3A_188 = tpu.memref_squeeze %dma_start3A_187 : memref<1x128x32xf32, #tpu.memory_space<vmem>> -> memref<128x32xf32, #tpu.memory_space<vmem>>
    %dma_start3A_189 = arith.constant 0 : i32
    %dma_start3A_190 = tpu.memref_slice %arg8[%dma_start3A_183, %dma_start3A_189] : memref<40x128xi32, #tpu.memory_space<vmem>> -> memref<1x128xi32, #tpu.memory_space<vmem>>
    %dma_start3A_191 = tpu.memref_squeeze %dma_start3A_190 : memref<1x128xi32, #tpu.memory_space<vmem>> -> memref<128xi32, #tpu.memory_space<vmem>>
    %dma_start3A_192 = arith.constant 0 : i32
    %dma_start3A_193 = arith.constant 0 : i32
    %dma_start3A_194 = tpu.memref_slice %arg12[%dma_start3A_192, %dma_start3A_193] : memref<10112x32xf32, #tpu.memory_space<vmem_shared>> -> memref<10112x32xf32, #tpu.memory_space<vmem_shared>>
    tpu.enqueue_indirect_dma source(%dma_start3A_194 : memref<10112x32xf32, #tpu.memory_space<vmem_shared>>) target(%dma_start3A_188 : memref<128x32xf32, #tpu.memory_space<vmem>>) offsets(%dma_start3A_191 : memref<128xi32, #tpu.memory_space<vmem>>) semaphore(%arg14 : memref<!tpu.dma_semaphore, #tpu.memory_space<semaphore_mem>>)
    %dma_start3A_195 = arith.constant 2 : i32
    %dma_start3A_196 = arith.constant 2 : i32
    %dma_start3A_197 = arith.constant 0 : i32
    %dma_start3A_198 = arith.constant 0 : i32
    %dma_start3A_199 = tpu.memref_slice %arg10[%dma_start3A_196, %dma_start3A_197, %dma_start3A_198] : memref<10x128x32xf32, #tpu.memory_space<vmem>> -> memref<1x128x32xf32, #tpu.memory_space<vmem>>
    %dma_start3A_200 = tpu.memref_squeeze %dma_start3A_199 : memref<1x128x32xf32, #tpu.memory_space<vmem>> -> memref<128x32xf32, #tpu.memory_space<vmem>>
    %dma_start3A_201 = arith.constant 0 : i32
    %dma_start3A_202 = tpu.memref_slice %arg8[%dma_start3A_195, %dma_start3A_201] : memref<40x128xi32, #tpu.memory_space<vmem>> -> memref<1x128xi32, #tpu.memory_space<vmem>>
    %dma_start3A_203 = tpu.memref_squeeze %dma_start3A_202 : memref<1x128xi32, #tpu.memory_space<vmem>> -> memref<128xi32, #tpu.memory_space<vmem>>
    %dma_start3A_204 = arith.constant 0 : i32
    %dma_start3A_205 = arith.constant 0 : i32
    %dma_start3A_206 = tpu.memref_slice %arg12[%dma_start3A_204, %dma_start3A_205] : memref<10112x32xf32, #tpu.memory_space<vmem_shared>> -> memref<10112x32xf32, #tpu.memory_space<vmem_shared>>
    tpu.enqueue_indirect_dma source(%dma_start3A_206 : memref<10112x32xf32, #tpu.memory_space<vmem_shared>>) target(%dma_start3A_200 : memref<128x32xf32, #tpu.memory_space<vmem>>) offsets(%dma_start3A_203 : memref<128xi32, #tpu.memory_space<vmem>>) semaphore(%arg15 : memref<!tpu.dma_semaphore, #tpu.memory_space<semaphore_mem>>)
    %dma_start3A_207 = arith.constant 3 : i32
    %dma_start3A_208 = arith.constant 3 : i32
    %dma_start3A_209 = arith.constant 0 : i32
    %dma_start3A_210 = arith.constant 0 : i32
    %dma_start3A_211 = tpu.memref_slice %arg10[%dma_start3A_208, %dma_start3A_209, %dma_start3A_210] : memref<10x128x32xf32, #tpu.memory_space<vmem>> -> memref<1x128x32xf32, #tpu.memory_space<vmem>>
    %dma_start3A_212 = tpu.memref_squeeze %dma_start3A_211 : memref<1x128x32xf32, #tpu.memory_space<vmem>> -> memref<128x32xf32, #tpu.memory_space<vmem>>
    %dma_start3A_213 = arith.constant 0 : i32
    %dma_start3A_214 = tpu.memref_slice %arg8[%dma_start3A_207, %dma_start3A_213] : memref<40x128xi32, #tpu.memory_space<vmem>> -> memref<1x128xi32, #tpu.memory_space<vmem>>
    %dma_start3A_215 = tpu.memref_squeeze %dma_start3A_214 : memref<1x128xi32, #tpu.memory_space<vmem>> -> memref<128xi32, #tpu.memory_space<vmem>>
    %dma_start3A_216 = arith.constant 0 : i32
    %dma_start3A_217 = arith.constant 0 : i32
    %dma_start3A_218 = tpu.memref_slice %arg12[%dma_start3A_216, %dma_start3A_217] : memref<10112x32xf32, #tpu.memory_space<vmem_shared>> -> memref<10112x32xf32, #tpu.memory_space<vmem_shared>>
    tpu.enqueue_indirect_dma source(%dma_start3A_218 : memref<10112x32xf32, #tpu.memory_space<vmem_shared>>) target(%dma_start3A_212 : memref<128x32xf32, #tpu.memory_space<vmem>>) offsets(%dma_start3A_215 : memref<128xi32, #tpu.memory_space<vmem>>) semaphore(%arg16 : memref<!tpu.dma_semaphore, #tpu.memory_space<semaphore_mem>>)
    %dma_start3A_219 = arith.constant 4 : i32
    %dma_start3A_220 = arith.constant 4 : i32
    %dma_start3A_221 = arith.constant 0 : i32
    %dma_start3A_222 = arith.constant 0 : i32
    %dma_start3A_223 = tpu.memref_slice %arg10[%dma_start3A_220, %dma_start3A_221, %dma_start3A_222] : memref<10x128x32xf32, #tpu.memory_space<vmem>> -> memref<1x128x32xf32, #tpu.memory_space<vmem>>
    %dma_start3A_224 = tpu.memref_squeeze %dma_start3A_223 : memref<1x128x32xf32, #tpu.memory_space<vmem>> -> memref<128x32xf32, #tpu.memory_space<vmem>>
    %dma_start3A_225 = arith.constant 0 : i32
    %dma_start3A_226 = tpu.memref_slice %arg8[%dma_start3A_219, %dma_start3A_225] : memref<40x128xi32, #tpu.memory_space<vmem>> -> memref<1x128xi32, #tpu.memory_space<vmem>>
    %dma_start3A_227 = tpu.memref_squeeze %dma_start3A_226 : memref<1x128xi32, #tpu.memory_space<vmem>> -> memref<128xi32, #tpu.memory_space<vmem>>
    %dma_start3A_228 = arith.constant 0 : i32
    %dma_start3A_229 = arith.constant 0 : i32
    %dma_start3A_230 = tpu.memref_slice %arg12[%dma_start3A_228, %dma_start3A_229] : memref<10112x32xf32, #tpu.memory_space<vmem_shared>> -> memref<10112x32xf32, #tpu.memory_space<vmem_shared>>
    tpu.enqueue_indirect_dma source(%dma_start3A_230 : memref<10112x32xf32, #tpu.memory_space<vmem_shared>>) target(%dma_start3A_224 : memref<128x32xf32, #tpu.memory_space<vmem>>) offsets(%dma_start3A_227 : memref<128xi32, #tpu.memory_space<vmem>>) semaphore(%arg17 : memref<!tpu.dma_semaphore, #tpu.memory_space<semaphore_mem>>)
    %dma_start3A_231 = arith.constant 5 : i32
    %dma_start3A_232 = arith.constant 5 : i32
    %dma_start3A_233 = arith.constant 0 : i32
    %dma_start3A_234 = arith.constant 0 : i32
    %dma_start3A_235 = tpu.memref_slice %arg10[%dma_start3A_232, %dma_start3A_233, %dma_start3A_234] : memref<10x128x32xf32, #tpu.memory_space<vmem>> -> memref<1x128x32xf32, #tpu.memory_space<vmem>>
    %dma_start3A_236 = tpu.memref_squeeze %dma_start3A_235 : memref<1x128x32xf32, #tpu.memory_space<vmem>> -> memref<128x32xf32, #tpu.memory_space<vmem>>
    %dma_start3A_237 = arith.constant 0 : i32
    %dma_start3A_238 = tpu.memref_slice %arg8[%dma_start3A_231, %dma_start3A_237] : memref<40x128xi32, #tpu.memory_space<vmem>> -> memref<1x128xi32, #tpu.memory_space<vmem>>
    %dma_start3A_239 = tpu.memref_squeeze %dma_start3A_238 : memref<1x128xi32, #tpu.memory_space<vmem>> -> memref<128xi32, #tpu.memory_space<vmem>>
    %dma_start3A_240 = arith.constant 0 : i32
    %dma_start3A_241 = arith.constant 0 : i32
    %dma_start3A_242 = tpu.memref_slice %arg12[%dma_start3A_240, %dma_start3A_241] : memref<10112x32xf32, #tpu.memory_space<vmem_shared>> -> memref<10112x32xf32, #tpu.memory_space<vmem_shared>>
    tpu.enqueue_indirect_dma source(%dma_start3A_242 : memref<10112x32xf32, #tpu.memory_space<vmem_shared>>) target(%dma_start3A_236 : memref<128x32xf32, #tpu.memory_space<vmem>>) offsets(%dma_start3A_239 : memref<128xi32, #tpu.memory_space<vmem>>) semaphore(%arg18 : memref<!tpu.dma_semaphore, #tpu.memory_space<semaphore_mem>>)
    %dma_start3A_243 = arith.constant 6 : i32
    %dma_start3A_244 = arith.constant 6 : i32
    %dma_start3A_245 = arith.constant 0 : i32
    %dma_start3A_246 = arith.constant 0 : i32
    %dma_start3A_247 = tpu.memref_slice %arg10[%dma_start3A_244, %dma_start3A_245, %dma_start3A_246] : memref<10x128x32xf32, #tpu.memory_space<vmem>> -> memref<1x128x32xf32, #tpu.memory_space<vmem>>
    %dma_start3A_248 = tpu.memref_squeeze %dma_start3A_247 : memref<1x128x32xf32, #tpu.memory_space<vmem>> -> memref<128x32xf32, #tpu.memory_space<vmem>>
    %dma_start3A_249 = arith.constant 0 : i32
    %dma_start3A_250 = tpu.memref_slice %arg8[%dma_start3A_243, %dma_start3A_249] : memref<40x128xi32, #tpu.memory_space<vmem>> -> memref<1x128xi32, #tpu.memory_space<vmem>>
    %dma_start3A_251 = tpu.memref_squeeze %dma_start3A_250 : memref<1x128xi32, #tpu.memory_space<vmem>> -> memref<128xi32, #tpu.memory_space<vmem>>
    %dma_start3A_252 = arith.constant 0 : i32
    %dma_start3A_253 = arith.constant 0 : i32
    %dma_start3A_254 = tpu.memref_slice %arg12[%dma_start3A_252, %dma_start3A_253] : memref<10112x32xf32, #tpu.memory_space<vmem_shared>> -> memref<10112x32xf32, #tpu.memory_space<vmem_shared>>
    tpu.enqueue_indirect_dma source(%dma_start3A_254 : memref<10112x32xf32, #tpu.memory_space<vmem_shared>>) target(%dma_start3A_248 : memref<128x32xf32, #tpu.memory_space<vmem>>) offsets(%dma_start3A_251 : memref<128xi32, #tpu.memory_space<vmem>>) semaphore(%arg19 : memref<!tpu.dma_semaphore, #tpu.memory_space<semaphore_mem>>)
    %dma_start3A_255 = arith.constant 7 : i32
    %dma_start3A_256 = arith.constant 7 : i32
    %dma_start3A_257 = arith.constant 0 : i32
    %dma_start3A_258 = arith.constant 0 : i32
    %dma_start3A_259 = tpu.memref_slice %arg10[%dma_start3A_256, %dma_start3A_257, %dma_start3A_258] : memref<10x128x32xf32, #tpu.memory_space<vmem>> -> memref<1x128x32xf32, #tpu.memory_space<vmem>>
    %dma_start3A_260 = tpu.memref_squeeze %dma_start3A_259 : memref<1x128x32xf32, #tpu.memory_space<vmem>> -> memref<128x32xf32, #tpu.memory_space<vmem>>
    %dma_start3A_261 = arith.constant 0 : i32
    %dma_start3A_262 = tpu.memref_slice %arg8[%dma_start3A_255, %dma_start3A_261] : memref<40x128xi32, #tpu.memory_space<vmem>> -> memref<1x128xi32, #tpu.memory_space<vmem>>
    %dma_start3A_263 = tpu.memref_squeeze %dma_start3A_262 : memref<1x128xi32, #tpu.memory_space<vmem>> -> memref<128xi32, #tpu.memory_space<vmem>>
    %dma_start3A_264 = arith.constant 0 : i32
    %dma_start3A_265 = arith.constant 0 : i32
    %dma_start3A_266 = tpu.memref_slice %arg12[%dma_start3A_264, %dma_start3A_265] : memref<10112x32xf32, #tpu.memory_space<vmem_shared>> -> memref<10112x32xf32, #tpu.memory_space<vmem_shared>>
    tpu.enqueue_indirect_dma source(%dma_start3A_266 : memref<10112x32xf32, #tpu.memory_space<vmem_shared>>) target(%dma_start3A_260 : memref<128x32xf32, #tpu.memory_space<vmem>>) offsets(%dma_start3A_263 : memref<128xi32, #tpu.memory_space<vmem>>) semaphore(%arg20 : memref<!tpu.dma_semaphore, #tpu.memory_space<semaphore_mem>>)
    %dma_start3A_267 = arith.constant 8 : i32
    %dma_start3A_268 = arith.constant 8 : i32
    %dma_start3A_269 = arith.constant 0 : i32
    %dma_start3A_270 = arith.constant 0 : i32
    %dma_start3A_271 = tpu.memref_slice %arg10[%dma_start3A_268, %dma_start3A_269, %dma_start3A_270] : memref<10x128x32xf32, #tpu.memory_space<vmem>> -> memref<1x128x32xf32, #tpu.memory_space<vmem>>
    %dma_start3A_272 = tpu.memref_squeeze %dma_start3A_271 : memref<1x128x32xf32, #tpu.memory_space<vmem>> -> memref<128x32xf32, #tpu.memory_space<vmem>>
    %dma_start3A_273 = arith.constant 0 : i32
    %dma_start3A_274 = tpu.memref_slice %arg8[%dma_start3A_267, %dma_start3A_273] : memref<40x128xi32, #tpu.memory_space<vmem>> -> memref<1x128xi32, #tpu.memory_space<vmem>>
    %dma_start3A_275 = tpu.memref_squeeze %dma_start3A_274 : memref<1x128xi32, #tpu.memory_space<vmem>> -> memref<128xi32, #tpu.memory_space<vmem>>
    %dma_start3A_276 = arith.constant 0 : i32
    %dma_start3A_277 = arith.constant 0 : i32
    %dma_start3A_278 = tpu.memref_slice %arg12[%dma_start3A_276, %dma_start3A_277] : memref<10112x32xf32, #tpu.memory_space<vmem_shared>> -> memref<10112x32xf32, #tpu.memory_space<vmem_shared>>
    tpu.enqueue_indirect_dma source(%dma_start3A_278 : memref<10112x32xf32, #tpu.memory_space<vmem_shared>>) target(%dma_start3A_272 : memref<128x32xf32, #tpu.memory_space<vmem>>) offsets(%dma_start3A_275 : memref<128xi32, #tpu.memory_space<vmem>>) semaphore(%arg21 : memref<!tpu.dma_semaphore, #tpu.memory_space<semaphore_mem>>)
    %dma_start3A_279 = arith.constant 9 : i32
    %dma_start3A_280 = arith.constant 9 : i32
    %dma_start3A_281 = arith.constant 0 : i32
    %dma_start3A_282 = arith.constant 0 : i32
    %dma_start3A_283 = tpu.memref_slice %arg10[%dma_start3A_280, %dma_start3A_281, %dma_start3A_282] : memref<10x128x32xf32, #tpu.memory_space<vmem>> -> memref<1x128x32xf32, #tpu.memory_space<vmem>>
    %dma_start3A_284 = tpu.memref_squeeze %dma_start3A_283 : memref<1x128x32xf32, #tpu.memory_space<vmem>> -> memref<128x32xf32, #tpu.memory_space<vmem>>
    %dma_start3A_285 = arith.constant 0 : i32
    %dma_start3A_286 = tpu.memref_slice %arg8[%dma_start3A_279, %dma_start3A_285] : memref<40x128xi32, #tpu.memory_space<vmem>> -> memref<1x128xi32, #tpu.memory_space<vmem>>
    %dma_start3A_287 = tpu.memref_squeeze %dma_start3A_286 : memref<1x128xi32, #tpu.memory_space<vmem>> -> memref<128xi32, #tpu.memory_space<vmem>>
    %dma_start3A_288 = arith.constant 0 : i32
    %dma_start3A_289 = arith.constant 0 : i32
    %dma_start3A_290 = tpu.memref_slice %arg12[%dma_start3A_288, %dma_start3A_289] : memref<10112x32xf32, #tpu.memory_space<vmem_shared>> -> memref<10112x32xf32, #tpu.memory_space<vmem_shared>>
    tpu.enqueue_indirect_dma source(%dma_start3A_290 : memref<10112x32xf32, #tpu.memory_space<vmem_shared>>) target(%dma_start3A_284 : memref<128x32xf32, #tpu.memory_space<vmem>>) offsets(%dma_start3A_287 : memref<128xi32, #tpu.memory_space<vmem>>) semaphore(%arg22 : memref<!tpu.dma_semaphore, #tpu.memory_space<semaphore_mem>>)
    %scan3A_291 = arith.constant 0 : i32
    %scan3A_292 = arith.constant 0 : i32
    %scan3A_293 = arith.constant 4 : i32
    %scan3A_294 = arith.addi %scan3A_292, %scan3A_293 : i32
    %scan3A_295 = arith.constant 1 : i32
    scf.for %scan3A_303 = %scan3A_292 to %scan3A_294 step %scan3A_295  : i32 {
      %mul3A_304 = arith.constant 10 : i32
      %mul3A_305 = arith.muli %scan3A_303, %mul3A_304 : i32
      %add3A_306 = arith.constant 0 : i32
      %add3A_307 = arith.addi %mul3A_305, %add3A_306 : i32
      %dma_wait3A = arith.constant 0 : i32
      %dma_wait3A_308 = arith.constant 0 : i32
      %dma_wait3A_309 = arith.constant 0 : i32
      %dma_wait3A_310 = tpu.memref_slice %arg10[%dma_wait3A, %dma_wait3A_308, %dma_wait3A_309] : memref<10x128x32xf32, #tpu.memory_space<vmem>> -> memref<1x128x32xf32, #tpu.memory_space<vmem>>
      %dma_wait3A_311 = tpu.memref_squeeze %dma_wait3A_310 : memref<1x128x32xf32, #tpu.memory_space<vmem>> -> memref<128x32xf32, #tpu.memory_space<vmem>>
      %dma_wait3A_312 = arith.constant 0 : i32
      %dma_wait3A_313 = arith.constant 0 : i32
      %dma_wait3A_314 = tpu.memref_slice %arg4[%dma_wait3A_312, %dma_wait3A_313] : memref<10000x32xf32, #tpu.memory_space<hbm>> -> memref<128x32xf32, #tpu.memory_space<hbm>>
      %dma_wait3A_315 = arith.constant 0 : i32
      %dma_wait3A_316 = arith.constant 0 : i32
      %dma_wait3A_317 = tpu.memref_slice %arg10[%dma_wait3A, %dma_wait3A_315, %dma_wait3A_316] : memref<10x128x32xf32, #tpu.memory_space<vmem>> -> memref<1x128x32xf32, #tpu.memory_space<vmem>>
      %dma_wait3A_318 = tpu.memref_squeeze %dma_wait3A_317 : memref<1x128x32xf32, #tpu.memory_space<vmem>> -> memref<128x32xf32, #tpu.memory_space<vmem>>
      %dma_wait3A_319 = arith.constant 0 : i32
      %dma_wait3A_320 = arith.constant 0 : i32
      %dma_wait3A_321 = tpu.memref_slice %arg4[%dma_wait3A_319, %dma_wait3A_320] : memref<10000x32xf32, #tpu.memory_space<hbm>> -> memref<128x32xf32, #tpu.memory_space<hbm>>
      tpu.wait_dma2 semaphore(%arg13 : memref<!tpu.dma_semaphore, #tpu.memory_space<semaphore_mem>>) src(%dma_wait3A_321 : memref<128x32xf32, #tpu.memory_space<hbm>>) dst(%dma_wait3A_318 : memref<128x32xf32, #tpu.memory_space<vmem>>)
      %dma_start3A_322 = arith.constant 0 : i32
      %dma_start3A_323 = arith.constant 0 : i32
      %dma_start3A_324 = arith.constant 0 : i32
      %dma_start3A_325 = tpu.memref_slice %arg10[%dma_start3A_322, %dma_start3A_323, %dma_start3A_324] : memref<10x128x32xf32, #tpu.memory_space<vmem>> -> memref<1x128x32xf32, #tpu.memory_space<vmem>>
      %dma_start3A_326 = tpu.memref_squeeze %dma_start3A_325 : memref<1x128x32xf32, #tpu.memory_space<vmem>> -> memref<128x32xf32, #tpu.memory_space<vmem>>
      %dma_start3A_327 = arith.constant 0 : i32
      %dma_start3A_328 = tpu.memref_slice %arg9[%add3A_307, %dma_start3A_327] : memref<40x128xi32, #tpu.memory_space<vmem>> -> memref<1x128xi32, #tpu.memory_space<vmem>>
      %dma_start3A_329 = tpu.memref_squeeze %dma_start3A_328 : memref<1x128xi32, #tpu.memory_space<vmem>> -> memref<128xi32, #tpu.memory_space<vmem>>
      %dma_start3A_330 = arith.constant 0 : i32
      %dma_start3A_331 = arith.constant 0 : i32
      %dma_start3A_332 = tpu.memref_slice %arg11[%dma_start3A_330, %dma_start3A_331] : memref<10112x32xf32, #tpu.memory_space<vmem_shared>> -> memref<10112x32xf32, #tpu.memory_space<vmem_shared>>
      tpu.enqueue_indirect_dma source(%dma_start3A_326 : memref<128x32xf32, #tpu.memory_space<vmem>>) target(%dma_start3A_332 : memref<10112x32xf32, #tpu.memory_space<vmem_shared>>) offsets(%dma_start3A_329 : memref<128xi32, #tpu.memory_space<vmem>>) semaphore(%arg23 : memref<!tpu.dma_semaphore, #tpu.memory_space<semaphore_mem>>) {add = true}
      %mul3A_333 = arith.constant 10 : i32
      %mul3A_334 = arith.muli %scan3A_303, %mul3A_333 : i32
      %add3A_335 = arith.constant 1 : i32
      %add3A_336 = arith.addi %mul3A_334, %add3A_335 : i32
      %dma_wait3A_337 = arith.constant 1 : i32
      %dma_wait3A_338 = arith.constant 0 : i32
      %dma_wait3A_339 = arith.constant 0 : i32
      %dma_wait3A_340 = tpu.memref_slice %arg10[%dma_wait3A_337, %dma_wait3A_338, %dma_wait3A_339] : memref<10x128x32xf32, #tpu.memory_space<vmem>> -> memref<1x128x32xf32, #tpu.memory_space<vmem>>
      %dma_wait3A_341 = tpu.memref_squeeze %dma_wait3A_340 : memref<1x128x32xf32, #tpu.memory_space<vmem>> -> memref<128x32xf32, #tpu.memory_space<vmem>>
      %dma_wait3A_342 = arith.constant 0 : i32
      %dma_wait3A_343 = arith.constant 0 : i32
      %dma_wait3A_344 = tpu.memref_slice %arg4[%dma_wait3A_342, %dma_wait3A_343] : memref<10000x32xf32, #tpu.memory_space<hbm>> -> memref<128x32xf32, #tpu.memory_space<hbm>>
      %dma_wait3A_345 = arith.constant 0 : i32
      %dma_wait3A_346 = arith.constant 0 : i32
      %dma_wait3A_347 = tpu.memref_slice %arg10[%dma_wait3A_337, %dma_wait3A_345, %dma_wait3A_346] : memref<10x128x32xf32, #tpu.memory_space<vmem>> -> memref<1x128x32xf32, #tpu.memory_space<vmem>>
      %dma_wait3A_348 = tpu.memref_squeeze %dma_wait3A_347 : memref<1x128x32xf32, #tpu.memory_space<vmem>> -> memref<128x32xf32, #tpu.memory_space<vmem>>
      %dma_wait3A_349 = arith.constant 0 : i32
      %dma_wait3A_350 = arith.constant 0 : i32
      %dma_wait3A_351 = tpu.memref_slice %arg4[%dma_wait3A_349, %dma_wait3A_350] : memref<10000x32xf32, #tpu.memory_space<hbm>> -> memref<128x32xf32, #tpu.memory_space<hbm>>
      tpu.wait_dma2 semaphore(%arg14 : memref<!tpu.dma_semaphore, #tpu.memory_space<semaphore_mem>>) src(%dma_wait3A_351 : memref<128x32xf32, #tpu.memory_space<hbm>>) dst(%dma_wait3A_348 : memref<128x32xf32, #tpu.memory_space<vmem>>)
      %dma_start3A_352 = arith.constant 1 : i32
      %dma_start3A_353 = arith.constant 0 : i32
      %dma_start3A_354 = arith.constant 0 : i32
      %dma_start3A_355 = tpu.memref_slice %arg10[%dma_start3A_352, %dma_start3A_353, %dma_start3A_354] : memref<10x128x32xf32, #tpu.memory_space<vmem>> -> memref<1x128x32xf32, #tpu.memory_space<vmem>>
      %dma_start3A_356 = tpu.memref_squeeze %dma_start3A_355 : memref<1x128x32xf32, #tpu.memory_space<vmem>> -> memref<128x32xf32, #tpu.memory_space<vmem>>
      %dma_start3A_357 = arith.constant 0 : i32
      %dma_start3A_358 = tpu.memref_slice %arg9[%add3A_336, %dma_start3A_357] : memref<40x128xi32, #tpu.memory_space<vmem>> -> memref<1x128xi32, #tpu.memory_space<vmem>>
      %dma_start3A_359 = tpu.memref_squeeze %dma_start3A_358 : memref<1x128xi32, #tpu.memory_space<vmem>> -> memref<128xi32, #tpu.memory_space<vmem>>
      %dma_start3A_360 = arith.constant 0 : i32
      %dma_start3A_361 = arith.constant 0 : i32
      %dma_start3A_362 = tpu.memref_slice %arg11[%dma_start3A_360, %dma_start3A_361] : memref<10112x32xf32, #tpu.memory_space<vmem_shared>> -> memref<10112x32xf32, #tpu.memory_space<vmem_shared>>
      tpu.enqueue_indirect_dma source(%dma_start3A_356 : memref<128x32xf32, #tpu.memory_space<vmem>>) target(%dma_start3A_362 : memref<10112x32xf32, #tpu.memory_space<vmem_shared>>) offsets(%dma_start3A_359 : memref<128xi32, #tpu.memory_space<vmem>>) semaphore(%arg24 : memref<!tpu.dma_semaphore, #tpu.memory_space<semaphore_mem>>) {add = true}
      %mul3A_363 = arith.constant 10 : i32
      %mul3A_364 = arith.muli %scan3A_303, %mul3A_363 : i32
      %add3A_365 = arith.constant 2 : i32
      %add3A_366 = arith.addi %mul3A_364, %add3A_365 : i32
      %dma_wait3A_367 = arith.constant 2 : i32
      %dma_wait3A_368 = arith.constant 0 : i32
      %dma_wait3A_369 = arith.constant 0 : i32
      %dma_wait3A_370 = tpu.memref_slice %arg10[%dma_wait3A_367, %dma_wait3A_368, %dma_wait3A_369] : memref<10x128x32xf32, #tpu.memory_space<vmem>> -> memref<1x128x32xf32, #tpu.memory_space<vmem>>
      %dma_wait3A_371 = tpu.memref_squeeze %dma_wait3A_370 : memref<1x128x32xf32, #tpu.memory_space<vmem>> -> memref<128x32xf32, #tpu.memory_space<vmem>>
      %dma_wait3A_372 = arith.constant 0 : i32
      %dma_wait3A_373 = arith.constant 0 : i32
      %dma_wait3A_374 = tpu.memref_slice %arg4[%dma_wait3A_372, %dma_wait3A_373] : memref<10000x32xf32, #tpu.memory_space<hbm>> -> memref<128x32xf32, #tpu.memory_space<hbm>>
      %dma_wait3A_375 = arith.constant 0 : i32
      %dma_wait3A_376 = arith.constant 0 : i32
      %dma_wait3A_377 = tpu.memref_slice %arg10[%dma_wait3A_367, %dma_wait3A_375, %dma_wait3A_376] : memref<10x128x32xf32, #tpu.memory_space<vmem>> -> memref<1x128x32xf32, #tpu.memory_space<vmem>>
      %dma_wait3A_378 = tpu.memref_squeeze %dma_wait3A_377 : memref<1x128x32xf32, #tpu.memory_space<vmem>> -> memref<128x32xf32, #tpu.memory_space<vmem>>
      %dma_wait3A_379 = arith.constant 0 : i32
      %dma_wait3A_380 = arith.constant 0 : i32
      %dma_wait3A_381 = tpu.memref_slice %arg4[%dma_wait3A_379, %dma_wait3A_380] : memref<10000x32xf32, #tpu.memory_space<hbm>> -> memref<128x32xf32, #tpu.memory_space<hbm>>
      tpu.wait_dma2 semaphore(%arg15 : memref<!tpu.dma_semaphore, #tpu.memory_space<semaphore_mem>>) src(%dma_wait3A_381 : memref<128x32xf32, #tpu.memory_space<hbm>>) dst(%dma_wait3A_378 : memref<128x32xf32, #tpu.memory_space<vmem>>)
      %dma_start3A_382 = arith.constant 2 : i32
      %dma_start3A_383 = arith.constant 0 : i32
      %dma_start3A_384 = arith.constant 0 : i32
      %dma_start3A_385 = tpu.memref_slice %arg10[%dma_start3A_382, %dma_start3A_383, %dma_start3A_384] : memref<10x128x32xf32, #tpu.memory_space<vmem>> -> memref<1x128x32xf32, #tpu.memory_space<vmem>>
      %dma_start3A_386 = tpu.memref_squeeze %dma_start3A_385 : memref<1x128x32xf32, #tpu.memory_space<vmem>> -> memref<128x32xf32, #tpu.memory_space<vmem>>
      %dma_start3A_387 = arith.constant 0 : i32
      %dma_start3A_388 = tpu.memref_slice %arg9[%add3A_366, %dma_start3A_387] : memref<40x128xi32, #tpu.memory_space<vmem>> -> memref<1x128xi32, #tpu.memory_space<vmem>>
      %dma_start3A_389 = tpu.memref_squeeze %dma_start3A_388 : memref<1x128xi32, #tpu.memory_space<vmem>> -> memref<128xi32, #tpu.memory_space<vmem>>
      %dma_start3A_390 = arith.constant 0 : i32
      %dma_start3A_391 = arith.constant 0 : i32
      %dma_start3A_392 = tpu.memref_slice %arg11[%dma_start3A_390, %dma_start3A_391] : memref<10112x32xf32, #tpu.memory_space<vmem_shared>> -> memref<10112x32xf32, #tpu.memory_space<vmem_shared>>
      tpu.enqueue_indirect_dma source(%dma_start3A_386 : memref<128x32xf32, #tpu.memory_space<vmem>>) target(%dma_start3A_392 : memref<10112x32xf32, #tpu.memory_space<vmem_shared>>) offsets(%dma_start3A_389 : memref<128xi32, #tpu.memory_space<vmem>>) semaphore(%arg25 : memref<!tpu.dma_semaphore, #tpu.memory_space<semaphore_mem>>) {add = true}
      %mul3A_393 = arith.constant 10 : i32
      %mul3A_394 = arith.muli %scan3A_303, %mul3A_393 : i32
      %add3A_395 = arith.constant 3 : i32
      %add3A_396 = arith.addi %mul3A_394, %add3A_395 : i32
      %dma_wait3A_397 = arith.constant 3 : i32
      %dma_wait3A_398 = arith.constant 0 : i32
      %dma_wait3A_399 = arith.constant 0 : i32
      %dma_wait3A_400 = tpu.memref_slice %arg10[%dma_wait3A_397, %dma_wait3A_398, %dma_wait3A_399] : memref<10x128x32xf32, #tpu.memory_space<vmem>> -> memref<1x128x32xf32, #tpu.memory_space<vmem>>
      %dma_wait3A_401 = tpu.memref_squeeze %dma_wait3A_400 : memref<1x128x32xf32, #tpu.memory_space<vmem>> -> memref<128x32xf32, #tpu.memory_space<vmem>>
      %dma_wait3A_402 = arith.constant 0 : i32
      %dma_wait3A_403 = arith.constant 0 : i32
      %dma_wait3A_404 = tpu.memref_slice %arg4[%dma_wait3A_402, %dma_wait3A_403] : memref<10000x32xf32, #tpu.memory_space<hbm>> -> memref<128x32xf32, #tpu.memory_space<hbm>>
      %dma_wait3A_405 = arith.constant 0 : i32
      %dma_wait3A_406 = arith.constant 0 : i32
      %dma_wait3A_407 = tpu.memref_slice %arg10[%dma_wait3A_397, %dma_wait3A_405, %dma_wait3A_406] : memref<10x128x32xf32, #tpu.memory_space<vmem>> -> memref<1x128x32xf32, #tpu.memory_space<vmem>>
      %dma_wait3A_408 = tpu.memref_squeeze %dma_wait3A_407 : memref<1x128x32xf32, #tpu.memory_space<vmem>> -> memref<128x32xf32, #tpu.memory_space<vmem>>
      %dma_wait3A_409 = arith.constant 0 : i32
      %dma_wait3A_410 = arith.constant 0 : i32
      %dma_wait3A_411 = tpu.memref_slice %arg4[%dma_wait3A_409, %dma_wait3A_410] : memref<10000x32xf32, #tpu.memory_space<hbm>> -> memref<128x32xf32, #tpu.memory_space<hbm>>
      tpu.wait_dma2 semaphore(%arg16 : memref<!tpu.dma_semaphore, #tpu.memory_space<semaphore_mem>>) src(%dma_wait3A_411 : memref<128x32xf32, #tpu.memory_space<hbm>>) dst(%dma_wait3A_408 : memref<128x32xf32, #tpu.memory_space<vmem>>)
      %dma_start3A_412 = arith.constant 3 : i32
      %dma_start3A_413 = arith.constant 0 : i32
      %dma_start3A_414 = arith.constant 0 : i32
      %dma_start3A_415 = tpu.memref_slice %arg10[%dma_start3A_412, %dma_start3A_413, %dma_start3A_414] : memref<10x128x32xf32, #tpu.memory_space<vmem>> -> memref<1x128x32xf32, #tpu.memory_space<vmem>>
      %dma_start3A_416 = tpu.memref_squeeze %dma_start3A_415 : memref<1x128x32xf32, #tpu.memory_space<vmem>> -> memref<128x32xf32, #tpu.memory_space<vmem>>
      %dma_start3A_417 = arith.constant 0 : i32
      %dma_start3A_418 = tpu.memref_slice %arg9[%add3A_396, %dma_start3A_417] : memref<40x128xi32, #tpu.memory_space<vmem>> -> memref<1x128xi32, #tpu.memory_space<vmem>>
      %dma_start3A_419 = tpu.memref_squeeze %dma_start3A_418 : memref<1x128xi32, #tpu.memory_space<vmem>> -> memref<128xi32, #tpu.memory_space<vmem>>
      %dma_start3A_420 = arith.constant 0 : i32
      %dma_start3A_421 = arith.constant 0 : i32
      %dma_start3A_422 = tpu.memref_slice %arg11[%dma_start3A_420, %dma_start3A_421] : memref<10112x32xf32, #tpu.memory_space<vmem_shared>> -> memref<10112x32xf32, #tpu.memory_space<vmem_shared>>
      tpu.enqueue_indirect_dma source(%dma_start3A_416 : memref<128x32xf32, #tpu.memory_space<vmem>>) target(%dma_start3A_422 : memref<10112x32xf32, #tpu.memory_space<vmem_shared>>) offsets(%dma_start3A_419 : memref<128xi32, #tpu.memory_space<vmem>>) semaphore(%arg26 : memref<!tpu.dma_semaphore, #tpu.memory_space<semaphore_mem>>) {add = true}
      %mul3A_423 = arith.constant 10 : i32
      %mul3A_424 = arith.muli %scan3A_303, %mul3A_423 : i32
      %add3A_425 = arith.constant 4 : i32
      %add3A_426 = arith.addi %mul3A_424, %add3A_425 : i32
      %dma_wait3A_427 = arith.constant 4 : i32
      %dma_wait3A_428 = arith.constant 0 : i32
      %dma_wait3A_429 = arith.constant 0 : i32
      %dma_wait3A_430 = tpu.memref_slice %arg10[%dma_wait3A_427, %dma_wait3A_428, %dma_wait3A_429] : memref<10x128x32xf32, #tpu.memory_space<vmem>> -> memref<1x128x32xf32, #tpu.memory_space<vmem>>
      %dma_wait3A_431 = tpu.memref_squeeze %dma_wait3A_430 : memref<1x128x32xf32, #tpu.memory_space<vmem>> -> memref<128x32xf32, #tpu.memory_space<vmem>>
      %dma_wait3A_432 = arith.constant 0 : i32
      %dma_wait3A_433 = arith.constant 0 : i32
      %dma_wait3A_434 = tpu.memref_slice %arg4[%dma_wait3A_432, %dma_wait3A_433] : memref<10000x32xf32, #tpu.memory_space<hbm>> -> memref<128x32xf32, #tpu.memory_space<hbm>>
      %dma_wait3A_435 = arith.constant 0 : i32
      %dma_wait3A_436 = arith.constant 0 : i32
      %dma_wait3A_437 = tpu.memref_slice %arg10[%dma_wait3A_427, %dma_wait3A_435, %dma_wait3A_436] : memref<10x128x32xf32, #tpu.memory_space<vmem>> -> memref<1x128x32xf32, #tpu.memory_space<vmem>>
      %dma_wait3A_438 = tpu.memref_squeeze %dma_wait3A_437 : memref<1x128x32xf32, #tpu.memory_space<vmem>> -> memref<128x32xf32, #tpu.memory_space<vmem>>
      %dma_wait3A_439 = arith.constant 0 : i32
      %dma_wait3A_440 = arith.constant 0 : i32
      %dma_wait3A_441 = tpu.memref_slice %arg4[%dma_wait3A_439, %dma_wait3A_440] : memref<10000x32xf32, #tpu.memory_space<hbm>> -> memref<128x32xf32, #tpu.memory_space<hbm>>
      tpu.wait_dma2 semaphore(%arg17 : memref<!tpu.dma_semaphore, #tpu.memory_space<semaphore_mem>>) src(%dma_wait3A_441 : memref<128x32xf32, #tpu.memory_space<hbm>>) dst(%dma_wait3A_438 : memref<128x32xf32, #tpu.memory_space<vmem>>)
      %dma_start3A_442 = arith.constant 4 : i32
      %dma_start3A_443 = arith.constant 0 : i32
      %dma_start3A_444 = arith.constant 0 : i32
      %dma_start3A_445 = tpu.memref_slice %arg10[%dma_start3A_442, %dma_start3A_443, %dma_start3A_444] : memref<10x128x32xf32, #tpu.memory_space<vmem>> -> memref<1x128x32xf32, #tpu.memory_space<vmem>>
      %dma_start3A_446 = tpu.memref_squeeze %dma_start3A_445 : memref<1x128x32xf32, #tpu.memory_space<vmem>> -> memref<128x32xf32, #tpu.memory_space<vmem>>
      %dma_start3A_447 = arith.constant 0 : i32
      %dma_start3A_448 = tpu.memref_slice %arg9[%add3A_426, %dma_start3A_447] : memref<40x128xi32, #tpu.memory_space<vmem>> -> memref<1x128xi32, #tpu.memory_space<vmem>>
      %dma_start3A_449 = tpu.memref_squeeze %dma_start3A_448 : memref<1x128xi32, #tpu.memory_space<vmem>> -> memref<128xi32, #tpu.memory_space<vmem>>
      %dma_start3A_450 = arith.constant 0 : i32
      %dma_start3A_451 = arith.constant 0 : i32
      %dma_start3A_452 = tpu.memref_slice %arg11[%dma_start3A_450, %dma_start3A_451] : memref<10112x32xf32, #tpu.memory_space<vmem_shared>> -> memref<10112x32xf32, #tpu.memory_space<vmem_shared>>
      tpu.enqueue_indirect_dma source(%dma_start3A_446 : memref<128x32xf32, #tpu.memory_space<vmem>>) target(%dma_start3A_452 : memref<10112x32xf32, #tpu.memory_space<vmem_shared>>) offsets(%dma_start3A_449 : memref<128xi32, #tpu.memory_space<vmem>>) semaphore(%arg27 : memref<!tpu.dma_semaphore, #tpu.memory_space<semaphore_mem>>) {add = true}
      %mul3A_453 = arith.constant 10 : i32
      %mul3A_454 = arith.muli %scan3A_303, %mul3A_453 : i32
      %add3A_455 = arith.constant 5 : i32
      %add3A_456 = arith.addi %mul3A_454, %add3A_455 : i32
      %dma_wait3A_457 = arith.constant 5 : i32
      %dma_wait3A_458 = arith.constant 0 : i32
      %dma_wait3A_459 = arith.constant 0 : i32
      %dma_wait3A_460 = tpu.memref_slice %arg10[%dma_wait3A_457, %dma_wait3A_458, %dma_wait3A_459] : memref<10x128x32xf32, #tpu.memory_space<vmem>> -> memref<1x128x32xf32, #tpu.memory_space<vmem>>
      %dma_wait3A_461 = tpu.memref_squeeze %dma_wait3A_460 : memref<1x128x32xf32, #tpu.memory_space<vmem>> -> memref<128x32xf32, #tpu.memory_space<vmem>>
      %dma_wait3A_462 = arith.constant 0 : i32
      %dma_wait3A_463 = arith.constant 0 : i32
      %dma_wait3A_464 = tpu.memref_slice %arg4[%dma_wait3A_462, %dma_wait3A_463] : memref<10000x32xf32, #tpu.memory_space<hbm>> -> memref<128x32xf32, #tpu.memory_space<hbm>>
      %dma_wait3A_465 = arith.constant 0 : i32
      %dma_wait3A_466 = arith.constant 0 : i32
      %dma_wait3A_467 = tpu.memref_slice %arg10[%dma_wait3A_457, %dma_wait3A_465, %dma_wait3A_466] : memref<10x128x32xf32, #tpu.memory_space<vmem>> -> memref<1x128x32xf32, #tpu.memory_space<vmem>>
      %dma_wait3A_468 = tpu.memref_squeeze %dma_wait3A_467 : memref<1x128x32xf32, #tpu.memory_space<vmem>> -> memref<128x32xf32, #tpu.memory_space<vmem>>
      %dma_wait3A_469 = arith.constant 0 : i32
      %dma_wait3A_470 = arith.constant 0 : i32
      %dma_wait3A_471 = tpu.memref_slice %arg4[%dma_wait3A_469, %dma_wait3A_470] : memref<10000x32xf32, #tpu.memory_space<hbm>> -> memref<128x32xf32, #tpu.memory_space<hbm>>
      tpu.wait_dma2 semaphore(%arg18 : memref<!tpu.dma_semaphore, #tpu.memory_space<semaphore_mem>>) src(%dma_wait3A_471 : memref<128x32xf32, #tpu.memory_space<hbm>>) dst(%dma_wait3A_468 : memref<128x32xf32, #tpu.memory_space<vmem>>)
      %dma_start3A_472 = arith.constant 5 : i32
      %dma_start3A_473 = arith.constant 0 : i32
      %dma_start3A_474 = arith.constant 0 : i32
      %dma_start3A_475 = tpu.memref_slice %arg10[%dma_start3A_472, %dma_start3A_473, %dma_start3A_474] : memref<10x128x32xf32, #tpu.memory_space<vmem>> -> memref<1x128x32xf32, #tpu.memory_space<vmem>>
      %dma_start3A_476 = tpu.memref_squeeze %dma_start3A_475 : memref<1x128x32xf32, #tpu.memory_space<vmem>> -> memref<128x32xf32, #tpu.memory_space<vmem>>
      %dma_start3A_477 = arith.constant 0 : i32
      %dma_start3A_478 = tpu.memref_slice %arg9[%add3A_456, %dma_start3A_477] : memref<40x128xi32, #tpu.memory_space<vmem>> -> memref<1x128xi32, #tpu.memory_space<vmem>>
      %dma_start3A_479 = tpu.memref_squeeze %dma_start3A_478 : memref<1x128xi32, #tpu.memory_space<vmem>> -> memref<128xi32, #tpu.memory_space<vmem>>
      %dma_start3A_480 = arith.constant 0 : i32
      %dma_start3A_481 = arith.constant 0 : i32
      %dma_start3A_482 = tpu.memref_slice %arg11[%dma_start3A_480, %dma_start3A_481] : memref<10112x32xf32, #tpu.memory_space<vmem_shared>> -> memref<10112x32xf32, #tpu.memory_space<vmem_shared>>
      tpu.enqueue_indirect_dma source(%dma_start3A_476 : memref<128x32xf32, #tpu.memory_space<vmem>>) target(%dma_start3A_482 : memref<10112x32xf32, #tpu.memory_space<vmem_shared>>) offsets(%dma_start3A_479 : memref<128xi32, #tpu.memory_space<vmem>>) semaphore(%arg28 : memref<!tpu.dma_semaphore, #tpu.memory_space<semaphore_mem>>) {add = true}
      %mul3A_483 = arith.constant 10 : i32
      %mul3A_484 = arith.muli %scan3A_303, %mul3A_483 : i32
      %add3A_485 = arith.constant 6 : i32
      %add3A_486 = arith.addi %mul3A_484, %add3A_485 : i32
      %dma_wait3A_487 = arith.constant 6 : i32
      %dma_wait3A_488 = arith.constant 0 : i32
      %dma_wait3A_489 = arith.constant 0 : i32
      %dma_wait3A_490 = tpu.memref_slice %arg10[%dma_wait3A_487, %dma_wait3A_488, %dma_wait3A_489] : memref<10x128x32xf32, #tpu.memory_space<vmem>> -> memref<1x128x32xf32, #tpu.memory_space<vmem>>
      %dma_wait3A_491 = tpu.memref_squeeze %dma_wait3A_490 : memref<1x128x32xf32, #tpu.memory_space<vmem>> -> memref<128x32xf32, #tpu.memory_space<vmem>>
      %dma_wait3A_492 = arith.constant 0 : i32
      %dma_wait3A_493 = arith.constant 0 : i32
      %dma_wait3A_494 = tpu.memref_slice %arg4[%dma_wait3A_492, %dma_wait3A_493] : memref<10000x32xf32, #tpu.memory_space<hbm>> -> memref<128x32xf32, #tpu.memory_space<hbm>>
      %dma_wait3A_495 = arith.constant 0 : i32
      %dma_wait3A_496 = arith.constant 0 : i32
      %dma_wait3A_497 = tpu.memref_slice %arg10[%dma_wait3A_487, %dma_wait3A_495, %dma_wait3A_496] : memref<10x128x32xf32, #tpu.memory_space<vmem>> -> memref<1x128x32xf32, #tpu.memory_space<vmem>>
      %dma_wait3A_498 = tpu.memref_squeeze %dma_wait3A_497 : memref<1x128x32xf32, #tpu.memory_space<vmem>> -> memref<128x32xf32, #tpu.memory_space<vmem>>
      %dma_wait3A_499 = arith.constant 0 : i32
      %dma_wait3A_500 = arith.constant 0 : i32
      %dma_wait3A_501 = tpu.memref_slice %arg4[%dma_wait3A_499, %dma_wait3A_500] : memref<10000x32xf32, #tpu.memory_space<hbm>> -> memref<128x32xf32, #tpu.memory_space<hbm>>
      tpu.wait_dma2 semaphore(%arg19 : memref<!tpu.dma_semaphore, #tpu.memory_space<semaphore_mem>>) src(%dma_wait3A_501 : memref<128x32xf32, #tpu.memory_space<hbm>>) dst(%dma_wait3A_498 : memref<128x32xf32, #tpu.memory_space<vmem>>)
      %dma_start3A_502 = arith.constant 6 : i32
      %dma_start3A_503 = arith.constant 0 : i32
      %dma_start3A_504 = arith.constant 0 : i32
      %dma_start3A_505 = tpu.memref_slice %arg10[%dma_start3A_502, %dma_start3A_503, %dma_start3A_504] : memref<10x128x32xf32, #tpu.memory_space<vmem>> -> memref<1x128x32xf32, #tpu.memory_space<vmem>>
      %dma_start3A_506 = tpu.memref_squeeze %dma_start3A_505 : memref<1x128x32xf32, #tpu.memory_space<vmem>> -> memref<128x32xf32, #tpu.memory_space<vmem>>
      %dma_start3A_507 = arith.constant 0 : i32
      %dma_start3A_508 = tpu.memref_slice %arg9[%add3A_486, %dma_start3A_507] : memref<40x128xi32, #tpu.memory_space<vmem>> -> memref<1x128xi32, #tpu.memory_space<vmem>>
      %dma_start3A_509 = tpu.memref_squeeze %dma_start3A_508 : memref<1x128xi32, #tpu.memory_space<vmem>> -> memref<128xi32, #tpu.memory_space<vmem>>
      %dma_start3A_510 = arith.constant 0 : i32
      %dma_start3A_511 = arith.constant 0 : i32
      %dma_start3A_512 = tpu.memref_slice %arg11[%dma_start3A_510, %dma_start3A_511] : memref<10112x32xf32, #tpu.memory_space<vmem_shared>> -> memref<10112x32xf32, #tpu.memory_space<vmem_shared>>
      tpu.enqueue_indirect_dma source(%dma_start3A_506 : memref<128x32xf32, #tpu.memory_space<vmem>>) target(%dma_start3A_512 : memref<10112x32xf32, #tpu.memory_space<vmem_shared>>) offsets(%dma_start3A_509 : memref<128xi32, #tpu.memory_space<vmem>>) semaphore(%arg29 : memref<!tpu.dma_semaphore, #tpu.memory_space<semaphore_mem>>) {add = true}
      %mul3A_513 = arith.constant 10 : i32
      %mul3A_514 = arith.muli %scan3A_303, %mul3A_513 : i32
      %add3A_515 = arith.constant 7 : i32
      %add3A_516 = arith.addi %mul3A_514, %add3A_515 : i32
      %dma_wait3A_517 = arith.constant 7 : i32
      %dma_wait3A_518 = arith.constant 0 : i32
      %dma_wait3A_519 = arith.constant 0 : i32
      %dma_wait3A_520 = tpu.memref_slice %arg10[%dma_wait3A_517, %dma_wait3A_518, %dma_wait3A_519] : memref<10x128x32xf32, #tpu.memory_space<vmem>> -> memref<1x128x32xf32, #tpu.memory_space<vmem>>
      %dma_wait3A_521 = tpu.memref_squeeze %dma_wait3A_520 : memref<1x128x32xf32, #tpu.memory_space<vmem>> -> memref<128x32xf32, #tpu.memory_space<vmem>>
      %dma_wait3A_522 = arith.constant 0 : i32
      %dma_wait3A_523 = arith.constant 0 : i32
      %dma_wait3A_524 = tpu.memref_slice %arg4[%dma_wait3A_522, %dma_wait3A_523] : memref<10000x32xf32, #tpu.memory_space<hbm>> -> memref<128x32xf32, #tpu.memory_space<hbm>>
      %dma_wait3A_525 = arith.constant 0 : i32
      %dma_wait3A_526 = arith.constant 0 : i32
      %dma_wait3A_527 = tpu.memref_slice %arg10[%dma_wait3A_517, %dma_wait3A_525, %dma_wait3A_526] : memref<10x128x32xf32, #tpu.memory_space<vmem>> -> memref<1x128x32xf32, #tpu.memory_space<vmem>>
      %dma_wait3A_528 = tpu.memref_squeeze %dma_wait3A_527 : memref<1x128x32xf32, #tpu.memory_space<vmem>> -> memref<128x32xf32, #tpu.memory_space<vmem>>
      %dma_wait3A_529 = arith.constant 0 : i32
      %dma_wait3A_530 = arith.constant 0 : i32
      %dma_wait3A_531 = tpu.memref_slice %arg4[%dma_wait3A_529, %dma_wait3A_530] : memref<10000x32xf32, #tpu.memory_space<hbm>> -> memref<128x32xf32, #tpu.memory_space<hbm>>
      tpu.wait_dma2 semaphore(%arg20 : memref<!tpu.dma_semaphore, #tpu.memory_space<semaphore_mem>>) src(%dma_wait3A_531 : memref<128x32xf32, #tpu.memory_space<hbm>>) dst(%dma_wait3A_528 : memref<128x32xf32, #tpu.memory_space<vmem>>)
      %dma_start3A_532 = arith.constant 7 : i32
      %dma_start3A_533 = arith.constant 0 : i32
      %dma_start3A_534 = arith.constant 0 : i32
      %dma_start3A_535 = tpu.memref_slice %arg10[%dma_start3A_532, %dma_start3A_533, %dma_start3A_534] : memref<10x128x32xf32, #tpu.memory_space<vmem>> -> memref<1x128x32xf32, #tpu.memory_space<vmem>>
      %dma_start3A_536 = tpu.memref_squeeze %dma_start3A_535 : memref<1x128x32xf32, #tpu.memory_space<vmem>> -> memref<128x32xf32, #tpu.memory_space<vmem>>
      %dma_start3A_537 = arith.constant 0 : i32
      %dma_start3A_538 = tpu.memref_slice %arg9[%add3A_516, %dma_start3A_537] : memref<40x128xi32, #tpu.memory_space<vmem>> -> memref<1x128xi32, #tpu.memory_space<vmem>>
      %dma_start3A_539 = tpu.memref_squeeze %dma_start3A_538 : memref<1x128xi32, #tpu.memory_space<vmem>> -> memref<128xi32, #tpu.memory_space<vmem>>
      %dma_start3A_540 = arith.constant 0 : i32
      %dma_start3A_541 = arith.constant 0 : i32
      %dma_start3A_542 = tpu.memref_slice %arg11[%dma_start3A_540, %dma_start3A_541] : memref<10112x32xf32, #tpu.memory_space<vmem_shared>> -> memref<10112x32xf32, #tpu.memory_space<vmem_shared>>
      tpu.enqueue_indirect_dma source(%dma_start3A_536 : memref<128x32xf32, #tpu.memory_space<vmem>>) target(%dma_start3A_542 : memref<10112x32xf32, #tpu.memory_space<vmem_shared>>) offsets(%dma_start3A_539 : memref<128xi32, #tpu.memory_space<vmem>>) semaphore(%arg30 : memref<!tpu.dma_semaphore, #tpu.memory_space<semaphore_mem>>) {add = true}
      %mul3A_543 = arith.constant 10 : i32
      %mul3A_544 = arith.muli %scan3A_303, %mul3A_543 : i32
      %add3A_545 = arith.constant 8 : i32
      %add3A_546 = arith.addi %mul3A_544, %add3A_545 : i32
      %dma_wait3A_547 = arith.constant 8 : i32
      %dma_wait3A_548 = arith.constant 0 : i32
      %dma_wait3A_549 = arith.constant 0 : i32
      %dma_wait3A_550 = tpu.memref_slice %arg10[%dma_wait3A_547, %dma_wait3A_548, %dma_wait3A_549] : memref<10x128x32xf32, #tpu.memory_space<vmem>> -> memref<1x128x32xf32, #tpu.memory_space<vmem>>
      %dma_wait3A_551 = tpu.memref_squeeze %dma_wait3A_550 : memref<1x128x32xf32, #tpu.memory_space<vmem>> -> memref<128x32xf32, #tpu.memory_space<vmem>>
      %dma_wait3A_552 = arith.constant 0 : i32
      %dma_wait3A_553 = arith.constant 0 : i32
      %dma_wait3A_554 = tpu.memref_slice %arg4[%dma_wait3A_552, %dma_wait3A_553] : memref<10000x32xf32, #tpu.memory_space<hbm>> -> memref<128x32xf32, #tpu.memory_space<hbm>>
      %dma_wait3A_555 = arith.constant 0 : i32
      %dma_wait3A_556 = arith.constant 0 : i32
      %dma_wait3A_557 = tpu.memref_slice %arg10[%dma_wait3A_547, %dma_wait3A_555, %dma_wait3A_556] : memref<10x128x32xf32, #tpu.memory_space<vmem>> -> memref<1x128x32xf32, #tpu.memory_space<vmem>>
      %dma_wait3A_558 = tpu.memref_squeeze %dma_wait3A_557 : memref<1x128x32xf32, #tpu.memory_space<vmem>> -> memref<128x32xf32, #tpu.memory_space<vmem>>
      %dma_wait3A_559 = arith.constant 0 : i32
      %dma_wait3A_560 = arith.constant 0 : i32
      %dma_wait3A_561 = tpu.memref_slice %arg4[%dma_wait3A_559, %dma_wait3A_560] : memref<10000x32xf32, #tpu.memory_space<hbm>> -> memref<128x32xf32, #tpu.memory_space<hbm>>
      tpu.wait_dma2 semaphore(%arg21 : memref<!tpu.dma_semaphore, #tpu.memory_space<semaphore_mem>>) src(%dma_wait3A_561 : memref<128x32xf32, #tpu.memory_space<hbm>>) dst(%dma_wait3A_558 : memref<128x32xf32, #tpu.memory_space<vmem>>)
      %dma_start3A_562 = arith.constant 8 : i32
      %dma_start3A_563 = arith.constant 0 : i32
      %dma_start3A_564 = arith.constant 0 : i32
      %dma_start3A_565 = tpu.memref_slice %arg10[%dma_start3A_562, %dma_start3A_563, %dma_start3A_564] : memref<10x128x32xf32, #tpu.memory_space<vmem>> -> memref<1x128x32xf32, #tpu.memory_space<vmem>>
      %dma_start3A_566 = tpu.memref_squeeze %dma_start3A_565 : memref<1x128x32xf32, #tpu.memory_space<vmem>> -> memref<128x32xf32, #tpu.memory_space<vmem>>
      %dma_start3A_567 = arith.constant 0 : i32
      %dma_start3A_568 = tpu.memref_slice %arg9[%add3A_546, %dma_start3A_567] : memref<40x128xi32, #tpu.memory_space<vmem>> -> memref<1x128xi32, #tpu.memory_space<vmem>>
      %dma_start3A_569 = tpu.memref_squeeze %dma_start3A_568 : memref<1x128xi32, #tpu.memory_space<vmem>> -> memref<128xi32, #tpu.memory_space<vmem>>
      %dma_start3A_570 = arith.constant 0 : i32
      %dma_start3A_571 = arith.constant 0 : i32
      %dma_start3A_572 = tpu.memref_slice %arg11[%dma_start3A_570, %dma_start3A_571] : memref<10112x32xf32, #tpu.memory_space<vmem_shared>> -> memref<10112x32xf32, #tpu.memory_space<vmem_shared>>
      tpu.enqueue_indirect_dma source(%dma_start3A_566 : memref<128x32xf32, #tpu.memory_space<vmem>>) target(%dma_start3A_572 : memref<10112x32xf32, #tpu.memory_space<vmem_shared>>) offsets(%dma_start3A_569 : memref<128xi32, #tpu.memory_space<vmem>>) semaphore(%arg31 : memref<!tpu.dma_semaphore, #tpu.memory_space<semaphore_mem>>) {add = true}
      %mul3A_573 = arith.constant 10 : i32
      %mul3A_574 = arith.muli %scan3A_303, %mul3A_573 : i32
      %add3A_575 = arith.constant 9 : i32
      %add3A_576 = arith.addi %mul3A_574, %add3A_575 : i32
      %dma_wait3A_577 = arith.constant 9 : i32
      %dma_wait3A_578 = arith.constant 0 : i32
      %dma_wait3A_579 = arith.constant 0 : i32
      %dma_wait3A_580 = tpu.memref_slice %arg10[%dma_wait3A_577, %dma_wait3A_578, %dma_wait3A_579] : memref<10x128x32xf32, #tpu.memory_space<vmem>> -> memref<1x128x32xf32, #tpu.memory_space<vmem>>
      %dma_wait3A_581 = tpu.memref_squeeze %dma_wait3A_580 : memref<1x128x32xf32, #tpu.memory_space<vmem>> -> memref<128x32xf32, #tpu.memory_space<vmem>>
      %dma_wait3A_582 = arith.constant 0 : i32
      %dma_wait3A_583 = arith.constant 0 : i32
      %dma_wait3A_584 = tpu.memref_slice %arg4[%dma_wait3A_582, %dma_wait3A_583] : memref<10000x32xf32, #tpu.memory_space<hbm>> -> memref<128x32xf32, #tpu.memory_space<hbm>>
      %dma_wait3A_585 = arith.constant 0 : i32
      %dma_wait3A_586 = arith.constant 0 : i32
      %dma_wait3A_587 = tpu.memref_slice %arg10[%dma_wait3A_577, %dma_wait3A_585, %dma_wait3A_586] : memref<10x128x32xf32, #tpu.memory_space<vmem>> -> memref<1x128x32xf32, #tpu.memory_space<vmem>>
      %dma_wait3A_588 = tpu.memref_squeeze %dma_wait3A_587 : memref<1x128x32xf32, #tpu.memory_space<vmem>> -> memref<128x32xf32, #tpu.memory_space<vmem>>
      %dma_wait3A_589 = arith.constant 0 : i32
      %dma_wait3A_590 = arith.constant 0 : i32
      %dma_wait3A_591 = tpu.memref_slice %arg4[%dma_wait3A_589, %dma_wait3A_590] : memref<10000x32xf32, #tpu.memory_space<hbm>> -> memref<128x32xf32, #tpu.memory_space<hbm>>
      tpu.wait_dma2 semaphore(%arg22 : memref<!tpu.dma_semaphore, #tpu.memory_space<semaphore_mem>>) src(%dma_wait3A_591 : memref<128x32xf32, #tpu.memory_space<hbm>>) dst(%dma_wait3A_588 : memref<128x32xf32, #tpu.memory_space<vmem>>)
      %dma_start3A_592 = arith.constant 9 : i32
      %dma_start3A_593 = arith.constant 0 : i32
      %dma_start3A_594 = arith.constant 0 : i32
      %dma_start3A_595 = tpu.memref_slice %arg10[%dma_start3A_592, %dma_start3A_593, %dma_start3A_594] : memref<10x128x32xf32, #tpu.memory_space<vmem>> -> memref<1x128x32xf32, #tpu.memory_space<vmem>>
      %dma_start3A_596 = tpu.memref_squeeze %dma_start3A_595 : memref<1x128x32xf32, #tpu.memory_space<vmem>> -> memref<128x32xf32, #tpu.memory_space<vmem>>
      %dma_start3A_597 = arith.constant 0 : i32
      %dma_start3A_598 = tpu.memref_slice %arg9[%add3A_576, %dma_start3A_597] : memref<40x128xi32, #tpu.memory_space<vmem>> -> memref<1x128xi32, #tpu.memory_space<vmem>>
      %dma_start3A_599 = tpu.memref_squeeze %dma_start3A_598 : memref<1x128xi32, #tpu.memory_space<vmem>> -> memref<128xi32, #tpu.memory_space<vmem>>
      %dma_start3A_600 = arith.constant 0 : i32
      %dma_start3A_601 = arith.constant 0 : i32
      %dma_start3A_602 = tpu.memref_slice %arg11[%dma_start3A_600, %dma_start3A_601] : memref<10112x32xf32, #tpu.memory_space<vmem_shared>> -> memref<10112x32xf32, #tpu.memory_space<vmem_shared>>
      tpu.enqueue_indirect_dma source(%dma_start3A_596 : memref<128x32xf32, #tpu.memory_space<vmem>>) target(%dma_start3A_602 : memref<10112x32xf32, #tpu.memory_space<vmem_shared>>) offsets(%dma_start3A_599 : memref<128xi32, #tpu.memory_space<vmem>>) semaphore(%arg32 : memref<!tpu.dma_semaphore, #tpu.memory_space<semaphore_mem>>) {add = true}
      %dma_wait3A_603 = arith.constant 0 : i32
      %dma_wait3A_604 = arith.constant 0 : i32
      %dma_wait3A_605 = arith.constant 0 : i32
      %dma_wait3A_606 = tpu.memref_slice %arg10[%dma_wait3A_603, %dma_wait3A_604, %dma_wait3A_605] : memref<10x128x32xf32, #tpu.memory_space<vmem>> -> memref<1x128x32xf32, #tpu.memory_space<vmem>>
      %dma_wait3A_607 = tpu.memref_squeeze %dma_wait3A_606 : memref<1x128x32xf32, #tpu.memory_space<vmem>> -> memref<128x32xf32, #tpu.memory_space<vmem>>
      %dma_wait3A_608 = arith.constant 0 : i32
      %dma_wait3A_609 = arith.constant 0 : i32
      %dma_wait3A_610 = tpu.memref_slice %arg11[%dma_wait3A_608, %dma_wait3A_609] : memref<10112x32xf32, #tpu.memory_space<vmem_shared>> -> memref<128x32xf32, #tpu.memory_space<vmem_shared>>
      %dma_wait3A_611 = arith.constant 0 : i32
      %dma_wait3A_612 = arith.constant 0 : i32
      %dma_wait3A_613 = tpu.memref_slice %arg11[%dma_wait3A_611, %dma_wait3A_612] : memref<10112x32xf32, #tpu.memory_space<vmem_shared>> -> memref<128x32xf32, #tpu.memory_space<vmem_shared>>
      %dma_wait3A_614 = arith.constant 0 : i32
      %dma_wait3A_615 = arith.constant 0 : i32
      %dma_wait3A_616 = tpu.memref_slice %arg10[%dma_wait3A_603, %dma_wait3A_614, %dma_wait3A_615] : memref<10x128x32xf32, #tpu.memory_space<vmem>> -> memref<1x128x32xf32, #tpu.memory_space<vmem>>
      %dma_wait3A_617 = tpu.memref_squeeze %dma_wait3A_616 : memref<1x128x32xf32, #tpu.memory_space<vmem>> -> memref<128x32xf32, #tpu.memory_space<vmem>>
      tpu.wait_dma2 semaphore(%arg23 : memref<!tpu.dma_semaphore, #tpu.memory_space<semaphore_mem>>) src(%dma_wait3A_617 : memref<128x32xf32, #tpu.memory_space<vmem>>) dst(%dma_wait3A_613 : memref<128x32xf32, #tpu.memory_space<vmem_shared>>)
      %add3A_618 = arith.constant 1 : i32
      %add3A_619 = arith.addi %scan3A_303, %add3A_618 : i32
      %lt3A_620 = arith.constant 4 : i32
      %lt3A_621 = arith.cmpi slt, %add3A_619, %lt3A_620 : i32
      %convert_element_type3A_622 = arith.extui %lt3A_621 : i1 to i32
      %cond3A_623 = arith.constant 0 : i32
      %cond3A_624 = arith.cmpi ne, %convert_element_type3A_622, %cond3A_623 : i32
      scf.if %cond3A_624 {
        %add3A_823 = arith.constant 1 : i32
        %add3A_824 = arith.addi %scan3A_303, %add3A_823 : i32
        %mul3A_825 = arith.constant 10 : i32
        %mul3A_826 = arith.muli %add3A_824, %mul3A_825 : i32
        %add3A_827 = arith.constant 0 : i32
        %add3A_828 = arith.addi %mul3A_826, %add3A_827 : i32
        %dma_start3A_829 = arith.constant 0 : i32
        %dma_start3A_830 = arith.constant 0 : i32
        %dma_start3A_831 = arith.constant 0 : i32
        %dma_start3A_832 = tpu.memref_slice %arg10[%dma_start3A_829, %dma_start3A_830, %dma_start3A_831] : memref<10x128x32xf32, #tpu.memory_space<vmem>> -> memref<1x128x32xf32, #tpu.memory_space<vmem>>
        %dma_start3A_833 = tpu.memref_squeeze %dma_start3A_832 : memref<1x128x32xf32, #tpu.memory_space<vmem>> -> memref<128x32xf32, #tpu.memory_space<vmem>>
        %dma_start3A_834 = arith.constant 0 : i32
        %dma_start3A_835 = tpu.memref_slice %arg8[%add3A_828, %dma_start3A_834] : memref<40x128xi32, #tpu.memory_space<vmem>> -> memref<1x128xi32, #tpu.memory_space<vmem>>
        %dma_start3A_836 = tpu.memref_squeeze %dma_start3A_835 : memref<1x128xi32, #tpu.memory_space<vmem>> -> memref<128xi32, #tpu.memory_space<vmem>>
        %dma_start3A_837 = arith.constant 0 : i32
        %dma_start3A_838 = arith.constant 0 : i32
        %dma_start3A_839 = tpu.memref_slice %arg12[%dma_start3A_837, %dma_start3A_838] : memref<10112x32xf32, #tpu.memory_space<vmem_shared>> -> memref<10112x32xf32, #tpu.memory_space<vmem_shared>>
        tpu.enqueue_indirect_dma source(%dma_start3A_839 : memref<10112x32xf32, #tpu.memory_space<vmem_shared>>) target(%dma_start3A_833 : memref<128x32xf32, #tpu.memory_space<vmem>>) offsets(%dma_start3A_836 : memref<128xi32, #tpu.memory_space<vmem>>) semaphore(%arg13 : memref<!tpu.dma_semaphore, #tpu.memory_space<semaphore_mem>>)
      } else {
      }
      %dma_wait3A_625 = arith.constant 1 : i32
      %dma_wait3A_626 = arith.constant 0 : i32
      %dma_wait3A_627 = arith.constant 0 : i32
      %dma_wait3A_628 = tpu.memref_slice %arg10[%dma_wait3A_625, %dma_wait3A_626, %dma_wait3A_627] : memref<10x128x32xf32, #tpu.memory_space<vmem>> -> memref<1x128x32xf32, #tpu.memory_space<vmem>>
      %dma_wait3A_629 = tpu.memref_squeeze %dma_wait3A_628 : memref<1x128x32xf32, #tpu.memory_space<vmem>> -> memref<128x32xf32, #tpu.memory_space<vmem>>
      %dma_wait3A_630 = arith.constant 0 : i32
      %dma_wait3A_631 = arith.constant 0 : i32
      %dma_wait3A_632 = tpu.memref_slice %arg11[%dma_wait3A_630, %dma_wait3A_631] : memref<10112x32xf32, #tpu.memory_space<vmem_shared>> -> memref<128x32xf32, #tpu.memory_space<vmem_shared>>
      %dma_wait3A_633 = arith.constant 0 : i32
      %dma_wait3A_634 = arith.constant 0 : i32
      %dma_wait3A_635 = tpu.memref_slice %arg11[%dma_wait3A_633, %dma_wait3A_634] : memref<10112x32xf32, #tpu.memory_space<vmem_shared>> -> memref<128x32xf32, #tpu.memory_space<vmem_shared>>
      %dma_wait3A_636 = arith.constant 0 : i32
      %dma_wait3A_637 = arith.constant 0 : i32
      %dma_wait3A_638 = tpu.memref_slice %arg10[%dma_wait3A_625, %dma_wait3A_636, %dma_wait3A_637] : memref<10x128x32xf32, #tpu.memory_space<vmem>> -> memref<1x128x32xf32, #tpu.memory_space<vmem>>
      %dma_wait3A_639 = tpu.memref_squeeze %dma_wait3A_638 : memref<1x128x32xf32, #tpu.memory_space<vmem>> -> memref<128x32xf32, #tpu.memory_space<vmem>>
      tpu.wait_dma2 semaphore(%arg24 : memref<!tpu.dma_semaphore, #tpu.memory_space<semaphore_mem>>) src(%dma_wait3A_639 : memref<128x32xf32, #tpu.memory_space<vmem>>) dst(%dma_wait3A_635 : memref<128x32xf32, #tpu.memory_space<vmem_shared>>)
      %add3A_640 = arith.constant 1 : i32
      %add3A_641 = arith.addi %scan3A_303, %add3A_640 : i32
      %lt3A_642 = arith.constant 4 : i32
      %lt3A_643 = arith.cmpi slt, %add3A_641, %lt3A_642 : i32
      %convert_element_type3A_644 = arith.extui %lt3A_643 : i1 to i32
      %cond3A_645 = arith.constant 0 : i32
      %cond3A_646 = arith.cmpi ne, %convert_element_type3A_644, %cond3A_645 : i32
      scf.if %cond3A_646 {
        %add3A_823 = arith.constant 1 : i32
        %add3A_824 = arith.addi %scan3A_303, %add3A_823 : i32
        %mul3A_825 = arith.constant 10 : i32
        %mul3A_826 = arith.muli %add3A_824, %mul3A_825 : i32
        %add3A_827 = arith.constant 1 : i32
        %add3A_828 = arith.addi %mul3A_826, %add3A_827 : i32
        %dma_start3A_829 = arith.constant 1 : i32
        %dma_start3A_830 = arith.constant 0 : i32
        %dma_start3A_831 = arith.constant 0 : i32
        %dma_start3A_832 = tpu.memref_slice %arg10[%dma_start3A_829, %dma_start3A_830, %dma_start3A_831] : memref<10x128x32xf32, #tpu.memory_space<vmem>> -> memref<1x128x32xf32, #tpu.memory_space<vmem>>
        %dma_start3A_833 = tpu.memref_squeeze %dma_start3A_832 : memref<1x128x32xf32, #tpu.memory_space<vmem>> -> memref<128x32xf32, #tpu.memory_space<vmem>>
        %dma_start3A_834 = arith.constant 0 : i32
        %dma_start3A_835 = tpu.memref_slice %arg8[%add3A_828, %dma_start3A_834] : memref<40x128xi32, #tpu.memory_space<vmem>> -> memref<1x128xi32, #tpu.memory_space<vmem>>
        %dma_start3A_836 = tpu.memref_squeeze %dma_start3A_835 : memref<1x128xi32, #tpu.memory_space<vmem>> -> memref<128xi32, #tpu.memory_space<vmem>>
        %dma_start3A_837 = arith.constant 0 : i32
        %dma_start3A_838 = arith.constant 0 : i32
        %dma_start3A_839 = tpu.memref_slice %arg12[%dma_start3A_837, %dma_start3A_838] : memref<10112x32xf32, #tpu.memory_space<vmem_shared>> -> memref<10112x32xf32, #tpu.memory_space<vmem_shared>>
        tpu.enqueue_indirect_dma source(%dma_start3A_839 : memref<10112x32xf32, #tpu.memory_space<vmem_shared>>) target(%dma_start3A_833 : memref<128x32xf32, #tpu.memory_space<vmem>>) offsets(%dma_start3A_836 : memref<128xi32, #tpu.memory_space<vmem>>) semaphore(%arg14 : memref<!tpu.dma_semaphore, #tpu.memory_space<semaphore_mem>>)
      } else {
      }
      %dma_wait3A_647 = arith.constant 2 : i32
      %dma_wait3A_648 = arith.constant 0 : i32
      %dma_wait3A_649 = arith.constant 0 : i32
      %dma_wait3A_650 = tpu.memref_slice %arg10[%dma_wait3A_647, %dma_wait3A_648, %dma_wait3A_649] : memref<10x128x32xf32, #tpu.memory_space<vmem>> -> memref<1x128x32xf32, #tpu.memory_space<vmem>>
      %dma_wait3A_651 = tpu.memref_squeeze %dma_wait3A_650 : memref<1x128x32xf32, #tpu.memory_space<vmem>> -> memref<128x32xf32, #tpu.memory_space<vmem>>
      %dma_wait3A_652 = arith.constant 0 : i32
      %dma_wait3A_653 = arith.constant 0 : i32
      %dma_wait3A_654 = tpu.memref_slice %arg11[%dma_wait3A_652, %dma_wait3A_653] : memref<10112x32xf32, #tpu.memory_space<vmem_shared>> -> memref<128x32xf32, #tpu.memory_space<vmem_shared>>
      %dma_wait3A_655 = arith.constant 0 : i32
      %dma_wait3A_656 = arith.constant 0 : i32
      %dma_wait3A_657 = tpu.memref_slice %arg11[%dma_wait3A_655, %dma_wait3A_656] : memref<10112x32xf32, #tpu.memory_space<vmem_shared>> -> memref<128x32xf32, #tpu.memory_space<vmem_shared>>
      %dma_wait3A_658 = arith.constant 0 : i32
      %dma_wait3A_659 = arith.constant 0 : i32
      %dma_wait3A_660 = tpu.memref_slice %arg10[%dma_wait3A_647, %dma_wait3A_658, %dma_wait3A_659] : memref<10x128x32xf32, #tpu.memory_space<vmem>> -> memref<1x128x32xf32, #tpu.memory_space<vmem>>
      %dma_wait3A_661 = tpu.memref_squeeze %dma_wait3A_660 : memref<1x128x32xf32, #tpu.memory_space<vmem>> -> memref<128x32xf32, #tpu.memory_space<vmem>>
      tpu.wait_dma2 semaphore(%arg25 : memref<!tpu.dma_semaphore, #tpu.memory_space<semaphore_mem>>) src(%dma_wait3A_661 : memref<128x32xf32, #tpu.memory_space<vmem>>) dst(%dma_wait3A_657 : memref<128x32xf32, #tpu.memory_space<vmem_shared>>)
      %add3A_662 = arith.constant 1 : i32
      %add3A_663 = arith.addi %scan3A_303, %add3A_662 : i32
      %lt3A_664 = arith.constant 4 : i32
      %lt3A_665 = arith.cmpi slt, %add3A_663, %lt3A_664 : i32
      %convert_element_type3A_666 = arith.extui %lt3A_665 : i1 to i32
      %cond3A_667 = arith.constant 0 : i32
      %cond3A_668 = arith.cmpi ne, %convert_element_type3A_666, %cond3A_667 : i32
      scf.if %cond3A_668 {
        %add3A_823 = arith.constant 1 : i32
        %add3A_824 = arith.addi %scan3A_303, %add3A_823 : i32
        %mul3A_825 = arith.constant 10 : i32
        %mul3A_826 = arith.muli %add3A_824, %mul3A_825 : i32
        %add3A_827 = arith.constant 2 : i32
        %add3A_828 = arith.addi %mul3A_826, %add3A_827 : i32
        %dma_start3A_829 = arith.constant 2 : i32
        %dma_start3A_830 = arith.constant 0 : i32
        %dma_start3A_831 = arith.constant 0 : i32
        %dma_start3A_832 = tpu.memref_slice %arg10[%dma_start3A_829, %dma_start3A_830, %dma_start3A_831] : memref<10x128x32xf32, #tpu.memory_space<vmem>> -> memref<1x128x32xf32, #tpu.memory_space<vmem>>
        %dma_start3A_833 = tpu.memref_squeeze %dma_start3A_832 : memref<1x128x32xf32, #tpu.memory_space<vmem>> -> memref<128x32xf32, #tpu.memory_space<vmem>>
        %dma_start3A_834 = arith.constant 0 : i32
        %dma_start3A_835 = tpu.memref_slice %arg8[%add3A_828, %dma_start3A_834] : memref<40x128xi32, #tpu.memory_space<vmem>> -> memref<1x128xi32, #tpu.memory_space<vmem>>
        %dma_start3A_836 = tpu.memref_squeeze %dma_start3A_835 : memref<1x128xi32, #tpu.memory_space<vmem>> -> memref<128xi32, #tpu.memory_space<vmem>>
        %dma_start3A_837 = arith.constant 0 : i32
        %dma_start3A_838 = arith.constant 0 : i32
        %dma_start3A_839 = tpu.memref_slice %arg12[%dma_start3A_837, %dma_start3A_838] : memref<10112x32xf32, #tpu.memory_space<vmem_shared>> -> memref<10112x32xf32, #tpu.memory_space<vmem_shared>>
        tpu.enqueue_indirect_dma source(%dma_start3A_839 : memref<10112x32xf32, #tpu.memory_space<vmem_shared>>) target(%dma_start3A_833 : memref<128x32xf32, #tpu.memory_space<vmem>>) offsets(%dma_start3A_836 : memref<128xi32, #tpu.memory_space<vmem>>) semaphore(%arg15 : memref<!tpu.dma_semaphore, #tpu.memory_space<semaphore_mem>>)
      } else {
      }
      %dma_wait3A_669 = arith.constant 3 : i32
      %dma_wait3A_670 = arith.constant 0 : i32
      %dma_wait3A_671 = arith.constant 0 : i32
      %dma_wait3A_672 = tpu.memref_slice %arg10[%dma_wait3A_669, %dma_wait3A_670, %dma_wait3A_671] : memref<10x128x32xf32, #tpu.memory_space<vmem>> -> memref<1x128x32xf32, #tpu.memory_space<vmem>>
      %dma_wait3A_673 = tpu.memref_squeeze %dma_wait3A_672 : memref<1x128x32xf32, #tpu.memory_space<vmem>> -> memref<128x32xf32, #tpu.memory_space<vmem>>
      %dma_wait3A_674 = arith.constant 0 : i32
      %dma_wait3A_675 = arith.constant 0 : i32
      %dma_wait3A_676 = tpu.memref_slice %arg11[%dma_wait3A_674, %dma_wait3A_675] : memref<10112x32xf32, #tpu.memory_space<vmem_shared>> -> memref<128x32xf32, #tpu.memory_space<vmem_shared>>
      %dma_wait3A_677 = arith.constant 0 : i32
      %dma_wait3A_678 = arith.constant 0 : i32
      %dma_wait3A_679 = tpu.memref_slice %arg11[%dma_wait3A_677, %dma_wait3A_678] : memref<10112x32xf32, #tpu.memory_space<vmem_shared>> -> memref<128x32xf32, #tpu.memory_space<vmem_shared>>
      %dma_wait3A_680 = arith.constant 0 : i32
      %dma_wait3A_681 = arith.constant 0 : i32
      %dma_wait3A_682 = tpu.memref_slice %arg10[%dma_wait3A_669, %dma_wait3A_680, %dma_wait3A_681] : memref<10x128x32xf32, #tpu.memory_space<vmem>> -> memref<1x128x32xf32, #tpu.memory_space<vmem>>
      %dma_wait3A_683 = tpu.memref_squeeze %dma_wait3A_682 : memref<1x128x32xf32, #tpu.memory_space<vmem>> -> memref<128x32xf32, #tpu.memory_space<vmem>>
      tpu.wait_dma2 semaphore(%arg26 : memref<!tpu.dma_semaphore, #tpu.memory_space<semaphore_mem>>) src(%dma_wait3A_683 : memref<128x32xf32, #tpu.memory_space<vmem>>) dst(%dma_wait3A_679 : memref<128x32xf32, #tpu.memory_space<vmem_shared>>)
      %add3A_684 = arith.constant 1 : i32
      %add3A_685 = arith.addi %scan3A_303, %add3A_684 : i32
      %lt3A_686 = arith.constant 4 : i32
      %lt3A_687 = arith.cmpi slt, %add3A_685, %lt3A_686 : i32
      %convert_element_type3A_688 = arith.extui %lt3A_687 : i1 to i32
      %cond3A_689 = arith.constant 0 : i32
      %cond3A_690 = arith.cmpi ne, %convert_element_type3A_688, %cond3A_689 : i32
      scf.if %cond3A_690 {
        %add3A_823 = arith.constant 1 : i32
        %add3A_824 = arith.addi %scan3A_303, %add3A_823 : i32
        %mul3A_825 = arith.constant 10 : i32
        %mul3A_826 = arith.muli %add3A_824, %mul3A_825 : i32
        %add3A_827 = arith.constant 3 : i32
        %add3A_828 = arith.addi %mul3A_826, %add3A_827 : i32
        %dma_start3A_829 = arith.constant 3 : i32
        %dma_start3A_830 = arith.constant 0 : i32
        %dma_start3A_831 = arith.constant 0 : i32
        %dma_start3A_832 = tpu.memref_slice %arg10[%dma_start3A_829, %dma_start3A_830, %dma_start3A_831] : memref<10x128x32xf32, #tpu.memory_space<vmem>> -> memref<1x128x32xf32, #tpu.memory_space<vmem>>
        %dma_start3A_833 = tpu.memref_squeeze %dma_start3A_832 : memref<1x128x32xf32, #tpu.memory_space<vmem>> -> memref<128x32xf32, #tpu.memory_space<vmem>>
        %dma_start3A_834 = arith.constant 0 : i32
        %dma_start3A_835 = tpu.memref_slice %arg8[%add3A_828, %dma_start3A_834] : memref<40x128xi32, #tpu.memory_space<vmem>> -> memref<1x128xi32, #tpu.memory_space<vmem>>
        %dma_start3A_836 = tpu.memref_squeeze %dma_start3A_835 : memref<1x128xi32, #tpu.memory_space<vmem>> -> memref<128xi32, #tpu.memory_space<vmem>>
        %dma_start3A_837 = arith.constant 0 : i32
        %dma_start3A_838 = arith.constant 0 : i32
        %dma_start3A_839 = tpu.memref_slice %arg12[%dma_start3A_837, %dma_start3A_838] : memref<10112x32xf32, #tpu.memory_space<vmem_shared>> -> memref<10112x32xf32, #tpu.memory_space<vmem_shared>>
        tpu.enqueue_indirect_dma source(%dma_start3A_839 : memref<10112x32xf32, #tpu.memory_space<vmem_shared>>) target(%dma_start3A_833 : memref<128x32xf32, #tpu.memory_space<vmem>>) offsets(%dma_start3A_836 : memref<128xi32, #tpu.memory_space<vmem>>) semaphore(%arg16 : memref<!tpu.dma_semaphore, #tpu.memory_space<semaphore_mem>>)
      } else {
      }
      %dma_wait3A_691 = arith.constant 4 : i32
      %dma_wait3A_692 = arith.constant 0 : i32
      %dma_wait3A_693 = arith.constant 0 : i32
      %dma_wait3A_694 = tpu.memref_slice %arg10[%dma_wait3A_691, %dma_wait3A_692, %dma_wait3A_693] : memref<10x128x32xf32, #tpu.memory_space<vmem>> -> memref<1x128x32xf32, #tpu.memory_space<vmem>>
      %dma_wait3A_695 = tpu.memref_squeeze %dma_wait3A_694 : memref<1x128x32xf32, #tpu.memory_space<vmem>> -> memref<128x32xf32, #tpu.memory_space<vmem>>
      %dma_wait3A_696 = arith.constant 0 : i32
      %dma_wait3A_697 = arith.constant 0 : i32
      %dma_wait3A_698 = tpu.memref_slice %arg11[%dma_wait3A_696, %dma_wait3A_697] : memref<10112x32xf32, #tpu.memory_space<vmem_shared>> -> memref<128x32xf32, #tpu.memory_space<vmem_shared>>
      %dma_wait3A_699 = arith.constant 0 : i32
      %dma_wait3A_700 = arith.constant 0 : i32
      %dma_wait3A_701 = tpu.memref_slice %arg11[%dma_wait3A_699, %dma_wait3A_700] : memref<10112x32xf32, #tpu.memory_space<vmem_shared>> -> memref<128x32xf32, #tpu.memory_space<vmem_shared>>
      %dma_wait3A_702 = arith.constant 0 : i32
      %dma_wait3A_703 = arith.constant 0 : i32
      %dma_wait3A_704 = tpu.memref_slice %arg10[%dma_wait3A_691, %dma_wait3A_702, %dma_wait3A_703] : memref<10x128x32xf32, #tpu.memory_space<vmem>> -> memref<1x128x32xf32, #tpu.memory_space<vmem>>
      %dma_wait3A_705 = tpu.memref_squeeze %dma_wait3A_704 : memref<1x128x32xf32, #tpu.memory_space<vmem>> -> memref<128x32xf32, #tpu.memory_space<vmem>>
      tpu.wait_dma2 semaphore(%arg27 : memref<!tpu.dma_semaphore, #tpu.memory_space<semaphore_mem>>) src(%dma_wait3A_705 : memref<128x32xf32, #tpu.memory_space<vmem>>) dst(%dma_wait3A_701 : memref<128x32xf32, #tpu.memory_space<vmem_shared>>)
      %add3A_706 = arith.constant 1 : i32
      %add3A_707 = arith.addi %scan3A_303, %add3A_706 : i32
      %lt3A_708 = arith.constant 4 : i32
      %lt3A_709 = arith.cmpi slt, %add3A_707, %lt3A_708 : i32
      %convert_element_type3A_710 = arith.extui %lt3A_709 : i1 to i32
      %cond3A_711 = arith.constant 0 : i32
      %cond3A_712 = arith.cmpi ne, %convert_element_type3A_710, %cond3A_711 : i32
      scf.if %cond3A_712 {
        %add3A_823 = arith.constant 1 : i32
        %add3A_824 = arith.addi %scan3A_303, %add3A_823 : i32
        %mul3A_825 = arith.constant 10 : i32
        %mul3A_826 = arith.muli %add3A_824, %mul3A_825 : i32
        %add3A_827 = arith.constant 4 : i32
        %add3A_828 = arith.addi %mul3A_826, %add3A_827 : i32
        %dma_start3A_829 = arith.constant 4 : i32
        %dma_start3A_830 = arith.constant 0 : i32
        %dma_start3A_831 = arith.constant 0 : i32
        %dma_start3A_832 = tpu.memref_slice %arg10[%dma_start3A_829, %dma_start3A_830, %dma_start3A_831] : memref<10x128x32xf32, #tpu.memory_space<vmem>> -> memref<1x128x32xf32, #tpu.memory_space<vmem>>
        %dma_start3A_833 = tpu.memref_squeeze %dma_start3A_832 : memref<1x128x32xf32, #tpu.memory_space<vmem>> -> memref<128x32xf32, #tpu.memory_space<vmem>>
        %dma_start3A_834 = arith.constant 0 : i32
        %dma_start3A_835 = tpu.memref_slice %arg8[%add3A_828, %dma_start3A_834] : memref<40x128xi32, #tpu.memory_space<vmem>> -> memref<1x128xi32, #tpu.memory_space<vmem>>
        %dma_start3A_836 = tpu.memref_squeeze %dma_start3A_835 : memref<1x128xi32, #tpu.memory_space<vmem>> -> memref<128xi32, #tpu.memory_space<vmem>>
        %dma_start3A_837 = arith.constant 0 : i32
        %dma_start3A_838 = arith.constant 0 : i32
        %dma_start3A_839 = tpu.memref_slice %arg12[%dma_start3A_837, %dma_start3A_838] : memref<10112x32xf32, #tpu.memory_space<vmem_shared>> -> memref<10112x32xf32, #tpu.memory_space<vmem_shared>>
        tpu.enqueue_indirect_dma source(%dma_start3A_839 : memref<10112x32xf32, #tpu.memory_space<vmem_shared>>) target(%dma_start3A_833 : memref<128x32xf32, #tpu.memory_space<vmem>>) offsets(%dma_start3A_836 : memref<128xi32, #tpu.memory_space<vmem>>) semaphore(%arg17 : memref<!tpu.dma_semaphore, #tpu.memory_space<semaphore_mem>>)
      } else {
      }
      %dma_wait3A_713 = arith.constant 5 : i32
      %dma_wait3A_714 = arith.constant 0 : i32
      %dma_wait3A_715 = arith.constant 0 : i32
      %dma_wait3A_716 = tpu.memref_slice %arg10[%dma_wait3A_713, %dma_wait3A_714, %dma_wait3A_715] : memref<10x128x32xf32, #tpu.memory_space<vmem>> -> memref<1x128x32xf32, #tpu.memory_space<vmem>>
      %dma_wait3A_717 = tpu.memref_squeeze %dma_wait3A_716 : memref<1x128x32xf32, #tpu.memory_space<vmem>> -> memref<128x32xf32, #tpu.memory_space<vmem>>
      %dma_wait3A_718 = arith.constant 0 : i32
      %dma_wait3A_719 = arith.constant 0 : i32
      %dma_wait3A_720 = tpu.memref_slice %arg11[%dma_wait3A_718, %dma_wait3A_719] : memref<10112x32xf32, #tpu.memory_space<vmem_shared>> -> memref<128x32xf32, #tpu.memory_space<vmem_shared>>
      %dma_wait3A_721 = arith.constant 0 : i32
      %dma_wait3A_722 = arith.constant 0 : i32
      %dma_wait3A_723 = tpu.memref_slice %arg11[%dma_wait3A_721, %dma_wait3A_722] : memref<10112x32xf32, #tpu.memory_space<vmem_shared>> -> memref<128x32xf32, #tpu.memory_space<vmem_shared>>
      %dma_wait3A_724 = arith.constant 0 : i32
      %dma_wait3A_725 = arith.constant 0 : i32
      %dma_wait3A_726 = tpu.memref_slice %arg10[%dma_wait3A_713, %dma_wait3A_724, %dma_wait3A_725] : memref<10x128x32xf32, #tpu.memory_space<vmem>> -> memref<1x128x32xf32, #tpu.memory_space<vmem>>
      %dma_wait3A_727 = tpu.memref_squeeze %dma_wait3A_726 : memref<1x128x32xf32, #tpu.memory_space<vmem>> -> memref<128x32xf32, #tpu.memory_space<vmem>>
      tpu.wait_dma2 semaphore(%arg28 : memref<!tpu.dma_semaphore, #tpu.memory_space<semaphore_mem>>) src(%dma_wait3A_727 : memref<128x32xf32, #tpu.memory_space<vmem>>) dst(%dma_wait3A_723 : memref<128x32xf32, #tpu.memory_space<vmem_shared>>)
      %add3A_728 = arith.constant 1 : i32
      %add3A_729 = arith.addi %scan3A_303, %add3A_728 : i32
      %lt3A_730 = arith.constant 4 : i32
      %lt3A_731 = arith.cmpi slt, %add3A_729, %lt3A_730 : i32
      %convert_element_type3A_732 = arith.extui %lt3A_731 : i1 to i32
      %cond3A_733 = arith.constant 0 : i32
      %cond3A_734 = arith.cmpi ne, %convert_element_type3A_732, %cond3A_733 : i32
      scf.if %cond3A_734 {
        %add3A_823 = arith.constant 1 : i32
        %add3A_824 = arith.addi %scan3A_303, %add3A_823 : i32
        %mul3A_825 = arith.constant 10 : i32
        %mul3A_826 = arith.muli %add3A_824, %mul3A_825 : i32
        %add3A_827 = arith.constant 5 : i32
        %add3A_828 = arith.addi %mul3A_826, %add3A_827 : i32
        %dma_start3A_829 = arith.constant 5 : i32
        %dma_start3A_830 = arith.constant 0 : i32
        %dma_start3A_831 = arith.constant 0 : i32
        %dma_start3A_832 = tpu.memref_slice %arg10[%dma_start3A_829, %dma_start3A_830, %dma_start3A_831] : memref<10x128x32xf32, #tpu.memory_space<vmem>> -> memref<1x128x32xf32, #tpu.memory_space<vmem>>
        %dma_start3A_833 = tpu.memref_squeeze %dma_start3A_832 : memref<1x128x32xf32, #tpu.memory_space<vmem>> -> memref<128x32xf32, #tpu.memory_space<vmem>>
        %dma_start3A_834 = arith.constant 0 : i32
        %dma_start3A_835 = tpu.memref_slice %arg8[%add3A_828, %dma_start3A_834] : memref<40x128xi32, #tpu.memory_space<vmem>> -> memref<1x128xi32, #tpu.memory_space<vmem>>
        %dma_start3A_836 = tpu.memref_squeeze %dma_start3A_835 : memref<1x128xi32, #tpu.memory_space<vmem>> -> memref<128xi32, #tpu.memory_space<vmem>>
        %dma_start3A_837 = arith.constant 0 : i32
        %dma_start3A_838 = arith.constant 0 : i32
        %dma_start3A_839 = tpu.memref_slice %arg12[%dma_start3A_837, %dma_start3A_838] : memref<10112x32xf32, #tpu.memory_space<vmem_shared>> -> memref<10112x32xf32, #tpu.memory_space<vmem_shared>>
        tpu.enqueue_indirect_dma source(%dma_start3A_839 : memref<10112x32xf32, #tpu.memory_space<vmem_shared>>) target(%dma_start3A_833 : memref<128x32xf32, #tpu.memory_space<vmem>>) offsets(%dma_start3A_836 : memref<128xi32, #tpu.memory_space<vmem>>) semaphore(%arg18 : memref<!tpu.dma_semaphore, #tpu.memory_space<semaphore_mem>>)
      } else {
      }
      %dma_wait3A_735 = arith.constant 6 : i32
      %dma_wait3A_736 = arith.constant 0 : i32
      %dma_wait3A_737 = arith.constant 0 : i32
      %dma_wait3A_738 = tpu.memref_slice %arg10[%dma_wait3A_735, %dma_wait3A_736, %dma_wait3A_737] : memref<10x128x32xf32, #tpu.memory_space<vmem>> -> memref<1x128x32xf32, #tpu.memory_space<vmem>>
      %dma_wait3A_739 = tpu.memref_squeeze %dma_wait3A_738 : memref<1x128x32xf32, #tpu.memory_space<vmem>> -> memref<128x32xf32, #tpu.memory_space<vmem>>
      %dma_wait3A_740 = arith.constant 0 : i32
      %dma_wait3A_741 = arith.constant 0 : i32
      %dma_wait3A_742 = tpu.memref_slice %arg11[%dma_wait3A_740, %dma_wait3A_741] : memref<10112x32xf32, #tpu.memory_space<vmem_shared>> -> memref<128x32xf32, #tpu.memory_space<vmem_shared>>
      %dma_wait3A_743 = arith.constant 0 : i32
      %dma_wait3A_744 = arith.constant 0 : i32
      %dma_wait3A_745 = tpu.memref_slice %arg11[%dma_wait3A_743, %dma_wait3A_744] : memref<10112x32xf32, #tpu.memory_space<vmem_shared>> -> memref<128x32xf32, #tpu.memory_space<vmem_shared>>
      %dma_wait3A_746 = arith.constant 0 : i32
      %dma_wait3A_747 = arith.constant 0 : i32
      %dma_wait3A_748 = tpu.memref_slice %arg10[%dma_wait3A_735, %dma_wait3A_746, %dma_wait3A_747] : memref<10x128x32xf32, #tpu.memory_space<vmem>> -> memref<1x128x32xf32, #tpu.memory_space<vmem>>
      %dma_wait3A_749 = tpu.memref_squeeze %dma_wait3A_748 : memref<1x128x32xf32, #tpu.memory_space<vmem>> -> memref<128x32xf32, #tpu.memory_space<vmem>>
      tpu.wait_dma2 semaphore(%arg29 : memref<!tpu.dma_semaphore, #tpu.memory_space<semaphore_mem>>) src(%dma_wait3A_749 : memref<128x32xf32, #tpu.memory_space<vmem>>) dst(%dma_wait3A_745 : memref<128x32xf32, #tpu.memory_space<vmem_shared>>)
      %add3A_750 = arith.constant 1 : i32
      %add3A_751 = arith.addi %scan3A_303, %add3A_750 : i32
      %lt3A_752 = arith.constant 4 : i32
      %lt3A_753 = arith.cmpi slt, %add3A_751, %lt3A_752 : i32
      %convert_element_type3A_754 = arith.extui %lt3A_753 : i1 to i32
      %cond3A_755 = arith.constant 0 : i32
      %cond3A_756 = arith.cmpi ne, %convert_element_type3A_754, %cond3A_755 : i32
      scf.if %cond3A_756 {
        %add3A_823 = arith.constant 1 : i32
        %add3A_824 = arith.addi %scan3A_303, %add3A_823 : i32
        %mul3A_825 = arith.constant 10 : i32
        %mul3A_826 = arith.muli %add3A_824, %mul3A_825 : i32
        %add3A_827 = arith.constant 6 : i32
        %add3A_828 = arith.addi %mul3A_826, %add3A_827 : i32
        %dma_start3A_829 = arith.constant 6 : i32
        %dma_start3A_830 = arith.constant 0 : i32
        %dma_start3A_831 = arith.constant 0 : i32
        %dma_start3A_832 = tpu.memref_slice %arg10[%dma_start3A_829, %dma_start3A_830, %dma_start3A_831] : memref<10x128x32xf32, #tpu.memory_space<vmem>> -> memref<1x128x32xf32, #tpu.memory_space<vmem>>
        %dma_start3A_833 = tpu.memref_squeeze %dma_start3A_832 : memref<1x128x32xf32, #tpu.memory_space<vmem>> -> memref<128x32xf32, #tpu.memory_space<vmem>>
        %dma_start3A_834 = arith.constant 0 : i32
        %dma_start3A_835 = tpu.memref_slice %arg8[%add3A_828, %dma_start3A_834] : memref<40x128xi32, #tpu.memory_space<vmem>> -> memref<1x128xi32, #tpu.memory_space<vmem>>
        %dma_start3A_836 = tpu.memref_squeeze %dma_start3A_835 : memref<1x128xi32, #tpu.memory_space<vmem>> -> memref<128xi32, #tpu.memory_space<vmem>>
        %dma_start3A_837 = arith.constant 0 : i32
        %dma_start3A_838 = arith.constant 0 : i32
        %dma_start3A_839 = tpu.memref_slice %arg12[%dma_start3A_837, %dma_start3A_838] : memref<10112x32xf32, #tpu.memory_space<vmem_shared>> -> memref<10112x32xf32, #tpu.memory_space<vmem_shared>>
        tpu.enqueue_indirect_dma source(%dma_start3A_839 : memref<10112x32xf32, #tpu.memory_space<vmem_shared>>) target(%dma_start3A_833 : memref<128x32xf32, #tpu.memory_space<vmem>>) offsets(%dma_start3A_836 : memref<128xi32, #tpu.memory_space<vmem>>) semaphore(%arg19 : memref<!tpu.dma_semaphore, #tpu.memory_space<semaphore_mem>>)
      } else {
      }
      %dma_wait3A_757 = arith.constant 7 : i32
      %dma_wait3A_758 = arith.constant 0 : i32
      %dma_wait3A_759 = arith.constant 0 : i32
      %dma_wait3A_760 = tpu.memref_slice %arg10[%dma_wait3A_757, %dma_wait3A_758, %dma_wait3A_759] : memref<10x128x32xf32, #tpu.memory_space<vmem>> -> memref<1x128x32xf32, #tpu.memory_space<vmem>>
      %dma_wait3A_761 = tpu.memref_squeeze %dma_wait3A_760 : memref<1x128x32xf32, #tpu.memory_space<vmem>> -> memref<128x32xf32, #tpu.memory_space<vmem>>
      %dma_wait3A_762 = arith.constant 0 : i32
      %dma_wait3A_763 = arith.constant 0 : i32
      %dma_wait3A_764 = tpu.memref_slice %arg11[%dma_wait3A_762, %dma_wait3A_763] : memref<10112x32xf32, #tpu.memory_space<vmem_shared>> -> memref<128x32xf32, #tpu.memory_space<vmem_shared>>
      %dma_wait3A_765 = arith.constant 0 : i32
      %dma_wait3A_766 = arith.constant 0 : i32
      %dma_wait3A_767 = tpu.memref_slice %arg11[%dma_wait3A_765, %dma_wait3A_766] : memref<10112x32xf32, #tpu.memory_space<vmem_shared>> -> memref<128x32xf32, #tpu.memory_space<vmem_shared>>
      %dma_wait3A_768 = arith.constant 0 : i32
      %dma_wait3A_769 = arith.constant 0 : i32
      %dma_wait3A_770 = tpu.memref_slice %arg10[%dma_wait3A_757, %dma_wait3A_768, %dma_wait3A_769] : memref<10x128x32xf32, #tpu.memory_space<vmem>> -> memref<1x128x32xf32, #tpu.memory_space<vmem>>
      %dma_wait3A_771 = tpu.memref_squeeze %dma_wait3A_770 : memref<1x128x32xf32, #tpu.memory_space<vmem>> -> memref<128x32xf32, #tpu.memory_space<vmem>>
      tpu.wait_dma2 semaphore(%arg30 : memref<!tpu.dma_semaphore, #tpu.memory_space<semaphore_mem>>) src(%dma_wait3A_771 : memref<128x32xf32, #tpu.memory_space<vmem>>) dst(%dma_wait3A_767 : memref<128x32xf32, #tpu.memory_space<vmem_shared>>)
      %add3A_772 = arith.constant 1 : i32
      %add3A_773 = arith.addi %scan3A_303, %add3A_772 : i32
      %lt3A_774 = arith.constant 4 : i32
      %lt3A_775 = arith.cmpi slt, %add3A_773, %lt3A_774 : i32
      %convert_element_type3A_776 = arith.extui %lt3A_775 : i1 to i32
      %cond3A_777 = arith.constant 0 : i32
      %cond3A_778 = arith.cmpi ne, %convert_element_type3A_776, %cond3A_777 : i32
      scf.if %cond3A_778 {
        %add3A_823 = arith.constant 1 : i32
        %add3A_824 = arith.addi %scan3A_303, %add3A_823 : i32
        %mul3A_825 = arith.constant 10 : i32
        %mul3A_826 = arith.muli %add3A_824, %mul3A_825 : i32
        %add3A_827 = arith.constant 7 : i32
        %add3A_828 = arith.addi %mul3A_826, %add3A_827 : i32
        %dma_start3A_829 = arith.constant 7 : i32
        %dma_start3A_830 = arith.constant 0 : i32
        %dma_start3A_831 = arith.constant 0 : i32
        %dma_start3A_832 = tpu.memref_slice %arg10[%dma_start3A_829, %dma_start3A_830, %dma_start3A_831] : memref<10x128x32xf32, #tpu.memory_space<vmem>> -> memref<1x128x32xf32, #tpu.memory_space<vmem>>
        %dma_start3A_833 = tpu.memref_squeeze %dma_start3A_832 : memref<1x128x32xf32, #tpu.memory_space<vmem>> -> memref<128x32xf32, #tpu.memory_space<vmem>>
        %dma_start3A_834 = arith.constant 0 : i32
        %dma_start3A_835 = tpu.memref_slice %arg8[%add3A_828, %dma_start3A_834] : memref<40x128xi32, #tpu.memory_space<vmem>> -> memref<1x128xi32, #tpu.memory_space<vmem>>
        %dma_start3A_836 = tpu.memref_squeeze %dma_start3A_835 : memref<1x128xi32, #tpu.memory_space<vmem>> -> memref<128xi32, #tpu.memory_space<vmem>>
        %dma_start3A_837 = arith.constant 0 : i32
        %dma_start3A_838 = arith.constant 0 : i32
        %dma_start3A_839 = tpu.memref_slice %arg12[%dma_start3A_837, %dma_start3A_838] : memref<10112x32xf32, #tpu.memory_space<vmem_shared>> -> memref<10112x32xf32, #tpu.memory_space<vmem_shared>>
        tpu.enqueue_indirect_dma source(%dma_start3A_839 : memref<10112x32xf32, #tpu.memory_space<vmem_shared>>) target(%dma_start3A_833 : memref<128x32xf32, #tpu.memory_space<vmem>>) offsets(%dma_start3A_836 : memref<128xi32, #tpu.memory_space<vmem>>) semaphore(%arg20 : memref<!tpu.dma_semaphore, #tpu.memory_space<semaphore_mem>>)
      } else {
      }
      %dma_wait3A_779 = arith.constant 8 : i32
      %dma_wait3A_780 = arith.constant 0 : i32
      %dma_wait3A_781 = arith.constant 0 : i32
      %dma_wait3A_782 = tpu.memref_slice %arg10[%dma_wait3A_779, %dma_wait3A_780, %dma_wait3A_781] : memref<10x128x32xf32, #tpu.memory_space<vmem>> -> memref<1x128x32xf32, #tpu.memory_space<vmem>>
      %dma_wait3A_783 = tpu.memref_squeeze %dma_wait3A_782 : memref<1x128x32xf32, #tpu.memory_space<vmem>> -> memref<128x32xf32, #tpu.memory_space<vmem>>
      %dma_wait3A_784 = arith.constant 0 : i32
      %dma_wait3A_785 = arith.constant 0 : i32
      %dma_wait3A_786 = tpu.memref_slice %arg11[%dma_wait3A_784, %dma_wait3A_785] : memref<10112x32xf32, #tpu.memory_space<vmem_shared>> -> memref<128x32xf32, #tpu.memory_space<vmem_shared>>
      %dma_wait3A_787 = arith.constant 0 : i32
      %dma_wait3A_788 = arith.constant 0 : i32
      %dma_wait3A_789 = tpu.memref_slice %arg11[%dma_wait3A_787, %dma_wait3A_788] : memref<10112x32xf32, #tpu.memory_space<vmem_shared>> -> memref<128x32xf32, #tpu.memory_space<vmem_shared>>
      %dma_wait3A_790 = arith.constant 0 : i32
      %dma_wait3A_791 = arith.constant 0 : i32
      %dma_wait3A_792 = tpu.memref_slice %arg10[%dma_wait3A_779, %dma_wait3A_790, %dma_wait3A_791] : memref<10x128x32xf32, #tpu.memory_space<vmem>> -> memref<1x128x32xf32, #tpu.memory_space<vmem>>
      %dma_wait3A_793 = tpu.memref_squeeze %dma_wait3A_792 : memref<1x128x32xf32, #tpu.memory_space<vmem>> -> memref<128x32xf32, #tpu.memory_space<vmem>>
      tpu.wait_dma2 semaphore(%arg31 : memref<!tpu.dma_semaphore, #tpu.memory_space<semaphore_mem>>) src(%dma_wait3A_793 : memref<128x32xf32, #tpu.memory_space<vmem>>) dst(%dma_wait3A_789 : memref<128x32xf32, #tpu.memory_space<vmem_shared>>)
      %add3A_794 = arith.constant 1 : i32
      %add3A_795 = arith.addi %scan3A_303, %add3A_794 : i32
      %lt3A_796 = arith.constant 4 : i32
      %lt3A_797 = arith.cmpi slt, %add3A_795, %lt3A_796 : i32
      %convert_element_type3A_798 = arith.extui %lt3A_797 : i1 to i32
      %cond3A_799 = arith.constant 0 : i32
      %cond3A_800 = arith.cmpi ne, %convert_element_type3A_798, %cond3A_799 : i32
      scf.if %cond3A_800 {
        %add3A_823 = arith.constant 1 : i32
        %add3A_824 = arith.addi %scan3A_303, %add3A_823 : i32
        %mul3A_825 = arith.constant 10 : i32
        %mul3A_826 = arith.muli %add3A_824, %mul3A_825 : i32
        %add3A_827 = arith.constant 8 : i32
        %add3A_828 = arith.addi %mul3A_826, %add3A_827 : i32
        %dma_start3A_829 = arith.constant 8 : i32
        %dma_start3A_830 = arith.constant 0 : i32
        %dma_start3A_831 = arith.constant 0 : i32
        %dma_start3A_832 = tpu.memref_slice %arg10[%dma_start3A_829, %dma_start3A_830, %dma_start3A_831] : memref<10x128x32xf32, #tpu.memory_space<vmem>> -> memref<1x128x32xf32, #tpu.memory_space<vmem>>
        %dma_start3A_833 = tpu.memref_squeeze %dma_start3A_832 : memref<1x128x32xf32, #tpu.memory_space<vmem>> -> memref<128x32xf32, #tpu.memory_space<vmem>>
        %dma_start3A_834 = arith.constant 0 : i32
        %dma_start3A_835 = tpu.memref_slice %arg8[%add3A_828, %dma_start3A_834] : memref<40x128xi32, #tpu.memory_space<vmem>> -> memref<1x128xi32, #tpu.memory_space<vmem>>
        %dma_start3A_836 = tpu.memref_squeeze %dma_start3A_835 : memref<1x128xi32, #tpu.memory_space<vmem>> -> memref<128xi32, #tpu.memory_space<vmem>>
        %dma_start3A_837 = arith.constant 0 : i32
        %dma_start3A_838 = arith.constant 0 : i32
        %dma_start3A_839 = tpu.memref_slice %arg12[%dma_start3A_837, %dma_start3A_838] : memref<10112x32xf32, #tpu.memory_space<vmem_shared>> -> memref<10112x32xf32, #tpu.memory_space<vmem_shared>>
        tpu.enqueue_indirect_dma source(%dma_start3A_839 : memref<10112x32xf32, #tpu.memory_space<vmem_shared>>) target(%dma_start3A_833 : memref<128x32xf32, #tpu.memory_space<vmem>>) offsets(%dma_start3A_836 : memref<128xi32, #tpu.memory_space<vmem>>) semaphore(%arg21 : memref<!tpu.dma_semaphore, #tpu.memory_space<semaphore_mem>>)
      } else {
      }
      %dma_wait3A_801 = arith.constant 9 : i32
      %dma_wait3A_802 = arith.constant 0 : i32
      %dma_wait3A_803 = arith.constant 0 : i32
      %dma_wait3A_804 = tpu.memref_slice %arg10[%dma_wait3A_801, %dma_wait3A_802, %dma_wait3A_803] : memref<10x128x32xf32, #tpu.memory_space<vmem>> -> memref<1x128x32xf32, #tpu.memory_space<vmem>>
      %dma_wait3A_805 = tpu.memref_squeeze %dma_wait3A_804 : memref<1x128x32xf32, #tpu.memory_space<vmem>> -> memref<128x32xf32, #tpu.memory_space<vmem>>
      %dma_wait3A_806 = arith.constant 0 : i32
      %dma_wait3A_807 = arith.constant 0 : i32
      %dma_wait3A_808 = tpu.memref_slice %arg11[%dma_wait3A_806, %dma_wait3A_807] : memref<10112x32xf32, #tpu.memory_space<vmem_shared>> -> memref<128x32xf32, #tpu.memory_space<vmem_shared>>
      %dma_wait3A_809 = arith.constant 0 : i32
      %dma_wait3A_810 = arith.constant 0 : i32
      %dma_wait3A_811 = tpu.memref_slice %arg11[%dma_wait3A_809, %dma_wait3A_810] : memref<10112x32xf32, #tpu.memory_space<vmem_shared>> -> memref<128x32xf32, #tpu.memory_space<vmem_shared>>
      %dma_wait3A_812 = arith.constant 0 : i32
      %dma_wait3A_813 = arith.constant 0 : i32
      %dma_wait3A_814 = tpu.memref_slice %arg10[%dma_wait3A_801, %dma_wait3A_812, %dma_wait3A_813] : memref<10x128x32xf32, #tpu.memory_space<vmem>> -> memref<1x128x32xf32, #tpu.memory_space<vmem>>
      %dma_wait3A_815 = tpu.memref_squeeze %dma_wait3A_814 : memref<1x128x32xf32, #tpu.memory_space<vmem>> -> memref<128x32xf32, #tpu.memory_space<vmem>>
      tpu.wait_dma2 semaphore(%arg32 : memref<!tpu.dma_semaphore, #tpu.memory_space<semaphore_mem>>) src(%dma_wait3A_815 : memref<128x32xf32, #tpu.memory_space<vmem>>) dst(%dma_wait3A_811 : memref<128x32xf32, #tpu.memory_space<vmem_shared>>)
      %add3A_816 = arith.constant 1 : i32
      %add3A_817 = arith.addi %scan3A_303, %add3A_816 : i32
      %lt3A_818 = arith.constant 4 : i32
      %lt3A_819 = arith.cmpi slt, %add3A_817, %lt3A_818 : i32
      %convert_element_type3A_820 = arith.extui %lt3A_819 : i1 to i32
      %cond3A_821 = arith.constant 0 : i32
      %cond3A_822 = arith.cmpi ne, %convert_element_type3A_820, %cond3A_821 : i32
      scf.if %cond3A_822 {
        %add3A_823 = arith.constant 1 : i32
        %add3A_824 = arith.addi %scan3A_303, %add3A_823 : i32
        %mul3A_825 = arith.constant 10 : i32
        %mul3A_826 = arith.muli %add3A_824, %mul3A_825 : i32
        %add3A_827 = arith.constant 9 : i32
        %add3A_828 = arith.addi %mul3A_826, %add3A_827 : i32
        %dma_start3A_829 = arith.constant 9 : i32
        %dma_start3A_830 = arith.constant 0 : i32
        %dma_start3A_831 = arith.constant 0 : i32
        %dma_start3A_832 = tpu.memref_slice %arg10[%dma_start3A_829, %dma_start3A_830, %dma_start3A_831] : memref<10x128x32xf32, #tpu.memory_space<vmem>> -> memref<1x128x32xf32, #tpu.memory_space<vmem>>
        %dma_start3A_833 = tpu.memref_squeeze %dma_start3A_832 : memref<1x128x32xf32, #tpu.memory_space<vmem>> -> memref<128x32xf32, #tpu.memory_space<vmem>>
        %dma_start3A_834 = arith.constant 0 : i32
        %dma_start3A_835 = tpu.memref_slice %arg8[%add3A_828, %dma_start3A_834] : memref<40x128xi32, #tpu.memory_space<vmem>> -> memref<1x128xi32, #tpu.memory_space<vmem>>
        %dma_start3A_836 = tpu.memref_squeeze %dma_start3A_835 : memref<1x128xi32, #tpu.memory_space<vmem>> -> memref<128xi32, #tpu.memory_space<vmem>>
        %dma_start3A_837 = arith.constant 0 : i32
        %dma_start3A_838 = arith.constant 0 : i32
        %dma_start3A_839 = tpu.memref_slice %arg12[%dma_start3A_837, %dma_start3A_838] : memref<10112x32xf32, #tpu.memory_space<vmem_shared>> -> memref<10112x32xf32, #tpu.memory_space<vmem_shared>>
        tpu.enqueue_indirect_dma source(%dma_start3A_839 : memref<10112x32xf32, #tpu.memory_space<vmem_shared>>) target(%dma_start3A_833 : memref<128x32xf32, #tpu.memory_space<vmem>>) offsets(%dma_start3A_836 : memref<128xi32, #tpu.memory_space<vmem>>) semaphore(%arg22 : memref<!tpu.dma_semaphore, #tpu.memory_space<semaphore_mem>>)
      } else {
      }
    }
    %scan3A_296 = arith.constant 4 : i32
    %barrier3A_297 = arith.constant 0 : index
    tpu.barrier barrier_id(%barrier3A_297)
    %mul3A_298 = arith.constant 632 : i32
    %mul3A_299 = arith.muli %arg1, %mul3A_298 : i32
    %mul3A_300 = arith.constant 632 : i32
    %mul3A_301 = arith.muli %arg1, %mul3A_300 : i32
    %run_scoped3A_302 = arith.constant 1 : i32
    "tpu.region"() ({
      %run_scoped3A_303 = tpu.sem_alloc : memref<!tpu.dma_semaphore, #tpu.memory_space<semaphore_mem>>
      %dma_start3A_304 = arith.constant 0 : i32
      %dma_start3A_305 = tpu.memref_slice %arg7[%run_scoped3A_302, %arg0, %mul3A_301, %dma_start3A_304] : memref<2x2x10112x32xf32, #tpu.memory_space<hbm>> -> memref<1x1x632x32xf32, #tpu.memory_space<hbm>>
      %dma_start3A_306 = tpu.memref_squeeze %dma_start3A_305 : memref<1x1x632x32xf32, #tpu.memory_space<hbm>> -> memref<632x32xf32, #tpu.memory_space<hbm>>
      %dma_start3A_307 = arith.constant 0 : i32
      %dma_start3A_308 = tpu.memref_slice %arg11[%mul3A_299, %dma_start3A_307] : memref<10112x32xf32, #tpu.memory_space<vmem_shared>> -> memref<632x32xf32, #tpu.memory_space<vmem_shared>>
      tpu.enqueue_dma source(%dma_start3A_308 : memref<632x32xf32, #tpu.memory_space<vmem_shared>>) target(%dma_start3A_306 : memref<632x32xf32, #tpu.memory_space<hbm>>) target_semaphore(%run_scoped3A_303 : memref<!tpu.dma_semaphore, #tpu.memory_space<semaphore_mem>>)
      %dma_wait3A = arith.constant 0 : i32
      %dma_wait3A_309 = tpu.memref_slice %arg7[%run_scoped3A_302, %arg0, %mul3A_301, %dma_wait3A] : memref<2x2x10112x32xf32, #tpu.memory_space<hbm>> -> memref<1x1x632x32xf32, #tpu.memory_space<hbm>>
      %dma_wait3A_310 = tpu.memref_squeeze %dma_wait3A_309 : memref<1x1x632x32xf32, #tpu.memory_space<hbm>> -> memref<632x32xf32, #tpu.memory_space<hbm>>
      %dma_wait3A_311 = arith.constant 0 : i32
      %dma_wait3A_312 = tpu.memref_slice %arg11[%mul3A_299, %dma_wait3A_311] : memref<10112x32xf32, #tpu.memory_space<vmem_shared>> -> memref<632x32xf32, #tpu.memory_space<vmem_shared>>
      tpu.wait_dma2 semaphore(%run_scoped3A_303 : memref<!tpu.dma_semaphore, #tpu.memory_space<semaphore_mem>>) src(%dma_wait3A_312 : memref<632x32xf32, #tpu.memory_space<vmem_shared>>) dst(%dma_wait3A_310 : memref<632x32xf32, #tpu.memory_space<hbm>>)
      tpu.yield
    }) : () -> ()
    return
  }
}

module attributes {stable_mosaic.version = 14 : i64} {
  func.func @_mm_body(%arg0: i32, %arg1: memref<1000x768xf32, #tpu.memory_space<vmem>>, %arg2: memref<768x64xf32, #tpu.memory_space<vmem>>, %arg3: memref<1000x64xf32, #tpu.memory_space<vmem>>) attributes {dimension_semantics = [#tpu.dimension_semantics<arbitrary>], iteration_bounds = array<i64: 10>, scalar_prefetch = 0 : i64, scratch_operands = 0 : i64, tpu.core_type = #tpu.core_type<tc>, window_params = [{transform_indices = @transform_0, window_bounds = array<i64: 1000, 768>}, {pipeline_mode = #tpu.pipeline_mode<synchronous>, transform_indices = @transform_1, window_bounds = array<i64: 768, 64>}, {transform_indices = @transform_2, window_bounds = array<i64: 1000, 64>}]} {
    %get3A = arith.constant 0 : index
    %get3A_0 = arith.constant 0 : index
    %get3A_1 = vector.load %arg1[%get3A, %get3A_0] : memref<1000x768xf32, #tpu.memory_space<vmem>>, vector<1000x768xf32>
    %get3A_2 = arith.constant 0 : index
    %get3A_3 = arith.constant 0 : index
    %get3A_4 = vector.load %arg2[%get3A_2, %get3A_3] : memref<768x64xf32, #tpu.memory_space<vmem>>, vector<768x64xf32>
    %dot_general3A = arith.constant dense<0.000000e+00> : vector<1000x64xf32>
    %dot_general3A_5 = tpu.matmul %get3A_1, %get3A_4, %dot_general3A {dimension_numbers = #tpu.dot_dimension_numbers<[1], [0], [0], [1], [0, 0, 1, 1], [], []>, transpose_lhs_hint = false} : vector<1000x768xf32>, vector<768x64xf32>, vector<1000x64xf32> -> vector<1000x64xf32>
    %swap3A = arith.constant 0 : index
    %swap3A_6 = arith.constant 0 : index
    %swap3A_7 = vector.load %arg3[%swap3A, %swap3A_6] : memref<1000x64xf32, #tpu.memory_space<vmem>>, vector<1000x64xf32>
    tpu.vector_store %arg3[%swap3A, %swap3A_6], %dot_general3A_5 {strides = array<i32>} : memref<1000x64xf32, #tpu.memory_space<vmem>>, vector<1000x64xf32>,
    return
  }
  func.func @transform_0(%arg0: i32) -> (i32, i32) {
    %c0_i32 = arith.constant 0 : i32
    %c0_i32_0 = arith.constant 0 : i32
    return %arg0, %c0_i32 : i32, i32
  }
  func.func @transform_1(%arg0: i32) -> (i32, i32) {
    %c0_i32 = arith.constant 0 : i32
    %c0_i32_0 = arith.constant 0 : i32
    %c0_i32_1 = arith.constant 0 : i32
    return %c0_i32, %c0_i32_0 : i32, i32
  }
  func.func @transform_2(%arg0: i32) -> (i32, i32) {
    %c0_i32 = arith.constant 0 : i32
    %c0_i32_0 = arith.constant 0 : i32
    return %arg0, %c0_i32 : i32, i32
  }
}

module attributes {stable_mosaic.version = 14 : i64} {
  func.func @_hs_body(%arg0: i32, %arg1: memref<1000x64xf32, #tpu.memory_space<vmem>>, %arg2: memref<2x1000x16xf32, #tpu.memory_space<vmem>>, %arg3: memref<1000x32xf32, #tpu.memory_space<vmem>>, %arg4: memref<1000x32xf32, #tpu.memory_space<vmem>>) attributes {dimension_semantics = [#tpu.dimension_semantics<arbitrary>], iteration_bounds = array<i64: 10>, scalar_prefetch = 0 : i64, scratch_operands = 0 : i64, tpu.core_type = #tpu.core_type<tc>, window_params = [{transform_indices = @transform_0, window_bounds = array<i64: 1000, 64>}, {transform_indices = @transform_1, window_bounds = array<i64: 2, 1000, 16>}, {transform_indices = @transform_2, window_bounds = array<i64: 1000, 32>}, {transform_indices = @transform_3, window_bounds = array<i64: 1000, 32>}]} {
    %get3A = arith.constant 0 : index
    %get3A_0 = arith.constant 0 : index
    %get3A_1 = arith.constant 0 : index
    %get3A_2 = vector.load %arg2[%get3A, %get3A_0, %get3A_1] : memref<2x1000x16xf32, #tpu.memory_space<vmem>>, vector<1x1000x1xf32>
    %get3A_3 = vector.shape_cast %get3A_2 : vector<1x1000x1xf32> to vector<1000x1xf32>
    %get3A_4 = arith.constant 1 : index
    %get3A_5 = arith.constant 0 : index
    %get3A_6 = arith.constant 0 : index
    %get3A_7 = vector.load %arg2[%get3A_4, %get3A_5, %get3A_6] : memref<2x1000x16xf32, #tpu.memory_space<vmem>>, vector<1x1000x1xf32>
    %get3A_8 = vector.shape_cast %get3A_7 : vector<1x1000x1xf32> to vector<1000x1xf32>
    %add3A = arith.addf %get3A_3, %get3A_8 : vector<1000x1xf32>
    %add3A_9 = arith.constant 1.000000e+00 : f32
    %add3A_10 = vector.broadcast %add3A_9 : f32 to vector<1000x1xf32>
    %add3A_11 = arith.addf %add3A, %add3A_10 : vector<1000x1xf32>
    %rsqrt3A = math.rsqrt %add3A_11 : vector<1000x1xf32>
    %get3A_12 = arith.constant 0 : index
    %get3A_13 = arith.constant 0 : index
    %get3A_14 = vector.load %arg1[%get3A_12, %get3A_13] : memref<1000x64xf32, #tpu.memory_space<vmem>>, vector<1000x64xf32>
    %mul3A = vector.broadcast %rsqrt3A : vector<1000x1xf32> to vector<1000x64xf32>
    %mul3A_15 = arith.mulf %get3A_14, %mul3A : vector<1000x64xf32>
    %slice3A = vector.extract_strided_slice %mul3A_15 {offsets = [0, 0], sizes = [1000, 32], strides = [1, 1]} : vector<1000x64xf32> to vector<1000x32xf32>
    %swap3A = arith.constant 0 : index
    %swap3A_16 = arith.constant 0 : index
    %swap3A_17 = vector.load %arg3[%swap3A, %swap3A_16] : memref<1000x32xf32, #tpu.memory_space<vmem>>, vector<1000x32xf32>
    tpu.vector_store %arg3[%swap3A, %swap3A_16], %slice3A {strides = array<i32>} : memref<1000x32xf32, #tpu.memory_space<vmem>>, vector<1000x32xf32>,
    %slice3A_18 = vector.extract_strided_slice %mul3A_15 {offsets = [0, 32], sizes = [1000, 32], strides = [1, 1]} : vector<1000x64xf32> to vector<1000x32xf32>
    %swap3A_19 = arith.constant 0 : index
    %swap3A_20 = arith.constant 0 : index
    %swap3A_21 = vector.load %arg4[%swap3A_19, %swap3A_20] : memref<1000x32xf32, #tpu.memory_space<vmem>>, vector<1000x32xf32>
    tpu.vector_store %arg4[%swap3A_19, %swap3A_20], %slice3A_18 {strides = array<i32>} : memref<1000x32xf32, #tpu.memory_space<vmem>>, vector<1000x32xf32>,
    return
  }
  func.func @transform_0(%arg0: i32) -> (i32, i32) {
    %c0_i32 = arith.constant 0 : i32
    %c0_i32_0 = arith.constant 0 : i32
    return %arg0, %c0_i32 : i32, i32
  }
  func.func @transform_1(%arg0: i32) -> (i32, i32, i32) {
    %c0_i32 = arith.constant 0 : i32
    %c0_i32_0 = arith.constant 0 : i32
    %c0_i32_1 = arith.constant 0 : i32
    return %c0_i32, %arg0, %c0_i32_0 : i32, i32, i32
  }
  func.func @transform_2(%arg0: i32) -> (i32, i32) {
    %c0_i32 = arith.constant 0 : i32
    %c0_i32_0 = arith.constant 0 : i32
    return %arg0, %c0_i32 : i32, i32
  }
  func.func @transform_3(%arg0: i32) -> (i32, i32) {
    %c0_i32 = arith.constant 0 : i32
    %c0_i32_0 = arith.constant 0 : i32
    return %arg0, %c0_i32 : i32, i32
  }
}

module attributes {stable_mosaic.version = 14 : i64} {
  func.func @_epi_body(%arg0: i32, %arg1: memref<2x2x1000x32xf32, #tpu.memory_space<vmem>>, %arg2: memref<1000x32xf32, #tpu.memory_space<vmem>>, %arg3: memref<1000x32xf32, #tpu.memory_space<vmem>>, %arg4: memref<2x1000x16xf32, #tpu.memory_space<vmem>>, %arg5: memref<1x64xf32, #tpu.memory_space<vmem>>, %arg6: memref<1000x64xf32, #tpu.memory_space<vmem>>) attributes {dimension_semantics = [#tpu.dimension_semantics<arbitrary>], iteration_bounds = array<i64: 10>, scalar_prefetch = 0 : i64, scratch_operands = 0 : i64, tpu.core_type = #tpu.core_type<tc>, window_params = [{transform_indices = @transform_0, window_bounds = array<i64: 2, 2, 1000, 32>}, {transform_indices = @transform_1, window_bounds = array<i64: 1000, 32>}, {transform_indices = @transform_2, window_bounds = array<i64: 1000, 32>}, {transform_indices = @transform_3, window_bounds = array<i64: 2, 1000, 16>}, {pipeline_mode = #tpu.pipeline_mode<synchronous>, transform_indices = @transform_4, window_bounds = array<i64: 1, 64>}, {transform_indices = @transform_5, window_bounds = array<i64: 1000, 64>}]} {
    %get3A = arith.constant 0 : index
    %get3A_0 = arith.constant 0 : index
    %get3A_1 = arith.constant 0 : index
    %get3A_2 = vector.load %arg4[%get3A, %get3A_0, %get3A_1] : memref<2x1000x16xf32, #tpu.memory_space<vmem>>, vector<1x1000x1xf32>
    %get3A_3 = vector.shape_cast %get3A_2 : vector<1x1000x1xf32> to vector<1000x1xf32>
    %get3A_4 = arith.constant 1 : index
    %get3A_5 = arith.constant 0 : index
    %get3A_6 = arith.constant 0 : index
    %get3A_7 = vector.load %arg4[%get3A_4, %get3A_5, %get3A_6] : memref<2x1000x16xf32, #tpu.memory_space<vmem>>, vector<1x1000x1xf32>
    %get3A_8 = vector.shape_cast %get3A_7 : vector<1x1000x1xf32> to vector<1000x1xf32>
    %add3A = arith.addf %get3A_3, %get3A_8 : vector<1000x1xf32>
    %add3A_9 = arith.constant 1.000000e+00 : f32
    %add3A_10 = vector.broadcast %add3A_9 : f32 to vector<1000x1xf32>
    %add3A_11 = arith.addf %add3A, %add3A_10 : vector<1000x1xf32>
    %rsqrt3A = math.rsqrt %add3A_11 : vector<1000x1xf32>
    %get3A_12 = arith.constant 0 : index
    %get3A_13 = arith.constant 0 : index
    %get3A_14 = arith.constant 0 : index
    %get3A_15 = arith.constant 0 : index
    %get3A_16 = vector.load %arg1[%get3A_12, %get3A_13, %get3A_14, %get3A_15] : memref<2x2x1000x32xf32, #tpu.memory_space<vmem>>, vector<1x1x1000x32xf32>
    %get3A_17 = vector.shape_cast %get3A_16 : vector<1x1x1000x32xf32> to vector<1000x32xf32>
    %get3A_18 = arith.constant 0 : index
    %get3A_19 = arith.constant 1 : index
    %get3A_20 = arith.constant 0 : index
    %get3A_21 = arith.constant 0 : index
    %get3A_22 = vector.load %arg1[%get3A_18, %get3A_19, %get3A_20, %get3A_21] : memref<2x2x1000x32xf32, #tpu.memory_space<vmem>>, vector<1x1x1000x32xf32>
    %get3A_23 = vector.shape_cast %get3A_22 : vector<1x1x1000x32xf32> to vector<1000x32xf32>
    %add3A_24 = arith.addf %get3A_17, %get3A_23 : vector<1000x32xf32>
    %get3A_25 = arith.constant 1 : index
    %get3A_26 = arith.constant 0 : index
    %get3A_27 = arith.constant 0 : index
    %get3A_28 = arith.constant 0 : index
    %get3A_29 = vector.load %arg1[%get3A_25, %get3A_26, %get3A_27, %get3A_28] : memref<2x2x1000x32xf32, #tpu.memory_space<vmem>>, vector<1x1x1000x32xf32>
    %get3A_30 = vector.shape_cast %get3A_29 : vector<1x1x1000x32xf32> to vector<1000x32xf32>
    %get3A_31 = arith.constant 1 : index
    %get3A_32 = arith.constant 1 : index
    %get3A_33 = arith.constant 0 : index
    %get3A_34 = arith.constant 0 : index
    %get3A_35 = vector.load %arg1[%get3A_31, %get3A_32, %get3A_33, %get3A_34] : memref<2x2x1000x32xf32, #tpu.memory_space<vmem>>, vector<1x1x1000x32xf32>
    %get3A_36 = vector.shape_cast %get3A_35 : vector<1x1x1000x32xf32> to vector<1000x32xf32>
    %add3A_37 = arith.addf %get3A_30, %get3A_36 : vector<1000x32xf32>
    %concatenate3A = tpu.concatenate %add3A_24, %add3A_37 in 1 : vector<1000x32xf32>, vector<1000x32xf32> -> vector<1000x64xf32>
    %get3A_38 = arith.constant 0 : index
    %get3A_39 = arith.constant 0 : index
    %get3A_40 = vector.load %arg2[%get3A_38, %get3A_39] : memref<1000x32xf32, #tpu.memory_space<vmem>>, vector<1000x32xf32>
    %get3A_41 = arith.constant 0 : index
    %get3A_42 = arith.constant 0 : index
    %get3A_43 = vector.load %arg3[%get3A_41, %get3A_42] : memref<1000x32xf32, #tpu.memory_space<vmem>>, vector<1000x32xf32>
    %concatenate3A_44 = tpu.concatenate %get3A_40, %get3A_43 in 1 : vector<1000x32xf32>, vector<1000x32xf32> -> vector<1000x64xf32>
    %add3A_45 = arith.addf %concatenate3A, %concatenate3A_44 : vector<1000x64xf32>
    %mul3A = vector.broadcast %rsqrt3A : vector<1000x1xf32> to vector<1000x64xf32>
    %mul3A_46 = arith.mulf %add3A_45, %mul3A : vector<1000x64xf32>
    %get3A_47 = arith.constant 0 : index
    %get3A_48 = arith.constant 0 : index
    %get3A_49 = vector.load %arg5[%get3A_47, %get3A_48] : memref<1x64xf32, #tpu.memory_space<vmem>>, vector<1x64xf32>
    %add3A_50 = vector.broadcast %get3A_49 : vector<1x64xf32> to vector<1000x64xf32>
    %add3A_51 = arith.addf %mul3A_46, %add3A_50 : vector<1000x64xf32>
    %max3A = arith.constant 0.000000e+00 : f32
    %max3A_52 = vector.broadcast %max3A : f32 to vector<1000x64xf32>
    %max3A_53 = arith.maximumf %add3A_51, %max3A_52 : vector<1000x64xf32>
    %reduce_max3A = arith.constant dense<0xFF800000> : vector<1000xf32>
    %reduce_max3A_54 = vector.multi_reduction <maximumf>, %max3A_53, %reduce_max3A [1] : vector<1000x64xf32> to vector<1000xf32>
    %broadcast_in_dim3A = vector.shape_cast %reduce_max3A_54 : vector<1000xf32> to vector<1000x1xf32>
    %sub3A = vector.broadcast %broadcast_in_dim3A : vector<1000x1xf32> to vector<1000x64xf32>
    %sub3A_55 = arith.subf %max3A_53, %sub3A : vector<1000x64xf32>
    %exp3A = math.exp %sub3A_55 : vector<1000x64xf32>
    %reduce_sum3A = arith.constant dense<0.000000e+00> : vector<1000xf32>
    %reduce_sum3A_56 = vector.multi_reduction <add>, %exp3A, %reduce_sum3A [1] : vector<1000x64xf32> to vector<1000xf32>
    %broadcast_in_dim3A_57 = vector.shape_cast %reduce_sum3A_56 : vector<1000xf32> to vector<1000x1xf32>
    %log3A = math.log %broadcast_in_dim3A_57 : vector<1000x1xf32>
    %add3A_58 = arith.addf %log3A, %broadcast_in_dim3A : vector<1000x1xf32>
    %sub3A_59 = vector.broadcast %add3A_58 : vector<1000x1xf32> to vector<1000x64xf32>
    %sub3A_60 = arith.subf %max3A_53, %sub3A_59 : vector<1000x64xf32>
    %swap3A = arith.constant 0 : index
    %swap3A_61 = arith.constant 0 : index
    %swap3A_62 = vector.load %arg6[%swap3A, %swap3A_61] : memref<1000x64xf32, #tpu.memory_space<vmem>>, vector<1000x64xf32>
    tpu.vector_store %arg6[%swap3A, %swap3A_61], %sub3A_60 {strides = array<i32>} : memref<1000x64xf32, #tpu.memory_space<vmem>>, vector<1000x64xf32>,
    return
  }
  func.func @transform_0(%arg0: i32) -> (i32, i32, i32, i32) {
    %c0_i32 = arith.constant 0 : i32
    %c0_i32_0 = arith.constant 0 : i32
    %c0_i32_1 = arith.constant 0 : i32
    %c0_i32_2 = arith.constant 0 : i32
    return %c0_i32, %c0_i32_0, %arg0, %c0_i32_1 : i32, i32, i32, i32
  }
  func.func @transform_1(%arg0: i32) -> (i32, i32) {
    %c0_i32 = arith.constant 0 : i32
    %c0_i32_0 = arith.constant 0 : i32
    return %arg0, %c0_i32 : i32, i32
  }
  func.func @transform_2(%arg0: i32) -> (i32, i32) {
    %c0_i32 = arith.constant 0 : i32
    %c0_i32_0 = arith.constant 0 : i32
    return %arg0, %c0_i32 : i32, i32
  }
  func.func @transform_3(%arg0: i32) -> (i32, i32, i32) {
    %c0_i32 = arith.constant 0 : i32
    %c0_i32_0 = arith.constant 0 : i32
    %c0_i32_1 = arith.constant 0 : i32
    return %c0_i32, %arg0, %c0_i32_0 : i32, i32, i32
  }
  func.func @transform_4(%arg0: i32) -> (i32, i32) {
    %c0_i32 = arith.constant 0 : i32
    %c0_i32_0 = arith.constant 0 : i32
    %c0_i32_1 = arith.constant 0 : i32
    return %c0_i32, %c0_i32_0 : i32, i32
  }
  func.func @transform_5(%arg0: i32) -> (i32, i32) {
    %c0_i32 = arith.constant 0 : i32
    %c0_i32_0 = arith.constant 0 : i32
    return %arg0, %c0_i32 : i32, i32
  }
}

</mosaic_0001>

<sc_bundles>
// kernel: kernel.10.cloned.1.call-start
scs
__scs_entry_jumppad:
0x0: {  	(pc) =	sbr.rel $0x88, $3  }
0x1: {  	(tag) =	ssettag $0x0;
	lr =	simm.s32 $0x1  }
0x2: {  	[smem:$0x3F9D] =	sst lr;
	_ =	strace $0xD0000000  }
0x3: {  	_ = 	snop  }
0x4: {  	_ = 	snop  }
0x5: {  	_ = 	snop  }
0x6: {  	_ = 	snop  }
0x7: {  	_ = 	snop  }
__scs_overlays_trampoline_lowered:
0x8: {  	[smem:$0x3FAC] =	sst s0  }
0x9: {  	[smem:$0x3FAD] =	sst s1  }
0xa: {  	[smem:$0x3FAE] =	sst s2  }
0xb: {  	[smem:$0x3FAF] =	sst s3  }
0xc: {  	[smem:$0x3FB0] =	sst s4  }
0xd: {  	[smem:$0x3FB1] =	sst s5  }
0xe: {  	[smem:$0x3FB2] =	sst s6  }
0xf: {  	[smem:$0x3FB3] =	sst s7  }
0x10: {  	[smem:$0x3FB4] =	sst s8  }
0x11: {  	[smem:$0x3FB5] =	sst s9;
	s0 =	simm.s32 @!p0 $0x0  }
0x12: {  	s1 =	sld [smem:$0x3F9B];
	s0 =	simm.s32 @p0 $0x1  }
0x13: {  	[smem:$0x3FB6] =	sst s0;
	s0 =	simm.s32 @!p1 $0x0  }
0x14: {  	s2 =	sld [smem:$0x3F9A];
	s0 =	simm.s32 @p1 $0x1  }
0x15: {  	[smem:$0x3FB7] =	sst s0;
	s0 =	simm.s32 @!p2 $0x0  }
0x16: {  	s3 =	sld [smem:$0x3FDB];
	s0 =	simm.s32 @p2 $0x1  }
0x17: {  	s4 =	simm.s32 $0x1BF5;
	[smem:$0x3FB9] =	sst s0  }
0x18: {  	s0 =	sld [smem:$0x3F9C];
	_ =	swait.ge [sflag:s4], $0x0  }
0x19: {  	s7 =	sld [smem:$0x3F9D]  }
0x1a: {  	s8 =	sadd.s32 $0xFFFFE003, lr  }
0x1b: {  	s9 =	sadd.s32 $0xFFFFFEF7, lr;
	s5 =	simm.s32 $0xFFFFFFFF;
	p2 =	slt.u32 s8, $0xFFFFF086  }
0x1c: {  	p1 =	slt.u32 s9, $0xF7A;
	s5 =	simm.s32 @!p2 $0x0  }
0x1d: {  	s5 =	simm.s32 @p1 $0x1;
	p0 =	seq.s32 s7, s2  }
0x1e: {  	s7 =	smul.u32 @!p0 $0xF7A, s2;
	p2 =	seq.s32 @!p0 s5, $0x0  }
0x1f: {  	s9 =	smul.u32 $0xF7A, s1;
	s8 =	simm.s32 @!p0 $0x1BF5;
	p2 =	por !p2, p0  }
0x20: {  	[sflag:s8] =	ssyncset.s32 @!p0 $0xFFFFF086;
	s6 =	sadd.s32 @!p0 s3, s7;
	s7 =	simm.s32 @!p0 $0x108  }
0x21: {  	s3 =	sadd.s32 s3, s9;
	s6 =	sadd.s32 @!p0 $0x88, s6;
	s7 =	simm.s32 @p2 $0x1082  }
0x22: {  	[simem:s7], [sflag:s8] =	dma.local @!p0 [hbm:s6], $0xF7A  }
0x23: {  	s9 =	sor.u32 $0xD0000000, s2;
	s6 =	simm.s32 $0x108;
	_ =	swait.ge @!p0 [sflag:s8], $0x0  }
0x24: {  	s3 =	sadd.s32 $0x88, s3;
	s6 =	simm.s32 @!p1 $0x1082;
	[sflag:s4] =	ssyncset.s32 $0xFFFFF086  }
0x25: {  	[simem:s6], [sflag:s4] =	dma.local [hbm:s3], $0xF7A  }
0x26: {  	[smem:$0x3F9D] =	sst s1;
	(tag) =	ssettag s2;
	_ =	strace s9  }
0x27: {  	s1 =	sld [smem:$0x3FAD]  }
0x28: {  	s2 =	sld [smem:$0x3FAE]  }
0x29: {  	s4 =	sld [smem:$0x3FB0]  }
0x2a: {  	p0 =	seq.s32 s5, $0x0;
	s5 =	sld [smem:$0x3FB1]  }
0x2b: {  	s6 =	sld [smem:$0x3FB2]  }
0x2c: {  	s7 =	sld [smem:$0x3FB3]  }
0x2d: {  	s3 =	simm.s32 $0x108;
	s8 =	sld [smem:$0x3FB4]  }
0x2e: {  	s3 =	simm.s32 @!p0 $0x1082;
	s9 =	sld [smem:$0x3FB5]  }
0x2f: {  	lr =	sadd.s32 s0, s3;
	s0 =	sld [smem:$0x3FAC]  }
0x30: {  	s3 =	sld [smem:$0x3FAF]  }
0x31: {  	[smem:$0x3FB8] =	sst s10  }
0x32: {  	s10 =	sld [smem:$0x3FB6];
	_ =	sdelay $0x3  }
0x33: {  	p0 =	seq.s32 s10, $0x1;
	s10 =	sld [smem:$0x3FB8];
	_ =	sdelay $0x3  }
0x34: {  	[smem:$0x3FB8] =	sst s10  }
0x35: {  	s10 =	sld [smem:$0x3FB7];
	_ =	sdelay $0x3  }
0x36: {  	p1 =	seq.s32 s10, $0x1;
	s10 =	sld [smem:$0x3FB8];
	_ =	sdelay $0x3  }
0x37: {  	[smem:$0x3FB8] =	sst s10  }
0x38: {  	s10 =	sld [smem:$0x3FB9]  }
0x39: {  	_ = 	snop;
	(pc) =	sbr.ind lr, $3  }
0x3a: {  	_ = 	snop  }
0x3b: {  	_ = 	snop  }
0x3c: {  	p2 =	seq.s32 s10, $0x1;
	s10 =	sld [smem:$0x3FB8]  }
0x3d: {  	_ =	shalt  }
0x3e: {  	_ =	shalt  }
0x3f: {  	_ =	shalt  }
0x40: {  	_ =	shalt  }
0x41: {  	_ =	shalt  }
0x42: {  	_ =	shalt  }
0x43: {  	_ =	shalt  }
0x44: {  	_ =	shalt  }
0x45: {  	_ =	shalt  }
0x46: {  	_ =	shalt  }
0x47: {  	_ =	shalt  }
0x48: {  	_ =	shalt  }
0x49: {  	_ =	shalt  }
0x4a: {  	_ =	shalt  }
0x4b: {  	_ =	shalt  }
0x4c: {  	_ =	shalt  }
0x4d: {  	_ =	shalt  }
0x4e: {  	_ =	shalt  }
0x4f: {  	_ =	shalt  }
0x50: {  	_ =	shalt  }
0x51: {  	_ =	shalt  }
0x52: {  	_ =	shalt  }
0x53: {  	_ =	shalt  }
0x54: {  	_ =	shalt  }
0x55: {  	_ =	shalt  }
0x56: {  	_ =	shalt  }
0x57: {  	_ =	shalt  }
0x58: {  	_ =	shalt  }
0x59: {  	_ =	shalt  }
0x5a: {  	_ =	shalt  }
0x5b: {  	_ =	shalt  }
0x5c: {  	_ =	shalt  }
0x5d: {  	_ =	shalt  }
0x5e: {  	_ =	shalt  }
0x5f: {  	_ =	shalt  }
0x60: {  	_ =	shalt  }
0x61: {  	_ =	shalt  }
0x62: {  	_ =	shalt  }
0x63: {  	_ =	shalt  }
0x64: {  	_ =	shalt  }
0x65: {  	_ =	shalt  }
0x66: {  	_ =	shalt  }
0x67: {  	_ =	shalt  }
0x68: {  	_ =	shalt  }
0x69: {  	_ =	shalt  }
0x6a: {  	_ =	shalt  }
0x6b: {  	_ =	shalt  }
0x6c: {  	_ =	shalt  }
0x6d: {  	_ =	shalt  }
0x6e: {  	_ =	shalt  }
0x6f: {  	_ =	shalt  }
0x70: {  	_ =	shalt  }
0x71: {  	_ =	shalt  }
0x72: {  	_ =	shalt  }
0x73: {  	_ =	shalt  }
0x74: {  	_ =	shalt  }
0x75: {  	_ =	shalt  }
0x76: {  	_ =	shalt  }
0x77: {  	_ =	shalt  }
0x78: {  	_ =	shalt  }
0x79: {  	_ =	shalt  }
0x7a: {  	_ =	shalt  }
0x7b: {  	_ =	shalt  }
0x7c: {  	_ =	shalt  }
0x7d: {  	_ =	shalt  }
0x7e: {  	_ =	shalt  }
0x7f: {  	_ =	shalt  }
0x80: {  	_ =	shalt  }
0x81: {  	_ =	shalt  }
0x82: {  	_ =	shalt  }
0x83: {  	_ =	shalt  }
0x84: {  	_ =	shalt  }
0x85: {  	_ =	shalt  }
0x86: {  	_ =	shalt  }
0x87: {  	_ =	shalt  }
.Lfunc_end0:
.L_simem_size_0:
called_computation.1_lowered:
.L_overlay_start_0:
0x88: {  	s2 =	sld [smem:$0x3FD9]  }
0x89: {  	s3 =	sld [smem:$0x3FFE];
	_ =	sdelay $0x1  }
0x8a: {  	s1 =	srdreg.scid  }
0x8b: {  	s0 =	sand.u32 $0x1, s1  }
0x8c: {  	s17 =	sshll.u32 s0, $0xA;
	s2 =	sadd.s32 s3, s2  }
0x8d: {  	s2 =	sadd.s32 s2, s17  }
0x8e: {  	[smem:$0x3FC4] =	sst s2  }
0x8f: {  	_ = 	snop  }
0x90: {  	s2 =	sld [smem:$0x3FD0];
	(tm) =	ssettm $0x1  }
0x91: {  	s18 =	sld [smem:$0x3FFB];
	_ =	sdelay $0x3  }
0x92: {  	_ =	strace s18  }
0x93: {  	s3 =	sld [smem:$0x3FFC];
	_ =	sdelay $0x3  }
0x94: {  	_ =	strace s3  }
0x95: {  	s3 =	sld [smem:$0x3FFD];
	_ =	sdelay $0x3  }
0x96: {  	_ =	strace s3  }
0x97: {  	_ =	strace $0x8FFFFFFF  }
0x98: {  	s19 =	sld [smem:$0x3FDB];
	_ =	sdelay $0x1  }
0x99: {  	s4 =	simm.s32 $_scs_section_size  }
0x9a: {  	s5 =	simm.s32 $_size__tile_overlayer_lowered;
	s6 =	simm.s32 $_tile_overlayer_lowered  }
0x9b: {  	s22 =	simm.s32 $0x1BFF;
	s21 =	sshll.u32 s6, $0x1;
	s3 =	sadd.s32 s4, s19  }
0x9c: {  	s7 =	simm.s32 $0x0;
	s20 =	sshll.u32 s5, $0x1;
	s5 =	sadd.s32 s21, s3  }
0x9d: {  	[timem:s7], [sflag:s22] =	dma.local [hbm:s5], s20  }
0x9e: {  	_ =	swait.ge [sflag:s22], s20  }
0x9f: {  	s4 =	ssub.s32 $0x0, s20;
	[sflag:s22] =	ssyncset.done $0x0  }
0xa0: {  	[sflag:s22] =	ssyncadd.s32 s4;
	_ =	sdelay $0x1  }
0xa1: {  	s23 =	simm.s32 $0x1B8B  }
0xa2: {  	_ =	swait.ge [sflag:s23], $0x1  }
0xa3: {  	[sflag:s23] =	ssyncset.done $0x0  }
0xa4: {  	s25 =	simm.s32 $0x1B8E;
	s24 =	sld [smem:$0x3FFE];
	[sflag:s23] =	ssyncadd.s32 $0xFFFFFFFF  }
0xa5: {  	s26 =	simm.s32 $execute0_lowered;
	[smem:$0x3FD2] =	sst s25  }
0xa6: {  	s5 =	sshll.u32 s26, $0x1;
	_ =	strace $0x80000049;
	[dreg:$0x1] =	wrdreg $0xFFFFFFFF  }
0xa7: {  	s28 =	simm.s32 $_size_execute0_lowered;
	s3 =	sadd.s32 s3, s5;
	[dreg:$0x0] =	wrdreg $0x0  }
0xa8: {  	s5 =	sshll.u32 s28, $0x1;
	[dreg:$0x2] =	wrdreg s3  }
0xa9: {  	[dreg:$0x3] =	wrdreg s5  }
0xaa: {  	[dreg:$0x4] =	wrdreg $0xC0  }
0xab: {  	_ =	task [dreg:s7], $0x5FFFF  }
0xac: {  	[dreg:$0x1] =	wrdreg $0xFFFFFFFF  }
0xad: {  	[dreg:$0x0] =	wrdreg $0x60  }
0xae: {  	[dreg:$0x2] =	wrdreg s24  }
0xaf: {  	[dreg:$0x3] =	wrdreg s2  }
0xb0: {  	[dreg:$0x4] =	wrdreg $0xC8000  }
0xb1: {  	[dreg:$0x5] =	wrdreg $0x117000  }
0xb2: {  	[dreg:$0x6] =	wrdreg $0x9  }
0xb3: {  	_ =	task.clear_ibuf [dreg:s7], $0x7FFFF;
	_ =	strace $0x90000049  }
0xb4: {  	s29 =	simm.s32 $0x9;
	_ =	strace $0x8000004B  }
0xb5: {  	_ =	swait.ge [sflag:s29], $0x1  }
0xb6: {  	[sflag:s29] =	ssyncadd.s32 $0xFFFFFFFF  }
0xb7: {  	_ =	strace $0x9000004B  }
0xb8: {  	_ =	sfence  }
0xb9: {  	s30 =	sld [smem:$0x0];
	_ =	sdelay $0x2  }
0xba: {  	s31 =	sshll.u32 s1, $0xD;
	s1 =	sshrl.u32 s1, $0x2  }
0xbb: {  	s3 =	sand.u32 $0x4000, s31;
	s1 =	sadd.s32 s1, s30  }
0xbc: {  	s0 =	sor.u32 s3, s0;
	s1 =	sshll.u32 s1, $0x11  }
0xbd: {  	s0 =	sor.u32 s1, s0  }
0xbe: {  	s0 =	sadd.s32 $0x8F2B, s0  }
0xbf: {  	[sflag:s0] =	ssyncadd.remote.s32 $0x1  }
0xc0: {  	_ =	sfence.sel $0xFFFF  }
0xc1: {  	[dreg:$0x0] =	wrdreg $0xFFFFFFFF;
	(pc) =	sbr.abs _section_cstart, $3  }
0xc2: {  	[dreg:$0x1] =	wrdreg $0xFFFFFFFF  }
0xc3: {  	_ =	task.clear_ibuf [dreg:s7], $0x2FFFF;
	_ =	strace $0x9FFFFFFF  }
0xc4: {  	(tm) =	ssettm $0x7FFFFFFF  }
0xc5: {  	_ =	shalt  }
tec
execute0_lowered:
.L_overlay_start_1:
0x0: {  	(tag) =	ssettag $0x1  }
0x1: {  	s0 =	rddreg [dreg:$0x0]  }
0x2: {  	s1 =	rddreg [dreg:$0x1]  }
0x3: {  	s3 =	srdreg.scid;
	s12 =	stileid.u32  }
0x4: {  	s2 =	rddreg [dreg:$0x2];
	s7 =	simm.s32 $0x0;
	s29 =	simm.s32 $0x15  }
0x5: {  	s28 =	simm.s32 $0x7;
	s30 =	simm.s32 $0x9;
	s4 =	sand.u32 $0x1, s3  }
0x6: {  	s5 =	sshll.u32 s12, $0x1;
	s3 =	rddreg [dreg:$0x3];
	s6 =	smul.u32 $0x4F00, s12  }
0x7: {  	[smem:$0x7FF] =	sst s7;
	s10 =	smul.u32 $0x13C00, s12;
	s11 =	sadd.s32 $0x5600, s0  }
0x8: {  	p0 =	seq.s32 s12, $0xF;
	s7 =	simm.s32 $0xC;
	s12 =	simm.s32 $0x9800  }
0x9: {  	s5 =	sor.u32 s4, s5;
	s8 =	smul.u32 $0x4F000, s4;
	_ =	strace $0x8000004A  }
0xa: {  	s4 =	ssub.s32 $0x2, s4;
	[dreg:$0x5] =	wrdreg s11;
	s23 =	sadd.s32 $0x4A100, s3  }
0xb: {  	s11 =	simm.s32 $0xE;
	s5 =	smul.u32 $0x280, s5;
	s13 =	sshrl.u32 s6, $0x3  }
0xc: {  	s14 =	sshrl.u32 s4, $0x1;
	s10 =	sshrl.u32 s10, $0x2;
	s17 =	sadd.s32 s6, s2  }
0xd: {  	s21 =	sadd.s32 s6, s3;
	[dreg:$0xf] =	wrdreg s23;
	s9 =	sadd.s32 s13, s0  }
0xe: {  	s8 =	sadd.s32 s6, s8;
	s4 =	ssub.s32 s4, s14;
	[dreg:$0x8] =	wrdreg s17  }
0xf: {  	s16 =	sadd.s32 s10, s2;
	[dreg:$0xd] =	wrdreg s21;
	s22 =	sadd.s32 s1, s13  }
0x10: {  	s1 =	sadd.s32 $0x9420, s1;
	s17 =	simm.s32 $0x3;
	s21 =	simm.s32 $0x8  }
0x11: {  	s13 =	simm.s32 $0xF;
	s6 =	simm.s32 $0x0;
	s14 =	simm.s32 $0xA800  }
0x12: {  	s5 =	sadd.s32 s5, s0;
	s8 =	sshrl.u32 s8, $0x3;
	[dreg:$0xe] =	wrdreg s22  }
0x13: {  	s18 =	sadd.s32 $0x1000, s16;
	s19 =	sadd.s32 $0x2000, s16;
	[dreg:$0x10] =	wrdreg s1  }
0x14: {  	s20 =	sadd.s32 $0x3000, s16;
	s25 =	sadd.s32 $0x59A00, s9;
	[dreg:$0x9] =	wrdreg s18  }
0x15: {  	s31 =	smax.u32 s4, $0x1;
	s1 =	simm.s32 $0xA;
	[dreg:$0xa] =	wrdreg s19  }
0x16: {  	s9 =	simm.s32 $0xD;
	s4 =	simm.s32 $0x10;
	[dreg:$0xb] =	wrdreg s20  }
0x17: {  	s22 =	simm.s32 $0x12;
	s8 =	sadd.s32 s8, s0;
	[dreg:$0x12] =	wrdreg s25  }
0x18: {  	s15 =	sadd.s32 $0x5A00, s5;
	s5 =	sadd.s32 $0x600, s5;
	[dreg:$0x15] =	wrdreg s31  }
0x19: {  	s0 =	sadd.s32 $0x62E20, s0;
	s18 =	simm.s32 $0x4;
	[dreg:$0x6] =	wrdreg s15  }
0x1a: {  	s19 =	simm.s32 $0x5;
	s20 =	simm.s32 $0x6;
	[dreg:$0x7] =	wrdreg s5  }
.Ltmp0:
0x1b: {  	s5 =	sadd.s32 $0x4000, s16;
	[dreg:$0x13] =	wrdreg s0;
	(pc) =	sbr.rel .LBB2_1-.Ltmp0, $4  }
0x1c: {  	s25 =	simm.s32 $0x13;
	s24 =	sadd.s32 $0x63800, s8;
	[dreg:$0xc] =	wrdreg s5  }
0x1d: {  	s26 =	sadd.s32 $0x77400, s8;
	s15 =	simm.s32 $0x1;
	[dreg:$0x11] =	wrdreg s24  }
0x1e: {  	s16 =	simm.s32 $0x2;
	s0 =	simm.s32 $0xB;
	[dreg:$0x14] =	wrdreg s26  }
0x1f: {  	s24 =	simm.s32 $0x80;
	s5 =	simm.s32 $0x11;
	s26 =	simm.s32 $0x14  }
.LBB2_7:
0x20: {  	_ =	swait.ge [sflag:s7], $0x1000  }
0x21: {  	[sflag:s7] =	ssyncset.done $0x0  }
0x22: {  	[sflag:s7] =	ssyncadd.s32 $0xFFFFF000  }
0x23: {  	_ =	swait.ge [sflag:s9], $0x1000  }
0x24: {  	[sflag:s9] =	ssyncset.done $0x0  }
0x25: {  	[sflag:s9] =	ssyncadd.s32 $0xFFFFF000  }
0x26: {  	_ =	swait.ge [sflag:s11], $0x1000  }
0x27: {  	[sflag:s11] =	ssyncset.done $0x0  }
0x28: {  	[sflag:s11] =	ssyncadd.s32 $0xFFFFF000  }
0x29: {  	_ =	swait.ge [sflag:s13], $0x1000  }
0x2a: {  	[sflag:s13] =	ssyncset.done $0x0  }
0x2b: {  	[sflag:s13] =	ssyncadd.s32 $0xFFFFF000  }
0x2c: {  	_ =	swait.ge [sflag:s4], $0x1000  }
0x2d: {  	[sflag:s4] =	ssyncset.done $0x0  }
0x2e: {  	[sflag:s4] =	ssyncadd.s32 $0xFFFFF000  }
0x2f: {  	_ =	swait.ge [sflag:s5], $0x1000  }
0x30: {  	[sflag:s5] =	ssyncset.done $0x0  }
0x31: {  	[sflag:s5] =	ssyncadd.s32 $0xFFFFF000  }
0x32: {  	_ =	swait.ge [sflag:s22], $0x1000  }
0x33: {  	[sflag:s22] =	ssyncset.done $0x0  }
0x34: {  	[sflag:s22] =	ssyncadd.s32 $0xFFFFF000  }
0x35: {  	_ =	swait.ge [sflag:s25], $0x1000  }
0x36: {  	[sflag:s25] =	ssyncset.done $0x0  }
0x37: {  	[sflag:s25] =	ssyncadd.s32 $0xFFFFF000  }
0x38: {  	_ =	swait.ge [sflag:s26], $0x1000  }
0x39: {  	[sflag:s26] =	ssyncset.done $0x0  }
0x3a: {  	[sflag:s26] =	ssyncadd.s32 $0xFFFFF000  }
.LBB2_9:
0x3b: {  	[bflag:$0x0] =	sbarrier.arrive $0xFFFF  }
0x3c: {  	s23 =	rddreg [dreg:$0x14]  }
0x3d: {  	s6 =	rddreg [dreg:$0x17]  }
0x3e: {  	s29 =	simm.s32 $0x15;
	s8 =	rddreg [dreg:$0x18]  }
0x3f: {  	[hbm:s23], [sflag:s6] =	dma.local [spmem:s8], $0x9E0  }
0x40: {  	_ =	swait.ge [sflag:s29], $0x9E0  }
0x41: {  	s23 =	rddreg [dreg:$0x16]  }
0x42: {  	s31 =	rddreg [dreg:$0x15];
	s6 =	sadd.s32 $0x1, s23  }
0x43: {  	p1 =	sne.s32 s6, s31  }
.Ltmp1:
0x44: {  	_ = 	snop;
	(pc) =	sbr.rel @!p1 .LBB2_10-.Ltmp1, $3  }
0x45: {  	_ =	sdelay $0x1  }
0x46: {  	[sflag:s29] =	ssyncset.done $0x0  }
0x47: {  	[sflag:s29] =	ssyncadd.s32 $0xFFFFF620  }
.LBB2_1:
0x48: {  	[dreg:$0x16] =	wrdreg s6  }
0x49: {  	s31 =	simm.s32 $0x0;
	s23 =	rddreg [dreg:$0x6]  }
0x4a: {  	[tilespmem:s31], [sflag:$0x15] =	stream.linear.gather [hbm4b:s23+s31], $0x1400, $0x38;
	[tilespmem:$0x16600] =	vst v63  }
0x4b: {  	_ =	swait.ge [sflag:s29], $0x1400  }
0x4c: {  	[sflag:s29] =	ssyncset.done $0x0  }
0x4d: {  	s10 =	simm.s32 $0x1400;
	s8 =	rddreg [dreg:$0x7];
	[sflag:s29] =	ssyncadd.s32 $0xFFFFEC00  }
0x4e: {  	[tilespmem:s10], [sflag:$0x15] =	stream.linear.gather [hbm4b:s8+s31], $0x1400, $0x38;
	[tilespmem:$0x16600] =	vst v63  }
0x4f: {  	s6 =	simm.s32 $0x15;
	_ =	swait.ge [sflag:s29], $0x1400  }
0x50: {  	s8 =	stileid.u32;
	[sflag:s29] =	ssyncset.done $0x0;
	s10 =	rddreg [dreg:$0x8]  }
0x51: {  	s29 =	sshll.u32 s8, $0x6;
	s23 =	rddreg [dreg:$0x5];
	s10 =	sshrl.u32 s10, $0x3  }
0x52: {  	[sflag:s6] =	ssyncadd.s32 $0xFFFFEC00;
	s8 =	sor.u32 $0x1C15, s29;
	[dreg:$0x18] =	wrdreg s10  }
0x53: {  	[spmem:s10], [sflag:s8] =	dma.local [hbm:s23], $0x200  }
0x54: {  	_ =	swait.ge [sflag:s6], $0x200  }
0x55: {  	s29 =	rddreg [dreg:$0x9]  }
0x56: {  	[sflag:s6] =	ssyncset.done $0x0;
	s10 =	sshrl.u32 s29, $0x3  }
0x57: {  	[sflag:s6] =	ssyncadd.s32 $0xFFFFFE00;
	[dreg:$0x19] =	wrdreg s10  }
0x58: {  	[spmem:s10], [sflag:s8] =	dma.local [hbm:s23], $0x200  }
0x59: {  	_ =	swait.ge [sflag:s6], $0x200  }
0x5a: {  	s29 =	rddreg [dreg:$0xa]  }
0x5b: {  	[sflag:s6] =	ssyncset.done $0x0;
	s10 =	sshrl.u32 s29, $0x3  }
0x5c: {  	[sflag:s6] =	ssyncadd.s32 $0xFFFFFE00;
	[dreg:$0x1a] =	wrdreg s10  }
0x5d: {  	[spmem:s10], [sflag:s8] =	dma.local [hbm:s23], $0x200  }
0x5e: {  	_ =	swait.ge [sflag:s6], $0x200  }
0x5f: {  	s29 =	rddreg [dreg:$0xb]  }
0x60: {  	[sflag:s6] =	ssyncset.done $0x0;
	s10 =	sshrl.u32 s29, $0x3  }
0x61: {  	[sflag:s6] =	ssyncadd.s32 $0xFFFFFE00;
	[dreg:$0x1b] =	wrdreg s10  }
0x62: {  	[spmem:s10], [sflag:s8] =	dma.local [hbm:s23], $0x200  }
0x63: {  	_ =	swait.ge [sflag:s6], $0x200  }
0x64: {  	s29 =	rddreg [dreg:$0xc]  }
0x65: {  	[sflag:s6] =	ssyncset.done $0x0;
	s10 =	sshrl.u32 s29, $0x3  }
0x66: {  	[sflag:s6] =	ssyncadd.s32 $0xFFFFFE00;
	[dreg:$0x1c] =	wrdreg s10  }
0x67: {  	[spmem:s10], [sflag:s8] =	dma.local [hbm:s23], $0x1E0  }
0x68: {  	_ =	swait.ge [sflag:s6], $0x1E0  }
0x69: {  	s23 =	rddreg [dreg:$0xf]  }
0x6a: {  	[sflag:s6] =	ssyncset.done $0x0;
	s10 =	sshrl.u32 @p0 s23, $0x3;
	s23 =	rddreg [dreg:$0x10]  }
0x6b: {  	s29 =	simm.s32 @p0 $0x15;
	[sflag:s6] =	ssyncadd.s32 $0xFFFFFE20;
	[dreg:$0x1d] =	wrdreg s10  }
0x6c: {  	[spmem:s10], [sflag:s8] =	dma.local @p0 [hbm:s23], $0x820  }
0x6d: {  	_ =	swait.ge @p0 [sflag:s29], $0x820;
	[dreg:$0x17] =	wrdreg s8  }
0x6e: {  	s23 =	rddreg [dreg:$0xd]  }
0x6f: {  	[sflag:s29] =	ssyncset.done @p0 $0x0;
	s10 =	sshrl.u32 @!p0 s23, $0x3;
	s23 =	rddreg [dreg:$0xe]  }
0x70: {  	[sflag:s29] =	ssyncadd.s32 @p0 $0xFFFFF7E0;
	s29 =	simm.s32 @!p0 $0x15;
	[dreg:$0x1e] =	wrdreg s10  }
0x71: {  	[spmem:s10], [sflag:s8] =	dma.local @!p0 [hbm:s23], $0x9E0  }
0x72: {  	_ =	swait.ge @!p0 [sflag:s29], $0x9E0  }
0x73: {  	[sflag:s29] =	ssyncset.done @!p0 $0x0  }
0x74: {  	[sflag:s29] =	ssyncadd.s32 @!p0 $0xFFFFF620  }
0x75: {  	s6 =	simm.s32 $0x2800;
	[bflag:$0x0] =	sbarrier.arrive $0xFFFF  }
0x76: {  	[tilespmem:s6], [sflag:$0x1] =	stream.indirect.gather [spmem:s3], $0x20, s31, s24, $0xb8;
	[tilespmem:$0x16600] =	vst v63  }
0x77: {  	s31 =	simm.s32 $0x3800  }
0x78: {  	[tilespmem:s31], [sflag:$0x2] =	stream.indirect.gather [spmem:s3], $0x20, s24, s24, $0xb8;
	[tilespmem:$0x16600] =	vst v63  }
0x79: {  	s10 =	simm.s32 $0x100;
	s31 =	simm.s32 $0x4800  }
0x7a: {  	[tilespmem:s31], [sflag:$0x3] =	stream.indirect.gather [spmem:s3], $0x20, s10, s24, $0xb8;
	[tilespmem:$0x16600] =	vst v63  }
0x7b: {  	s10 =	simm.s32 $0x180;
	s31 =	simm.s32 $0x5800  }
0x7c: {  	[tilespmem:s31], [sflag:$0x4] =	stream.indirect.gather [spmem:s3], $0x20, s10, s24, $0xb8;
	[tilespmem:$0x16600] =	vst v63  }
0x7d: {  	s10 =	simm.s32 $0x200;
	s31 =	simm.s32 $0x6800  }
0x7e: {  	[tilespmem:s31], [sflag:$0x5] =	stream.indirect.gather [spmem:s3], $0x20, s10, s24, $0xb8;
	[tilespmem:$0x16600] =	vst v63  }
0x7f: {  	s10 =	simm.s32 $0x280;
	s31 =	simm.s32 $0x7800  }
0x80: {  	[tilespmem:s31], [sflag:$0x6] =	stream.indirect.gather [spmem:s3], $0x20, s10, s24, $0xb8;
	[tilespmem:$0x16600] =	vst v63  }
0x81: {  	s8 =	simm.s32 $0x300;
	s10 =	simm.s32 $0x8800  }
0x82: {  	[tilespmem:s10], [sflag:$0x7] =	stream.indirect.gather [spmem:s3], $0x20, s8, s24, $0xb8;
	[tilespmem:$0x16600] =	vst v63  }
0x83: {  	s31 =	simm.s32 $0x380  }
0x84: {  	[tilespmem:s12], [sflag:$0x8] =	stream.indirect.gather [spmem:s3], $0x20, s31, s24, $0xb8;
	[tilespmem:$0x16600] =	vst v63  }
0x85: {  	s8 =	simm.s32 $0x400  }
0x86: {  	[tilespmem:s14], [sflag:$0x9] =	stream.indirect.gather [spmem:s3], $0x20, s8, s24, $0xb8;
	[tilespmem:$0x16600] =	vst v63  }
0x87: {  	s29 =	simm.s32 $0x0;
	s10 =	simm.s32 $0x480;
	s31 =	simm.s32 $0xB800  }
0x88: {  	[tilespmem:s31], [sflag:$0xA] =	stream.indirect.gather [spmem:s3], $0x20, s10, s24, $0xb8;
	[tilespmem:$0x16600] =	vst v63  }
.LBB2_2:
0x89: {  	_ =	swait.ge [sflag:s15], $0x1000  }
0x8a: {  	s31 =	sshra.s32 s29, $0x2;
	[sflag:s15] =	ssyncset.done $0x0  }
0x8b: {  	s23 =	sadd.s32 $0x1400, s31;
	[sflag:s15] =	ssyncadd.s32 $0xFFFFF000  }
0x8c: {  	[spmem:s2] =	stream.indirect.scatter.add.f32 [tilespmem:s6], [sflag:$0xB], $0x20, s23, s24, $0xb8;
	[tilespmem:$0x16600] =	vst v63  }
0x8d: {  	_ =	swait.ge [sflag:s16], $0x1000  }
0x8e: {  	[sflag:s16] =	ssyncset.done $0x0  }
0x8f: {  	s10 =	simm.s32 $0x3800;
	s23 =	sadd.s32 $0x1480, s31;
	[sflag:s16] =	ssyncadd.s32 $0xFFFFF000  }
0x90: {  	[spmem:s2] =	stream.indirect.scatter.add.f32 [tilespmem:s10], [sflag:$0xC], $0x20, s23, s24, $0xb8;
	[tilespmem:$0x16600] =	vst v63  }
0x91: {  	_ =	swait.ge [sflag:s17], $0x1000  }
0x92: {  	[sflag:s17] =	ssyncset.done $0x0  }
0x93: {  	s23 =	sadd.s32 $0x1500, s31;
	s10 =	simm.s32 $0x4800;
	[sflag:s17] =	ssyncadd.s32 $0xFFFFF000  }
0x94: {  	[spmem:s2] =	stream.indirect.scatter.add.f32 [tilespmem:s10], [sflag:$0xD], $0x20, s23, s24, $0xb8;
	[tilespmem:$0x16600] =	vst v63  }
0x95: {  	_ =	swait.ge [sflag:s18], $0x1000  }
0x96: {  	[sflag:s18] =	ssyncset.done $0x0  }
0x97: {  	s23 =	sadd.s32 $0x1580, s31;
	s10 =	simm.s32 $0x5800;
	[sflag:s18] =	ssyncadd.s32 $0xFFFFF000  }
0x98: {  	[spmem:s2] =	stream.indirect.scatter.add.f32 [tilespmem:s10], [sflag:$0xE], $0x20, s23, s24, $0xb8;
	[tilespmem:$0x16600] =	vst v63  }
0x99: {  	_ =	swait.ge [sflag:s19], $0x1000  }
0x9a: {  	[sflag:s19] =	ssyncset.done $0x0  }
0x9b: {  	s23 =	sadd.s32 $0x1600, s31;
	s10 =	simm.s32 $0x6800;
	[sflag:s19] =	ssyncadd.s32 $0xFFFFF000  }
0x9c: {  	[spmem:s2] =	stream.indirect.scatter.add.f32 [tilespmem:s10], [sflag:$0xF], $0x20, s23, s24, $0xb8;
	[tilespmem:$0x16600] =	vst v63  }
0x9d: {  	_ =	swait.ge [sflag:s20], $0x1000  }
0x9e: {  	[sflag:s20] =	ssyncset.done $0x0  }
0x9f: {  	s23 =	sadd.s32 $0x1680, s31;
	s10 =	simm.s32 $0x7800;
	[sflag:s20] =	ssyncadd.s32 $0xFFFFF000  }
0xa0: {  	[spmem:s2] =	stream.indirect.scatter.add.f32 [tilespmem:s10], [sflag:$0x10], $0x20, s23, s24, $0xb8;
	[tilespmem:$0x16600] =	vst v63  }
0xa1: {  	_ =	swait.ge [sflag:s28], $0x1000  }
0xa2: {  	[sflag:s28] =	ssyncset.done $0x0  }
0xa3: {  	s23 =	sadd.s32 $0x1700, s31;
	s10 =	simm.s32 $0x8800;
	[sflag:s28] =	ssyncadd.s32 $0xFFFFF000  }
0xa4: {  	[spmem:s2] =	stream.indirect.scatter.add.f32 [tilespmem:s10], [sflag:$0x11], $0x20, s23, s24, $0xb8;
	[tilespmem:$0x16600] =	vst v63  }
0xa5: {  	_ =	swait.ge [sflag:s21], $0x1000  }
0xa6: {  	[sflag:s21] =	ssyncset.done $0x0  }
0xa7: {  	s10 =	sadd.s32 $0x1780, s31;
	[sflag:s21] =	ssyncadd.s32 $0xFFFFF000  }
0xa8: {  	[spmem:s2] =	stream.indirect.scatter.add.f32 [tilespmem:s12], [sflag:$0x12], $0x20, s10, s24, $0xb8;
	[tilespmem:$0x16600] =	vst v63  }
0xa9: {  	_ =	swait.ge [sflag:s30], $0x1000  }
0xaa: {  	[sflag:s30] =	ssyncset.done $0x0  }
0xab: {  	s10 =	sadd.s32 $0x1800, s31;
	[sflag:s30] =	ssyncadd.s32 $0xFFFFF000  }
0xac: {  	[spmem:s2] =	stream.indirect.scatter.add.f32 [tilespmem:s14], [sflag:$0x13], $0x20, s10, s24, $0xb8;
	[tilespmem:$0x16600] =	vst v63  }
0xad: {  	_ =	swait.ge [sflag:s1], $0x1000  }
0xae: {  	s8 =	simm.s32 $0xB800;
	p1 =	sne.s32 s29, $0x3C00;
	[sflag:s1] =	ssyncset.done $0x0  }
.Ltmp2:
0xaf: {  	s10 =	sadd.s32 $0x1880, s31;
	[sflag:s1] =	ssyncadd.s32 $0xFFFFF000;
	(pc) =	sbr.rel @!p1 .LBB2_3-.Ltmp2, $4  }
0xb0: {  	[spmem:s2] =	stream.indirect.scatter.add.f32 [tilespmem:s8], [sflag:$0x14], $0x20, s10, s24, $0xb8;
	[tilespmem:$0x16600] =	vst v63  }
0xb1: {  	_ =	swait.ge [sflag:s0], $0x1000  }
0xb2: {  	[sflag:s0] =	ssyncset.done $0x0  }
0xb3: {  	[sflag:s0] =	ssyncadd.s32 $0xFFFFF000  }
0xb4: {  	s23 =	sadd.s32 $0x500, s31  }
0xb5: {  	[tilespmem:s6], [sflag:$0x1] =	stream.indirect.gather [spmem:s3], $0x20, s23, s24, $0xb8;
	[tilespmem:$0x16600] =	vst v63  }
0xb6: {  	_ =	swait.ge [sflag:s7], $0x1000  }
0xb7: {  	[sflag:s7] =	ssyncset.done $0x0  }
0xb8: {  	s10 =	simm.s32 $0x3800;
	s23 =	sadd.s32 $0x580, s31;
	[sflag:s7] =	ssyncadd.s32 $0xFFFFF000  }
0xb9: {  	[tilespmem:s10], [sflag:$0x2] =	stream.indirect.gather [spmem:s3], $0x20, s23, s24, $0xb8;
	[tilespmem:$0x16600] =	vst v63  }
0xba: {  	_ =	swait.ge [sflag:s9], $0x1000  }
0xbb: {  	[sflag:s9] =	ssyncset.done $0x0  }
0xbc: {  	s23 =	sadd.s32 $0x600, s31;
	s10 =	simm.s32 $0x4800;
	[sflag:s9] =	ssyncadd.s32 $0xFFFFF000  }
0xbd: {  	[tilespmem:s10], [sflag:$0x3] =	stream.indirect.gather [spmem:s3], $0x20, s23, s24, $0xb8;
	[tilespmem:$0x16600] =	vst v63  }
0xbe: {  	_ =	swait.ge [sflag:s11], $0x1000  }
0xbf: {  	[sflag:s11] =	ssyncset.done $0x0  }
0xc0: {  	s23 =	sadd.s32 $0x680, s31;
	s10 =	simm.s32 $0x5800;
	[sflag:s11] =	ssyncadd.s32 $0xFFFFF000  }
0xc1: {  	[tilespmem:s10], [sflag:$0x4] =	stream.indirect.gather [spmem:s3], $0x20, s23, s24, $0xb8;
	[tilespmem:$0x16600] =	vst v63  }
0xc2: {  	_ =	swait.ge [sflag:s13], $0x1000  }
0xc3: {  	[sflag:s13] =	ssyncset.done $0x0  }
0xc4: {  	s23 =	sadd.s32 $0x700, s31;
	s10 =	simm.s32 $0x6800;
	[sflag:s13] =	ssyncadd.s32 $0xFFFFF000  }
0xc5: {  	[tilespmem:s10], [sflag:$0x5] =	stream.indirect.gather [spmem:s3], $0x20, s23, s24, $0xb8;
	[tilespmem:$0x16600] =	vst v63  }
0xc6: {  	_ =	swait.ge [sflag:s4], $0x1000  }
0xc7: {  	[sflag:s4] =	ssyncset.done $0x0  }
0xc8: {  	s23 =	sadd.s32 $0x780, s31;
	s10 =	simm.s32 $0x7800;
	[sflag:s4] =	ssyncadd.s32 $0xFFFFF000  }
0xc9: {  	[tilespmem:s10], [sflag:$0x6] =	stream.indirect.gather [spmem:s3], $0x20, s23, s24, $0xb8;
	[tilespmem:$0x16600] =	vst v63  }
0xca: {  	_ =	swait.ge [sflag:s5], $0x1000  }
0xcb: {  	[sflag:s5] =	ssyncset.done $0x0  }
0xcc: {  	s23 =	sadd.s32 $0x800, s31;
	s10 =	simm.s32 $0x8800;
	[sflag:s5] =	ssyncadd.s32 $0xFFFFF000  }
0xcd: {  	[tilespmem:s10], [sflag:$0x7] =	stream.indirect.gather [spmem:s3], $0x20, s23, s24, $0xb8;
	[tilespmem:$0x16600] =	vst v63  }
0xce: {  	_ =	swait.ge [sflag:s22], $0x1000  }
0xcf: {  	[sflag:s22] =	ssyncset.done $0x0  }
0xd0: {  	s10 =	sadd.s32 $0x880, s31;
	[sflag:s22] =	ssyncadd.s32 $0xFFFFF000  }
0xd1: {  	[tilespmem:s12], [sflag:$0x8] =	stream.indirect.gather [spmem:s3], $0x20, s10, s24, $0xb8;
	[tilespmem:$0x16600] =	vst v63  }
0xd2: {  	_ =	swait.ge [sflag:s25], $0x1000  }
0xd3: {  	s29 =	sadd.s32 $0x1400, s29;
	[sflag:s25] =	ssyncset.done $0x0  }
0xd4: {  	p1 =	sne.s32 s29, $0x5000;
	s10 =	sadd.s32 $0x900, s31;
	[sflag:s25] =	ssyncadd.s32 $0xFFFFF000  }
0xd5: {  	[tilespmem:s14], [sflag:$0x9] =	stream.indirect.gather [spmem:s3], $0x20, s10, s24, $0xb8;
	[tilespmem:$0x16600] =	vst v63  }
.Ltmp3:
0xd6: {  	_ =	swait.ge [sflag:s26], $0x1000;
	(pc) =	sbr.rel @p1 .LBB2_2-.Ltmp3, $4  }
.Ltmp4:
0xd7: {  	[sflag:s26] =	ssyncset.done $0x0;
	(pc) =	sbr.rel @!p1 .LBB2_5-.Ltmp4, $4  }
0xd8: {  	s31 =	sadd.s32 $0x980, s31;
	[sflag:s26] =	ssyncadd.s32 $0xFFFFF000  }
0xd9: {  	[tilespmem:s8], [sflag:$0xA] =	stream.indirect.gather [spmem:s3], $0x20, s31, s24, $0xb8;
	[tilespmem:$0x16600] =	vst v63  }
0xda: {  	s8 =	simm.s32 $0xB800  }
0xdb: {  	_ = 	snop  }
.LBB2_3:
0xdc: {  	_ =	swait.ge [sflag:s7], $0x1000  }
0xdd: {  	[sflag:s7] =	ssyncset.done $0x0  }
0xde: {  	[sflag:s7] =	ssyncadd.s32 $0xFFFFF000  }
0xdf: {  	_ =	swait.ge [sflag:s9], $0x1000  }
0xe0: {  	[sflag:s9] =	ssyncset.done $0x0  }
0xe1: {  	[sflag:s9] =	ssyncadd.s32 $0xFFFFF000  }
0xe2: {  	_ =	swait.ge [sflag:s11], $0x1000  }
0xe3: {  	[sflag:s11] =	ssyncset.done $0x0  }
0xe4: {  	[sflag:s11] =	ssyncadd.s32 $0xFFFFF000  }
0xe5: {  	_ =	swait.ge [sflag:s13], $0x1000  }
0xe6: {  	[sflag:s13] =	ssyncset.done $0x0  }
0xe7: {  	[sflag:s13] =	ssyncadd.s32 $0xFFFFF000  }
0xe8: {  	_ =	swait.ge [sflag:s4], $0x1000  }
0xe9: {  	[sflag:s4] =	ssyncset.done $0x0  }
0xea: {  	[sflag:s4] =	ssyncadd.s32 $0xFFFFF000  }
0xeb: {  	_ =	swait.ge [sflag:s5], $0x1000  }
0xec: {  	[sflag:s5] =	ssyncset.done $0x0  }
0xed: {  	[sflag:s5] =	ssyncadd.s32 $0xFFFFF000  }
0xee: {  	_ =	swait.ge [sflag:s22], $0x1000  }
0xef: {  	[sflag:s22] =	ssyncset.done $0x0  }
0xf0: {  	[sflag:s22] =	ssyncadd.s32 $0xFFFFF000  }
0xf1: {  	_ =	swait.ge [sflag:s25], $0x1000  }
0xf2: {  	[sflag:s25] =	ssyncset.done $0x0  }
0xf3: {  	[sflag:s25] =	ssyncadd.s32 $0xFFFFF000  }
0xf4: {  	_ =	swait.ge [sflag:s26], $0x1000  }
0xf5: {  	[sflag:s26] =	ssyncset.done $0x0  }
0xf6: {  	s8 =	simm.s32 $0xB800;
	[sflag:s26] =	ssyncadd.s32 $0xFFFFF000  }
.LBB2_5:
0xf7: {  	[bflag:$0x0] =	sbarrier.arrive $0xFFFF  }
0xf8: {  	s23 =	rddreg [dreg:$0x11]  }
0xf9: {  	s29 =	rddreg [dreg:$0x17]  }
0xfa: {  	s6 =	simm.s32 $0x15;
	s31 =	rddreg [dreg:$0x18]  }
0xfb: {  	[hbm:s23], [sflag:s29] =	dma.local [spmem:s31], $0x9E0  }
0xfc: {  	_ =	swait.ge [sflag:s6], $0x9E0  }
0xfd: {  	[sflag:s6] =	ssyncset.done $0x0  }
0xfe: {  	s23 =	rddreg [dreg:$0x5];
	[sflag:s6] =	ssyncadd.s32 $0xFFFFF620  }
0xff: {  	[spmem:s31], [sflag:s29] =	dma.local [hbm:s23], $0x200  }
0x100: {  	_ =	swait.ge [sflag:s6], $0x200  }
0x101: {  	[sflag:s6] =	ssyncset.done $0x0  }
0x102: {  	s10 =	rddreg [dreg:$0x19];
	[sflag:s6] =	ssyncadd.s32 $0xFFFFFE00  }
0x103: {  	[spmem:s10], [sflag:s29] =	dma.local [hbm:s23], $0x200  }
0x104: {  	_ =	swait.ge [sflag:s6], $0x200  }
0x105: {  	[sflag:s6] =	ssyncset.done $0x0  }
0x106: {  	s31 =	rddreg [dreg:$0x1a];
	[sflag:s6] =	ssyncadd.s32 $0xFFFFFE00  }
0x107: {  	[spmem:s31], [sflag:s29] =	dma.local [hbm:s23], $0x200  }
0x108: {  	_ =	swait.ge [sflag:s6], $0x200  }
0x109: {  	[sflag:s6] =	ssyncset.done $0x0  }
0x10a: {  	s31 =	rddreg [dreg:$0x1b];
	[sflag:s6] =	ssyncadd.s32 $0xFFFFFE00  }
0x10b: {  	[spmem:s31], [sflag:s29] =	dma.local [hbm:s23], $0x200  }
0x10c: {  	_ =	swait.ge [sflag:s6], $0x200  }
0x10d: {  	[sflag:s6] =	ssyncset.done $0x0  }
0x10e: {  	s31 =	rddreg [dreg:$0x1c];
	[sflag:s6] =	ssyncadd.s32 $0xFFFFFE00  }
0x10f: {  	[spmem:s31], [sflag:s29] =	dma.local [hbm:s23], $0x1E0  }
0x110: {  	_ =	swait.ge [sflag:s6], $0x1E0  }
0x111: {  	[sflag:s6] =	ssyncset.done $0x0;
	s23 =	rddreg [dreg:$0x13]  }
0x112: {  	s10 =	rddreg [dreg:$0x1d];
	[sflag:s6] =	ssyncadd.s32 $0xFFFFFE20  }
0x113: {  	[spmem:s10], [sflag:s29] =	dma.local @p0 [hbm:s23], $0x820  }
0x114: {  	s23 =	simm.s32 @p0 $0x15  }
0x115: {  	_ =	swait.ge @p0 [sflag:s23], $0x820  }
0x116: {  	[sflag:s23] =	ssyncset.done @p0 $0x0;
	s10 =	rddreg [dreg:$0x1e]  }
0x117: {  	[sflag:s23] =	ssyncadd.s32 @p0 $0xFFFFF7E0;
	s23 =	rddreg [dreg:$0x12]  }
0x118: {  	[spmem:s10], [sflag:s29] =	dma.local @!p0 [hbm:s23], $0x9E0  }
0x119: {  	s23 =	simm.s32 @!p0 $0x15  }
0x11a: {  	_ =	swait.ge @!p0 [sflag:s23], $0x9E0  }
0x11b: {  	[sflag:s23] =	ssyncset.done @!p0 $0x0  }
0x11c: {  	[sflag:s23] =	ssyncadd.s32 @!p0 $0xFFFFF620  }
0x11d: {  	s6 =	simm.s32 $0x2800;
	s29 =	simm.s32 $0x0;
	[bflag:$0x0] =	sbarrier.arrive $0xFFFF  }
0x11e: {  	[tilespmem:s6], [sflag:$0x1] =	stream.indirect.gather [spmem:s3], $0x20, s29, s24, $0xb8;
	[tilespmem:$0x16600] =	vst v63  }
0x11f: {  	s31 =	simm.s32 $0x3800  }
0x120: {  	[tilespmem:s31], [sflag:$0x2] =	stream.indirect.gather [spmem:s3], $0x20, s24, s24, $0xb8;
	[tilespmem:$0x16600] =	vst v63  }
0x121: {  	s10 =	simm.s32 $0x100;
	s31 =	simm.s32 $0x4800  }
0x122: {  	[tilespmem:s31], [sflag:$0x3] =	stream.indirect.gather [spmem:s3], $0x20, s10, s24, $0xb8;
	[tilespmem:$0x16600] =	vst v63  }
0x123: {  	s10 =	simm.s32 $0x180;
	s31 =	simm.s32 $0x5800  }
0x124: {  	[tilespmem:s31], [sflag:$0x4] =	stream.indirect.gather [spmem:s3], $0x20, s10, s24, $0xb8;
	[tilespmem:$0x16600] =	vst v63  }
0x125: {  	s10 =	simm.s32 $0x200;
	s31 =	simm.s32 $0x6800  }
0x126: {  	[tilespmem:s31], [sflag:$0x5] =	stream.indirect.gather [spmem:s3], $0x20, s10, s24, $0xb8;
	[tilespmem:$0x16600] =	vst v63  }
0x127: {  	s10 =	simm.s32 $0x280;
	s31 =	simm.s32 $0x7800  }
0x128: {  	[tilespmem:s31], [sflag:$0x6] =	stream.indirect.gather [spmem:s3], $0x20, s10, s24, $0xb8;
	[tilespmem:$0x16600] =	vst v63  }
0x129: {  	s10 =	simm.s32 $0x300;
	s31 =	simm.s32 $0x8800  }
0x12a: {  	[tilespmem:s31], [sflag:$0x7] =	stream.indirect.gather [spmem:s3], $0x20, s10, s24, $0xb8;
	[tilespmem:$0x16600] =	vst v63  }
0x12b: {  	s31 =	simm.s32 $0x380  }
0x12c: {  	[tilespmem:s12], [sflag:$0x8] =	stream.indirect.gather [spmem:s3], $0x20, s31, s24, $0xb8;
	[tilespmem:$0x16600] =	vst v63  }
0x12d: {  	s10 =	simm.s32 $0x400  }
0x12e: {  	[tilespmem:s14], [sflag:$0x9] =	stream.indirect.gather [spmem:s3], $0x20, s10, s24, $0xb8;
	[tilespmem:$0x16600] =	vst v63  }
0x12f: {  	s31 =	simm.s32 $0x480  }
0x130: {  	[tilespmem:s8], [sflag:$0xA] =	stream.indirect.gather [spmem:s3], $0x20, s31, s24, $0xb8;
	[tilespmem:$0x16600] =	vst v63  }
0x131: {  	s8 =	simm.s32 $0xB800  }
.LBB2_6:
0x132: {  	_ =	swait.ge [sflag:s15], $0x1000  }
0x133: {  	s31 =	sshra.s32 s29, $0x2;
	[sflag:s15] =	ssyncset.done $0x0  }
0x134: {  	s23 =	sadd.s32 $0x1400, s31;
	[sflag:s15] =	ssyncadd.s32 $0xFFFFF000  }
0x135: {  	[spmem:s2] =	stream.indirect.scatter.add.f32 [tilespmem:s6], [sflag:$0xB], $0x20, s23, s24, $0xb8;
	[tilespmem:$0x16600] =	vst v63  }
0x136: {  	_ =	swait.ge [sflag:s16], $0x1000  }
0x137: {  	[sflag:s16] =	ssyncset.done $0x0  }
0x138: {  	s10 =	simm.s32 $0x3800;
	s23 =	sadd.s32 $0x1480, s31;
	[sflag:s16] =	ssyncadd.s32 $0xFFFFF000  }
0x139: {  	[spmem:s2] =	stream.indirect.scatter.add.f32 [tilespmem:s10], [sflag:$0xC], $0x20, s23, s24, $0xb8;
	[tilespmem:$0x16600] =	vst v63  }
0x13a: {  	_ =	swait.ge [sflag:s17], $0x1000  }
0x13b: {  	[sflag:s17] =	ssyncset.done $0x0  }
0x13c: {  	s10 =	simm.s32 $0x4800;
	s23 =	sadd.s32 $0x1500, s31;
	[sflag:s17] =	ssyncadd.s32 $0xFFFFF000  }
0x13d: {  	[spmem:s2] =	stream.indirect.scatter.add.f32 [tilespmem:s10], [sflag:$0xD], $0x20, s23, s24, $0xb8;
	[tilespmem:$0x16600] =	vst v63  }
0x13e: {  	_ =	swait.ge [sflag:s18], $0x1000  }
0x13f: {  	[sflag:s18] =	ssyncset.done $0x0  }
0x140: {  	s10 =	simm.s32 $0x5800;
	s23 =	sadd.s32 $0x1580, s31;
	[sflag:s18] =	ssyncadd.s32 $0xFFFFF000  }
0x141: {  	[spmem:s2] =	stream.indirect.scatter.add.f32 [tilespmem:s10], [sflag:$0xE], $0x20, s23, s24, $0xb8;
	[tilespmem:$0x16600] =	vst v63  }
0x142: {  	_ =	swait.ge [sflag:s19], $0x1000  }
0x143: {  	[sflag:s19] =	ssyncset.done $0x0  }
0x144: {  	s10 =	simm.s32 $0x6800;
	s23 =	sadd.s32 $0x1600, s31;
	[sflag:s19] =	ssyncadd.s32 $0xFFFFF000  }
0x145: {  	[spmem:s2] =	stream.indirect.scatter.add.f32 [tilespmem:s10], [sflag:$0xF], $0x20, s23, s24, $0xb8;
	[tilespmem:$0x16600] =	vst v63  }
0x146: {  	_ =	swait.ge [sflag:s20], $0x1000  }
0x147: {  	[sflag:s20] =	ssyncset.done $0x0  }
0x148: {  	s10 =	simm.s32 $0x7800;
	s23 =	sadd.s32 $0x1680, s31;
	[sflag:s20] =	ssyncadd.s32 $0xFFFFF000  }
0x149: {  	[spmem:s2] =	stream.indirect.scatter.add.f32 [tilespmem:s10], [sflag:$0x10], $0x20, s23, s24, $0xb8;
	[tilespmem:$0x16600] =	vst v63  }
0x14a: {  	_ =	swait.ge [sflag:s28], $0x1000  }
0x14b: {  	[sflag:s28] =	ssyncset.done $0x0  }
0x14c: {  	s10 =	simm.s32 $0x8800;
	s23 =	sadd.s32 $0x1700, s31;
	[sflag:s28] =	ssyncadd.s32 $0xFFFFF000  }
0x14d: {  	[spmem:s2] =	stream.indirect.scatter.add.f32 [tilespmem:s10], [sflag:$0x11], $0x20, s23, s24, $0xb8;
	[tilespmem:$0x16600] =	vst v63  }
0x14e: {  	_ =	swait.ge [sflag:s21], $0x1000  }
0x14f: {  	[sflag:s21] =	ssyncset.done $0x0  }
0x150: {  	s10 =	sadd.s32 $0x1780, s31;
	[sflag:s21] =	ssyncadd.s32 $0xFFFFF000  }
0x151: {  	[spmem:s2] =	stream.indirect.scatter.add.f32 [tilespmem:s12], [sflag:$0x12], $0x20, s10, s24, $0xb8;
	[tilespmem:$0x16600] =	vst v63  }
0x152: {  	_ =	swait.ge [sflag:s30], $0x1000  }
0x153: {  	[sflag:s30] =	ssyncset.done $0x0  }
0x154: {  	s10 =	sadd.s32 $0x1800, s31;
	[sflag:s30] =	ssyncadd.s32 $0xFFFFF000  }
0x155: {  	[spmem:s2] =	stream.indirect.scatter.add.f32 [tilespmem:s14], [sflag:$0x13], $0x20, s10, s24, $0xb8;
	[tilespmem:$0x16600] =	vst v63  }
0x156: {  	_ =	swait.ge [sflag:s1], $0x1000  }
0x157: {  	p1 =	sne.s32 s29, $0x3C00;
	[sflag:s1] =	ssyncset.done $0x0  }
.Ltmp5:
0x158: {  	s10 =	sadd.s32 $0x1880, s31;
	[sflag:s1] =	ssyncadd.s32 $0xFFFFF000;
	(pc) =	sbr.rel @!p1 .LBB2_7-.Ltmp5, $4  }
0x159: {  	[spmem:s2] =	stream.indirect.scatter.add.f32 [tilespmem:s8], [sflag:$0x14], $0x20, s10, s24, $0xb8;
	[tilespmem:$0x16600] =	vst v63  }
0x15a: {  	_ =	swait.ge [sflag:s0], $0x1000  }
0x15b: {  	[sflag:s0] =	ssyncset.done $0x0  }
0x15c: {  	[sflag:s0] =	ssyncadd.s32 $0xFFFFF000  }
0x15d: {  	s23 =	sadd.s32 $0x500, s31  }
0x15e: {  	[tilespmem:s6], [sflag:$0x1] =	stream.indirect.gather [spmem:s3], $0x20, s23, s24, $0xb8;
	[tilespmem:$0x16600] =	vst v63  }
0x15f: {  	_ =	swait.ge [sflag:s7], $0x1000  }
0x160: {  	[sflag:s7] =	ssyncset.done $0x0  }
0x161: {  	s10 =	simm.s32 $0x3800;
	s23 =	sadd.s32 $0x580, s31;
	[sflag:s7] =	ssyncadd.s32 $0xFFFFF000  }
0x162: {  	[tilespmem:s10], [sflag:$0x2] =	stream.indirect.gather [spmem:s3], $0x20, s23, s24, $0xb8;
	[tilespmem:$0x16600] =	vst v63  }
0x163: {  	_ =	swait.ge [sflag:s9], $0x1000  }
0x164: {  	[sflag:s9] =	ssyncset.done $0x0  }
0x165: {  	s10 =	simm.s32 $0x4800;
	s23 =	sadd.s32 $0x600, s31;
	[sflag:s9] =	ssyncadd.s32 $0xFFFFF000  }
0x166: {  	[tilespmem:s10], [sflag:$0x3] =	stream.indirect.gather [spmem:s3], $0x20, s23, s24, $0xb8;
	[tilespmem:$0x16600] =	vst v63  }
0x167: {  	_ =	swait.ge [sflag:s11], $0x1000  }
0x168: {  	[sflag:s11] =	ssyncset.done $0x0  }
0x169: {  	s10 =	simm.s32 $0x5800;
	s23 =	sadd.s32 $0x680, s31;
	[sflag:s11] =	ssyncadd.s32 $0xFFFFF000  }
0x16a: {  	[tilespmem:s10], [sflag:$0x4] =	stream.indirect.gather [spmem:s3], $0x20, s23, s24, $0xb8;
	[tilespmem:$0x16600] =	vst v63  }
0x16b: {  	_ =	swait.ge [sflag:s13], $0x1000  }
0x16c: {  	[sflag:s13] =	ssyncset.done $0x0  }
0x16d: {  	s10 =	simm.s32 $0x6800;
	s23 =	sadd.s32 $0x700, s31;
	[sflag:s13] =	ssyncadd.s32 $0xFFFFF000  }
0x16e: {  	[tilespmem:s10], [sflag:$0x5] =	stream.indirect.gather [spmem:s3], $0x20, s23, s24, $0xb8;
	[tilespmem:$0x16600] =	vst v63  }
0x16f: {  	_ =	swait.ge [sflag:s4], $0x1000  }
0x170: {  	[sflag:s4] =	ssyncset.done $0x0  }
0x171: {  	s10 =	simm.s32 $0x7800;
	s23 =	sadd.s32 $0x780, s31;
	[sflag:s4] =	ssyncadd.s32 $0xFFFFF000  }
0x172: {  	[tilespmem:s10], [sflag:$0x6] =	stream.indirect.gather [spmem:s3], $0x20, s23, s24, $0xb8;
	[tilespmem:$0x16600] =	vst v63  }
0x173: {  	_ =	swait.ge [sflag:s5], $0x1000  }
0x174: {  	[sflag:s5] =	ssyncset.done $0x0  }
0x175: {  	s10 =	simm.s32 $0x8800;
	s23 =	sadd.s32 $0x800, s31;
	[sflag:s5] =	ssyncadd.s32 $0xFFFFF000  }
0x176: {  	[tilespmem:s10], [sflag:$0x7] =	stream.indirect.gather [spmem:s3], $0x20, s23, s24, $0xb8;
	[tilespmem:$0x16600] =	vst v63  }
0x177: {  	_ =	swait.ge [sflag:s22], $0x1000  }
0x178: {  	[sflag:s22] =	ssyncset.done $0x0  }
0x179: {  	s10 =	sadd.s32 $0x880, s31;
	[sflag:s22] =	ssyncadd.s32 $0xFFFFF000  }
0x17a: {  	[tilespmem:s12], [sflag:$0x8] =	stream.indirect.gather [spmem:s3], $0x20, s10, s24, $0xb8;
	[tilespmem:$0x16600] =	vst v63  }
0x17b: {  	_ =	swait.ge [sflag:s25], $0x1000  }
0x17c: {  	s29 =	sadd.s32 $0x1400, s29;
	[sflag:s25] =	ssyncset.done $0x0  }
0x17d: {  	p1 =	sne.s32 s29, $0x5000;
	s10 =	sadd.s32 $0x900, s31;
	[sflag:s25] =	ssyncadd.s32 $0xFFFFF000  }
0x17e: {  	[tilespmem:s14], [sflag:$0x9] =	stream.indirect.gather [spmem:s3], $0x20, s10, s24, $0xb8;
	[tilespmem:$0x16600] =	vst v63  }
.Ltmp6:
0x17f: {  	_ = 	snop;
	(pc) =	sbr.rel @p1 .LBB2_6-.Ltmp6, $4  }
.Ltmp7:
0x180: {  	_ =	swait.ge [sflag:s26], $0x1000;
	(pc) =	sbr.rel @!p1 .LBB2_9-.Ltmp7, $4  }
0x181: {  	[sflag:s26] =	ssyncset.done $0x0  }
0x182: {  	s31 =	sadd.s32 $0x980, s31;
	[sflag:s26] =	ssyncadd.s32 $0xFFFFF000  }
0x183: {  	[tilespmem:s8], [sflag:$0xA] =	stream.indirect.gather [spmem:s3], $0x20, s31, s24, $0xb8;
	[tilespmem:$0x16600] =	vst v63  }
0x184: {  	_ = 	snop  }
.LBB2_10:
0x185: {  	_ =	sfence.sel $0x180000  }
0x186: {  	[bflag:$0x0] =	sbarrier.arrive $0xFFFF  }
0x187: {  	_ =	strace $0x9000004A  }
0x188: {  	s0 =	stileid.u32;
	[bflag:$0x2] =	sbarrier.arrive $0xFFFF  }
0x189: {  	p0 =	sne.s32 s0, $0x0;
	s0 =	rddreg [dreg:$0x4]  }
0x18a: {  	s0 =	sadd.s32 @!p0 $0x100000, s0  }
0x18b: {  	[sflag:s0] =	ssyncadd.tile.s32 @!p0 $0x1;
	_ =	shalt  }
.Lfunc_end2:
_tile_overlayer_lowered:
.L_overlay_start_2:
0x18c: {  	(tag) =	ssettag $0x2  }
0x18d: {  	s0 =	rddreg [dreg:$0x0];
	s2 =	stileid.u32  }
0x18e: {  	s1 =	rddreg [dreg:$0x1];
	p0 =	sne.s32 s2, $0x0  }
0x18f: {  	s3 =	rddreg [dreg:$0x2];
	[bflag:$0x3] =	sbarrier.arrive $0xFFFF;
	s2 =	simm.s32 @!p0 $0x1C15  }
0x190: {  	[timem:s3], [sflag:s2] =	dma.local @!p0 [hbm:s0], s1  }
0x191: {  	s0 =	simm.s32 @!p0 $0x15  }
0x192: {  	_ =	swait.ge @!p0 [sflag:s0], s1  }
0x193: {  	s1 =	ssub.s32 @!p0 $0x0, s1;
	[sflag:s0] =	ssyncset.done @!p0 $0x0  }
0x194: {  	[sflag:s0] =	ssyncadd.s32 @!p0 s1  }
0x195: {  	[bflag:$0x3] =	sbarrier.arrive $0xFFFF  }
0x196: {  	_ =	shalt  }

// kernel: kernel.7.cloned.1.call-start
scs
__scs_entry_jumppad:
0x0: {  	(pc) =	sbr.rel $0x88, $3  }
0x1: {  	(tag) =	ssettag $0x0;
	lr =	simm.s32 $0x1  }
0x2: {  	[smem:$0x3F9D] =	sst lr;
	_ =	strace $0xD0000000  }
0x3: {  	_ = 	snop  }
0x4: {  	_ = 	snop  }
0x5: {  	_ = 	snop  }
0x6: {  	_ = 	snop  }
0x7: {  	_ = 	snop  }
__scs_overlays_trampoline_lowered:
0x8: {  	[smem:$0x3FAC] =	sst s0  }
0x9: {  	[smem:$0x3FAD] =	sst s1  }
0xa: {  	[smem:$0x3FAE] =	sst s2  }
0xb: {  	[smem:$0x3FAF] =	sst s3  }
0xc: {  	[smem:$0x3FB0] =	sst s4  }
0xd: {  	[smem:$0x3FB1] =	sst s5  }
0xe: {  	[smem:$0x3FB2] =	sst s6  }
0xf: {  	[smem:$0x3FB3] =	sst s7  }
0x10: {  	[smem:$0x3FB4] =	sst s8  }
0x11: {  	[smem:$0x3FB5] =	sst s9;
	s0 =	simm.s32 @!p0 $0x0  }
0x12: {  	s1 =	sld [smem:$0x3F9B];
	s0 =	simm.s32 @p0 $0x1  }
0x13: {  	[smem:$0x3FB6] =	sst s0;
	s0 =	simm.s32 @!p1 $0x0  }
0x14: {  	s2 =	sld [smem:$0x3F9A];
	s0 =	simm.s32 @p1 $0x1  }
0x15: {  	[smem:$0x3FB7] =	sst s0;
	s0 =	simm.s32 @!p2 $0x0  }
0x16: {  	s3 =	sld [smem:$0x3FDB];
	s0 =	simm.s32 @p2 $0x1  }
0x17: {  	s4 =	simm.s32 $0x1BF5;
	[smem:$0x3FB9] =	sst s0  }
0x18: {  	s0 =	sld [smem:$0x3F9C];
	_ =	swait.ge [sflag:s4], $0x0  }
0x19: {  	s7 =	sld [smem:$0x3F9D]  }
0x1a: {  	s8 =	sadd.s32 $0xFFFFE003, lr  }
0x1b: {  	s9 =	sadd.s32 $0xFFFFFEF7, lr;
	s5 =	simm.s32 $0xFFFFFFFF;
	p2 =	slt.u32 s8, $0xFFFFF086  }
0x1c: {  	p1 =	slt.u32 s9, $0xF7A;
	s5 =	simm.s32 @!p2 $0x0  }
0x1d: {  	s5 =	simm.s32 @p1 $0x1;
	p0 =	seq.s32 s7, s2  }
0x1e: {  	s7 =	smul.u32 @!p0 $0xF7A, s2;
	p2 =	seq.s32 @!p0 s5, $0x0  }
0x1f: {  	s9 =	smul.u32 $0xF7A, s1;
	s8 =	simm.s32 @!p0 $0x1BF5;
	p2 =	por !p2, p0  }
0x20: {  	[sflag:s8] =	ssyncset.s32 @!p0 $0xFFFFF086;
	s6 =	sadd.s32 @!p0 s3, s7;
	s7 =	simm.s32 @!p0 $0x108  }
0x21: {  	s3 =	sadd.s32 s3, s9;
	s6 =	sadd.s32 @!p0 $0x88, s6;
	s7 =	simm.s32 @p2 $0x1082  }
0x22: {  	[simem:s7], [sflag:s8] =	dma.local @!p0 [hbm:s6], $0xF7A  }
0x23: {  	s9 =	sor.u32 $0xD0000000, s2;
	s6 =	simm.s32 $0x108;
	_ =	swait.ge @!p0 [sflag:s8], $0x0  }
0x24: {  	s3 =	sadd.s32 $0x88, s3;
	s6 =	simm.s32 @!p1 $0x1082;
	[sflag:s4] =	ssyncset.s32 $0xFFFFF086  }
0x25: {  	[simem:s6], [sflag:s4] =	dma.local [hbm:s3], $0xF7A  }
0x26: {  	[smem:$0x3F9D] =	sst s1;
	(tag) =	ssettag s2;
	_ =	strace s9  }
0x27: {  	s1 =	sld [smem:$0x3FAD]  }
0x28: {  	s2 =	sld [smem:$0x3FAE]  }
0x29: {  	s4 =	sld [smem:$0x3FB0]  }
0x2a: {  	p0 =	seq.s32 s5, $0x0;
	s5 =	sld [smem:$0x3FB1]  }
0x2b: {  	s6 =	sld [smem:$0x3FB2]  }
0x2c: {  	s7 =	sld [smem:$0x3FB3]  }
0x2d: {  	s3 =	simm.s32 $0x108;
	s8 =	sld [smem:$0x3FB4]  }
0x2e: {  	s3 =	simm.s32 @!p0 $0x1082;
	s9 =	sld [smem:$0x3FB5]  }
0x2f: {  	lr =	sadd.s32 s0, s3;
	s0 =	sld [smem:$0x3FAC]  }
0x30: {  	s3 =	sld [smem:$0x3FAF]  }
0x31: {  	[smem:$0x3FB8] =	sst s10  }
0x32: {  	s10 =	sld [smem:$0x3FB6];
	_ =	sdelay $0x3  }
0x33: {  	p0 =	seq.s32 s10, $0x1;
	s10 =	sld [smem:$0x3FB8];
	_ =	sdelay $0x3  }
0x34: {  	[smem:$0x3FB8] =	sst s10  }
0x35: {  	s10 =	sld [smem:$0x3FB7];
	_ =	sdelay $0x3  }
0x36: {  	p1 =	seq.s32 s10, $0x1;
	s10 =	sld [smem:$0x3FB8];
	_ =	sdelay $0x3  }
0x37: {  	[smem:$0x3FB8] =	sst s10  }
0x38: {  	s10 =	sld [smem:$0x3FB9]  }
0x39: {  	_ = 	snop;
	(pc) =	sbr.ind lr, $3  }
0x3a: {  	_ = 	snop  }
0x3b: {  	_ = 	snop  }
0x3c: {  	p2 =	seq.s32 s10, $0x1;
	s10 =	sld [smem:$0x3FB8]  }
0x3d: {  	_ =	shalt  }
0x3e: {  	_ =	shalt  }
0x3f: {  	_ =	shalt  }
0x40: {  	_ =	shalt  }
0x41: {  	_ =	shalt  }
0x42: {  	_ =	shalt  }
0x43: {  	_ =	shalt  }
0x44: {  	_ =	shalt  }
0x45: {  	_ =	shalt  }
0x46: {  	_ =	shalt  }
0x47: {  	_ =	shalt  }
0x48: {  	_ =	shalt  }
0x49: {  	_ =	shalt  }
0x4a: {  	_ =	shalt  }
0x4b: {  	_ =	shalt  }
0x4c: {  	_ =	shalt  }
0x4d: {  	_ =	shalt  }
0x4e: {  	_ =	shalt  }
0x4f: {  	_ =	shalt  }
0x50: {  	_ =	shalt  }
0x51: {  	_ =	shalt  }
0x52: {  	_ =	shalt  }
0x53: {  	_ =	shalt  }
0x54: {  	_ =	shalt  }
0x55: {  	_ =	shalt  }
0x56: {  	_ =	shalt  }
0x57: {  	_ =	shalt  }
0x58: {  	_ =	shalt  }
0x59: {  	_ =	shalt  }
0x5a: {  	_ =	shalt  }
0x5b: {  	_ =	shalt  }
0x5c: {  	_ =	shalt  }
0x5d: {  	_ =	shalt  }
0x5e: {  	_ =	shalt  }
0x5f: {  	_ =	shalt  }
0x60: {  	_ =	shalt  }
0x61: {  	_ =	shalt  }
0x62: {  	_ =	shalt  }
0x63: {  	_ =	shalt  }
0x64: {  	_ =	shalt  }
0x65: {  	_ =	shalt  }
0x66: {  	_ =	shalt  }
0x67: {  	_ =	shalt  }
0x68: {  	_ =	shalt  }
0x69: {  	_ =	shalt  }
0x6a: {  	_ =	shalt  }
0x6b: {  	_ =	shalt  }
0x6c: {  	_ =	shalt  }
0x6d: {  	_ =	shalt  }
0x6e: {  	_ =	shalt  }
0x6f: {  	_ =	shalt  }
0x70: {  	_ =	shalt  }
0x71: {  	_ =	shalt  }
0x72: {  	_ =	shalt  }
0x73: {  	_ =	shalt  }
0x74: {  	_ =	shalt  }
0x75: {  	_ =	shalt  }
0x76: {  	_ =	shalt  }
0x77: {  	_ =	shalt  }
0x78: {  	_ =	shalt  }
0x79: {  	_ =	shalt  }
0x7a: {  	_ =	shalt  }
0x7b: {  	_ =	shalt  }
0x7c: {  	_ =	shalt  }
0x7d: {  	_ =	shalt  }
0x7e: {  	_ =	shalt  }
0x7f: {  	_ =	shalt  }
0x80: {  	_ =	shalt  }
0x81: {  	_ =	shalt  }
0x82: {  	_ =	shalt  }
0x83: {  	_ =	shalt  }
0x84: {  	_ =	shalt  }
0x85: {  	_ =	shalt  }
0x86: {  	_ =	shalt  }
0x87: {  	_ =	shalt  }
.Lfunc_end0:
.L_simem_size_0:
called_computation_lowered:
.L_overlay_start_0:
0x88: {  	s2 =	sld [smem:$0x3FD9]  }
0x89: {  	s3 =	sld [smem:$0x3FFE];
	_ =	sdelay $0x1  }
0x8a: {  	s1 =	srdreg.scid  }
0x8b: {  	s0 =	sand.u32 $0x1, s1  }
0x8c: {  	s17 =	sshll.u32 s0, $0xA;
	s2 =	sadd.s32 s3, s2  }
0x8d: {  	s2 =	sadd.s32 s2, s17  }
0x8e: {  	[smem:$0x3FC4] =	sst s2  }
0x8f: {  	_ = 	snop  }
0x90: {  	s2 =	sld [smem:$0x3FD0];
	(tm) =	ssettm $0x1  }
0x91: {  	s18 =	sld [smem:$0x3FFB];
	_ =	sdelay $0x3  }
0x92: {  	_ =	strace s18  }
0x93: {  	s3 =	sld [smem:$0x3FFC];
	_ =	sdelay $0x3  }
0x94: {  	_ =	strace s3  }
0x95: {  	s3 =	sld [smem:$0x3FFD];
	_ =	sdelay $0x3  }
0x96: {  	_ =	strace s3  }
0x97: {  	_ =	strace $0x8FFFFFFF  }
0x98: {  	s19 =	sld [smem:$0x3FDB];
	_ =	sdelay $0x1  }
0x99: {  	s4 =	simm.s32 $_scs_section_size  }
0x9a: {  	s5 =	simm.s32 $_size__tile_overlayer_lowered;
	s6 =	simm.s32 $_tile_overlayer_lowered  }
0x9b: {  	s22 =	simm.s32 $0x1BFF;
	s21 =	sshll.u32 s6, $0x1;
	s3 =	sadd.s32 s4, s19  }
0x9c: {  	s7 =	simm.s32 $0x0;
	s20 =	sshll.u32 s5, $0x1;
	s5 =	sadd.s32 s21, s3  }
0x9d: {  	[timem:s7], [sflag:s22] =	dma.local [hbm:s5], s20  }
0x9e: {  	_ =	swait.ge [sflag:s22], s20  }
0x9f: {  	s4 =	ssub.s32 $0x0, s20;
	[sflag:s22] =	ssyncset.done $0x0  }
0xa0: {  	[sflag:s22] =	ssyncadd.s32 s4;
	_ =	sdelay $0x1  }
0xa1: {  	s23 =	simm.s32 $0x1B8B  }
0xa2: {  	_ =	swait.ge [sflag:s23], $0x1  }
0xa3: {  	[sflag:s23] =	ssyncset.done $0x0  }
0xa4: {  	s25 =	simm.s32 $0x1B8E;
	s24 =	sld [smem:$0x3FFE];
	[sflag:s23] =	ssyncadd.s32 $0xFFFFFFFF  }
0xa5: {  	s26 =	simm.s32 $execute0_lowered;
	[smem:$0x3FD2] =	sst s25  }
0xa6: {  	s5 =	sshll.u32 s26, $0x1;
	_ =	strace $0x80000046;
	[dreg:$0x1] =	wrdreg $0xFFFFFFFF  }
0xa7: {  	s28 =	simm.s32 $_size_execute0_lowered;
	s3 =	sadd.s32 s3, s5;
	[dreg:$0x0] =	wrdreg $0x0  }
0xa8: {  	s5 =	sshll.u32 s28, $0x1;
	[dreg:$0x2] =	wrdreg s3  }
0xa9: {  	[dreg:$0x3] =	wrdreg s5  }
0xaa: {  	[dreg:$0x4] =	wrdreg $0xC0  }
0xab: {  	_ =	task [dreg:s7], $0x5FFFF  }
0xac: {  	[dreg:$0x1] =	wrdreg $0xFFFFFFFF  }
0xad: {  	[dreg:$0x0] =	wrdreg $0x60  }
0xae: {  	[dreg:$0x2] =	wrdreg s24  }
0xaf: {  	[dreg:$0x3] =	wrdreg s2  }
0xb0: {  	[dreg:$0x4] =	wrdreg $0x1C000  }
0xb1: {  	[dreg:$0x5] =	wrdreg $0x9  }
0xb2: {  	_ =	task.clear_ibuf [dreg:s7], $0x6FFFF;
	_ =	strace $0x90000046  }
0xb3: {  	s29 =	simm.s32 $0x9;
	_ =	strace $0x80000048  }
0xb4: {  	_ =	swait.ge [sflag:s29], $0x1  }
0xb5: {  	[sflag:s29] =	ssyncadd.s32 $0xFFFFFFFF  }
0xb6: {  	_ =	strace $0x90000048  }
0xb7: {  	_ =	sfence  }
0xb8: {  	s30 =	sld [smem:$0x0];
	_ =	sdelay $0x2  }
0xb9: {  	s31 =	sshll.u32 s1, $0xD;
	s1 =	sshrl.u32 s1, $0x2  }
0xba: {  	s3 =	sand.u32 $0x4000, s31;
	s1 =	sadd.s32 s1, s30  }
0xbb: {  	s0 =	sor.u32 s3, s0;
	s1 =	sshll.u32 s1, $0x11  }
0xbc: {  	s0 =	sor.u32 s1, s0  }
0xbd: {  	s0 =	sadd.s32 $0x8F2B, s0  }
0xbe: {  	[sflag:s0] =	ssyncadd.remote.s32 $0x1  }
0xbf: {  	_ =	sfence.sel $0xFFFF  }
0xc0: {  	[dreg:$0x0] =	wrdreg $0xFFFFFFFF;
	(pc) =	sbr.abs _section_cstart, $3  }
0xc1: {  	[dreg:$0x1] =	wrdreg $0xFFFFFFFF  }
0xc2: {  	_ =	task.clear_ibuf [dreg:s7], $0x2FFFF;
	_ =	strace $0x9FFFFFFF  }
0xc3: {  	(tm) =	ssettm $0x7FFFFFFF  }
tec
execute0_lowered:
.L_overlay_start_1:
0x0: {  	(tag) =	ssettag $0x1  }
0x1: {  	s1 =	srdreg.scid;
	s4 =	rddreg [dreg:$0x0]  }
0x2: {  	s0 =	stileid.u32;
	s5 =	rddreg [dreg:$0x1]  }
0x3: {  	s3 =	simm.s32 $0x0;
	s1 =	sand.u32 $0x1, s1;
	s2 =	sshll.u32 s0, $0x1  }
0x4: {  	[smem:$0x7FF] =	sst s3;
	s2 =	sor.u32 s1, s2  }
0x5: {  	s10 =	sadd.s32 $0x5800, s4;
	s6 =	smul.u32 $0x280, s2;
	s2 =	rddreg [dreg:$0x2]  }
0x6: {  	s19 =	simm.s32 $0x100;
	_ =	strace $0x80000047;
	[dreg:$0x4] =	wrdreg s10  }
0x7: {  	s20 =	simm.s32 $0x180;
	[dreg:$0xb] =	wrdreg s19  }
0x8: {  	s21 =	simm.s32 $0x200;
	[dreg:$0xc] =	wrdreg s20  }
0x9: {  	s22 =	simm.s32 $0x280;
	[dreg:$0xd] =	wrdreg s21  }
0xa: {  	s23 =	simm.s32 $0x300;
	[dreg:$0xe] =	wrdreg s22  }
0xb: {  	s24 =	simm.s32 $0x380;
	s7 =	smul.u32 $0x2780, s0;
	[dreg:$0xf] =	wrdreg s23  }
0xc: {  	s25 =	simm.s32 $0x400;
	s8 =	smul.u32 $0x9E00, s0;
	[dreg:$0x10] =	wrdreg s24  }
0xd: {  	s26 =	simm.s32 $0x480;
	s9 =	smul.u32 $0x27800, s1;
	[dreg:$0x11] =	wrdreg s25  }
0xe: {  	s8 =	sshrl.u32 s8, $0x2;
	[dreg:$0x12] =	wrdreg s26;
	s10 =	simm.s32 $0x680  }
0xf: {  	s9 =	sadd.s32 s7, s9;
	s8 =	sadd.s32 s8, s2;
	[dreg:$0x16] =	wrdreg s10  }
0x10: {  	s6 =	sadd.s32 s6, s4;
	s11 =	sadd.s32 $0x800, s8;
	s12 =	sadd.s32 $0x1000, s8  }
0x11: {  	s14 =	sadd.s32 $0x1800, s8;
	s16 =	sadd.s32 $0x2000, s8;
	s8 =	simm.s32 $0x580  }
0x12: {  	s9 =	sshrl.u32 s9, $0x3;
	s6 =	sadd.s32 $0x600, s6;
	[dreg:$0x14] =	wrdreg s8  }
0x13: {  	s5 =	sadd.s32 s5, s9;
	[dreg:$0x5] =	wrdreg s6  }
0x14: {  	s13 =	sshrl.u32 s11, $0x3;
	[dreg:$0x6] =	wrdreg s5  }
0x15: {  	s15 =	sshrl.u32 s12, $0x3;
	[dreg:$0x7] =	wrdreg s13  }
0x16: {  	s17 =	sshrl.u32 s14, $0x3;
	[dreg:$0x8] =	wrdreg s15  }
0x17: {  	s18 =	sshrl.u32 s16, $0x3;
	[dreg:$0x9] =	wrdreg s17  }
0x18: {  	s9 =	simm.s32 $0x600;
	[dreg:$0xa] =	wrdreg s18  }
0x19: {  	s11 =	simm.s32 $0x700;
	[dreg:$0x15] =	wrdreg s9  }
0x1a: {  	s12 =	simm.s32 $0x780;
	[dreg:$0x17] =	wrdreg s11  }
0x1b: {  	s6 =	simm.s32 $0x500;
	[dreg:$0x18] =	wrdreg s12  }
0x1c: {  	s4 =	sadd.s32 $0x5600, s4;
	s13 =	simm.s32 $0x800;
	[dreg:$0x13] =	wrdreg s6  }
0x1d: {  	s14 =	sadd.s32 s7, s2;
	s15 =	simm.s32 $0x880;
	[dreg:$0x19] =	wrdreg s13  }
0x1e: {  	s16 =	sshll.u32 s0, $0x6;
	s17 =	simm.s32 $0x900;
	[dreg:$0x1a] =	wrdreg s15  }
0x1f: {  	s5 =	sor.u32 $0x1C02, s16;
	s18 =	simm.s32 $0x980;
	[dreg:$0x1b] =	wrdreg s17  }
0x20: {  	s7 =	sshrl.u32 s14, $0x3;
	s6 =	simm.s32 $0x2;
	[dreg:$0x1c] =	wrdreg s18  }
0x21: {  	[spmem:s7], [sflag:s5] =	dma.local [hbm:s4], $0x100  }
0x22: {  	_ =	swait.ge [sflag:s6], $0x100  }
0x23: {  	[sflag:s6] =	ssyncset.done $0x0  }
0x24: {  	s19 =	rddreg [dreg:$0x7];
	[sflag:s6] =	ssyncadd.s32 $0xFFFFFF00  }
0x25: {  	[spmem:s19], [sflag:s5] =	dma.local [hbm:s4], $0x100  }
0x26: {  	_ =	swait.ge [sflag:s6], $0x100  }
0x27: {  	[sflag:s6] =	ssyncset.done $0x0  }
0x28: {  	s20 =	rddreg [dreg:$0x8];
	[sflag:s6] =	ssyncadd.s32 $0xFFFFFF00  }
0x29: {  	[spmem:s20], [sflag:s5] =	dma.local [hbm:s4], $0x100  }
0x2a: {  	_ =	swait.ge [sflag:s6], $0x100  }
0x2b: {  	[sflag:s6] =	ssyncset.done $0x0  }
0x2c: {  	s21 =	rddreg [dreg:$0x9];
	[sflag:s6] =	ssyncadd.s32 $0xFFFFFF00  }
0x2d: {  	[spmem:s21], [sflag:s5] =	dma.local [hbm:s4], $0x100  }
0x2e: {  	_ =	swait.ge [sflag:s6], $0x100  }
0x2f: {  	[sflag:s6] =	ssyncset.done $0x0  }
0x30: {  	s22 =	rddreg [dreg:$0xa];
	[sflag:s6] =	ssyncadd.s32 $0xFFFFFF00  }
0x31: {  	[spmem:s22], [sflag:s5] =	dma.local [hbm:s4], $0xF0  }
0x32: {  	_ =	swait.ge [sflag:s6], $0xF0  }
0x33: {  	[sflag:s6] =	ssyncset.done $0x0  }
0x34: {  	s8 =	simm.s32 $0x1400;
	s23 =	rddreg [dreg:$0x4];
	[sflag:s6] =	ssyncadd.s32 $0xFFFFFF10  }
0x35: {  	[tilespmem:s8], [sflag:$0x2] =	stream.linear.gather [hbm4b:s23+s3], $0x800, $0x38;
	[tilespmem:$0x4380] =	vst v63  }
0x36: {  	_ =	swait.ge [sflag:s6], $0x800  }
0x37: {  	[sflag:s6] =	ssyncset.done $0x0  }
0x38: {  	s24 =	rddreg [dreg:$0x5];
	[sflag:s6] =	ssyncadd.s32 $0xFFFFF800  }
0x39: {  	[tilespmem:s3], [sflag:$0x2] =	stream.linear.gather [hbm4b:s24+s3], $0x1400, $0x38;
	[tilespmem:$0x4380] =	vst v63  }
0x3a: {  	_ =	swait.ge [sflag:s6], $0x1400  }
0x3b: {  	[sflag:s6] =	ssyncset.done $0x0  }
0x3c: {  	[sflag:s6] =	ssyncadd.s32 $0xFFFFEC00  }
0x3d: {  	s9 =	simm.s32 $0x80;
	[bflag:$0x0] =	sbarrier.arrive $0xFFFF  }
0x3e: {  	[spmem:s2] =	stream.indirect.scatter.add.f32 [tilespmem:s8], [sflag:$0x1], $0x10, s3, s9, $0xb8;
	[tilespmem:$0x4380] =	vst v63  }
0x3f: {  	_ = 	snop  }
0x40: {  	[spmem:s2] =	stream.indirect.scatter.add.f32 [tilespmem:s8], [sflag:$0x1], $0x10, s9, s9, $0xb8;
	[tilespmem:$0x4380] =	vst v63  }
0x41: {  	s25 =	rddreg [dreg:$0xb]  }
0x42: {  	[spmem:s2] =	stream.indirect.scatter.add.f32 [tilespmem:s8], [sflag:$0x1], $0x10, s25, s9, $0xb8;
	[tilespmem:$0x4380] =	vst v63  }
0x43: {  	s11 =	rddreg [dreg:$0xc]  }
0x44: {  	[spmem:s2] =	stream.indirect.scatter.add.f32 [tilespmem:s8], [sflag:$0x1], $0x10, s11, s9, $0xb8;
	[tilespmem:$0x4380] =	vst v63  }
0x45: {  	s26 =	rddreg [dreg:$0xd]  }
0x46: {  	[spmem:s2] =	stream.indirect.scatter.add.f32 [tilespmem:s8], [sflag:$0x1], $0x10, s26, s9, $0xb8;
	[tilespmem:$0x4380] =	vst v63  }
0x47: {  	s0 =	rddreg [dreg:$0xe]  }
0x48: {  	[spmem:s2] =	stream.indirect.scatter.add.f32 [tilespmem:s8], [sflag:$0x1], $0x10, s0, s9, $0xb8;
	[tilespmem:$0x4380] =	vst v63  }
0x49: {  	s12 =	rddreg [dreg:$0xf]  }
0x4a: {  	[spmem:s2] =	stream.indirect.scatter.add.f32 [tilespmem:s8], [sflag:$0x1], $0x10, s12, s9, $0xb8;
	[tilespmem:$0x4380] =	vst v63  }
0x4b: {  	s13 =	rddreg [dreg:$0x10]  }
0x4c: {  	[spmem:s2] =	stream.indirect.scatter.add.f32 [tilespmem:s8], [sflag:$0x1], $0x10, s13, s9, $0xb8;
	[tilespmem:$0x4380] =	vst v63  }
0x4d: {  	s14 =	rddreg [dreg:$0x11]  }
0x4e: {  	[spmem:s2] =	stream.indirect.scatter.add.f32 [tilespmem:s8], [sflag:$0x1], $0x10, s14, s9, $0xb8;
	[tilespmem:$0x4380] =	vst v63  }
0x4f: {  	s15 =	rddreg [dreg:$0x12]  }
0x50: {  	[spmem:s2] =	stream.indirect.scatter.add.f32 [tilespmem:s8], [sflag:$0x1], $0x10, s15, s9, $0xb8;
	[tilespmem:$0x4380] =	vst v63  }
0x51: {  	s16 =	rddreg [dreg:$0x13]  }
0x52: {  	[spmem:s2] =	stream.indirect.scatter.add.f32 [tilespmem:s8], [sflag:$0x1], $0x10, s16, s9, $0xb8;
	[tilespmem:$0x4380] =	vst v63  }
0x53: {  	s17 =	rddreg [dreg:$0x14]  }
0x54: {  	[spmem:s2] =	stream.indirect.scatter.add.f32 [tilespmem:s8], [sflag:$0x1], $0x10, s17, s9, $0xb8;
	[tilespmem:$0x4380] =	vst v63  }
0x55: {  	s18 =	rddreg [dreg:$0x15]  }
0x56: {  	[spmem:s2] =	stream.indirect.scatter.add.f32 [tilespmem:s8], [sflag:$0x1], $0x10, s18, s9, $0xb8;
	[tilespmem:$0x4380] =	vst v63  }
0x57: {  	s19 =	rddreg [dreg:$0x16]  }
0x58: {  	[spmem:s2] =	stream.indirect.scatter.add.f32 [tilespmem:s8], [sflag:$0x1], $0x10, s19, s9, $0xb8;
	[tilespmem:$0x4380] =	vst v63  }
0x59: {  	s20 =	rddreg [dreg:$0x17]  }
0x5a: {  	[spmem:s2] =	stream.indirect.scatter.add.f32 [tilespmem:s8], [sflag:$0x1], $0x10, s20, s9, $0xb8;
	[tilespmem:$0x4380] =	vst v63  }
0x5b: {  	s21 =	rddreg [dreg:$0x18]  }
0x5c: {  	[spmem:s2] =	stream.indirect.scatter.add.f32 [tilespmem:s8], [sflag:$0x1], $0x10, s21, s9, $0xb8;
	[tilespmem:$0x4380] =	vst v63  }
0x5d: {  	s22 =	rddreg [dreg:$0x19]  }
0x5e: {  	[spmem:s2] =	stream.indirect.scatter.add.f32 [tilespmem:s8], [sflag:$0x1], $0x10, s22, s9, $0xb8;
	[tilespmem:$0x4380] =	vst v63  }
0x5f: {  	s23 =	rddreg [dreg:$0x1a]  }
0x60: {  	[spmem:s2] =	stream.indirect.scatter.add.f32 [tilespmem:s8], [sflag:$0x1], $0x10, s23, s9, $0xb8;
	[tilespmem:$0x4380] =	vst v63  }
0x61: {  	s24 =	rddreg [dreg:$0x1b]  }
0x62: {  	[spmem:s2] =	stream.indirect.scatter.add.f32 [tilespmem:s8], [sflag:$0x1], $0x10, s24, s9, $0xb8;
	[tilespmem:$0x4380] =	vst v63  }
0x63: {  	s25 =	rddreg [dreg:$0x1c]  }
0x64: {  	[spmem:s2] =	stream.indirect.scatter.add.f32 [tilespmem:s8], [sflag:$0x1], $0x10, s25, s9, $0xb8;
	[tilespmem:$0x4380] =	vst v63  }
0x65: {  	s26 =	simm.s32 $0xA00  }
0x66: {  	[spmem:s2] =	stream.indirect.scatter.add.f32 [tilespmem:s8], [sflag:$0x1], $0x10, s26, s9, $0xb8;
	[tilespmem:$0x4380] =	vst v63  }
0x67: {  	s11 =	simm.s32 $0xA80  }
0x68: {  	[spmem:s2] =	stream.indirect.scatter.add.f32 [tilespmem:s8], [sflag:$0x1], $0x10, s11, s9, $0xb8;
	[tilespmem:$0x4380] =	vst v63  }
0x69: {  	s12 =	simm.s32 $0xB00  }
0x6a: {  	[spmem:s2] =	stream.indirect.scatter.add.f32 [tilespmem:s8], [sflag:$0x1], $0x10, s12, s9, $0xb8;
	[tilespmem:$0x4380] =	vst v63  }
0x6b: {  	s13 =	simm.s32 $0xB80  }
0x6c: {  	[spmem:s2] =	stream.indirect.scatter.add.f32 [tilespmem:s8], [sflag:$0x1], $0x10, s13, s9, $0xb8;
	[tilespmem:$0x4380] =	vst v63  }
0x6d: {  	s14 =	simm.s32 $0xC00  }
0x6e: {  	[spmem:s2] =	stream.indirect.scatter.add.f32 [tilespmem:s8], [sflag:$0x1], $0x10, s14, s9, $0xb8;
	[tilespmem:$0x4380] =	vst v63  }
0x6f: {  	s15 =	simm.s32 $0xC80  }
0x70: {  	[spmem:s2] =	stream.indirect.scatter.add.f32 [tilespmem:s8], [sflag:$0x1], $0x10, s15, s9, $0xb8;
	[tilespmem:$0x4380] =	vst v63  }
0x71: {  	s16 =	simm.s32 $0xD00  }
0x72: {  	[spmem:s2] =	stream.indirect.scatter.add.f32 [tilespmem:s8], [sflag:$0x1], $0x10, s16, s9, $0xb8;
	[tilespmem:$0x4380] =	vst v63  }
0x73: {  	s17 =	simm.s32 $0xD80  }
0x74: {  	[spmem:s2] =	stream.indirect.scatter.add.f32 [tilespmem:s8], [sflag:$0x1], $0x10, s17, s9, $0xb8;
	[tilespmem:$0x4380] =	vst v63  }
0x75: {  	s18 =	simm.s32 $0xE00  }
0x76: {  	[spmem:s2] =	stream.indirect.scatter.add.f32 [tilespmem:s8], [sflag:$0x1], $0x10, s18, s9, $0xb8;
	[tilespmem:$0x4380] =	vst v63  }
0x77: {  	s19 =	simm.s32 $0xE80  }
0x78: {  	[spmem:s2] =	stream.indirect.scatter.add.f32 [tilespmem:s8], [sflag:$0x1], $0x10, s19, s9, $0xb8;
	[tilespmem:$0x4380] =	vst v63  }
0x79: {  	s20 =	simm.s32 $0xF00  }
0x7a: {  	[spmem:s2] =	stream.indirect.scatter.add.f32 [tilespmem:s8], [sflag:$0x1], $0x10, s20, s9, $0xb8;
	[tilespmem:$0x4380] =	vst v63  }
0x7b: {  	s21 =	simm.s32 $0xF80  }
0x7c: {  	[spmem:s2] =	stream.indirect.scatter.add.f32 [tilespmem:s8], [sflag:$0x1], $0x10, s21, s9, $0xb8;
	[tilespmem:$0x4380] =	vst v63  }
0x7d: {  	s22 =	simm.s32 $0x1000  }
0x7e: {  	[spmem:s2] =	stream.indirect.scatter.add.f32 [tilespmem:s8], [sflag:$0x1], $0x10, s22, s9, $0xb8;
	[tilespmem:$0x4380] =	vst v63  }
0x7f: {  	s23 =	simm.s32 $0x1080  }
0x80: {  	[spmem:s2] =	stream.indirect.scatter.add.f32 [tilespmem:s8], [sflag:$0x1], $0x10, s23, s9, $0xb8;
	[tilespmem:$0x4380] =	vst v63  }
0x81: {  	s24 =	simm.s32 $0x1100  }
0x82: {  	[spmem:s2] =	stream.indirect.scatter.add.f32 [tilespmem:s8], [sflag:$0x1], $0x10, s24, s9, $0xb8;
	[tilespmem:$0x4380] =	vst v63  }
0x83: {  	s25 =	simm.s32 $0x1180  }
0x84: {  	[spmem:s2] =	stream.indirect.scatter.add.f32 [tilespmem:s8], [sflag:$0x1], $0x10, s25, s9, $0xb8;
	[tilespmem:$0x4380] =	vst v63  }
0x85: {  	s26 =	simm.s32 $0x1200  }
0x86: {  	[spmem:s2] =	stream.indirect.scatter.add.f32 [tilespmem:s8], [sflag:$0x1], $0x10, s26, s9, $0xb8;
	[tilespmem:$0x4380] =	vst v63  }
0x87: {  	s28 =	simm.s32 $0x1280  }
0x88: {  	[spmem:s2] =	stream.indirect.scatter.add.f32 [tilespmem:s8], [sflag:$0x1], $0x10, s28, s9, $0xb8;
	[tilespmem:$0x4380] =	vst v63  }
0x89: {  	s29 =	simm.s32 $0x1300  }
0x8a: {  	[spmem:s2] =	stream.indirect.scatter.add.f32 [tilespmem:s8], [sflag:$0x1], $0x10, s29, s9, $0xb8;
	[tilespmem:$0x4380] =	vst v63  }
0x8b: {  	s30 =	simm.s32 $0x1380;
	s31 =	simm.s32 $0x1  }
0x8c: {  	[spmem:s2] =	stream.indirect.scatter.add.f32 [tilespmem:s8], [sflag:$0x1], $0x10, s30, s9, $0xb8;
	[tilespmem:$0x4380] =	vst v63  }
0x8d: {  	_ =	swait.ge [sflag:s31], $0x800  }
0x8e: {  	[sflag:s31] =	ssyncset.done $0x0  }
0x8f: {  	[sflag:s31] =	ssyncadd.s32 $0xFFFFF800  }
0x90: {  	_ =	swait.ge [sflag:s31], $0x800  }
0x91: {  	[sflag:s31] =	ssyncset.done $0x0  }
0x92: {  	[sflag:s31] =	ssyncadd.s32 $0xFFFFF800  }
0x93: {  	_ =	swait.ge [sflag:s31], $0x800  }
0x94: {  	[sflag:s31] =	ssyncset.done $0x0  }
0x95: {  	[sflag:s31] =	ssyncadd.s32 $0xFFFFF800  }
0x96: {  	_ =	swait.ge [sflag:s31], $0x800  }
0x97: {  	[sflag:s31] =	ssyncset.done $0x0  }
0x98: {  	[sflag:s31] =	ssyncadd.s32 $0xFFFFF800  }
0x99: {  	_ =	swait.ge [sflag:s31], $0x800  }
0x9a: {  	[sflag:s31] =	ssyncset.done $0x0  }
0x9b: {  	[sflag:s31] =	ssyncadd.s32 $0xFFFFF800  }
0x9c: {  	_ =	swait.ge [sflag:s31], $0x800  }
0x9d: {  	[sflag:s31] =	ssyncset.done $0x0  }
0x9e: {  	[sflag:s31] =	ssyncadd.s32 $0xFFFFF800  }
0x9f: {  	_ =	swait.ge [sflag:s31], $0x800  }
0xa0: {  	[sflag:s31] =	ssyncset.done $0x0  }
0xa1: {  	[sflag:s31] =	ssyncadd.s32 $0xFFFFF800  }
0xa2: {  	_ =	swait.ge [sflag:s31], $0x800  }
0xa3: {  	[sflag:s31] =	ssyncset.done $0x0  }
0xa4: {  	[sflag:s31] =	ssyncadd.s32 $0xFFFFF800  }
0xa5: {  	_ =	swait.ge [sflag:s31], $0x800  }
0xa6: {  	[sflag:s31] =	ssyncset.done $0x0  }
0xa7: {  	[sflag:s31] =	ssyncadd.s32 $0xFFFFF800  }
0xa8: {  	_ =	swait.ge [sflag:s31], $0x800  }
0xa9: {  	[sflag:s31] =	ssyncset.done $0x0  }
0xaa: {  	[sflag:s31] =	ssyncadd.s32 $0xFFFFF800  }
0xab: {  	_ =	swait.ge [sflag:s31], $0x800  }
0xac: {  	[sflag:s31] =	ssyncset.done $0x0  }
0xad: {  	[sflag:s31] =	ssyncadd.s32 $0xFFFFF800  }
0xae: {  	_ =	swait.ge [sflag:s31], $0x800  }
0xaf: {  	[sflag:s31] =	ssyncset.done $0x0  }
0xb0: {  	[sflag:s31] =	ssyncadd.s32 $0xFFFFF800  }
0xb1: {  	_ =	swait.ge [sflag:s31], $0x800  }
0xb2: {  	[sflag:s31] =	ssyncset.done $0x0  }
0xb3: {  	[sflag:s31] =	ssyncadd.s32 $0xFFFFF800  }
0xb4: {  	_ =	swait.ge [sflag:s31], $0x800  }
0xb5: {  	[sflag:s31] =	ssyncset.done $0x0  }
0xb6: {  	[sflag:s31] =	ssyncadd.s32 $0xFFFFF800  }
0xb7: {  	_ =	swait.ge [sflag:s31], $0x800  }
0xb8: {  	[sflag:s31] =	ssyncset.done $0x0  }
0xb9: {  	[sflag:s31] =	ssyncadd.s32 $0xFFFFF800  }
0xba: {  	_ =	swait.ge [sflag:s31], $0x800  }
0xbb: {  	[sflag:s31] =	ssyncset.done $0x0  }
0xbc: {  	[sflag:s31] =	ssyncadd.s32 $0xFFFFF800  }
0xbd: {  	_ =	swait.ge [sflag:s31], $0x800  }
0xbe: {  	[sflag:s31] =	ssyncset.done $0x0  }
0xbf: {  	[sflag:s31] =	ssyncadd.s32 $0xFFFFF800  }
0xc0: {  	_ =	swait.ge [sflag:s31], $0x800  }
0xc1: {  	[sflag:s31] =	ssyncset.done $0x0  }
0xc2: {  	[sflag:s31] =	ssyncadd.s32 $0xFFFFF800  }
0xc3: {  	_ =	swait.ge [sflag:s31], $0x800  }
0xc4: {  	[sflag:s31] =	ssyncset.done $0x0  }
0xc5: {  	[sflag:s31] =	ssyncadd.s32 $0xFFFFF800  }
0xc6: {  	_ =	swait.ge [sflag:s31], $0x800  }
0xc7: {  	[sflag:s31] =	ssyncset.done $0x0  }
0xc8: {  	[sflag:s31] =	ssyncadd.s32 $0xFFFFF800  }
0xc9: {  	_ =	swait.ge [sflag:s31], $0x800  }
0xca: {  	[sflag:s31] =	ssyncset.done $0x0  }
0xcb: {  	[sflag:s31] =	ssyncadd.s32 $0xFFFFF800  }
0xcc: {  	_ =	swait.ge [sflag:s31], $0x800  }
0xcd: {  	[sflag:s31] =	ssyncset.done $0x0  }
0xce: {  	[sflag:s31] =	ssyncadd.s32 $0xFFFFF800  }
0xcf: {  	_ =	swait.ge [sflag:s31], $0x800  }
0xd0: {  	[sflag:s31] =	ssyncset.done $0x0  }
0xd1: {  	[sflag:s31] =	ssyncadd.s32 $0xFFFFF800  }
0xd2: {  	_ =	swait.ge [sflag:s31], $0x800  }
0xd3: {  	[sflag:s31] =	ssyncset.done $0x0  }
0xd4: {  	[sflag:s31] =	ssyncadd.s32 $0xFFFFF800  }
0xd5: {  	_ =	swait.ge [sflag:s31], $0x800  }
0xd6: {  	[sflag:s31] =	ssyncset.done $0x0  }
0xd7: {  	[sflag:s31] =	ssyncadd.s32 $0xFFFFF800  }
0xd8: {  	_ =	swait.ge [sflag:s31], $0x800  }
0xd9: {  	[sflag:s31] =	ssyncset.done $0x0  }
0xda: {  	[sflag:s31] =	ssyncadd.s32 $0xFFFFF800  }
0xdb: {  	_ =	swait.ge [sflag:s31], $0x800  }
0xdc: {  	[sflag:s31] =	ssyncset.done $0x0  }
0xdd: {  	[sflag:s31] =	ssyncadd.s32 $0xFFFFF800  }
0xde: {  	_ =	swait.ge [sflag:s31], $0x800  }
0xdf: {  	[sflag:s31] =	ssyncset.done $0x0  }
0xe0: {  	[sflag:s31] =	ssyncadd.s32 $0xFFFFF800  }
0xe1: {  	_ =	swait.ge [sflag:s31], $0x800  }
0xe2: {  	[sflag:s31] =	ssyncset.done $0x0  }
0xe3: {  	[sflag:s31] =	ssyncadd.s32 $0xFFFFF800  }
0xe4: {  	_ =	swait.ge [sflag:s31], $0x800  }
0xe5: {  	[sflag:s31] =	ssyncset.done $0x0  }
0xe6: {  	[sflag:s31] =	ssyncadd.s32 $0xFFFFF800  }
0xe7: {  	_ =	swait.ge [sflag:s31], $0x800  }
0xe8: {  	[sflag:s31] =	ssyncset.done $0x0  }
0xe9: {  	[sflag:s31] =	ssyncadd.s32 $0xFFFFF800  }
0xea: {  	_ =	swait.ge [sflag:s31], $0x800  }
0xeb: {  	[sflag:s31] =	ssyncset.done $0x0  }
0xec: {  	[sflag:s31] =	ssyncadd.s32 $0xFFFFF800  }
0xed: {  	_ =	swait.ge [sflag:s31], $0x800  }
0xee: {  	[sflag:s31] =	ssyncset.done $0x0  }
0xef: {  	[sflag:s31] =	ssyncadd.s32 $0xFFFFF800  }
0xf0: {  	_ =	swait.ge [sflag:s31], $0x800  }
0xf1: {  	[sflag:s31] =	ssyncset.done $0x0  }
0xf2: {  	[sflag:s31] =	ssyncadd.s32 $0xFFFFF800  }
0xf3: {  	_ =	swait.ge [sflag:s31], $0x800  }
0xf4: {  	[sflag:s31] =	ssyncset.done $0x0  }
0xf5: {  	[sflag:s31] =	ssyncadd.s32 $0xFFFFF800  }
0xf6: {  	_ =	swait.ge [sflag:s31], $0x800  }
0xf7: {  	[sflag:s31] =	ssyncset.done $0x0  }
0xf8: {  	[sflag:s31] =	ssyncadd.s32 $0xFFFFF800  }
0xf9: {  	_ =	swait.ge [sflag:s31], $0x800  }
0xfa: {  	[sflag:s31] =	ssyncset.done $0x0  }
0xfb: {  	[sflag:s31] =	ssyncadd.s32 $0xFFFFF800  }
0xfc: {  	_ =	swait.ge [sflag:s31], $0x800  }
0xfd: {  	[sflag:s31] =	ssyncset.done $0x0  }
0xfe: {  	[sflag:s31] =	ssyncadd.s32 $0xFFFFF800  }
0xff: {  	_ =	swait.ge [sflag:s31], $0x800  }
0x100: {  	s1 =	ssub.s32 $0x2, s1;
	[sflag:s31] =	ssyncset.done $0x0  }
0x101: {  	s0 =	sshrl.u32 s1, $0x1;
	[sflag:s31] =	ssyncadd.s32 $0xFFFFF800  }
0x102: {  	s0 =	ssub.s32 s1, s0;
	_ =	swait.ge [sflag:s31], $0x800  }
0x103: {  	s0 =	smax.u32 s0, $0x1;
	[sflag:s31] =	ssyncset.done $0x0  }
0x104: {  	p0 =	sne.s32 s0, $0x1;
	[sflag:s31] =	ssyncadd.s32 $0xFFFFF800  }
.Ltmp0:
0x105: {  	[bflag:$0x0] =	sbarrier.arrive $0xFFFF;
	(pc) =	sbr.rel @!p0 .LBB2_2-.Ltmp0, $4  }
0x106: {  	s10 =	rddreg [dreg:$0x6]  }
0x107: {  	[hbm:s10], [sflag:s5] =	dma.local [spmem:s7], $0x4F0  }
0x108: {  	_ =	swait.ge [sflag:s6], $0x4F0  }
0x109: {  	s1 =	sadd.s32 $0xFFFFFFFF, s0;
	[sflag:s6] =	ssyncset.done $0x0  }
.LBB2_1:
0x10a: {  	[sflag:s6] =	ssyncadd.s32 $0xFFFFFB10  }
0x10b: {  	[spmem:s7], [sflag:s5] =	dma.local [hbm:s4], $0x100  }
0x10c: {  	_ =	swait.ge [sflag:s6], $0x100  }
0x10d: {  	[sflag:s6] =	ssyncset.done $0x0  }
0x10e: {  	s0 =	rddreg [dreg:$0x7];
	[sflag:s6] =	ssyncadd.s32 $0xFFFFFF00  }
0x10f: {  	[spmem:s0], [sflag:s5] =	dma.local [hbm:s4], $0x100  }
0x110: {  	_ =	swait.ge [sflag:s6], $0x100  }
0x111: {  	[sflag:s6] =	ssyncset.done $0x0  }
0x112: {  	s10 =	rddreg [dreg:$0x8];
	[sflag:s6] =	ssyncadd.s32 $0xFFFFFF00  }
0x113: {  	[spmem:s10], [sflag:s5] =	dma.local [hbm:s4], $0x100  }
0x114: {  	_ =	swait.ge [sflag:s6], $0x100  }
0x115: {  	[sflag:s6] =	ssyncset.done $0x0  }
0x116: {  	s10 =	rddreg [dreg:$0x9];
	[sflag:s6] =	ssyncadd.s32 $0xFFFFFF00  }
0x117: {  	[spmem:s10], [sflag:s5] =	dma.local [hbm:s4], $0x100  }
0x118: {  	_ =	swait.ge [sflag:s6], $0x100  }
0x119: {  	[sflag:s6] =	ssyncset.done $0x0  }
0x11a: {  	s10 =	rddreg [dreg:$0xa];
	[sflag:s6] =	ssyncadd.s32 $0xFFFFFF00  }
0x11b: {  	[spmem:s10], [sflag:s5] =	dma.local [hbm:s4], $0xF0  }
0x11c: {  	_ =	swait.ge [sflag:s6], $0xF0  }
0x11d: {  	[sflag:s6] =	ssyncset.done $0x0  }
0x11e: {  	s10 =	rddreg [dreg:$0x4];
	[sflag:s6] =	ssyncadd.s32 $0xFFFFFF10  }
0x11f: {  	[tilespmem:s8], [sflag:$0x2] =	stream.linear.gather [hbm4b:s10+s3], $0x800, $0x38;
	[tilespmem:$0x4380] =	vst v63  }
0x120: {  	_ =	swait.ge [sflag:s6], $0x800  }
0x121: {  	[sflag:s6] =	ssyncset.done $0x0  }
0x122: {  	s10 =	rddreg [dreg:$0x5];
	[sflag:s6] =	ssyncadd.s32 $0xFFFFF800  }
0x123: {  	[tilespmem:s3], [sflag:$0x2] =	stream.linear.gather [hbm4b:s10+s3], $0x1400, $0x38;
	[tilespmem:$0x4380] =	vst v63  }
0x124: {  	_ =	swait.ge [sflag:s6], $0x1400  }
0x125: {  	[sflag:s6] =	ssyncset.done $0x0  }
0x126: {  	[sflag:s6] =	ssyncadd.s32 $0xFFFFEC00  }
0x127: {  	[bflag:$0x0] =	sbarrier.arrive $0xFFFF  }
0x128: {  	[spmem:s2] =	stream.indirect.scatter.add.f32 [tilespmem:s8], [sflag:$0x1], $0x10, s3, s9, $0xb8;
	[tilespmem:$0x4380] =	vst v63  }
0x129: {  	_ = 	snop  }
0x12a: {  	[spmem:s2] =	stream.indirect.scatter.add.f32 [tilespmem:s8], [sflag:$0x1], $0x10, s9, s9, $0xb8;
	[tilespmem:$0x4380] =	vst v63  }
0x12b: {  	s0 =	rddreg [dreg:$0xb]  }
0x12c: {  	[spmem:s2] =	stream.indirect.scatter.add.f32 [tilespmem:s8], [sflag:$0x1], $0x10, s0, s9, $0xb8;
	[tilespmem:$0x4380] =	vst v63  }
0x12d: {  	s10 =	rddreg [dreg:$0xc]  }
0x12e: {  	[spmem:s2] =	stream.indirect.scatter.add.f32 [tilespmem:s8], [sflag:$0x1], $0x10, s10, s9, $0xb8;
	[tilespmem:$0x4380] =	vst v63  }
0x12f: {  	s0 =	rddreg [dreg:$0xd]  }
0x130: {  	[spmem:s2] =	stream.indirect.scatter.add.f32 [tilespmem:s8], [sflag:$0x1], $0x10, s0, s9, $0xb8;
	[tilespmem:$0x4380] =	vst v63  }
0x131: {  	s10 =	rddreg [dreg:$0xe]  }
0x132: {  	[spmem:s2] =	stream.indirect.scatter.add.f32 [tilespmem:s8], [sflag:$0x1], $0x10, s10, s9, $0xb8;
	[tilespmem:$0x4380] =	vst v63  }
0x133: {  	s0 =	rddreg [dreg:$0xf]  }
0x134: {  	[spmem:s2] =	stream.indirect.scatter.add.f32 [tilespmem:s8], [sflag:$0x1], $0x10, s0, s9, $0xb8;
	[tilespmem:$0x4380] =	vst v63  }
0x135: {  	s10 =	rddreg [dreg:$0x10]  }
0x136: {  	[spmem:s2] =	stream.indirect.scatter.add.f32 [tilespmem:s8], [sflag:$0x1], $0x10, s10, s9, $0xb8;
	[tilespmem:$0x4380] =	vst v63  }
0x137: {  	s0 =	rddreg [dreg:$0x11]  }
0x138: {  	[spmem:s2] =	stream.indirect.scatter.add.f32 [tilespmem:s8], [sflag:$0x1], $0x10, s0, s9, $0xb8;
	[tilespmem:$0x4380] =	vst v63  }
0x139: {  	s10 =	rddreg [dreg:$0x12]  }
0x13a: {  	[spmem:s2] =	stream.indirect.scatter.add.f32 [tilespmem:s8], [sflag:$0x1], $0x10, s10, s9, $0xb8;
	[tilespmem:$0x4380] =	vst v63  }
0x13b: {  	s0 =	rddreg [dreg:$0x13]  }
0x13c: {  	[spmem:s2] =	stream.indirect.scatter.add.f32 [tilespmem:s8], [sflag:$0x1], $0x10, s0, s9, $0xb8;
	[tilespmem:$0x4380] =	vst v63  }
0x13d: {  	s10 =	rddreg [dreg:$0x14]  }
0x13e: {  	[spmem:s2] =	stream.indirect.scatter.add.f32 [tilespmem:s8], [sflag:$0x1], $0x10, s10, s9, $0xb8;
	[tilespmem:$0x4380] =	vst v63  }
0x13f: {  	s0 =	rddreg [dreg:$0x15]  }
0x140: {  	[spmem:s2] =	stream.indirect.scatter.add.f32 [tilespmem:s8], [sflag:$0x1], $0x10, s0, s9, $0xb8;
	[tilespmem:$0x4380] =	vst v63  }
0x141: {  	s10 =	rddreg [dreg:$0x16]  }
0x142: {  	[spmem:s2] =	stream.indirect.scatter.add.f32 [tilespmem:s8], [sflag:$0x1], $0x10, s10, s9, $0xb8;
	[tilespmem:$0x4380] =	vst v63  }
0x143: {  	s0 =	rddreg [dreg:$0x17]  }
0x144: {  	[spmem:s2] =	stream.indirect.scatter.add.f32 [tilespmem:s8], [sflag:$0x1], $0x10, s0, s9, $0xb8;
	[tilespmem:$0x4380] =	vst v63  }
0x145: {  	s10 =	rddreg [dreg:$0x18]  }
0x146: {  	[spmem:s2] =	stream.indirect.scatter.add.f32 [tilespmem:s8], [sflag:$0x1], $0x10, s10, s9, $0xb8;
	[tilespmem:$0x4380] =	vst v63  }
0x147: {  	s0 =	rddreg [dreg:$0x19]  }
0x148: {  	[spmem:s2] =	stream.indirect.scatter.add.f32 [tilespmem:s8], [sflag:$0x1], $0x10, s0, s9, $0xb8;
	[tilespmem:$0x4380] =	vst v63  }
0x149: {  	s10 =	rddreg [dreg:$0x1a]  }
0x14a: {  	[spmem:s2] =	stream.indirect.scatter.add.f32 [tilespmem:s8], [sflag:$0x1], $0x10, s10, s9, $0xb8;
	[tilespmem:$0x4380] =	vst v63  }
0x14b: {  	s0 =	rddreg [dreg:$0x1b]  }
0x14c: {  	[spmem:s2] =	stream.indirect.scatter.add.f32 [tilespmem:s8], [sflag:$0x1], $0x10, s0, s9, $0xb8;
	[tilespmem:$0x4380] =	vst v63  }
0x14d: {  	s10 =	rddreg [dreg:$0x1c]  }
0x14e: {  	[spmem:s2] =	stream.indirect.scatter.add.f32 [tilespmem:s8], [sflag:$0x1], $0x10, s10, s9, $0xb8;
	[tilespmem:$0x4380] =	vst v63  }
0x14f: {  	s10 =	simm.s32 $0xA00  }
0x150: {  	[spmem:s2] =	stream.indirect.scatter.add.f32 [tilespmem:s8], [sflag:$0x1], $0x10, s10, s9, $0xb8;
	[tilespmem:$0x4380] =	vst v63  }
0x151: {  	_ = 	snop  }
0x152: {  	[spmem:s2] =	stream.indirect.scatter.add.f32 [tilespmem:s8], [sflag:$0x1], $0x10, s11, s9, $0xb8;
	[tilespmem:$0x4380] =	vst v63  }
0x153: {  	_ = 	snop  }
0x154: {  	[spmem:s2] =	stream.indirect.scatter.add.f32 [tilespmem:s8], [sflag:$0x1], $0x10, s12, s9, $0xb8;
	[tilespmem:$0x4380] =	vst v63  }
0x155: {  	_ = 	snop  }
0x156: {  	[spmem:s2] =	stream.indirect.scatter.add.f32 [tilespmem:s8], [sflag:$0x1], $0x10, s13, s9, $0xb8;
	[tilespmem:$0x4380] =	vst v63  }
0x157: {  	_ = 	snop  }
0x158: {  	[spmem:s2] =	stream.indirect.scatter.add.f32 [tilespmem:s8], [sflag:$0x1], $0x10, s14, s9, $0xb8;
	[tilespmem:$0x4380] =	vst v63  }
0x159: {  	_ = 	snop  }
0x15a: {  	[spmem:s2] =	stream.indirect.scatter.add.f32 [tilespmem:s8], [sflag:$0x1], $0x10, s15, s9, $0xb8;
	[tilespmem:$0x4380] =	vst v63  }
0x15b: {  	_ = 	snop  }
0x15c: {  	[spmem:s2] =	stream.indirect.scatter.add.f32 [tilespmem:s8], [sflag:$0x1], $0x10, s16, s9, $0xb8;
	[tilespmem:$0x4380] =	vst v63  }
0x15d: {  	_ = 	snop  }
0x15e: {  	[spmem:s2] =	stream.indirect.scatter.add.f32 [tilespmem:s8], [sflag:$0x1], $0x10, s17, s9, $0xb8;
	[tilespmem:$0x4380] =	vst v63  }
0x15f: {  	_ = 	snop  }
0x160: {  	[spmem:s2] =	stream.indirect.scatter.add.f32 [tilespmem:s8], [sflag:$0x1], $0x10, s18, s9, $0xb8;
	[tilespmem:$0x4380] =	vst v63  }
0x161: {  	_ = 	snop  }
0x162: {  	[spmem:s2] =	stream.indirect.scatter.add.f32 [tilespmem:s8], [sflag:$0x1], $0x10, s19, s9, $0xb8;
	[tilespmem:$0x4380] =	vst v63  }
0x163: {  	_ = 	snop  }
0x164: {  	[spmem:s2] =	stream.indirect.scatter.add.f32 [tilespmem:s8], [sflag:$0x1], $0x10, s20, s9, $0xb8;
	[tilespmem:$0x4380] =	vst v63  }
0x165: {  	_ = 	snop  }
0x166: {  	[spmem:s2] =	stream.indirect.scatter.add.f32 [tilespmem:s8], [sflag:$0x1], $0x10, s21, s9, $0xb8;
	[tilespmem:$0x4380] =	vst v63  }
0x167: {  	_ = 	snop  }
0x168: {  	[spmem:s2] =	stream.indirect.scatter.add.f32 [tilespmem:s8], [sflag:$0x1], $0x10, s22, s9, $0xb8;
	[tilespmem:$0x4380] =	vst v63  }
0x169: {  	_ = 	snop  }
0x16a: {  	[spmem:s2] =	stream.indirect.scatter.add.f32 [tilespmem:s8], [sflag:$0x1], $0x10, s23, s9, $0xb8;
	[tilespmem:$0x4380] =	vst v63  }
0x16b: {  	_ = 	snop  }
0x16c: {  	[spmem:s2] =	stream.indirect.scatter.add.f32 [tilespmem:s8], [sflag:$0x1], $0x10, s24, s9, $0xb8;
	[tilespmem:$0x4380] =	vst v63  }
0x16d: {  	_ = 	snop  }
0x16e: {  	[spmem:s2] =	stream.indirect.scatter.add.f32 [tilespmem:s8], [sflag:$0x1], $0x10, s25, s9, $0xb8;
	[tilespmem:$0x4380] =	vst v63  }
0x16f: {  	_ = 	snop  }
0x170: {  	[spmem:s2] =	stream.indirect.scatter.add.f32 [tilespmem:s8], [sflag:$0x1], $0x10, s26, s9, $0xb8;
	[tilespmem:$0x4380] =	vst v63  }
0x171: {  	_ = 	snop  }
0x172: {  	[spmem:s2] =	stream.indirect.scatter.add.f32 [tilespmem:s8], [sflag:$0x1], $0x10, s28, s9, $0xb8;
	[tilespmem:$0x4380] =	vst v63  }
0x173: {  	_ = 	snop  }
0x174: {  	[spmem:s2] =	stream.indirect.scatter.add.f32 [tilespmem:s8], [sflag:$0x1], $0x10, s29, s9, $0xb8;
	[tilespmem:$0x4380] =	vst v63  }
0x175: {  	_ = 	snop  }
0x176: {  	[spmem:s2] =	stream.indirect.scatter.add.f32 [tilespmem:s8], [sflag:$0x1], $0x10, s30, s9, $0xb8;
	[tilespmem:$0x4380] =	vst v63  }
0x177: {  	_ =	swait.ge [sflag:s31], $0x800  }
0x178: {  	[sflag:s31] =	ssyncset.done $0x0  }
0x179: {  	[sflag:s31] =	ssyncadd.s32 $0xFFFFF800  }
0x17a: {  	_ =	swait.ge [sflag:s31], $0x800  }
0x17b: {  	[sflag:s31] =	ssyncset.done $0x0  }
0x17c: {  	[sflag:s31] =	ssyncadd.s32 $0xFFFFF800  }
0x17d: {  	_ =	swait.ge [sflag:s31], $0x800  }
0x17e: {  	[sflag:s31] =	ssyncset.done $0x0  }
0x17f: {  	[sflag:s31] =	ssyncadd.s32 $0xFFFFF800  }
0x180: {  	_ =	swait.ge [sflag:s31], $0x800  }
0x181: {  	[sflag:s31] =	ssyncset.done $0x0  }
0x182: {  	[sflag:s31] =	ssyncadd.s32 $0xFFFFF800  }
0x183: {  	_ =	swait.ge [sflag:s31], $0x800  }
0x184: {  	[sflag:s31] =	ssyncset.done $0x0  }
0x185: {  	[sflag:s31] =	ssyncadd.s32 $0xFFFFF800  }
0x186: {  	_ =	swait.ge [sflag:s31], $0x800  }
0x187: {  	[sflag:s31] =	ssyncset.done $0x0  }
0x188: {  	[sflag:s31] =	ssyncadd.s32 $0xFFFFF800  }
0x189: {  	_ =	swait.ge [sflag:s31], $0x800  }
0x18a: {  	[sflag:s31] =	ssyncset.done $0x0  }
0x18b: {  	[sflag:s31] =	ssyncadd.s32 $0xFFFFF800  }
0x18c: {  	_ =	swait.ge [sflag:s31], $0x800  }
0x18d: {  	[sflag:s31] =	ssyncset.done $0x0  }
0x18e: {  	[sflag:s31] =	ssyncadd.s32 $0xFFFFF800  }
0x18f: {  	_ =	swait.ge [sflag:s31], $0x800  }
0x190: {  	[sflag:s31] =	ssyncset.done $0x0  }
0x191: {  	[sflag:s31] =	ssyncadd.s32 $0xFFFFF800  }
0x192: {  	_ =	swait.ge [sflag:s31], $0x800  }
0x193: {  	[sflag:s31] =	ssyncset.done $0x0  }
0x194: {  	[sflag:s31] =	ssyncadd.s32 $0xFFFFF800  }
0x195: {  	_ =	swait.ge [sflag:s31], $0x800  }
0x196: {  	[sflag:s31] =	ssyncset.done $0x0  }
0x197: {  	[sflag:s31] =	ssyncadd.s32 $0xFFFFF800  }
0x198: {  	_ =	swait.ge [sflag:s31], $0x800  }
0x199: {  	[sflag:s31] =	ssyncset.done $0x0  }
0x19a: {  	[sflag:s31] =	ssyncadd.s32 $0xFFFFF800  }
0x19b: {  	_ =	swait.ge [sflag:s31], $0x800  }
0x19c: {  	[sflag:s31] =	ssyncset.done $0x0  }
0x19d: {  	[sflag:s31] =	ssyncadd.s32 $0xFFFFF800  }
0x19e: {  	_ =	swait.ge [sflag:s31], $0x800  }
0x19f: {  	[sflag:s31] =	ssyncset.done $0x0  }
0x1a0: {  	[sflag:s31] =	ssyncadd.s32 $0xFFFFF800  }
0x1a1: {  	_ =	swait.ge [sflag:s31], $0x800  }
0x1a2: {  	[sflag:s31] =	ssyncset.done $0x0  }
0x1a3: {  	[sflag:s31] =	ssyncadd.s32 $0xFFFFF800  }
0x1a4: {  	_ =	swait.ge [sflag:s31], $0x800  }
0x1a5: {  	[sflag:s31] =	ssyncset.done $0x0  }
0x1a6: {  	[sflag:s31] =	ssyncadd.s32 $0xFFFFF800  }
0x1a7: {  	_ =	swait.ge [sflag:s31], $0x800  }
0x1a8: {  	[sflag:s31] =	ssyncset.done $0x0  }
0x1a9: {  	[sflag:s31] =	ssyncadd.s32 $0xFFFFF800  }
0x1aa: {  	_ =	swait.ge [sflag:s31], $0x800  }
0x1ab: {  	[sflag:s31] =	ssyncset.done $0x0  }
0x1ac: {  	[sflag:s31] =	ssyncadd.s32 $0xFFFFF800  }
0x1ad: {  	_ =	swait.ge [sflag:s31], $0x800  }
0x1ae: {  	[sflag:s31] =	ssyncset.done $0x0  }
0x1af: {  	[sflag:s31] =	ssyncadd.s32 $0xFFFFF800  }
0x1b0: {  	_ =	swait.ge [sflag:s31], $0x800  }
0x1b1: {  	[sflag:s31] =	ssyncset.done $0x0  }
0x1b2: {  	[sflag:s31] =	ssyncadd.s32 $0xFFFFF800  }
0x1b3: {  	_ =	swait.ge [sflag:s31], $0x800  }
0x1b4: {  	[sflag:s31] =	ssyncset.done $0x0  }
0x1b5: {  	[sflag:s31] =	ssyncadd.s32 $0xFFFFF800  }
0x1b6: {  	_ =	swait.ge [sflag:s31], $0x800  }
0x1b7: {  	[sflag:s31] =	ssyncset.done $0x0  }
0x1b8: {  	[sflag:s31] =	ssyncadd.s32 $0xFFFFF800  }
0x1b9: {  	_ =	swait.ge [sflag:s31], $0x800  }
0x1ba: {  	[sflag:s31] =	ssyncset.done $0x0  }
0x1bb: {  	[sflag:s31] =	ssyncadd.s32 $0xFFFFF800  }
0x1bc: {  	_ =	swait.ge [sflag:s31], $0x800  }
0x1bd: {  	[sflag:s31] =	ssyncset.done $0x0  }
0x1be: {  	[sflag:s31] =	ssyncadd.s32 $0xFFFFF800  }
0x1bf: {  	_ =	swait.ge [sflag:s31], $0x800  }
0x1c0: {  	[sflag:s31] =	ssyncset.done $0x0  }
0x1c1: {  	[sflag:s31] =	ssyncadd.s32 $0xFFFFF800  }
0x1c2: {  	_ =	swait.ge [sflag:s31], $0x800  }
0x1c3: {  	[sflag:s31] =	ssyncset.done $0x0  }
0x1c4: {  	[sflag:s31] =	ssyncadd.s32 $0xFFFFF800  }
0x1c5: {  	_ =	swait.ge [sflag:s31], $0x800  }
0x1c6: {  	[sflag:s31] =	ssyncset.done $0x0  }
0x1c7: {  	[sflag:s31] =	ssyncadd.s32 $0xFFFFF800  }
0x1c8: {  	_ =	swait.ge [sflag:s31], $0x800  }
0x1c9: {  	[sflag:s31] =	ssyncset.done $0x0  }
0x1ca: {  	[sflag:s31] =	ssyncadd.s32 $0xFFFFF800  }
0x1cb: {  	_ =	swait.ge [sflag:s31], $0x800  }
0x1cc: {  	[sflag:s31] =	ssyncset.done $0x0  }
0x1cd: {  	[sflag:s31] =	ssyncadd.s32 $0xFFFFF800  }
0x1ce: {  	_ =	swait.ge [sflag:s31], $0x800  }
0x1cf: {  	[sflag:s31] =	ssyncset.done $0x0  }
0x1d0: {  	[sflag:s31] =	ssyncadd.s32 $0xFFFFF800  }
0x1d1: {  	_ =	swait.ge [sflag:s31], $0x800  }
0x1d2: {  	[sflag:s31] =	ssyncset.done $0x0  }
0x1d3: {  	[sflag:s31] =	ssyncadd.s32 $0xFFFFF800  }
0x1d4: {  	_ =	swait.ge [sflag:s31], $0x800  }
0x1d5: {  	[sflag:s31] =	ssyncset.done $0x0  }
0x1d6: {  	[sflag:s31] =	ssyncadd.s32 $0xFFFFF800  }
0x1d7: {  	_ =	swait.ge [sflag:s31], $0x800  }
0x1d8: {  	[sflag:s31] =	ssyncset.done $0x0  }
0x1d9: {  	[sflag:s31] =	ssyncadd.s32 $0xFFFFF800  }
0x1da: {  	_ =	swait.ge [sflag:s31], $0x800  }
0x1db: {  	[sflag:s31] =	ssyncset.done $0x0  }
0x1dc: {  	[sflag:s31] =	ssyncadd.s32 $0xFFFFF800  }
0x1dd: {  	_ =	swait.ge [sflag:s31], $0x800  }
0x1de: {  	[sflag:s31] =	ssyncset.done $0x0  }
0x1df: {  	[sflag:s31] =	ssyncadd.s32 $0xFFFFF800  }
0x1e0: {  	_ =	swait.ge [sflag:s31], $0x800  }
0x1e1: {  	[sflag:s31] =	ssyncset.done $0x0  }
0x1e2: {  	[sflag:s31] =	ssyncadd.s32 $0xFFFFF800  }
0x1e3: {  	_ =	swait.ge [sflag:s31], $0x800  }
0x1e4: {  	[sflag:s31] =	ssyncset.done $0x0  }
0x1e5: {  	[sflag:s31] =	ssyncadd.s32 $0xFFFFF800  }
0x1e6: {  	_ =	swait.ge [sflag:s31], $0x800  }
0x1e7: {  	[sflag:s31] =	ssyncset.done $0x0  }
0x1e8: {  	[sflag:s31] =	ssyncadd.s32 $0xFFFFF800  }
0x1e9: {  	_ =	swait.ge [sflag:s31], $0x800  }
0x1ea: {  	[sflag:s31] =	ssyncset.done $0x0  }
0x1eb: {  	[sflag:s31] =	ssyncadd.s32 $0xFFFFF800  }
0x1ec: {  	_ =	swait.ge [sflag:s31], $0x800  }
0x1ed: {  	[sflag:s31] =	ssyncset.done $0x0  }
0x1ee: {  	p0 =	sne.s32 s1, $0x1;
	[sflag:s31] =	ssyncadd.s32 $0xFFFFF800  }
.Ltmp1:
0x1ef: {  	[bflag:$0x0] =	sbarrier.arrive $0xFFFF;
	(pc) =	sbr.rel @p0 .LBB2_1-.Ltmp1, $4  }
0x1f0: {  	s10 =	rddreg [dreg:$0x6]  }
0x1f1: {  	[hbm:s10], [sflag:s5] =	dma.local [spmem:s7], $0x4F0  }
0x1f2: {  	_ =	swait.ge [sflag:s6], $0x4F0  }
0x1f3: {  	s1 =	sadd.s32 $0xFFFFFFFF, s1;
	[sflag:s6] =	ssyncset.done $0x0  }
.LBB2_2:
0x1f4: {  	[sflag:s6] =	ssyncadd.s32 $0xFFFFFB10  }
0x1f5: {  	_ =	sfence.sel $0x180000  }
0x1f6: {  	[bflag:$0x0] =	sbarrier.arrive $0xFFFF  }
0x1f7: {  	_ =	strace $0x90000047  }
0x1f8: {  	s0 =	stileid.u32;
	[bflag:$0x2] =	sbarrier.arrive $0xFFFF  }
0x1f9: {  	p0 =	sne.s32 s0, $0x0;
	s0 =	rddreg [dreg:$0x3]  }
0x1fa: {  	s0 =	sadd.s32 @!p0 $0x100000, s0  }
0x1fb: {  	[sflag:s0] =	ssyncadd.tile.s32 @!p0 $0x1;
	_ =	shalt  }
.Lfunc_end2:
_tile_overlayer_lowered:
.L_overlay_start_2:
0x1fc: {  	(tag) =	ssettag $0x2  }
0x1fd: {  	s0 =	rddreg [dreg:$0x0];
	s2 =	stileid.u32  }
0x1fe: {  	s1 =	rddreg [dreg:$0x1];
	p0 =	sne.s32 s2, $0x0  }
0x1ff: {  	s3 =	rddreg [dreg:$0x2];
	[bflag:$0x3] =	sbarrier.arrive $0xFFFF;
	s2 =	simm.s32 @!p0 $0x1C02  }
0x200: {  	[timem:s3], [sflag:s2] =	dma.local @!p0 [hbm:s0], s1  }
0x201: {  	s0 =	simm.s32 @!p0 $0x2  }
0x202: {  	_ =	swait.ge @!p0 [sflag:s0], s1  }
0x203: {  	s1 =	ssub.s32 @!p0 $0x0, s1;
	[sflag:s0] =	ssyncset.done @!p0 $0x0  }
0x204: {  	[sflag:s0] =	ssyncadd.s32 @!p0 s1  }
0x205: {  	[bflag:$0x3] =	sbarrier.arrive $0xFFFF  }
0x206: {  	_ =	shalt  }

</sc_bundles>
